<compile_context>
chip_gen: v7x
topology: tpu7x:2x2x1
jax: 0.10.2.dev20260603
libtpu: 0.0.44.dev20260713+nightly
codegen_flags: <defaults>
</compile_context>

<pallas_src>
import functools

import jax
import jax.numpy as jnp
from jax import lax
from jax.experimental import pallas as pl
from jax.experimental.pallas import tpu as pltpu
from jax.experimental.pallas import tpu_sc as plsc

N = 10000
NPAD = 10240
E = 160000
D = 256
HW = 128
NS = 16
CH = 64
NC2 = 160
RPT = NPAD // NS
CW = 16
MB = 512
NW = 2 * NS
CHC = 64
CCH = 80
EPAD = NS * NC2 * CH


def _make_sc_agg():
    mesh = plsc.VectorSubcoreMesh(core_axis_name="c", subcore_axis_name="s",
                                  num_cores=2, num_subcores=NS)
    out_type = jax.ShapeDtypeStruct((2, NPAD, HW), jnp.float32)
    NB = 4
    scratch = [
        pltpu.VMEM_SHARED((NPAD, HW), jnp.float32),
        [pltpu.VMEM((CH,), jnp.int32)] * NB,
        [pltpu.VMEM((CH,), jnp.int32)] * NB,
        [pltpu.VMEM((CH, HW), jnp.float32)] * NB,
        [pltpu.SemaphoreType.DMA] * (3 * NB),
    ]

    def body(tlo, thi, srcP, dstP, zrows_h, out,
             acc_sh, sidx, didx, rows, sems):
        c = lax.axis_index("c")
        s = lax.axis_index("s")
        isem = sems[0 * NB:1 * NB]
        dsem = sems[1 * NB:2 * NB]
        gsem = sems[2 * NB:3 * NB]

        pltpu.sync_copy(zrows_h, rows[0])
        for b in range(RPT // CH):
            off = pl.multiple_of(s * RPT + b * CH, CH)
            pltpu.sync_copy(rows[0], acc_sh.at[pl.ds(off, CH)])
        plsc.subcore_barrier()

        def idx_base(j):
            return pl.multiple_of((s * NC2 + j) * CH, 8)

        def start_gather(p):
            pltpu.make_async_copy(srcP.at[pl.ds(0, CH)], sidx[p],
                                  isem[p]).wait()

            @pl.when(c == 0)
            def _():
                pltpu.async_copy(tlo.at[sidx[p]], rows[p], gsem[p])

            @pl.when(c == 1)
            def _():
                pltpu.async_copy(thi.at[sidx[p]], rows[p], gsem[p])

        for j in range(NB):
            pltpu.async_copy(srcP.at[pl.ds(idx_base(j), CH)], sidx[j],
                             isem[j])
            pltpu.async_copy(dstP.at[pl.ds(idx_base(j), CH)], didx[j],
                             dsem[j])
            start_gather(j)

        def chunk(j2, carry):
            for p in range(NB):
                j = NB * j2 + p
                pltpu.make_async_copy(tlo.at[sidx[p]], rows[p],
                                      gsem[p]).wait()

                @pl.when(j + NB < NC2)
                def _(j=j, p=p):
                    pltpu.async_copy(srcP.at[pl.ds(idx_base(j + NB), CH)],
                                     sidx[p], isem[p])

                pltpu.make_async_copy(dstP.at[pl.ds(0, CH)], didx[p],
                                      dsem[p]).wait()
                pltpu.sync_copy(rows[p], acc_sh.at[didx[p]], add=True)

                @pl.when(j + NB < NC2)
                def _(j=j, p=p):
                    pltpu.async_copy(dstP.at[pl.ds(idx_base(j + NB), CH)],
                                     didx[p], dsem[p])
                    start_gather(p)
            return carry

        lax.fori_loop(0, NC2 // NB, chunk, 0)

        plsc.subcore_barrier()
        off = pl.multiple_of(s * RPT, 8)

        @pl.when(c == 0)
        def _():
            pltpu.sync_copy(acc_sh.at[pl.ds(off, RPT)],
                            out.at[0, pl.ds(off, RPT)])

        @pl.when(c == 1)
        def _():
            pltpu.sync_copy(acc_sh.at[pl.ds(off, RPT)],
                            out.at[1, pl.ds(off, RPT)])

    return pl.kernel(body, out_type=out_type, mesh=mesh,
                     scratch_types=scratch)


def _make_sc_counts():
    mesh = plsc.VectorSubcoreMesh(core_axis_name="c", subcore_axis_name="s",
                                  num_cores=2, num_subcores=NS)
    out_type = jax.ShapeDtypeStruct((2, NPAD, HW), jnp.float32)
    scratch = [
        pltpu.VMEM_SHARED((NPAD, HW), jnp.float32),
        pltpu.VMEM((CCH, CHC), jnp.int32),
        pltpu.VMEM((CHC, HW), jnp.float32),
        pltpu.VMEM((CHC, HW), jnp.float32),
    ]

    def body(dstc, zrows_h, orows_h, out, cnt_sh, didx2, ones, zeros):
        c = lax.axis_index("c")
        s = lax.axis_index("s")
        pltpu.sync_copy(zrows_h.at[pl.ds(0, CHC)], zeros)
        pltpu.sync_copy(orows_h, ones)

        @pl.when(c == 0)
        def _():
            pltpu.sync_copy(dstc.at[s], didx2)

        @pl.when(c == 1)
        def _():
            pltpu.sync_copy(dstc.at[NS + s], didx2)

        for b in range(RPT // CHC):
            off = pl.multiple_of(s * RPT + b * CHC, CHC)
            pltpu.sync_copy(zeros, cnt_sh.at[pl.ds(off, CHC)])
        plsc.subcore_barrier()

        def chunk(j, carry):
            pltpu.sync_copy(ones, cnt_sh.at[didx2.at[j]], add=True)
            return carry

        lax.fori_loop(0, CCH, chunk, 0)

        plsc.subcore_barrier()
        off = pl.multiple_of(s * RPT, 8)

        @pl.when(c == 0)
        def _():
            pltpu.sync_copy(cnt_sh.at[pl.ds(off, RPT)],
                            out.at[0, pl.ds(off, RPT)])

        @pl.when(c == 1)
        def _():
            pltpu.sync_copy(cnt_sh.at[pl.ds(off, RPT)],
                            out.at[1, pl.ds(off, RPT)])

    return pl.kernel(body, out_type=out_type, mesh=mesh,
                     scratch_types=scratch)


_make_sc_agg = functools.lru_cache(maxsize=None)(_make_sc_agg)
_make_sc_counts = functools.lru_cache(maxsize=None)(_make_sc_counts)


def _make_tc_layer(split_out):
    def body(alo, ahi, cnt, tlo, thi, Wl, bl, Wr, *outs):
        r = 1.0 / jnp.maximum(cnt[:, 0:1], 1.0)
        agg = jnp.concatenate([alo[...], ahi[...]], axis=1) * r
        h = jnp.concatenate([tlo[...], thi[...]], axis=1)
        o = (lax.dot_general(agg, Wl[...], (((1,), (1,)), ((), ())),
                             preferred_element_type=jnp.float32)
             + bl[...]
             + lax.dot_general(h, Wr[...], (((1,), (1,)), ((), ())),
                               preferred_element_type=jnp.float32))
        o = jnp.maximum(o, 0.0)
        if split_out:
            outs[0][...] = o[:, :HW]
            outs[1][...] = o[:, HW:]
        else:
            outs[0][...] = o

    grid = (NPAD // MB,)
    in_specs = [
        pl.BlockSpec((MB, HW), lambda i: (i, 0)),
        pl.BlockSpec((MB, HW), lambda i: (i, 0)),
        pl.BlockSpec((MB, CW), lambda i: (i, 0)),
        pl.BlockSpec((MB, HW), lambda i: (i, 0)),
        pl.BlockSpec((MB, HW), lambda i: (i, 0)),
        pl.BlockSpec((D, D), lambda i: (0, 0)),
        pl.BlockSpec((1, D), lambda i: (0, 0)),
        pl.BlockSpec((D, D), lambda i: (0, 0)),
    ]
    if split_out:
        out_specs = [pl.BlockSpec((MB, HW), lambda i: (i, 0))] * 2
        out_shape = [jax.ShapeDtypeStruct((NPAD, HW), jnp.float32)] * 2
    else:
        out_specs = pl.BlockSpec((MB, D), lambda i: (i, 0))
        out_shape = jax.ShapeDtypeStruct((NPAD, D), jnp.float32)
    return pl.pallas_call(body, grid=grid, in_specs=in_specs,
                          out_specs=out_specs, out_shape=out_shape)


_tc_split = _make_tc_layer(True)
_tc_full = _make_tc_layer(False)


@jax.jit
def kernel(x, edge_index, Wl1, bl1, Wr1, Wl2, bl2, Wr2, Wl3, bl3, Wr3):
    ei = edge_index.astype(jnp.int32)
    src = ei[0]
    dst = ei[1]
    pad = jnp.zeros((NPAD - N, HW), jnp.float32)
    t0lo = jnp.concatenate([x[:, :HW], pad], axis=0)
    t0hi = jnp.concatenate([x[:, HW:], pad], axis=0)
    zrows = jnp.zeros((CH, HW), jnp.float32)
    orows = jnp.ones((CHC, HW), jnp.float32)
    srcP = jnp.concatenate([src, jnp.zeros((EPAD - E,), jnp.int32)])
    dstP = jnp.concatenate(
        [dst, jnp.full((EPAD - E,), NPAD - 1, jnp.int32)])
    dstc = dstP.reshape(NW, CCH, CHC)

    cnt2 = _make_sc_counts()(dstc, zrows, orows)
    cnt1d = cnt2[0, :, 0] + cnt2[1, :, 0]
    cnt16 = jnp.broadcast_to(cnt1d[:, None], (NPAD, CW))

    sum1 = _make_sc_agg()(t0lo, t0hi, srcP, dstP, zrows)
    t1lo, t1hi = _tc_split(sum1[0], sum1[1], cnt16,
                           t0lo, t0hi, Wl1, bl1.reshape(1, D), Wr1)
    sum2 = _make_sc_agg()(t1lo, t1hi, srcP, dstP, zrows)
    t2lo, t2hi = _tc_split(sum2[0], sum2[1], cnt16,
                           t1lo, t1hi, Wl2, bl2.reshape(1, D), Wr2)
    sum3 = _make_sc_agg()(t2lo, t2hi, srcP, dstP, zrows)
    out = _tc_full(sum3[0], sum3[1], cnt16,
                   t2lo, t2hi, Wl3, bl3.reshape(1, D), Wr3)
    return out[:N]

# --- scband reference (transcript-rebuilt; emitter-appended) ---
"""Pipeline reference for scband-graph-sage-5282809774424 (READ-ONLY COPY).

The authoritative reference and input builder live on the scoring server;
editing this copy changes nothing except your own understanding.
"""

import jax, jax.numpy as jnp
import numpy as np

N = 10000
E = 160000
D = 256
H = 256


def setup_inputs(seed: int = 0) -> dict:
    key = jax.random.key(seed)
    ks = jax.random.split(key, 12)
    x = jax.random.normal(ks[0], (N, D), dtype=jnp.float32)
    edge_index = jax.random.randint(ks[1], (2, E), 0, N, dtype=jnp.int64)
    s = 0.05
    Wl1 = jax.random.normal(ks[2], (H, D), dtype=jnp.float32) * s
    bl1 = jnp.zeros((H,), dtype=jnp.float32)
    Wr1 = jax.random.normal(ks[3], (H, D), dtype=jnp.float32) * s
    Wl2 = jax.random.normal(ks[4], (H, H), dtype=jnp.float32) * s
    bl2 = jnp.zeros((H,), dtype=jnp.float32)
    Wr2 = jax.random.normal(ks[5], (H, H), dtype=jnp.float32) * s
    Wl3 = jax.random.normal(ks[6], (D, H), dtype=jnp.float32) * s
    bl3 = jnp.zeros((D,), dtype=jnp.float32)
    Wr3 = jax.random.normal(ks[7], (D, H), dtype=jnp.float32) * s
    return {"x": x, "edge_index": edge_index, "Wl1": Wl1, "bl1": bl1, "Wr1": Wr1,
            "Wl2": Wl2, "bl2": bl2, "Wr2": Wr2, "Wl3": Wl3, "bl3": bl3, "Wr3": Wr3}


def _sage_conv(x, src, dst, Wl, bl, Wr):
    # PyG SAGEConv(aggr='mean'): out = lin_l(mean_j x_j) + lin_r(x_i); lin_l has bias
    msgs = jnp.take(x, src, axis=0)
    summed = jax.ops.segment_sum(msgs, dst, num_segments=x.shape[0])
    cnt = jax.ops.segment_sum(jnp.ones((msgs.shape[0],), dtype=x.dtype), dst, num_segments=x.shape[0])
    agg = summed / jnp.maximum(cnt, 1.0)[:, None]
    return agg @ Wl.T + bl + x @ Wr.T


def reference(x, edge_index, Wl1, bl1, Wr1, Wl2, bl2, Wr2, Wl3, bl3, Wr3):
    src = edge_index[0]
    dst = edge_index[1]
    # eval mode: dropout(p=0.5, training=False) is identity
    h = _sage_conv(x, src, dst, Wl1, bl1, Wr1)
    h = jax.nn.relu(h)
    h = _sage_conv(h, src, dst, Wl2, bl2, Wr2)
    h = jax.nn.relu(h)
    h = _sage_conv(h, src, dst, Wl3, bl3, Wr3)
    h = jax.nn.relu(h)
    return h

if __name__ == "__main__":
    import jax
    _d = setup_inputs()
    print(jax.jit(kernel)(*tuple(_d.values())))

</pallas_src>

<mosaic_0001>
#map = affine_map<(d0, d1) -> (0, 0)>
#map1 = affine_map<(d0, d1) -> (0)>
#map2 = affine_map<(d0, d1) -> (0, 0, 0)>
module attributes {stable_mosaic.version = 14 : i64} {
  func.func @body(%arg0: i32, %arg1: i32, %arg2: memref<10240x128xf32, #tpu.memory_space<hbm>>, %arg3: memref<10240x128xf32, #tpu.memory_space<hbm>>, %arg4: memref<163840xi32, #tpu.memory_space<hbm>>, %arg5: memref<163840xi32, #tpu.memory_space<hbm>>, %arg6: memref<64x128xf32, #tpu.memory_space<hbm>>, %arg7: memref<2x10240x128xf32, #tpu.memory_space<hbm>>, %arg8: memref<10240x128xf32, #tpu.memory_space<vmem_shared>>, %arg9: memref<64xi32, #tpu.memory_space<vmem>>, %arg10: memref<64xi32, #tpu.memory_space<vmem>>, %arg11: memref<64xi32, #tpu.memory_space<vmem>>, %arg12: memref<64xi32, #tpu.memory_space<vmem>>, %arg13: memref<64xi32, #tpu.memory_space<vmem>>, %arg14: memref<64xi32, #tpu.memory_space<vmem>>, %arg15: memref<64xi32, #tpu.memory_space<vmem>>, %arg16: memref<64xi32, #tpu.memory_space<vmem>>, %arg17: memref<64x128xf32, #tpu.memory_space<vmem>>, %arg18: memref<64x128xf32, #tpu.memory_space<vmem>>, %arg19: memref<64x128xf32, #tpu.memory_space<vmem>>, %arg20: memref<64x128xf32, #tpu.memory_space<vmem>>, %arg21: memref<!tpu.dma_semaphore, #tpu.memory_space<semaphore_mem>>, %arg22: memref<!tpu.dma_semaphore, #tpu.memory_space<semaphore_mem>>, %arg23: memref<!tpu.dma_semaphore, #tpu.memory_space<semaphore_mem>>, %arg24: memref<!tpu.dma_semaphore, #tpu.memory_space<semaphore_mem>>, %arg25: memref<!tpu.dma_semaphore, #tpu.memory_space<semaphore_mem>>, %arg26: memref<!tpu.dma_semaphore, #tpu.memory_space<semaphore_mem>>, %arg27: memref<!tpu.dma_semaphore, #tpu.memory_space<semaphore_mem>>, %arg28: memref<!tpu.dma_semaphore, #tpu.memory_space<semaphore_mem>>, %arg29: memref<!tpu.dma_semaphore, #tpu.memory_space<semaphore_mem>>, %arg30: memref<!tpu.dma_semaphore, #tpu.memory_space<semaphore_mem>>, %arg31: memref<!tpu.dma_semaphore, #tpu.memory_space<semaphore_mem>>, %arg32: memref<!tpu.dma_semaphore, #tpu.memory_space<semaphore_mem>>) attributes {dimension_semantics = [#tpu.dimension_semantics<core_parallel>, #tpu.dimension_semantics<subcore_parallel>], iteration_bounds = array<i64: 2, 16>, scalar_prefetch = 0 : i64, scratch_operands = 25 : i64, tpu.core_type = #tpu.core_type<sc_vector_subcore>, window_params = [{transform_indices = #map}, {transform_indices = #map}, {transform_indices = #map1}, {transform_indices = #map1}, {transform_indices = #map}, {transform_indices = #map2}]} {
    "tpu.region"() ({
      %run_scoped3A = tpu.sem_alloc : memref<!tpu.dma_semaphore, #tpu.memory_space<semaphore_mem>>
      tpu.enqueue_dma source(%arg6 : memref<64x128xf32, #tpu.memory_space<hbm>>) target(%arg17 : memref<64x128xf32, #tpu.memory_space<vmem>>) target_semaphore(%run_scoped3A : memref<!tpu.dma_semaphore, #tpu.memory_space<semaphore_mem>>)
      tpu.wait_dma2 semaphore(%run_scoped3A : memref<!tpu.dma_semaphore, #tpu.memory_space<semaphore_mem>>) src(%arg6 : memref<64x128xf32, #tpu.memory_space<hbm>>) dst(%arg17 : memref<64x128xf32, #tpu.memory_space<vmem>>)
      tpu.yield
    }) : () -> ()
    %mul3A = arith.constant 640 : i32
    %mul3A_0 = arith.muli %arg1, %mul3A : i32
    %add3A = arith.constant 0 : i32
    %add3A_1 = arith.addi %mul3A_0, %add3A : i32
    %multiple_of3A = tpu.assume_multiple %add3A_1, 64 : i32
    "tpu.region"() ({
      %run_scoped3A = tpu.sem_alloc : memref<!tpu.dma_semaphore, #tpu.memory_space<semaphore_mem>>
      %dma_start3A_189 = arith.constant 0 : i32
      %dma_start3A_190 = tpu.memref_slice %arg8[%multiple_of3A, %dma_start3A_189] : memref<10240x128xf32, #tpu.memory_space<vmem_shared>> -> memref<64x128xf32, #tpu.memory_space<vmem_shared>>
      %dma_start3A_191 = arith.constant 0 : i32
      %dma_start3A_192 = tpu.memref_slice %arg8[%multiple_of3A, %dma_start3A_191] : memref<10240x128xf32, #tpu.memory_space<vmem_shared>> -> memref<64x128xf32, #tpu.memory_space<vmem_shared>>
      tpu.enqueue_dma source(%arg17 : memref<64x128xf32, #tpu.memory_space<vmem>>) target(%dma_start3A_192 : memref<64x128xf32, #tpu.memory_space<vmem_shared>>) target_semaphore(%run_scoped3A : memref<!tpu.dma_semaphore, #tpu.memory_space<semaphore_mem>>)
      %dma_wait3A_193 = arith.constant 0 : i32
      %dma_wait3A_194 = tpu.memref_slice %arg8[%multiple_of3A, %dma_wait3A_193] : memref<10240x128xf32, #tpu.memory_space<vmem_shared>> -> memref<64x128xf32, #tpu.memory_space<vmem_shared>>
      %dma_wait3A_195 = arith.constant 0 : i32
      %dma_wait3A_196 = tpu.memref_slice %arg8[%multiple_of3A, %dma_wait3A_195] : memref<10240x128xf32, #tpu.memory_space<vmem_shared>> -> memref<64x128xf32, #tpu.memory_space<vmem_shared>>
      tpu.wait_dma2 semaphore(%run_scoped3A : memref<!tpu.dma_semaphore, #tpu.memory_space<semaphore_mem>>) src(%arg17 : memref<64x128xf32, #tpu.memory_space<vmem>>) dst(%dma_wait3A_196 : memref<64x128xf32, #tpu.memory_space<vmem_shared>>)
      tpu.yield
    }) : () -> ()
    %mul3A_2 = arith.constant 640 : i32
    %mul3A_3 = arith.muli %arg1, %mul3A_2 : i32
    %add3A_4 = arith.constant 64 : i32
    %add3A_5 = arith.addi %mul3A_3, %add3A_4 : i32
    %multiple_of3A_6 = tpu.assume_multiple %add3A_5, 64 : i32
    "tpu.region"() ({
      %run_scoped3A = tpu.sem_alloc : memref<!tpu.dma_semaphore, #tpu.memory_space<semaphore_mem>>
      %dma_start3A_189 = arith.constant 0 : i32
      %dma_start3A_190 = tpu.memref_slice %arg8[%multiple_of3A_6, %dma_start3A_189] : memref<10240x128xf32, #tpu.memory_space<vmem_shared>> -> memref<64x128xf32, #tpu.memory_space<vmem_shared>>
      %dma_start3A_191 = arith.constant 0 : i32
      %dma_start3A_192 = tpu.memref_slice %arg8[%multiple_of3A_6, %dma_start3A_191] : memref<10240x128xf32, #tpu.memory_space<vmem_shared>> -> memref<64x128xf32, #tpu.memory_space<vmem_shared>>
      tpu.enqueue_dma source(%arg17 : memref<64x128xf32, #tpu.memory_space<vmem>>) target(%dma_start3A_192 : memref<64x128xf32, #tpu.memory_space<vmem_shared>>) target_semaphore(%run_scoped3A : memref<!tpu.dma_semaphore, #tpu.memory_space<semaphore_mem>>)
      %dma_wait3A_193 = arith.constant 0 : i32
      %dma_wait3A_194 = tpu.memref_slice %arg8[%multiple_of3A_6, %dma_wait3A_193] : memref<10240x128xf32, #tpu.memory_space<vmem_shared>> -> memref<64x128xf32, #tpu.memory_space<vmem_shared>>
      %dma_wait3A_195 = arith.constant 0 : i32
      %dma_wait3A_196 = tpu.memref_slice %arg8[%multiple_of3A_6, %dma_wait3A_195] : memref<10240x128xf32, #tpu.memory_space<vmem_shared>> -> memref<64x128xf32, #tpu.memory_space<vmem_shared>>
      tpu.wait_dma2 semaphore(%run_scoped3A : memref<!tpu.dma_semaphore, #tpu.memory_space<semaphore_mem>>) src(%arg17 : memref<64x128xf32, #tpu.memory_space<vmem>>) dst(%dma_wait3A_196 : memref<64x128xf32, #tpu.memory_space<vmem_shared>>)
      tpu.yield
    }) : () -> ()
    %mul3A_7 = arith.constant 640 : i32
    %mul3A_8 = arith.muli %arg1, %mul3A_7 : i32
    %add3A_9 = arith.constant 128 : i32
    %add3A_10 = arith.addi %mul3A_8, %add3A_9 : i32
    %multiple_of3A_11 = tpu.assume_multiple %add3A_10, 64 : i32
    "tpu.region"() ({
      %run_scoped3A = tpu.sem_alloc : memref<!tpu.dma_semaphore, #tpu.memory_space<semaphore_mem>>
      %dma_start3A_189 = arith.constant 0 : i32
      %dma_start3A_190 = tpu.memref_slice %arg8[%multiple_of3A_11, %dma_start3A_189] : memref<10240x128xf32, #tpu.memory_space<vmem_shared>> -> memref<64x128xf32, #tpu.memory_space<vmem_shared>>
      %dma_start3A_191 = arith.constant 0 : i32
      %dma_start3A_192 = tpu.memref_slice %arg8[%multiple_of3A_11, %dma_start3A_191] : memref<10240x128xf32, #tpu.memory_space<vmem_shared>> -> memref<64x128xf32, #tpu.memory_space<vmem_shared>>
      tpu.enqueue_dma source(%arg17 : memref<64x128xf32, #tpu.memory_space<vmem>>) target(%dma_start3A_192 : memref<64x128xf32, #tpu.memory_space<vmem_shared>>) target_semaphore(%run_scoped3A : memref<!tpu.dma_semaphore, #tpu.memory_space<semaphore_mem>>)
      %dma_wait3A_193 = arith.constant 0 : i32
      %dma_wait3A_194 = tpu.memref_slice %arg8[%multiple_of3A_11, %dma_wait3A_193] : memref<10240x128xf32, #tpu.memory_space<vmem_shared>> -> memref<64x128xf32, #tpu.memory_space<vmem_shared>>
      %dma_wait3A_195 = arith.constant 0 : i32
      %dma_wait3A_196 = tpu.memref_slice %arg8[%multiple_of3A_11, %dma_wait3A_195] : memref<10240x128xf32, #tpu.memory_space<vmem_shared>> -> memref<64x128xf32, #tpu.memory_space<vmem_shared>>
      tpu.wait_dma2 semaphore(%run_scoped3A : memref<!tpu.dma_semaphore, #tpu.memory_space<semaphore_mem>>) src(%arg17 : memref<64x128xf32, #tpu.memory_space<vmem>>) dst(%dma_wait3A_196 : memref<64x128xf32, #tpu.memory_space<vmem_shared>>)
      tpu.yield
    }) : () -> ()
    %mul3A_12 = arith.constant 640 : i32
    %mul3A_13 = arith.muli %arg1, %mul3A_12 : i32
    %add3A_14 = arith.constant 192 : i32
    %add3A_15 = arith.addi %mul3A_13, %add3A_14 : i32
    %multiple_of3A_16 = tpu.assume_multiple %add3A_15, 64 : i32
    "tpu.region"() ({
      %run_scoped3A = tpu.sem_alloc : memref<!tpu.dma_semaphore, #tpu.memory_space<semaphore_mem>>
      %dma_start3A_189 = arith.constant 0 : i32
      %dma_start3A_190 = tpu.memref_slice %arg8[%multiple_of3A_16, %dma_start3A_189] : memref<10240x128xf32, #tpu.memory_space<vmem_shared>> -> memref<64x128xf32, #tpu.memory_space<vmem_shared>>
      %dma_start3A_191 = arith.constant 0 : i32
      %dma_start3A_192 = tpu.memref_slice %arg8[%multiple_of3A_16, %dma_start3A_191] : memref<10240x128xf32, #tpu.memory_space<vmem_shared>> -> memref<64x128xf32, #tpu.memory_space<vmem_shared>>
      tpu.enqueue_dma source(%arg17 : memref<64x128xf32, #tpu.memory_space<vmem>>) target(%dma_start3A_192 : memref<64x128xf32, #tpu.memory_space<vmem_shared>>) target_semaphore(%run_scoped3A : memref<!tpu.dma_semaphore, #tpu.memory_space<semaphore_mem>>)
      %dma_wait3A_193 = arith.constant 0 : i32
      %dma_wait3A_194 = tpu.memref_slice %arg8[%multiple_of3A_16, %dma_wait3A_193] : memref<10240x128xf32, #tpu.memory_space<vmem_shared>> -> memref<64x128xf32, #tpu.memory_space<vmem_shared>>
      %dma_wait3A_195 = arith.constant 0 : i32
      %dma_wait3A_196 = tpu.memref_slice %arg8[%multiple_of3A_16, %dma_wait3A_195] : memref<10240x128xf32, #tpu.memory_space<vmem_shared>> -> memref<64x128xf32, #tpu.memory_space<vmem_shared>>
      tpu.wait_dma2 semaphore(%run_scoped3A : memref<!tpu.dma_semaphore, #tpu.memory_space<semaphore_mem>>) src(%arg17 : memref<64x128xf32, #tpu.memory_space<vmem>>) dst(%dma_wait3A_196 : memref<64x128xf32, #tpu.memory_space<vmem_shared>>)
      tpu.yield
    }) : () -> ()
    %mul3A_17 = arith.constant 640 : i32
    %mul3A_18 = arith.muli %arg1, %mul3A_17 : i32
    %add3A_19 = arith.constant 256 : i32
    %add3A_20 = arith.addi %mul3A_18, %add3A_19 : i32
    %multiple_of3A_21 = tpu.assume_multiple %add3A_20, 64 : i32
    "tpu.region"() ({
      %run_scoped3A = tpu.sem_alloc : memref<!tpu.dma_semaphore, #tpu.memory_space<semaphore_mem>>
      %dma_start3A_189 = arith.constant 0 : i32
      %dma_start3A_190 = tpu.memref_slice %arg8[%multiple_of3A_21, %dma_start3A_189] : memref<10240x128xf32, #tpu.memory_space<vmem_shared>> -> memref<64x128xf32, #tpu.memory_space<vmem_shared>>
      %dma_start3A_191 = arith.constant 0 : i32
      %dma_start3A_192 = tpu.memref_slice %arg8[%multiple_of3A_21, %dma_start3A_191] : memref<10240x128xf32, #tpu.memory_space<vmem_shared>> -> memref<64x128xf32, #tpu.memory_space<vmem_shared>>
      tpu.enqueue_dma source(%arg17 : memref<64x128xf32, #tpu.memory_space<vmem>>) target(%dma_start3A_192 : memref<64x128xf32, #tpu.memory_space<vmem_shared>>) target_semaphore(%run_scoped3A : memref<!tpu.dma_semaphore, #tpu.memory_space<semaphore_mem>>)
      %dma_wait3A_193 = arith.constant 0 : i32
      %dma_wait3A_194 = tpu.memref_slice %arg8[%multiple_of3A_21, %dma_wait3A_193] : memref<10240x128xf32, #tpu.memory_space<vmem_shared>> -> memref<64x128xf32, #tpu.memory_space<vmem_shared>>
      %dma_wait3A_195 = arith.constant 0 : i32
      %dma_wait3A_196 = tpu.memref_slice %arg8[%multiple_of3A_21, %dma_wait3A_195] : memref<10240x128xf32, #tpu.memory_space<vmem_shared>> -> memref<64x128xf32, #tpu.memory_space<vmem_shared>>
      tpu.wait_dma2 semaphore(%run_scoped3A : memref<!tpu.dma_semaphore, #tpu.memory_space<semaphore_mem>>) src(%arg17 : memref<64x128xf32, #tpu.memory_space<vmem>>) dst(%dma_wait3A_196 : memref<64x128xf32, #tpu.memory_space<vmem_shared>>)
      tpu.yield
    }) : () -> ()
    %mul3A_22 = arith.constant 640 : i32
    %mul3A_23 = arith.muli %arg1, %mul3A_22 : i32
    %add3A_24 = arith.constant 320 : i32
    %add3A_25 = arith.addi %mul3A_23, %add3A_24 : i32
    %multiple_of3A_26 = tpu.assume_multiple %add3A_25, 64 : i32
    "tpu.region"() ({
      %run_scoped3A = tpu.sem_alloc : memref<!tpu.dma_semaphore, #tpu.memory_space<semaphore_mem>>
      %dma_start3A_189 = arith.constant 0 : i32
      %dma_start3A_190 = tpu.memref_slice %arg8[%multiple_of3A_26, %dma_start3A_189] : memref<10240x128xf32, #tpu.memory_space<vmem_shared>> -> memref<64x128xf32, #tpu.memory_space<vmem_shared>>
      %dma_start3A_191 = arith.constant 0 : i32
      %dma_start3A_192 = tpu.memref_slice %arg8[%multiple_of3A_26, %dma_start3A_191] : memref<10240x128xf32, #tpu.memory_space<vmem_shared>> -> memref<64x128xf32, #tpu.memory_space<vmem_shared>>
      tpu.enqueue_dma source(%arg17 : memref<64x128xf32, #tpu.memory_space<vmem>>) target(%dma_start3A_192 : memref<64x128xf32, #tpu.memory_space<vmem_shared>>) target_semaphore(%run_scoped3A : memref<!tpu.dma_semaphore, #tpu.memory_space<semaphore_mem>>)
      %dma_wait3A_193 = arith.constant 0 : i32
      %dma_wait3A_194 = tpu.memref_slice %arg8[%multiple_of3A_26, %dma_wait3A_193] : memref<10240x128xf32, #tpu.memory_space<vmem_shared>> -> memref<64x128xf32, #tpu.memory_space<vmem_shared>>
      %dma_wait3A_195 = arith.constant 0 : i32
      %dma_wait3A_196 = tpu.memref_slice %arg8[%multiple_of3A_26, %dma_wait3A_195] : memref<10240x128xf32, #tpu.memory_space<vmem_shared>> -> memref<64x128xf32, #tpu.memory_space<vmem_shared>>
      tpu.wait_dma2 semaphore(%run_scoped3A : memref<!tpu.dma_semaphore, #tpu.memory_space<semaphore_mem>>) src(%arg17 : memref<64x128xf32, #tpu.memory_space<vmem>>) dst(%dma_wait3A_196 : memref<64x128xf32, #tpu.memory_space<vmem_shared>>)
      tpu.yield
    }) : () -> ()
    %mul3A_27 = arith.constant 640 : i32
    %mul3A_28 = arith.muli %arg1, %mul3A_27 : i32
    %add3A_29 = arith.constant 384 : i32
    %add3A_30 = arith.addi %mul3A_28, %add3A_29 : i32
    %multiple_of3A_31 = tpu.assume_multiple %add3A_30, 64 : i32
    "tpu.region"() ({
      %run_scoped3A = tpu.sem_alloc : memref<!tpu.dma_semaphore, #tpu.memory_space<semaphore_mem>>
      %dma_start3A_189 = arith.constant 0 : i32
      %dma_start3A_190 = tpu.memref_slice %arg8[%multiple_of3A_31, %dma_start3A_189] : memref<10240x128xf32, #tpu.memory_space<vmem_shared>> -> memref<64x128xf32, #tpu.memory_space<vmem_shared>>
      %dma_start3A_191 = arith.constant 0 : i32
      %dma_start3A_192 = tpu.memref_slice %arg8[%multiple_of3A_31, %dma_start3A_191] : memref<10240x128xf32, #tpu.memory_space<vmem_shared>> -> memref<64x128xf32, #tpu.memory_space<vmem_shared>>
      tpu.enqueue_dma source(%arg17 : memref<64x128xf32, #tpu.memory_space<vmem>>) target(%dma_start3A_192 : memref<64x128xf32, #tpu.memory_space<vmem_shared>>) target_semaphore(%run_scoped3A : memref<!tpu.dma_semaphore, #tpu.memory_space<semaphore_mem>>)
      %dma_wait3A_193 = arith.constant 0 : i32
      %dma_wait3A_194 = tpu.memref_slice %arg8[%multiple_of3A_31, %dma_wait3A_193] : memref<10240x128xf32, #tpu.memory_space<vmem_shared>> -> memref<64x128xf32, #tpu.memory_space<vmem_shared>>
      %dma_wait3A_195 = arith.constant 0 : i32
      %dma_wait3A_196 = tpu.memref_slice %arg8[%multiple_of3A_31, %dma_wait3A_195] : memref<10240x128xf32, #tpu.memory_space<vmem_shared>> -> memref<64x128xf32, #tpu.memory_space<vmem_shared>>
      tpu.wait_dma2 semaphore(%run_scoped3A : memref<!tpu.dma_semaphore, #tpu.memory_space<semaphore_mem>>) src(%arg17 : memref<64x128xf32, #tpu.memory_space<vmem>>) dst(%dma_wait3A_196 : memref<64x128xf32, #tpu.memory_space<vmem_shared>>)
      tpu.yield
    }) : () -> ()
    %mul3A_32 = arith.constant 640 : i32
    %mul3A_33 = arith.muli %arg1, %mul3A_32 : i32
    %add3A_34 = arith.constant 448 : i32
    %add3A_35 = arith.addi %mul3A_33, %add3A_34 : i32
    %multiple_of3A_36 = tpu.assume_multiple %add3A_35, 64 : i32
    "tpu.region"() ({
      %run_scoped3A = tpu.sem_alloc : memref<!tpu.dma_semaphore, #tpu.memory_space<semaphore_mem>>
      %dma_start3A_189 = arith.constant 0 : i32
      %dma_start3A_190 = tpu.memref_slice %arg8[%multiple_of3A_36, %dma_start3A_189] : memref<10240x128xf32, #tpu.memory_space<vmem_shared>> -> memref<64x128xf32, #tpu.memory_space<vmem_shared>>
      %dma_start3A_191 = arith.constant 0 : i32
      %dma_start3A_192 = tpu.memref_slice %arg8[%multiple_of3A_36, %dma_start3A_191] : memref<10240x128xf32, #tpu.memory_space<vmem_shared>> -> memref<64x128xf32, #tpu.memory_space<vmem_shared>>
      tpu.enqueue_dma source(%arg17 : memref<64x128xf32, #tpu.memory_space<vmem>>) target(%dma_start3A_192 : memref<64x128xf32, #tpu.memory_space<vmem_shared>>) target_semaphore(%run_scoped3A : memref<!tpu.dma_semaphore, #tpu.memory_space<semaphore_mem>>)
      %dma_wait3A_193 = arith.constant 0 : i32
      %dma_wait3A_194 = tpu.memref_slice %arg8[%multiple_of3A_36, %dma_wait3A_193] : memref<10240x128xf32, #tpu.memory_space<vmem_shared>> -> memref<64x128xf32, #tpu.memory_space<vmem_shared>>
      %dma_wait3A_195 = arith.constant 0 : i32
      %dma_wait3A_196 = tpu.memref_slice %arg8[%multiple_of3A_36, %dma_wait3A_195] : memref<10240x128xf32, #tpu.memory_space<vmem_shared>> -> memref<64x128xf32, #tpu.memory_space<vmem_shared>>
      tpu.wait_dma2 semaphore(%run_scoped3A : memref<!tpu.dma_semaphore, #tpu.memory_space<semaphore_mem>>) src(%arg17 : memref<64x128xf32, #tpu.memory_space<vmem>>) dst(%dma_wait3A_196 : memref<64x128xf32, #tpu.memory_space<vmem_shared>>)
      tpu.yield
    }) : () -> ()
    %mul3A_37 = arith.constant 640 : i32
    %mul3A_38 = arith.muli %arg1, %mul3A_37 : i32
    %add3A_39 = arith.constant 512 : i32
    %add3A_40 = arith.addi %mul3A_38, %add3A_39 : i32
    %multiple_of3A_41 = tpu.assume_multiple %add3A_40, 64 : i32
    "tpu.region"() ({
      %run_scoped3A = tpu.sem_alloc : memref<!tpu.dma_semaphore, #tpu.memory_space<semaphore_mem>>
      %dma_start3A_189 = arith.constant 0 : i32
      %dma_start3A_190 = tpu.memref_slice %arg8[%multiple_of3A_41, %dma_start3A_189] : memref<10240x128xf32, #tpu.memory_space<vmem_shared>> -> memref<64x128xf32, #tpu.memory_space<vmem_shared>>
      %dma_start3A_191 = arith.constant 0 : i32
      %dma_start3A_192 = tpu.memref_slice %arg8[%multiple_of3A_41, %dma_start3A_191] : memref<10240x128xf32, #tpu.memory_space<vmem_shared>> -> memref<64x128xf32, #tpu.memory_space<vmem_shared>>
      tpu.enqueue_dma source(%arg17 : memref<64x128xf32, #tpu.memory_space<vmem>>) target(%dma_start3A_192 : memref<64x128xf32, #tpu.memory_space<vmem_shared>>) target_semaphore(%run_scoped3A : memref<!tpu.dma_semaphore, #tpu.memory_space<semaphore_mem>>)
      %dma_wait3A_193 = arith.constant 0 : i32
      %dma_wait3A_194 = tpu.memref_slice %arg8[%multiple_of3A_41, %dma_wait3A_193] : memref<10240x128xf32, #tpu.memory_space<vmem_shared>> -> memref<64x128xf32, #tpu.memory_space<vmem_shared>>
      %dma_wait3A_195 = arith.constant 0 : i32
      %dma_wait3A_196 = tpu.memref_slice %arg8[%multiple_of3A_41, %dma_wait3A_195] : memref<10240x128xf32, #tpu.memory_space<vmem_shared>> -> memref<64x128xf32, #tpu.memory_space<vmem_shared>>
      tpu.wait_dma2 semaphore(%run_scoped3A : memref<!tpu.dma_semaphore, #tpu.memory_space<semaphore_mem>>) src(%arg17 : memref<64x128xf32, #tpu.memory_space<vmem>>) dst(%dma_wait3A_196 : memref<64x128xf32, #tpu.memory_space<vmem_shared>>)
      tpu.yield
    }) : () -> ()
    %mul3A_42 = arith.constant 640 : i32
    %mul3A_43 = arith.muli %arg1, %mul3A_42 : i32
    %add3A_44 = arith.constant 576 : i32
    %add3A_45 = arith.addi %mul3A_43, %add3A_44 : i32
    %multiple_of3A_46 = tpu.assume_multiple %add3A_45, 64 : i32
    "tpu.region"() ({
      %run_scoped3A = tpu.sem_alloc : memref<!tpu.dma_semaphore, #tpu.memory_space<semaphore_mem>>
      %dma_start3A_189 = arith.constant 0 : i32
      %dma_start3A_190 = tpu.memref_slice %arg8[%multiple_of3A_46, %dma_start3A_189] : memref<10240x128xf32, #tpu.memory_space<vmem_shared>> -> memref<64x128xf32, #tpu.memory_space<vmem_shared>>
      %dma_start3A_191 = arith.constant 0 : i32
      %dma_start3A_192 = tpu.memref_slice %arg8[%multiple_of3A_46, %dma_start3A_191] : memref<10240x128xf32, #tpu.memory_space<vmem_shared>> -> memref<64x128xf32, #tpu.memory_space<vmem_shared>>
      tpu.enqueue_dma source(%arg17 : memref<64x128xf32, #tpu.memory_space<vmem>>) target(%dma_start3A_192 : memref<64x128xf32, #tpu.memory_space<vmem_shared>>) target_semaphore(%run_scoped3A : memref<!tpu.dma_semaphore, #tpu.memory_space<semaphore_mem>>)
      %dma_wait3A_193 = arith.constant 0 : i32
      %dma_wait3A_194 = tpu.memref_slice %arg8[%multiple_of3A_46, %dma_wait3A_193] : memref<10240x128xf32, #tpu.memory_space<vmem_shared>> -> memref<64x128xf32, #tpu.memory_space<vmem_shared>>
      %dma_wait3A_195 = arith.constant 0 : i32
      %dma_wait3A_196 = tpu.memref_slice %arg8[%multiple_of3A_46, %dma_wait3A_195] : memref<10240x128xf32, #tpu.memory_space<vmem_shared>> -> memref<64x128xf32, #tpu.memory_space<vmem_shared>>
      tpu.wait_dma2 semaphore(%run_scoped3A : memref<!tpu.dma_semaphore, #tpu.memory_space<semaphore_mem>>) src(%arg17 : memref<64x128xf32, #tpu.memory_space<vmem>>) dst(%dma_wait3A_196 : memref<64x128xf32, #tpu.memory_space<vmem_shared>>)
      tpu.yield
    }) : () -> ()
    %barrier3A = arith.constant 0 : index
    tpu.barrier barrier_id(%barrier3A)
    %mul3A_47 = arith.constant 160 : i32
    %mul3A_48 = arith.muli %arg1, %mul3A_47 : i32
    %add3A_49 = arith.constant 0 : i32
    %add3A_50 = arith.addi %mul3A_48, %add3A_49 : i32
    %mul3A_51 = arith.constant 64 : i32
    %mul3A_52 = arith.muli %add3A_50, %mul3A_51 : i32
    %multiple_of3A_53 = tpu.assume_multiple %mul3A_52, 8 : i32
    %dma_start3A = tpu.memref_slice %arg4[%multiple_of3A_53] : memref<163840xi32, #tpu.memory_space<hbm>> -> memref<64xi32, #tpu.memory_space<hbm>>
    %dma_start3A_54 = tpu.memref_slice %arg4[%multiple_of3A_53] : memref<163840xi32, #tpu.memory_space<hbm>> -> memref<64xi32, #tpu.memory_space<hbm>>
    tpu.enqueue_dma source(%dma_start3A_54 : memref<64xi32, #tpu.memory_space<hbm>>) target(%arg9 : memref<64xi32, #tpu.memory_space<vmem>>) target_semaphore(%arg21 : memref<!tpu.dma_semaphore, #tpu.memory_space<semaphore_mem>>)
    %mul3A_55 = arith.constant 160 : i32
    %mul3A_56 = arith.muli %arg1, %mul3A_55 : i32
    %add3A_57 = arith.constant 0 : i32
    %add3A_58 = arith.addi %mul3A_56, %add3A_57 : i32
    %mul3A_59 = arith.constant 64 : i32
    %mul3A_60 = arith.muli %add3A_58, %mul3A_59 : i32
    %multiple_of3A_61 = tpu.assume_multiple %mul3A_60, 8 : i32
    %dma_start3A_62 = tpu.memref_slice %arg5[%multiple_of3A_61] : memref<163840xi32, #tpu.memory_space<hbm>> -> memref<64xi32, #tpu.memory_space<hbm>>
    %dma_start3A_63 = tpu.memref_slice %arg5[%multiple_of3A_61] : memref<163840xi32, #tpu.memory_space<hbm>> -> memref<64xi32, #tpu.memory_space<hbm>>
    tpu.enqueue_dma source(%dma_start3A_63 : memref<64xi32, #tpu.memory_space<hbm>>) target(%arg13 : memref<64xi32, #tpu.memory_space<vmem>>) target_semaphore(%arg25 : memref<!tpu.dma_semaphore, #tpu.memory_space<semaphore_mem>>)
    %dma_wait3A = arith.constant 0 : i32
    %dma_wait3A_64 = tpu.memref_slice %arg4[%dma_wait3A] : memref<163840xi32, #tpu.memory_space<hbm>> -> memref<64xi32, #tpu.memory_space<hbm>>
    %dma_wait3A_65 = arith.constant 0 : i32
    %dma_wait3A_66 = tpu.memref_slice %arg4[%dma_wait3A_65] : memref<163840xi32, #tpu.memory_space<hbm>> -> memref<64xi32, #tpu.memory_space<hbm>>
    tpu.wait_dma2 semaphore(%arg21 : memref<!tpu.dma_semaphore, #tpu.memory_space<semaphore_mem>>) src(%dma_wait3A_66 : memref<64xi32, #tpu.memory_space<hbm>>) dst(%arg9 : memref<64xi32, #tpu.memory_space<vmem>>)
    %eq3A = arith.constant 0 : i32
    %eq3A_67 = arith.cmpi eq, %arg0, %eq3A : i32
    %convert_element_type3A = arith.extui %eq3A_67 : i1 to i32
    %cond3A = arith.constant 0 : i32
    %cond3A_68 = arith.cmpi ne, %convert_element_type3A, %cond3A : i32
    scf.if %cond3A_68 {
      %dma_start3A_189 = arith.constant 0 : i32
      %dma_start3A_190 = arith.constant 0 : i32
      %dma_start3A_191 = tpu.memref_slice %arg2[%dma_start3A_189, %dma_start3A_190] : memref<10240x128xf32, #tpu.memory_space<hbm>> -> memref<10240x128xf32, #tpu.memory_space<hbm>>
      tpu.enqueue_indirect_dma source(%dma_start3A_191 : memref<10240x128xf32, #tpu.memory_space<hbm>>) target(%arg17 : memref<64x128xf32, #tpu.memory_space<vmem>>) offsets(%arg9 : memref<64xi32, #tpu.memory_space<vmem>>) semaphore(%arg29 : memref<!tpu.dma_semaphore, #tpu.memory_space<semaphore_mem>>)
    } else {
    }
    %eq3A_69 = arith.constant 1 : i32
    %eq3A_70 = arith.cmpi eq, %arg0, %eq3A_69 : i32
    %convert_element_type3A_71 = arith.extui %eq3A_70 : i1 to i32
    %cond3A_72 = arith.constant 0 : i32
    %cond3A_73 = arith.cmpi ne, %convert_element_type3A_71, %cond3A_72 : i32
    scf.if %cond3A_73 {
      %dma_start3A_189 = arith.constant 0 : i32
      %dma_start3A_190 = arith.constant 0 : i32
      %dma_start3A_191 = tpu.memref_slice %arg3[%dma_start3A_189, %dma_start3A_190] : memref<10240x128xf32, #tpu.memory_space<hbm>> -> memref<10240x128xf32, #tpu.memory_space<hbm>>
      tpu.enqueue_indirect_dma source(%dma_start3A_191 : memref<10240x128xf32, #tpu.memory_space<hbm>>) target(%arg17 : memref<64x128xf32, #tpu.memory_space<vmem>>) offsets(%arg9 : memref<64xi32, #tpu.memory_space<vmem>>) semaphore(%arg29 : memref<!tpu.dma_semaphore, #tpu.memory_space<semaphore_mem>>)
    } else {
    }
    %mul3A_74 = arith.constant 160 : i32
    %mul3A_75 = arith.muli %arg1, %mul3A_74 : i32
    %add3A_76 = arith.constant 1 : i32
    %add3A_77 = arith.addi %mul3A_75, %add3A_76 : i32
    %mul3A_78 = arith.constant 64 : i32
    %mul3A_79 = arith.muli %add3A_77, %mul3A_78 : i32
    %multiple_of3A_80 = tpu.assume_multiple %mul3A_79, 8 : i32
    %dma_start3A_81 = tpu.memref_slice %arg4[%multiple_of3A_80] : memref<163840xi32, #tpu.memory_space<hbm>> -> memref<64xi32, #tpu.memory_space<hbm>>
    %dma_start3A_82 = tpu.memref_slice %arg4[%multiple_of3A_80] : memref<163840xi32, #tpu.memory_space<hbm>> -> memref<64xi32, #tpu.memory_space<hbm>>
    tpu.enqueue_dma source(%dma_start3A_82 : memref<64xi32, #tpu.memory_space<hbm>>) target(%arg10 : memref<64xi32, #tpu.memory_space<vmem>>) target_semaphore(%arg22 : memref<!tpu.dma_semaphore, #tpu.memory_space<semaphore_mem>>)
    %mul3A_83 = arith.constant 160 : i32
    %mul3A_84 = arith.muli %arg1, %mul3A_83 : i32
    %add3A_85 = arith.constant 1 : i32
    %add3A_86 = arith.addi %mul3A_84, %add3A_85 : i32
    %mul3A_87 = arith.constant 64 : i32
    %mul3A_88 = arith.muli %add3A_86, %mul3A_87 : i32
    %multiple_of3A_89 = tpu.assume_multiple %mul3A_88, 8 : i32
    %dma_start3A_90 = tpu.memref_slice %arg5[%multiple_of3A_89] : memref<163840xi32, #tpu.memory_space<hbm>> -> memref<64xi32, #tpu.memory_space<hbm>>
    %dma_start3A_91 = tpu.memref_slice %arg5[%multiple_of3A_89] : memref<163840xi32, #tpu.memory_space<hbm>> -> memref<64xi32, #tpu.memory_space<hbm>>
    tpu.enqueue_dma source(%dma_start3A_91 : memref<64xi32, #tpu.memory_space<hbm>>) target(%arg14 : memref<64xi32, #tpu.memory_space<vmem>>) target_semaphore(%arg26 : memref<!tpu.dma_semaphore, #tpu.memory_space<semaphore_mem>>)
    %dma_wait3A_92 = arith.constant 0 : i32
    %dma_wait3A_93 = tpu.memref_slice %arg4[%dma_wait3A_92] : memref<163840xi32, #tpu.memory_space<hbm>> -> memref<64xi32, #tpu.memory_space<hbm>>
    %dma_wait3A_94 = arith.constant 0 : i32
    %dma_wait3A_95 = tpu.memref_slice %arg4[%dma_wait3A_94] : memref<163840xi32, #tpu.memory_space<hbm>> -> memref<64xi32, #tpu.memory_space<hbm>>
    tpu.wait_dma2 semaphore(%arg22 : memref<!tpu.dma_semaphore, #tpu.memory_space<semaphore_mem>>) src(%dma_wait3A_95 : memref<64xi32, #tpu.memory_space<hbm>>) dst(%arg10 : memref<64xi32, #tpu.memory_space<vmem>>)
    %eq3A_96 = arith.constant 0 : i32
    %eq3A_97 = arith.cmpi eq, %arg0, %eq3A_96 : i32
    %convert_element_type3A_98 = arith.extui %eq3A_97 : i1 to i32
    %cond3A_99 = arith.constant 0 : i32
    %cond3A_100 = arith.cmpi ne, %convert_element_type3A_98, %cond3A_99 : i32
    scf.if %cond3A_100 {
      %dma_start3A_189 = arith.constant 0 : i32
      %dma_start3A_190 = arith.constant 0 : i32
      %dma_start3A_191 = tpu.memref_slice %arg2[%dma_start3A_189, %dma_start3A_190] : memref<10240x128xf32, #tpu.memory_space<hbm>> -> memref<10240x128xf32, #tpu.memory_space<hbm>>
      tpu.enqueue_indirect_dma source(%dma_start3A_191 : memref<10240x128xf32, #tpu.memory_space<hbm>>) target(%arg18 : memref<64x128xf32, #tpu.memory_space<vmem>>) offsets(%arg10 : memref<64xi32, #tpu.memory_space<vmem>>) semaphore(%arg30 : memref<!tpu.dma_semaphore, #tpu.memory_space<semaphore_mem>>)
    } else {
    }
    %eq3A_101 = arith.constant 1 : i32
    %eq3A_102 = arith.cmpi eq, %arg0, %eq3A_101 : i32
    %convert_element_type3A_103 = arith.extui %eq3A_102 : i1 to i32
    %cond3A_104 = arith.constant 0 : i32
    %cond3A_105 = arith.cmpi ne, %convert_element_type3A_103, %cond3A_104 : i32
    scf.if %cond3A_105 {
      %dma_start3A_189 = arith.constant 0 : i32
      %dma_start3A_190 = arith.constant 0 : i32
      %dma_start3A_191 = tpu.memref_slice %arg3[%dma_start3A_189, %dma_start3A_190] : memref<10240x128xf32, #tpu.memory_space<hbm>> -> memref<10240x128xf32, #tpu.memory_space<hbm>>
      tpu.enqueue_indirect_dma source(%dma_start3A_191 : memref<10240x128xf32, #tpu.memory_space<hbm>>) target(%arg18 : memref<64x128xf32, #tpu.memory_space<vmem>>) offsets(%arg10 : memref<64xi32, #tpu.memory_space<vmem>>) semaphore(%arg30 : memref<!tpu.dma_semaphore, #tpu.memory_space<semaphore_mem>>)
    } else {
    }
    %mul3A_106 = arith.constant 160 : i32
    %mul3A_107 = arith.muli %arg1, %mul3A_106 : i32
    %add3A_108 = arith.constant 2 : i32
    %add3A_109 = arith.addi %mul3A_107, %add3A_108 : i32
    %mul3A_110 = arith.constant 64 : i32
    %mul3A_111 = arith.muli %add3A_109, %mul3A_110 : i32
    %multiple_of3A_112 = tpu.assume_multiple %mul3A_111, 8 : i32
    %dma_start3A_113 = tpu.memref_slice %arg4[%multiple_of3A_112] : memref<163840xi32, #tpu.memory_space<hbm>> -> memref<64xi32, #tpu.memory_space<hbm>>
    %dma_start3A_114 = tpu.memref_slice %arg4[%multiple_of3A_112] : memref<163840xi32, #tpu.memory_space<hbm>> -> memref<64xi32, #tpu.memory_space<hbm>>
    tpu.enqueue_dma source(%dma_start3A_114 : memref<64xi32, #tpu.memory_space<hbm>>) target(%arg11 : memref<64xi32, #tpu.memory_space<vmem>>) target_semaphore(%arg23 : memref<!tpu.dma_semaphore, #tpu.memory_space<semaphore_mem>>)
    %mul3A_115 = arith.constant 160 : i32
    %mul3A_116 = arith.muli %arg1, %mul3A_115 : i32
    %add3A_117 = arith.constant 2 : i32
    %add3A_118 = arith.addi %mul3A_116, %add3A_117 : i32
    %mul3A_119 = arith.constant 64 : i32
    %mul3A_120 = arith.muli %add3A_118, %mul3A_119 : i32
    %multiple_of3A_121 = tpu.assume_multiple %mul3A_120, 8 : i32
    %dma_start3A_122 = tpu.memref_slice %arg5[%multiple_of3A_121] : memref<163840xi32, #tpu.memory_space<hbm>> -> memref<64xi32, #tpu.memory_space<hbm>>
    %dma_start3A_123 = tpu.memref_slice %arg5[%multiple_of3A_121] : memref<163840xi32, #tpu.memory_space<hbm>> -> memref<64xi32, #tpu.memory_space<hbm>>
    tpu.enqueue_dma source(%dma_start3A_123 : memref<64xi32, #tpu.memory_space<hbm>>) target(%arg15 : memref<64xi32, #tpu.memory_space<vmem>>) target_semaphore(%arg27 : memref<!tpu.dma_semaphore, #tpu.memory_space<semaphore_mem>>)
    %dma_wait3A_124 = arith.constant 0 : i32
    %dma_wait3A_125 = tpu.memref_slice %arg4[%dma_wait3A_124] : memref<163840xi32, #tpu.memory_space<hbm>> -> memref<64xi32, #tpu.memory_space<hbm>>
    %dma_wait3A_126 = arith.constant 0 : i32
    %dma_wait3A_127 = tpu.memref_slice %arg4[%dma_wait3A_126] : memref<163840xi32, #tpu.memory_space<hbm>> -> memref<64xi32, #tpu.memory_space<hbm>>
    tpu.wait_dma2 semaphore(%arg23 : memref<!tpu.dma_semaphore, #tpu.memory_space<semaphore_mem>>) src(%dma_wait3A_127 : memref<64xi32, #tpu.memory_space<hbm>>) dst(%arg11 : memref<64xi32, #tpu.memory_space<vmem>>)
    %eq3A_128 = arith.constant 0 : i32
    %eq3A_129 = arith.cmpi eq, %arg0, %eq3A_128 : i32
    %convert_element_type3A_130 = arith.extui %eq3A_129 : i1 to i32
    %cond3A_131 = arith.constant 0 : i32
    %cond3A_132 = arith.cmpi ne, %convert_element_type3A_130, %cond3A_131 : i32
    scf.if %cond3A_132 {
      %dma_start3A_189 = arith.constant 0 : i32
      %dma_start3A_190 = arith.constant 0 : i32
      %dma_start3A_191 = tpu.memref_slice %arg2[%dma_start3A_189, %dma_start3A_190] : memref<10240x128xf32, #tpu.memory_space<hbm>> -> memref<10240x128xf32, #tpu.memory_space<hbm>>
      tpu.enqueue_indirect_dma source(%dma_start3A_191 : memref<10240x128xf32, #tpu.memory_space<hbm>>) target(%arg19 : memref<64x128xf32, #tpu.memory_space<vmem>>) offsets(%arg11 : memref<64xi32, #tpu.memory_space<vmem>>) semaphore(%arg31 : memref<!tpu.dma_semaphore, #tpu.memory_space<semaphore_mem>>)
    } else {
    }
    %eq3A_133 = arith.constant 1 : i32
    %eq3A_134 = arith.cmpi eq, %arg0, %eq3A_133 : i32
    %convert_element_type3A_135 = arith.extui %eq3A_134 : i1 to i32
    %cond3A_136 = arith.constant 0 : i32
    %cond3A_137 = arith.cmpi ne, %convert_element_type3A_135, %cond3A_136 : i32
    scf.if %cond3A_137 {
      %dma_start3A_189 = arith.constant 0 : i32
      %dma_start3A_190 = arith.constant 0 : i32
      %dma_start3A_191 = tpu.memref_slice %arg3[%dma_start3A_189, %dma_start3A_190] : memref<10240x128xf32, #tpu.memory_space<hbm>> -> memref<10240x128xf32, #tpu.memory_space<hbm>>
      tpu.enqueue_indirect_dma source(%dma_start3A_191 : memref<10240x128xf32, #tpu.memory_space<hbm>>) target(%arg19 : memref<64x128xf32, #tpu.memory_space<vmem>>) offsets(%arg11 : memref<64xi32, #tpu.memory_space<vmem>>) semaphore(%arg31 : memref<!tpu.dma_semaphore, #tpu.memory_space<semaphore_mem>>)
    } else {
    }
    %mul3A_138 = arith.constant 160 : i32
    %mul3A_139 = arith.muli %arg1, %mul3A_138 : i32
    %add3A_140 = arith.constant 3 : i32
    %add3A_141 = arith.addi %mul3A_139, %add3A_140 : i32
    %mul3A_142 = arith.constant 64 : i32
    %mul3A_143 = arith.muli %add3A_141, %mul3A_142 : i32
    %multiple_of3A_144 = tpu.assume_multiple %mul3A_143, 8 : i32
    %dma_start3A_145 = tpu.memref_slice %arg4[%multiple_of3A_144] : memref<163840xi32, #tpu.memory_space<hbm>> -> memref<64xi32, #tpu.memory_space<hbm>>
    %dma_start3A_146 = tpu.memref_slice %arg4[%multiple_of3A_144] : memref<163840xi32, #tpu.memory_space<hbm>> -> memref<64xi32, #tpu.memory_space<hbm>>
    tpu.enqueue_dma source(%dma_start3A_146 : memref<64xi32, #tpu.memory_space<hbm>>) target(%arg12 : memref<64xi32, #tpu.memory_space<vmem>>) target_semaphore(%arg24 : memref<!tpu.dma_semaphore, #tpu.memory_space<semaphore_mem>>)
    %mul3A_147 = arith.constant 160 : i32
    %mul3A_148 = arith.muli %arg1, %mul3A_147 : i32
    %add3A_149 = arith.constant 3 : i32
    %add3A_150 = arith.addi %mul3A_148, %add3A_149 : i32
    %mul3A_151 = arith.constant 64 : i32
    %mul3A_152 = arith.muli %add3A_150, %mul3A_151 : i32
    %multiple_of3A_153 = tpu.assume_multiple %mul3A_152, 8 : i32
    %dma_start3A_154 = tpu.memref_slice %arg5[%multiple_of3A_153] : memref<163840xi32, #tpu.memory_space<hbm>> -> memref<64xi32, #tpu.memory_space<hbm>>
    %dma_start3A_155 = tpu.memref_slice %arg5[%multiple_of3A_153] : memref<163840xi32, #tpu.memory_space<hbm>> -> memref<64xi32, #tpu.memory_space<hbm>>
    tpu.enqueue_dma source(%dma_start3A_155 : memref<64xi32, #tpu.memory_space<hbm>>) target(%arg16 : memref<64xi32, #tpu.memory_space<vmem>>) target_semaphore(%arg28 : memref<!tpu.dma_semaphore, #tpu.memory_space<semaphore_mem>>)
    %dma_wait3A_156 = arith.constant 0 : i32
    %dma_wait3A_157 = tpu.memref_slice %arg4[%dma_wait3A_156] : memref<163840xi32, #tpu.memory_space<hbm>> -> memref<64xi32, #tpu.memory_space<hbm>>
    %dma_wait3A_158 = arith.constant 0 : i32
    %dma_wait3A_159 = tpu.memref_slice %arg4[%dma_wait3A_158] : memref<163840xi32, #tpu.memory_space<hbm>> -> memref<64xi32, #tpu.memory_space<hbm>>
    tpu.wait_dma2 semaphore(%arg24 : memref<!tpu.dma_semaphore, #tpu.memory_space<semaphore_mem>>) src(%dma_wait3A_159 : memref<64xi32, #tpu.memory_space<hbm>>) dst(%arg12 : memref<64xi32, #tpu.memory_space<vmem>>)
    %eq3A_160 = arith.constant 0 : i32
    %eq3A_161 = arith.cmpi eq, %arg0, %eq3A_160 : i32
    %convert_element_type3A_162 = arith.extui %eq3A_161 : i1 to i32
    %cond3A_163 = arith.constant 0 : i32
    %cond3A_164 = arith.cmpi ne, %convert_element_type3A_162, %cond3A_163 : i32
    scf.if %cond3A_164 {
      %dma_start3A_189 = arith.constant 0 : i32
      %dma_start3A_190 = arith.constant 0 : i32
      %dma_start3A_191 = tpu.memref_slice %arg2[%dma_start3A_189, %dma_start3A_190] : memref<10240x128xf32, #tpu.memory_space<hbm>> -> memref<10240x128xf32, #tpu.memory_space<hbm>>
      tpu.enqueue_indirect_dma source(%dma_start3A_191 : memref<10240x128xf32, #tpu.memory_space<hbm>>) target(%arg20 : memref<64x128xf32, #tpu.memory_space<vmem>>) offsets(%arg12 : memref<64xi32, #tpu.memory_space<vmem>>) semaphore(%arg32 : memref<!tpu.dma_semaphore, #tpu.memory_space<semaphore_mem>>)
    } else {
    }
    %eq3A_165 = arith.constant 1 : i32
    %eq3A_166 = arith.cmpi eq, %arg0, %eq3A_165 : i32
    %convert_element_type3A_167 = arith.extui %eq3A_166 : i1 to i32
    %cond3A_168 = arith.constant 0 : i32
    %cond3A_169 = arith.cmpi ne, %convert_element_type3A_167, %cond3A_168 : i32
    scf.if %cond3A_169 {
      %dma_start3A_189 = arith.constant 0 : i32
      %dma_start3A_190 = arith.constant 0 : i32
      %dma_start3A_191 = tpu.memref_slice %arg3[%dma_start3A_189, %dma_start3A_190] : memref<10240x128xf32, #tpu.memory_space<hbm>> -> memref<10240x128xf32, #tpu.memory_space<hbm>>
      tpu.enqueue_indirect_dma source(%dma_start3A_191 : memref<10240x128xf32, #tpu.memory_space<hbm>>) target(%arg20 : memref<64x128xf32, #tpu.memory_space<vmem>>) offsets(%arg12 : memref<64xi32, #tpu.memory_space<vmem>>) semaphore(%arg32 : memref<!tpu.dma_semaphore, #tpu.memory_space<semaphore_mem>>)
    } else {
    }
    %scan3A = arith.constant 0 : i32
    %scan3A_170 = arith.constant 0 : i32
    %scan3A_171 = arith.constant 40 : i32
    %scan3A_172 = arith.addi %scan3A_170, %scan3A_171 : i32
    %scan3A_173 = arith.constant 1 : i32
    scf.for %scan3A_189 = %scan3A_170 to %scan3A_172 step %scan3A_173  : i32 {
      %mul3A_190 = arith.constant 4 : i32
      %mul3A_191 = arith.muli %mul3A_190, %scan3A_189 : i32
      %add3A_192 = arith.constant 0 : i32
      %add3A_193 = arith.addi %mul3A_191, %add3A_192 : i32
      %dma_wait3A_194 = arith.constant 0 : i32
      %dma_wait3A_195 = arith.constant 0 : i32
      %dma_wait3A_196 = tpu.memref_slice %arg2[%dma_wait3A_194, %dma_wait3A_195] : memref<10240x128xf32, #tpu.memory_space<hbm>> -> memref<10240x128xf32, #tpu.memory_space<hbm>>
      tpu.wait_indirect_dma semaphore(%arg29 : memref<!tpu.dma_semaphore, #tpu.memory_space<semaphore_mem>>) src(%dma_wait3A_196 : memref<10240x128xf32, #tpu.memory_space<hbm>>) dst(%arg17 : memref<64x128xf32, #tpu.memory_space<vmem>>)
      %add3A_197 = arith.constant 4 : i32
      %add3A_198 = arith.addi %add3A_193, %add3A_197 : i32
      %lt3A = arith.constant 160 : i32
      %lt3A_199 = arith.cmpi slt, %add3A_198, %lt3A : i32
      %convert_element_type3A_200 = arith.extui %lt3A_199 : i1 to i32
      %cond3A_201 = arith.constant 0 : i32
      %cond3A_202 = arith.cmpi ne, %convert_element_type3A_200, %cond3A_201 : i32
      scf.if %cond3A_202 {
        %add3A_289 = arith.constant 4 : i32
        %add3A_290 = arith.addi %add3A_193, %add3A_289 : i32
        %mul3A_291 = arith.constant 160 : i32
        %mul3A_292 = arith.muli %arg1, %mul3A_291 : i32
        %add3A_293 = arith.addi %mul3A_292, %add3A_290 : i32
        %mul3A_294 = arith.constant 64 : i32
        %mul3A_295 = arith.muli %add3A_293, %mul3A_294 : i32
        %multiple_of3A_296 = tpu.assume_multiple %mul3A_295, 8 : i32
        %dma_start3A_297 = tpu.memref_slice %arg4[%multiple_of3A_296] : memref<163840xi32, #tpu.memory_space<hbm>> -> memref<64xi32, #tpu.memory_space<hbm>>
        %dma_start3A_298 = tpu.memref_slice %arg4[%multiple_of3A_296] : memref<163840xi32, #tpu.memory_space<hbm>> -> memref<64xi32, #tpu.memory_space<hbm>>
        tpu.enqueue_dma source(%dma_start3A_298 : memref<64xi32, #tpu.memory_space<hbm>>) target(%arg9 : memref<64xi32, #tpu.memory_space<vmem>>) target_semaphore(%arg21 : memref<!tpu.dma_semaphore, #tpu.memory_space<semaphore_mem>>)
      } else {
      }
      %dma_wait3A_203 = arith.constant 0 : i32
      %dma_wait3A_204 = tpu.memref_slice %arg5[%dma_wait3A_203] : memref<163840xi32, #tpu.memory_space<hbm>> -> memref<64xi32, #tpu.memory_space<hbm>>
      %dma_wait3A_205 = arith.constant 0 : i32
      %dma_wait3A_206 = tpu.memref_slice %arg5[%dma_wait3A_205] : memref<163840xi32, #tpu.memory_space<hbm>> -> memref<64xi32, #tpu.memory_space<hbm>>
      tpu.wait_dma2 semaphore(%arg25 : memref<!tpu.dma_semaphore, #tpu.memory_space<semaphore_mem>>) src(%dma_wait3A_206 : memref<64xi32, #tpu.memory_space<hbm>>) dst(%arg13 : memref<64xi32, #tpu.memory_space<vmem>>)
      "tpu.region"() ({
        %run_scoped3A = tpu.sem_alloc : memref<!tpu.dma_semaphore, #tpu.memory_space<semaphore_mem>>
        %dma_start3A_289 = arith.constant 0 : i32
        %dma_start3A_290 = arith.constant 0 : i32
        %dma_start3A_291 = tpu.memref_slice %arg8[%dma_start3A_289, %dma_start3A_290] : memref<10240x128xf32, #tpu.memory_space<vmem_shared>> -> memref<10240x128xf32, #tpu.memory_space<vmem_shared>>
        tpu.enqueue_indirect_dma source(%arg17 : memref<64x128xf32, #tpu.memory_space<vmem>>) target(%dma_start3A_291 : memref<10240x128xf32, #tpu.memory_space<vmem_shared>>) offsets(%arg13 : memref<64xi32, #tpu.memory_space<vmem>>) semaphore(%run_scoped3A : memref<!tpu.dma_semaphore, #tpu.memory_space<semaphore_mem>>) {add = true}
        %dma_wait3A_292 = arith.constant 0 : i32
        %dma_wait3A_293 = arith.constant 0 : i32
        %dma_wait3A_294 = tpu.memref_slice %arg8[%dma_wait3A_292, %dma_wait3A_293] : memref<10240x128xf32, #tpu.memory_space<vmem_shared>> -> memref<10240x128xf32, #tpu.memory_space<vmem_shared>>
        tpu.wait_indirect_dma semaphore(%run_scoped3A : memref<!tpu.dma_semaphore, #tpu.memory_space<semaphore_mem>>) src(%arg17 : memref<64x128xf32, #tpu.memory_space<vmem>>) dst(%dma_wait3A_294 : memref<10240x128xf32, #tpu.memory_space<vmem_shared>>)
        tpu.yield
      }) : () -> ()
      %add3A_207 = arith.constant 4 : i32
      %add3A_208 = arith.addi %add3A_193, %add3A_207 : i32
      %lt3A_209 = arith.constant 160 : i32
      %lt3A_210 = arith.cmpi slt, %add3A_208, %lt3A_209 : i32
      %convert_element_type3A_211 = arith.extui %lt3A_210 : i1 to i32
      %cond3A_212 = arith.constant 0 : i32
      %cond3A_213 = arith.cmpi ne, %convert_element_type3A_211, %cond3A_212 : i32
      scf.if %cond3A_213 {
        %add3A_289 = arith.constant 4 : i32
        %add3A_290 = arith.addi %add3A_193, %add3A_289 : i32
        %mul3A_291 = arith.constant 160 : i32
        %mul3A_292 = arith.muli %arg1, %mul3A_291 : i32
        %add3A_293 = arith.addi %mul3A_292, %add3A_290 : i32
        %mul3A_294 = arith.constant 64 : i32
        %mul3A_295 = arith.muli %add3A_293, %mul3A_294 : i32
        %multiple_of3A_296 = tpu.assume_multiple %mul3A_295, 8 : i32
        %dma_start3A_297 = tpu.memref_slice %arg5[%multiple_of3A_296] : memref<163840xi32, #tpu.memory_space<hbm>> -> memref<64xi32, #tpu.memory_space<hbm>>
        %dma_start3A_298 = tpu.memref_slice %arg5[%multiple_of3A_296] : memref<163840xi32, #tpu.memory_space<hbm>> -> memref<64xi32, #tpu.memory_space<hbm>>
        tpu.enqueue_dma source(%dma_start3A_298 : memref<64xi32, #tpu.memory_space<hbm>>) target(%arg13 : memref<64xi32, #tpu.memory_space<vmem>>) target_semaphore(%arg25 : memref<!tpu.dma_semaphore, #tpu.memory_space<semaphore_mem>>)
        %dma_wait3A_299 = arith.constant 0 : i32
        %dma_wait3A_300 = tpu.memref_slice %arg4[%dma_wait3A_299] : memref<163840xi32, #tpu.memory_space<hbm>> -> memref<64xi32, #tpu.memory_space<hbm>>
        %dma_wait3A_301 = arith.constant 0 : i32
        %dma_wait3A_302 = tpu.memref_slice %arg4[%dma_wait3A_301] : memref<163840xi32, #tpu.memory_space<hbm>> -> memref<64xi32, #tpu.memory_space<hbm>>
        tpu.wait_dma2 semaphore(%arg21 : memref<!tpu.dma_semaphore, #tpu.memory_space<semaphore_mem>>) src(%dma_wait3A_302 : memref<64xi32, #tpu.memory_space<hbm>>) dst(%arg9 : memref<64xi32, #tpu.memory_space<vmem>>)
        %eq3A_303 = arith.constant 0 : i32
        %eq3A_304 = arith.cmpi eq, %arg0, %eq3A_303 : i32
        %convert_element_type3A_305 = arith.extui %eq3A_304 : i1 to i32
        %cond3A_306 = arith.constant 0 : i32
        %cond3A_307 = arith.cmpi ne, %convert_element_type3A_305, %cond3A_306 : i32
        scf.if %cond3A_307 {
          %dma_start3A_313 = arith.constant 0 : i32
          %dma_start3A_314 = arith.constant 0 : i32
          %dma_start3A_315 = tpu.memref_slice %arg2[%dma_start3A_313, %dma_start3A_314] : memref<10240x128xf32, #tpu.memory_space<hbm>> -> memref<10240x128xf32, #tpu.memory_space<hbm>>
          tpu.enqueue_indirect_dma source(%dma_start3A_315 : memref<10240x128xf32, #tpu.memory_space<hbm>>) target(%arg17 : memref<64x128xf32, #tpu.memory_space<vmem>>) offsets(%arg9 : memref<64xi32, #tpu.memory_space<vmem>>) semaphore(%arg29 : memref<!tpu.dma_semaphore, #tpu.memory_space<semaphore_mem>>)
        } else {
        }
        %eq3A_308 = arith.constant 1 : i32
        %eq3A_309 = arith.cmpi eq, %arg0, %eq3A_308 : i32
        %convert_element_type3A_310 = arith.extui %eq3A_309 : i1 to i32
        %cond3A_311 = arith.constant 0 : i32
        %cond3A_312 = arith.cmpi ne, %convert_element_type3A_310, %cond3A_311 : i32
        scf.if %cond3A_312 {
          %dma_start3A_313 = arith.constant 0 : i32
          %dma_start3A_314 = arith.constant 0 : i32
          %dma_start3A_315 = tpu.memref_slice %arg3[%dma_start3A_313, %dma_start3A_314] : memref<10240x128xf32, #tpu.memory_space<hbm>> -> memref<10240x128xf32, #tpu.memory_space<hbm>>
          tpu.enqueue_indirect_dma source(%dma_start3A_315 : memref<10240x128xf32, #tpu.memory_space<hbm>>) target(%arg17 : memref<64x128xf32, #tpu.memory_space<vmem>>) offsets(%arg9 : memref<64xi32, #tpu.memory_space<vmem>>) semaphore(%arg29 : memref<!tpu.dma_semaphore, #tpu.memory_space<semaphore_mem>>)
        } else {
        }
      } else {
      }
      %mul3A_214 = arith.constant 4 : i32
      %mul3A_215 = arith.muli %mul3A_214, %scan3A_189 : i32
      %add3A_216 = arith.constant 1 : i32
      %add3A_217 = arith.addi %mul3A_215, %add3A_216 : i32
      %dma_wait3A_218 = arith.constant 0 : i32
      %dma_wait3A_219 = arith.constant 0 : i32
      %dma_wait3A_220 = tpu.memref_slice %arg2[%dma_wait3A_218, %dma_wait3A_219] : memref<10240x128xf32, #tpu.memory_space<hbm>> -> memref<10240x128xf32, #tpu.memory_space<hbm>>
      tpu.wait_indirect_dma semaphore(%arg30 : memref<!tpu.dma_semaphore, #tpu.memory_space<semaphore_mem>>) src(%dma_wait3A_220 : memref<10240x128xf32, #tpu.memory_space<hbm>>) dst(%arg18 : memref<64x128xf32, #tpu.memory_space<vmem>>)
      %add3A_221 = arith.constant 4 : i32
      %add3A_222 = arith.addi %add3A_217, %add3A_221 : i32
      %lt3A_223 = arith.constant 160 : i32
      %lt3A_224 = arith.cmpi slt, %add3A_222, %lt3A_223 : i32
      %convert_element_type3A_225 = arith.extui %lt3A_224 : i1 to i32
      %cond3A_226 = arith.constant 0 : i32
      %cond3A_227 = arith.cmpi ne, %convert_element_type3A_225, %cond3A_226 : i32
      scf.if %cond3A_227 {
        %add3A_289 = arith.constant 4 : i32
        %add3A_290 = arith.addi %add3A_217, %add3A_289 : i32
        %mul3A_291 = arith.constant 160 : i32
        %mul3A_292 = arith.muli %arg1, %mul3A_291 : i32
        %add3A_293 = arith.addi %mul3A_292, %add3A_290 : i32
        %mul3A_294 = arith.constant 64 : i32
        %mul3A_295 = arith.muli %add3A_293, %mul3A_294 : i32
        %multiple_of3A_296 = tpu.assume_multiple %mul3A_295, 8 : i32
        %dma_start3A_297 = tpu.memref_slice %arg4[%multiple_of3A_296] : memref<163840xi32, #tpu.memory_space<hbm>> -> memref<64xi32, #tpu.memory_space<hbm>>
        %dma_start3A_298 = tpu.memref_slice %arg4[%multiple_of3A_296] : memref<163840xi32, #tpu.memory_space<hbm>> -> memref<64xi32, #tpu.memory_space<hbm>>
        tpu.enqueue_dma source(%dma_start3A_298 : memref<64xi32, #tpu.memory_space<hbm>>) target(%arg10 : memref<64xi32, #tpu.memory_space<vmem>>) target_semaphore(%arg22 : memref<!tpu.dma_semaphore, #tpu.memory_space<semaphore_mem>>)
      } else {
      }
      %dma_wait3A_228 = arith.constant 0 : i32
      %dma_wait3A_229 = tpu.memref_slice %arg5[%dma_wait3A_228] : memref<163840xi32, #tpu.memory_space<hbm>> -> memref<64xi32, #tpu.memory_space<hbm>>
      %dma_wait3A_230 = arith.constant 0 : i32
      %dma_wait3A_231 = tpu.memref_slice %arg5[%dma_wait3A_230] : memref<163840xi32, #tpu.memory_space<hbm>> -> memref<64xi32, #tpu.memory_space<hbm>>
      tpu.wait_dma2 semaphore(%arg26 : memref<!tpu.dma_semaphore, #tpu.memory_space<semaphore_mem>>) src(%dma_wait3A_231 : memref<64xi32, #tpu.memory_space<hbm>>) dst(%arg14 : memref<64xi32, #tpu.memory_space<vmem>>)
      "tpu.region"() ({
        %run_scoped3A = tpu.sem_alloc : memref<!tpu.dma_semaphore, #tpu.memory_space<semaphore_mem>>
        %dma_start3A_289 = arith.constant 0 : i32
        %dma_start3A_290 = arith.constant 0 : i32
        %dma_start3A_291 = tpu.memref_slice %arg8[%dma_start3A_289, %dma_start3A_290] : memref<10240x128xf32, #tpu.memory_space<vmem_shared>> -> memref<10240x128xf32, #tpu.memory_space<vmem_shared>>
        tpu.enqueue_indirect_dma source(%arg18 : memref<64x128xf32, #tpu.memory_space<vmem>>) target(%dma_start3A_291 : memref<10240x128xf32, #tpu.memory_space<vmem_shared>>) offsets(%arg14 : memref<64xi32, #tpu.memory_space<vmem>>) semaphore(%run_scoped3A : memref<!tpu.dma_semaphore, #tpu.memory_space<semaphore_mem>>) {add = true}
        %dma_wait3A_292 = arith.constant 0 : i32
        %dma_wait3A_293 = arith.constant 0 : i32
        %dma_wait3A_294 = tpu.memref_slice %arg8[%dma_wait3A_292, %dma_wait3A_293] : memref<10240x128xf32, #tpu.memory_space<vmem_shared>> -> memref<10240x128xf32, #tpu.memory_space<vmem_shared>>
        tpu.wait_indirect_dma semaphore(%run_scoped3A : memref<!tpu.dma_semaphore, #tpu.memory_space<semaphore_mem>>) src(%arg18 : memref<64x128xf32, #tpu.memory_space<vmem>>) dst(%dma_wait3A_294 : memref<10240x128xf32, #tpu.memory_space<vmem_shared>>)
        tpu.yield
      }) : () -> ()
      %add3A_232 = arith.constant 4 : i32
      %add3A_233 = arith.addi %add3A_217, %add3A_232 : i32
      %lt3A_234 = arith.constant 160 : i32
      %lt3A_235 = arith.cmpi slt, %add3A_233, %lt3A_234 : i32
      %convert_element_type3A_236 = arith.extui %lt3A_235 : i1 to i32
      %cond3A_237 = arith.constant 0 : i32
      %cond3A_238 = arith.cmpi ne, %convert_element_type3A_236, %cond3A_237 : i32
      scf.if %cond3A_238 {
        %add3A_289 = arith.constant 4 : i32
        %add3A_290 = arith.addi %add3A_217, %add3A_289 : i32
        %mul3A_291 = arith.constant 160 : i32
        %mul3A_292 = arith.muli %arg1, %mul3A_291 : i32
        %add3A_293 = arith.addi %mul3A_292, %add3A_290 : i32
        %mul3A_294 = arith.constant 64 : i32
        %mul3A_295 = arith.muli %add3A_293, %mul3A_294 : i32
        %multiple_of3A_296 = tpu.assume_multiple %mul3A_295, 8 : i32
        %dma_start3A_297 = tpu.memref_slice %arg5[%multiple_of3A_296] : memref<163840xi32, #tpu.memory_space<hbm>> -> memref<64xi32, #tpu.memory_space<hbm>>
        %dma_start3A_298 = tpu.memref_slice %arg5[%multiple_of3A_296] : memref<163840xi32, #tpu.memory_space<hbm>> -> memref<64xi32, #tpu.memory_space<hbm>>
        tpu.enqueue_dma source(%dma_start3A_298 : memref<64xi32, #tpu.memory_space<hbm>>) target(%arg14 : memref<64xi32, #tpu.memory_space<vmem>>) target_semaphore(%arg26 : memref<!tpu.dma_semaphore, #tpu.memory_space<semaphore_mem>>)
        %dma_wait3A_299 = arith.constant 0 : i32
        %dma_wait3A_300 = tpu.memref_slice %arg4[%dma_wait3A_299] : memref<163840xi32, #tpu.memory_space<hbm>> -> memref<64xi32, #tpu.memory_space<hbm>>
        %dma_wait3A_301 = arith.constant 0 : i32
        %dma_wait3A_302 = tpu.memref_slice %arg4[%dma_wait3A_301] : memref<163840xi32, #tpu.memory_space<hbm>> -> memref<64xi32, #tpu.memory_space<hbm>>
        tpu.wait_dma2 semaphore(%arg22 : memref<!tpu.dma_semaphore, #tpu.memory_space<semaphore_mem>>) src(%dma_wait3A_302 : memref<64xi32, #tpu.memory_space<hbm>>) dst(%arg10 : memref<64xi32, #tpu.memory_space<vmem>>)
        %eq3A_303 = arith.constant 0 : i32
        %eq3A_304 = arith.cmpi eq, %arg0, %eq3A_303 : i32
        %convert_element_type3A_305 = arith.extui %eq3A_304 : i1 to i32
        %cond3A_306 = arith.constant 0 : i32
        %cond3A_307 = arith.cmpi ne, %convert_element_type3A_305, %cond3A_306 : i32
        scf.if %cond3A_307 {
          %dma_start3A_313 = arith.constant 0 : i32
          %dma_start3A_314 = arith.constant 0 : i32
          %dma_start3A_315 = tpu.memref_slice %arg2[%dma_start3A_313, %dma_start3A_314] : memref<10240x128xf32, #tpu.memory_space<hbm>> -> memref<10240x128xf32, #tpu.memory_space<hbm>>
          tpu.enqueue_indirect_dma source(%dma_start3A_315 : memref<10240x128xf32, #tpu.memory_space<hbm>>) target(%arg18 : memref<64x128xf32, #tpu.memory_space<vmem>>) offsets(%arg10 : memref<64xi32, #tpu.memory_space<vmem>>) semaphore(%arg30 : memref<!tpu.dma_semaphore, #tpu.memory_space<semaphore_mem>>)
        } else {
        }
        %eq3A_308 = arith.constant 1 : i32
        %eq3A_309 = arith.cmpi eq, %arg0, %eq3A_308 : i32
        %convert_element_type3A_310 = arith.extui %eq3A_309 : i1 to i32
        %cond3A_311 = arith.constant 0 : i32
        %cond3A_312 = arith.cmpi ne, %convert_element_type3A_310, %cond3A_311 : i32
        scf.if %cond3A_312 {
          %dma_start3A_313 = arith.constant 0 : i32
          %dma_start3A_314 = arith.constant 0 : i32
          %dma_start3A_315 = tpu.memref_slice %arg3[%dma_start3A_313, %dma_start3A_314] : memref<10240x128xf32, #tpu.memory_space<hbm>> -> memref<10240x128xf32, #tpu.memory_space<hbm>>
          tpu.enqueue_indirect_dma source(%dma_start3A_315 : memref<10240x128xf32, #tpu.memory_space<hbm>>) target(%arg18 : memref<64x128xf32, #tpu.memory_space<vmem>>) offsets(%arg10 : memref<64xi32, #tpu.memory_space<vmem>>) semaphore(%arg30 : memref<!tpu.dma_semaphore, #tpu.memory_space<semaphore_mem>>)
        } else {
        }
      } else {
      }
      %mul3A_239 = arith.constant 4 : i32
      %mul3A_240 = arith.muli %mul3A_239, %scan3A_189 : i32
      %add3A_241 = arith.constant 2 : i32
      %add3A_242 = arith.addi %mul3A_240, %add3A_241 : i32
      %dma_wait3A_243 = arith.constant 0 : i32
      %dma_wait3A_244 = arith.constant 0 : i32
      %dma_wait3A_245 = tpu.memref_slice %arg2[%dma_wait3A_243, %dma_wait3A_244] : memref<10240x128xf32, #tpu.memory_space<hbm>> -> memref<10240x128xf32, #tpu.memory_space<hbm>>
      tpu.wait_indirect_dma semaphore(%arg31 : memref<!tpu.dma_semaphore, #tpu.memory_space<semaphore_mem>>) src(%dma_wait3A_245 : memref<10240x128xf32, #tpu.memory_space<hbm>>) dst(%arg19 : memref<64x128xf32, #tpu.memory_space<vmem>>)
      %add3A_246 = arith.constant 4 : i32
      %add3A_247 = arith.addi %add3A_242, %add3A_246 : i32
      %lt3A_248 = arith.constant 160 : i32
      %lt3A_249 = arith.cmpi slt, %add3A_247, %lt3A_248 : i32
      %convert_element_type3A_250 = arith.extui %lt3A_249 : i1 to i32
      %cond3A_251 = arith.constant 0 : i32
      %cond3A_252 = arith.cmpi ne, %convert_element_type3A_250, %cond3A_251 : i32
      scf.if %cond3A_252 {
        %add3A_289 = arith.constant 4 : i32
        %add3A_290 = arith.addi %add3A_242, %add3A_289 : i32
        %mul3A_291 = arith.constant 160 : i32
        %mul3A_292 = arith.muli %arg1, %mul3A_291 : i32
        %add3A_293 = arith.addi %mul3A_292, %add3A_290 : i32
        %mul3A_294 = arith.constant 64 : i32
        %mul3A_295 = arith.muli %add3A_293, %mul3A_294 : i32
        %multiple_of3A_296 = tpu.assume_multiple %mul3A_295, 8 : i32
        %dma_start3A_297 = tpu.memref_slice %arg4[%multiple_of3A_296] : memref<163840xi32, #tpu.memory_space<hbm>> -> memref<64xi32, #tpu.memory_space<hbm>>
        %dma_start3A_298 = tpu.memref_slice %arg4[%multiple_of3A_296] : memref<163840xi32, #tpu.memory_space<hbm>> -> memref<64xi32, #tpu.memory_space<hbm>>
        tpu.enqueue_dma source(%dma_start3A_298 : memref<64xi32, #tpu.memory_space<hbm>>) target(%arg11 : memref<64xi32, #tpu.memory_space<vmem>>) target_semaphore(%arg23 : memref<!tpu.dma_semaphore, #tpu.memory_space<semaphore_mem>>)
      } else {
      }
      %dma_wait3A_253 = arith.constant 0 : i32
      %dma_wait3A_254 = tpu.memref_slice %arg5[%dma_wait3A_253] : memref<163840xi32, #tpu.memory_space<hbm>> -> memref<64xi32, #tpu.memory_space<hbm>>
      %dma_wait3A_255 = arith.constant 0 : i32
      %dma_wait3A_256 = tpu.memref_slice %arg5[%dma_wait3A_255] : memref<163840xi32, #tpu.memory_space<hbm>> -> memref<64xi32, #tpu.memory_space<hbm>>
      tpu.wait_dma2 semaphore(%arg27 : memref<!tpu.dma_semaphore, #tpu.memory_space<semaphore_mem>>) src(%dma_wait3A_256 : memref<64xi32, #tpu.memory_space<hbm>>) dst(%arg15 : memref<64xi32, #tpu.memory_space<vmem>>)
      "tpu.region"() ({
        %run_scoped3A = tpu.sem_alloc : memref<!tpu.dma_semaphore, #tpu.memory_space<semaphore_mem>>
        %dma_start3A_289 = arith.constant 0 : i32
        %dma_start3A_290 = arith.constant 0 : i32
        %dma_start3A_291 = tpu.memref_slice %arg8[%dma_start3A_289, %dma_start3A_290] : memref<10240x128xf32, #tpu.memory_space<vmem_shared>> -> memref<10240x128xf32, #tpu.memory_space<vmem_shared>>
        tpu.enqueue_indirect_dma source(%arg19 : memref<64x128xf32, #tpu.memory_space<vmem>>) target(%dma_start3A_291 : memref<10240x128xf32, #tpu.memory_space<vmem_shared>>) offsets(%arg15 : memref<64xi32, #tpu.memory_space<vmem>>) semaphore(%run_scoped3A : memref<!tpu.dma_semaphore, #tpu.memory_space<semaphore_mem>>) {add = true}
        %dma_wait3A_292 = arith.constant 0 : i32
        %dma_wait3A_293 = arith.constant 0 : i32
        %dma_wait3A_294 = tpu.memref_slice %arg8[%dma_wait3A_292, %dma_wait3A_293] : memref<10240x128xf32, #tpu.memory_space<vmem_shared>> -> memref<10240x128xf32, #tpu.memory_space<vmem_shared>>
        tpu.wait_indirect_dma semaphore(%run_scoped3A : memref<!tpu.dma_semaphore, #tpu.memory_space<semaphore_mem>>) src(%arg19 : memref<64x128xf32, #tpu.memory_space<vmem>>) dst(%dma_wait3A_294 : memref<10240x128xf32, #tpu.memory_space<vmem_shared>>)
        tpu.yield
      }) : () -> ()
      %add3A_257 = arith.constant 4 : i32
      %add3A_258 = arith.addi %add3A_242, %add3A_257 : i32
      %lt3A_259 = arith.constant 160 : i32
      %lt3A_260 = arith.cmpi slt, %add3A_258, %lt3A_259 : i32
      %convert_element_type3A_261 = arith.extui %lt3A_260 : i1 to i32
      %cond3A_262 = arith.constant 0 : i32
      %cond3A_263 = arith.cmpi ne, %convert_element_type3A_261, %cond3A_262 : i32
      scf.if %cond3A_263 {
        %add3A_289 = arith.constant 4 : i32
        %add3A_290 = arith.addi %add3A_242, %add3A_289 : i32
        %mul3A_291 = arith.constant 160 : i32
        %mul3A_292 = arith.muli %arg1, %mul3A_291 : i32
        %add3A_293 = arith.addi %mul3A_292, %add3A_290 : i32
        %mul3A_294 = arith.constant 64 : i32
        %mul3A_295 = arith.muli %add3A_293, %mul3A_294 : i32
        %multiple_of3A_296 = tpu.assume_multiple %mul3A_295, 8 : i32
        %dma_start3A_297 = tpu.memref_slice %arg5[%multiple_of3A_296] : memref<163840xi32, #tpu.memory_space<hbm>> -> memref<64xi32, #tpu.memory_space<hbm>>
        %dma_start3A_298 = tpu.memref_slice %arg5[%multiple_of3A_296] : memref<163840xi32, #tpu.memory_space<hbm>> -> memref<64xi32, #tpu.memory_space<hbm>>
        tpu.enqueue_dma source(%dma_start3A_298 : memref<64xi32, #tpu.memory_space<hbm>>) target(%arg15 : memref<64xi32, #tpu.memory_space<vmem>>) target_semaphore(%arg27 : memref<!tpu.dma_semaphore, #tpu.memory_space<semaphore_mem>>)
        %dma_wait3A_299 = arith.constant 0 : i32
        %dma_wait3A_300 = tpu.memref_slice %arg4[%dma_wait3A_299] : memref<163840xi32, #tpu.memory_space<hbm>> -> memref<64xi32, #tpu.memory_space<hbm>>
        %dma_wait3A_301 = arith.constant 0 : i32
        %dma_wait3A_302 = tpu.memref_slice %arg4[%dma_wait3A_301] : memref<163840xi32, #tpu.memory_space<hbm>> -> memref<64xi32, #tpu.memory_space<hbm>>
        tpu.wait_dma2 semaphore(%arg23 : memref<!tpu.dma_semaphore, #tpu.memory_space<semaphore_mem>>) src(%dma_wait3A_302 : memref<64xi32, #tpu.memory_space<hbm>>) dst(%arg11 : memref<64xi32, #tpu.memory_space<vmem>>)
        %eq3A_303 = arith.constant 0 : i32
        %eq3A_304 = arith.cmpi eq, %arg0, %eq3A_303 : i32
        %convert_element_type3A_305 = arith.extui %eq3A_304 : i1 to i32
        %cond3A_306 = arith.constant 0 : i32
        %cond3A_307 = arith.cmpi ne, %convert_element_type3A_305, %cond3A_306 : i32
        scf.if %cond3A_307 {
          %dma_start3A_313 = arith.constant 0 : i32
          %dma_start3A_314 = arith.constant 0 : i32
          %dma_start3A_315 = tpu.memref_slice %arg2[%dma_start3A_313, %dma_start3A_314] : memref<10240x128xf32, #tpu.memory_space<hbm>> -> memref<10240x128xf32, #tpu.memory_space<hbm>>
          tpu.enqueue_indirect_dma source(%dma_start3A_315 : memref<10240x128xf32, #tpu.memory_space<hbm>>) target(%arg19 : memref<64x128xf32, #tpu.memory_space<vmem>>) offsets(%arg11 : memref<64xi32, #tpu.memory_space<vmem>>) semaphore(%arg31 : memref<!tpu.dma_semaphore, #tpu.memory_space<semaphore_mem>>)
        } else {
        }
        %eq3A_308 = arith.constant 1 : i32
        %eq3A_309 = arith.cmpi eq, %arg0, %eq3A_308 : i32
        %convert_element_type3A_310 = arith.extui %eq3A_309 : i1 to i32
        %cond3A_311 = arith.constant 0 : i32
        %cond3A_312 = arith.cmpi ne, %convert_element_type3A_310, %cond3A_311 : i32
        scf.if %cond3A_312 {
          %dma_start3A_313 = arith.constant 0 : i32
          %dma_start3A_314 = arith.constant 0 : i32
          %dma_start3A_315 = tpu.memref_slice %arg3[%dma_start3A_313, %dma_start3A_314] : memref<10240x128xf32, #tpu.memory_space<hbm>> -> memref<10240x128xf32, #tpu.memory_space<hbm>>
          tpu.enqueue_indirect_dma source(%dma_start3A_315 : memref<10240x128xf32, #tpu.memory_space<hbm>>) target(%arg19 : memref<64x128xf32, #tpu.memory_space<vmem>>) offsets(%arg11 : memref<64xi32, #tpu.memory_space<vmem>>) semaphore(%arg31 : memref<!tpu.dma_semaphore, #tpu.memory_space<semaphore_mem>>)
        } else {
        }
      } else {
      }
      %mul3A_264 = arith.constant 4 : i32
      %mul3A_265 = arith.muli %mul3A_264, %scan3A_189 : i32
      %add3A_266 = arith.constant 3 : i32
      %add3A_267 = arith.addi %mul3A_265, %add3A_266 : i32
      %dma_wait3A_268 = arith.constant 0 : i32
      %dma_wait3A_269 = arith.constant 0 : i32
      %dma_wait3A_270 = tpu.memref_slice %arg2[%dma_wait3A_268, %dma_wait3A_269] : memref<10240x128xf32, #tpu.memory_space<hbm>> -> memref<10240x128xf32, #tpu.memory_space<hbm>>
      tpu.wait_indirect_dma semaphore(%arg32 : memref<!tpu.dma_semaphore, #tpu.memory_space<semaphore_mem>>) src(%dma_wait3A_270 : memref<10240x128xf32, #tpu.memory_space<hbm>>) dst(%arg20 : memref<64x128xf32, #tpu.memory_space<vmem>>)
      %add3A_271 = arith.constant 4 : i32
      %add3A_272 = arith.addi %add3A_267, %add3A_271 : i32
      %lt3A_273 = arith.constant 160 : i32
      %lt3A_274 = arith.cmpi slt, %add3A_272, %lt3A_273 : i32
      %convert_element_type3A_275 = arith.extui %lt3A_274 : i1 to i32
      %cond3A_276 = arith.constant 0 : i32
      %cond3A_277 = arith.cmpi ne, %convert_element_type3A_275, %cond3A_276 : i32
      scf.if %cond3A_277 {
        %add3A_289 = arith.constant 4 : i32
        %add3A_290 = arith.addi %add3A_267, %add3A_289 : i32
        %mul3A_291 = arith.constant 160 : i32
        %mul3A_292 = arith.muli %arg1, %mul3A_291 : i32
        %add3A_293 = arith.addi %mul3A_292, %add3A_290 : i32
        %mul3A_294 = arith.constant 64 : i32
        %mul3A_295 = arith.muli %add3A_293, %mul3A_294 : i32
        %multiple_of3A_296 = tpu.assume_multiple %mul3A_295, 8 : i32
        %dma_start3A_297 = tpu.memref_slice %arg4[%multiple_of3A_296] : memref<163840xi32, #tpu.memory_space<hbm>> -> memref<64xi32, #tpu.memory_space<hbm>>
        %dma_start3A_298 = tpu.memref_slice %arg4[%multiple_of3A_296] : memref<163840xi32, #tpu.memory_space<hbm>> -> memref<64xi32, #tpu.memory_space<hbm>>
        tpu.enqueue_dma source(%dma_start3A_298 : memref<64xi32, #tpu.memory_space<hbm>>) target(%arg12 : memref<64xi32, #tpu.memory_space<vmem>>) target_semaphore(%arg24 : memref<!tpu.dma_semaphore, #tpu.memory_space<semaphore_mem>>)
      } else {
      }
      %dma_wait3A_278 = arith.constant 0 : i32
      %dma_wait3A_279 = tpu.memref_slice %arg5[%dma_wait3A_278] : memref<163840xi32, #tpu.memory_space<hbm>> -> memref<64xi32, #tpu.memory_space<hbm>>
      %dma_wait3A_280 = arith.constant 0 : i32
      %dma_wait3A_281 = tpu.memref_slice %arg5[%dma_wait3A_280] : memref<163840xi32, #tpu.memory_space<hbm>> -> memref<64xi32, #tpu.memory_space<hbm>>
      tpu.wait_dma2 semaphore(%arg28 : memref<!tpu.dma_semaphore, #tpu.memory_space<semaphore_mem>>) src(%dma_wait3A_281 : memref<64xi32, #tpu.memory_space<hbm>>) dst(%arg16 : memref<64xi32, #tpu.memory_space<vmem>>)
      "tpu.region"() ({
        %run_scoped3A = tpu.sem_alloc : memref<!tpu.dma_semaphore, #tpu.memory_space<semaphore_mem>>
        %dma_start3A_289 = arith.constant 0 : i32
        %dma_start3A_290 = arith.constant 0 : i32
        %dma_start3A_291 = tpu.memref_slice %arg8[%dma_start3A_289, %dma_start3A_290] : memref<10240x128xf32, #tpu.memory_space<vmem_shared>> -> memref<10240x128xf32, #tpu.memory_space<vmem_shared>>
        tpu.enqueue_indirect_dma source(%arg20 : memref<64x128xf32, #tpu.memory_space<vmem>>) target(%dma_start3A_291 : memref<10240x128xf32, #tpu.memory_space<vmem_shared>>) offsets(%arg16 : memref<64xi32, #tpu.memory_space<vmem>>) semaphore(%run_scoped3A : memref<!tpu.dma_semaphore, #tpu.memory_space<semaphore_mem>>) {add = true}
        %dma_wait3A_292 = arith.constant 0 : i32
        %dma_wait3A_293 = arith.constant 0 : i32
        %dma_wait3A_294 = tpu.memref_slice %arg8[%dma_wait3A_292, %dma_wait3A_293] : memref<10240x128xf32, #tpu.memory_space<vmem_shared>> -> memref<10240x128xf32, #tpu.memory_space<vmem_shared>>
        tpu.wait_indirect_dma semaphore(%run_scoped3A : memref<!tpu.dma_semaphore, #tpu.memory_space<semaphore_mem>>) src(%arg20 : memref<64x128xf32, #tpu.memory_space<vmem>>) dst(%dma_wait3A_294 : memref<10240x128xf32, #tpu.memory_space<vmem_shared>>)
        tpu.yield
      }) : () -> ()
      %add3A_282 = arith.constant 4 : i32
      %add3A_283 = arith.addi %add3A_267, %add3A_282 : i32
      %lt3A_284 = arith.constant 160 : i32
      %lt3A_285 = arith.cmpi slt, %add3A_283, %lt3A_284 : i32
      %convert_element_type3A_286 = arith.extui %lt3A_285 : i1 to i32
      %cond3A_287 = arith.constant 0 : i32
      %cond3A_288 = arith.cmpi ne, %convert_element_type3A_286, %cond3A_287 : i32
      scf.if %cond3A_288 {
        %add3A_289 = arith.constant 4 : i32
        %add3A_290 = arith.addi %add3A_267, %add3A_289 : i32
        %mul3A_291 = arith.constant 160 : i32
        %mul3A_292 = arith.muli %arg1, %mul3A_291 : i32
        %add3A_293 = arith.addi %mul3A_292, %add3A_290 : i32
        %mul3A_294 = arith.constant 64 : i32
        %mul3A_295 = arith.muli %add3A_293, %mul3A_294 : i32
        %multiple_of3A_296 = tpu.assume_multiple %mul3A_295, 8 : i32
        %dma_start3A_297 = tpu.memref_slice %arg5[%multiple_of3A_296] : memref<163840xi32, #tpu.memory_space<hbm>> -> memref<64xi32, #tpu.memory_space<hbm>>
        %dma_start3A_298 = tpu.memref_slice %arg5[%multiple_of3A_296] : memref<163840xi32, #tpu.memory_space<hbm>> -> memref<64xi32, #tpu.memory_space<hbm>>
        tpu.enqueue_dma source(%dma_start3A_298 : memref<64xi32, #tpu.memory_space<hbm>>) target(%arg16 : memref<64xi32, #tpu.memory_space<vmem>>) target_semaphore(%arg28 : memref<!tpu.dma_semaphore, #tpu.memory_space<semaphore_mem>>)
        %dma_wait3A_299 = arith.constant 0 : i32
        %dma_wait3A_300 = tpu.memref_slice %arg4[%dma_wait3A_299] : memref<163840xi32, #tpu.memory_space<hbm>> -> memref<64xi32, #tpu.memory_space<hbm>>
        %dma_wait3A_301 = arith.constant 0 : i32
        %dma_wait3A_302 = tpu.memref_slice %arg4[%dma_wait3A_301] : memref<163840xi32, #tpu.memory_space<hbm>> -> memref<64xi32, #tpu.memory_space<hbm>>
        tpu.wait_dma2 semaphore(%arg24 : memref<!tpu.dma_semaphore, #tpu.memory_space<semaphore_mem>>) src(%dma_wait3A_302 : memref<64xi32, #tpu.memory_space<hbm>>) dst(%arg12 : memref<64xi32, #tpu.memory_space<vmem>>)
        %eq3A_303 = arith.constant 0 : i32
        %eq3A_304 = arith.cmpi eq, %arg0, %eq3A_303 : i32
        %convert_element_type3A_305 = arith.extui %eq3A_304 : i1 to i32
        %cond3A_306 = arith.constant 0 : i32
        %cond3A_307 = arith.cmpi ne, %convert_element_type3A_305, %cond3A_306 : i32
        scf.if %cond3A_307 {
          %dma_start3A_313 = arith.constant 0 : i32
          %dma_start3A_314 = arith.constant 0 : i32
          %dma_start3A_315 = tpu.memref_slice %arg2[%dma_start3A_313, %dma_start3A_314] : memref<10240x128xf32, #tpu.memory_space<hbm>> -> memref<10240x128xf32, #tpu.memory_space<hbm>>
          tpu.enqueue_indirect_dma source(%dma_start3A_315 : memref<10240x128xf32, #tpu.memory_space<hbm>>) target(%arg20 : memref<64x128xf32, #tpu.memory_space<vmem>>) offsets(%arg12 : memref<64xi32, #tpu.memory_space<vmem>>) semaphore(%arg32 : memref<!tpu.dma_semaphore, #tpu.memory_space<semaphore_mem>>)
        } else {
        }
        %eq3A_308 = arith.constant 1 : i32
        %eq3A_309 = arith.cmpi eq, %arg0, %eq3A_308 : i32
        %convert_element_type3A_310 = arith.extui %eq3A_309 : i1 to i32
        %cond3A_311 = arith.constant 0 : i32
        %cond3A_312 = arith.cmpi ne, %convert_element_type3A_310, %cond3A_311 : i32
        scf.if %cond3A_312 {
          %dma_start3A_313 = arith.constant 0 : i32
          %dma_start3A_314 = arith.constant 0 : i32
          %dma_start3A_315 = tpu.memref_slice %arg3[%dma_start3A_313, %dma_start3A_314] : memref<10240x128xf32, #tpu.memory_space<hbm>> -> memref<10240x128xf32, #tpu.memory_space<hbm>>
          tpu.enqueue_indirect_dma source(%dma_start3A_315 : memref<10240x128xf32, #tpu.memory_space<hbm>>) target(%arg20 : memref<64x128xf32, #tpu.memory_space<vmem>>) offsets(%arg12 : memref<64xi32, #tpu.memory_space<vmem>>) semaphore(%arg32 : memref<!tpu.dma_semaphore, #tpu.memory_space<semaphore_mem>>)
        } else {
        }
      } else {
      }
    }
    %scan3A_174 = arith.constant 40 : i32
    %barrier3A_175 = arith.constant 0 : index
    tpu.barrier barrier_id(%barrier3A_175)
    %mul3A_176 = arith.constant 640 : i32
    %mul3A_177 = arith.muli %arg1, %mul3A_176 : i32
    %multiple_of3A_178 = tpu.assume_multiple %mul3A_177, 8 : i32
    %eq3A_179 = arith.constant 0 : i32
    %eq3A_180 = arith.cmpi eq, %arg0, %eq3A_179 : i32
    %convert_element_type3A_181 = arith.extui %eq3A_180 : i1 to i32
    %cond3A_182 = arith.constant 0 : i32
    %cond3A_183 = arith.cmpi ne, %convert_element_type3A_181, %cond3A_182 : i32
    scf.if %cond3A_183 {
      %run_scoped3A = arith.constant 0 : i32
      "tpu.region"() ({
        %run_scoped3A_189 = tpu.sem_alloc : memref<!tpu.dma_semaphore, #tpu.memory_space<semaphore_mem>>
        %dma_start3A_190 = arith.constant 0 : i32
        %dma_start3A_191 = tpu.memref_slice %arg7[%run_scoped3A, %multiple_of3A_178, %dma_start3A_190] : memref<2x10240x128xf32, #tpu.memory_space<hbm>> -> memref<1x640x128xf32, #tpu.memory_space<hbm>>
        %dma_start3A_192 = tpu.memref_squeeze %dma_start3A_191 : memref<1x640x128xf32, #tpu.memory_space<hbm>> -> memref<640x128xf32, #tpu.memory_space<hbm>>
        %dma_start3A_193 = arith.constant 0 : i32
        %dma_start3A_194 = tpu.memref_slice %arg8[%multiple_of3A_178, %dma_start3A_193] : memref<10240x128xf32, #tpu.memory_space<vmem_shared>> -> memref<640x128xf32, #tpu.memory_space<vmem_shared>>
        tpu.enqueue_dma source(%dma_start3A_194 : memref<640x128xf32, #tpu.memory_space<vmem_shared>>) target(%dma_start3A_192 : memref<640x128xf32, #tpu.memory_space<hbm>>) target_semaphore(%run_scoped3A_189 : memref<!tpu.dma_semaphore, #tpu.memory_space<semaphore_mem>>)
        %dma_wait3A_195 = arith.constant 0 : i32
        %dma_wait3A_196 = tpu.memref_slice %arg7[%run_scoped3A, %multiple_of3A_178, %dma_wait3A_195] : memref<2x10240x128xf32, #tpu.memory_space<hbm>> -> memref<1x640x128xf32, #tpu.memory_space<hbm>>
        %dma_wait3A_197 = tpu.memref_squeeze %dma_wait3A_196 : memref<1x640x128xf32, #tpu.memory_space<hbm>> -> memref<640x128xf32, #tpu.memory_space<hbm>>
        %dma_wait3A_198 = arith.constant 0 : i32
        %dma_wait3A_199 = tpu.memref_slice %arg8[%multiple_of3A_178, %dma_wait3A_198] : memref<10240x128xf32, #tpu.memory_space<vmem_shared>> -> memref<640x128xf32, #tpu.memory_space<vmem_shared>>
        tpu.wait_dma2 semaphore(%run_scoped3A_189 : memref<!tpu.dma_semaphore, #tpu.memory_space<semaphore_mem>>) src(%dma_wait3A_199 : memref<640x128xf32, #tpu.memory_space<vmem_shared>>) dst(%dma_wait3A_197 : memref<640x128xf32, #tpu.memory_space<hbm>>)
        tpu.yield
      }) : () -> ()
    } else {
    }
    %eq3A_184 = arith.constant 1 : i32
    %eq3A_185 = arith.cmpi eq, %arg0, %eq3A_184 : i32
    %convert_element_type3A_186 = arith.extui %eq3A_185 : i1 to i32
    %cond3A_187 = arith.constant 0 : i32
    %cond3A_188 = arith.cmpi ne, %convert_element_type3A_186, %cond3A_187 : i32
    scf.if %cond3A_188 {
      %run_scoped3A = arith.constant 1 : i32
      "tpu.region"() ({
        %run_scoped3A_189 = tpu.sem_alloc : memref<!tpu.dma_semaphore, #tpu.memory_space<semaphore_mem>>
        %dma_start3A_190 = arith.constant 0 : i32
        %dma_start3A_191 = tpu.memref_slice %arg7[%run_scoped3A, %multiple_of3A_178, %dma_start3A_190] : memref<2x10240x128xf32, #tpu.memory_space<hbm>> -> memref<1x640x128xf32, #tpu.memory_space<hbm>>
        %dma_start3A_192 = tpu.memref_squeeze %dma_start3A_191 : memref<1x640x128xf32, #tpu.memory_space<hbm>> -> memref<640x128xf32, #tpu.memory_space<hbm>>
        %dma_start3A_193 = arith.constant 0 : i32
        %dma_start3A_194 = tpu.memref_slice %arg8[%multiple_of3A_178, %dma_start3A_193] : memref<10240x128xf32, #tpu.memory_space<vmem_shared>> -> memref<640x128xf32, #tpu.memory_space<vmem_shared>>
        tpu.enqueue_dma source(%dma_start3A_194 : memref<640x128xf32, #tpu.memory_space<vmem_shared>>) target(%dma_start3A_192 : memref<640x128xf32, #tpu.memory_space<hbm>>) target_semaphore(%run_scoped3A_189 : memref<!tpu.dma_semaphore, #tpu.memory_space<semaphore_mem>>)
        %dma_wait3A_195 = arith.constant 0 : i32
        %dma_wait3A_196 = tpu.memref_slice %arg7[%run_scoped3A, %multiple_of3A_178, %dma_wait3A_195] : memref<2x10240x128xf32, #tpu.memory_space<hbm>> -> memref<1x640x128xf32, #tpu.memory_space<hbm>>
        %dma_wait3A_197 = tpu.memref_squeeze %dma_wait3A_196 : memref<1x640x128xf32, #tpu.memory_space<hbm>> -> memref<640x128xf32, #tpu.memory_space<hbm>>
        %dma_wait3A_198 = arith.constant 0 : i32
        %dma_wait3A_199 = tpu.memref_slice %arg8[%multiple_of3A_178, %dma_wait3A_198] : memref<10240x128xf32, #tpu.memory_space<vmem_shared>> -> memref<640x128xf32, #tpu.memory_space<vmem_shared>>
        tpu.wait_dma2 semaphore(%run_scoped3A_189 : memref<!tpu.dma_semaphore, #tpu.memory_space<semaphore_mem>>) src(%dma_wait3A_199 : memref<640x128xf32, #tpu.memory_space<vmem_shared>>) dst(%dma_wait3A_197 : memref<640x128xf32, #tpu.memory_space<hbm>>)
        tpu.yield
      }) : () -> ()
    } else {
    }
    return
  }
}

#map = affine_map<(d0, d1) -> (0, 0)>
#map1 = affine_map<(d0, d1) -> (0)>
#map2 = affine_map<(d0, d1) -> (0, 0, 0)>
module attributes {stable_mosaic.version = 14 : i64} {
  func.func @body(%arg0: i32, %arg1: i32, %arg2: memref<10240x128xf32, #tpu.memory_space<hbm>>, %arg3: memref<10240x128xf32, #tpu.memory_space<hbm>>, %arg4: memref<163840xi32, #tpu.memory_space<hbm>>, %arg5: memref<163840xi32, #tpu.memory_space<hbm>>, %arg6: memref<64x128xf32, #tpu.memory_space<hbm>>, %arg7: memref<2x10240x128xf32, #tpu.memory_space<hbm>>, %arg8: memref<10240x128xf32, #tpu.memory_space<vmem_shared>>, %arg9: memref<64xi32, #tpu.memory_space<vmem>>, %arg10: memref<64xi32, #tpu.memory_space<vmem>>, %arg11: memref<64xi32, #tpu.memory_space<vmem>>, %arg12: memref<64xi32, #tpu.memory_space<vmem>>, %arg13: memref<64xi32, #tpu.memory_space<vmem>>, %arg14: memref<64xi32, #tpu.memory_space<vmem>>, %arg15: memref<64xi32, #tpu.memory_space<vmem>>, %arg16: memref<64xi32, #tpu.memory_space<vmem>>, %arg17: memref<64x128xf32, #tpu.memory_space<vmem>>, %arg18: memref<64x128xf32, #tpu.memory_space<vmem>>, %arg19: memref<64x128xf32, #tpu.memory_space<vmem>>, %arg20: memref<64x128xf32, #tpu.memory_space<vmem>>, %arg21: memref<!tpu.dma_semaphore, #tpu.memory_space<semaphore_mem>>, %arg22: memref<!tpu.dma_semaphore, #tpu.memory_space<semaphore_mem>>, %arg23: memref<!tpu.dma_semaphore, #tpu.memory_space<semaphore_mem>>, %arg24: memref<!tpu.dma_semaphore, #tpu.memory_space<semaphore_mem>>, %arg25: memref<!tpu.dma_semaphore, #tpu.memory_space<semaphore_mem>>, %arg26: memref<!tpu.dma_semaphore, #tpu.memory_space<semaphore_mem>>, %arg27: memref<!tpu.dma_semaphore, #tpu.memory_space<semaphore_mem>>, %arg28: memref<!tpu.dma_semaphore, #tpu.memory_space<semaphore_mem>>, %arg29: memref<!tpu.dma_semaphore, #tpu.memory_space<semaphore_mem>>, %arg30: memref<!tpu.dma_semaphore, #tpu.memory_space<semaphore_mem>>, %arg31: memref<!tpu.dma_semaphore, #tpu.memory_space<semaphore_mem>>, %arg32: memref<!tpu.dma_semaphore, #tpu.memory_space<semaphore_mem>>) attributes {dimension_semantics = [#tpu.dimension_semantics<core_parallel>, #tpu.dimension_semantics<subcore_parallel>], iteration_bounds = array<i64: 2, 16>, scalar_prefetch = 0 : i64, scratch_operands = 25 : i64, tpu.core_type = #tpu.core_type<sc_vector_subcore>, window_params = [{transform_indices = #map}, {transform_indices = #map}, {transform_indices = #map1}, {transform_indices = #map1}, {transform_indices = #map}, {transform_indices = #map2}]} {
    "tpu.region"() ({
      %run_scoped3A = tpu.sem_alloc : memref<!tpu.dma_semaphore, #tpu.memory_space<semaphore_mem>>
      tpu.enqueue_dma source(%arg6 : memref<64x128xf32, #tpu.memory_space<hbm>>) target(%arg17 : memref<64x128xf32, #tpu.memory_space<vmem>>) target_semaphore(%run_scoped3A : memref<!tpu.dma_semaphore, #tpu.memory_space<semaphore_mem>>)
      tpu.wait_dma2 semaphore(%run_scoped3A : memref<!tpu.dma_semaphore, #tpu.memory_space<semaphore_mem>>) src(%arg6 : memref<64x128xf32, #tpu.memory_space<hbm>>) dst(%arg17 : memref<64x128xf32, #tpu.memory_space<vmem>>)
      tpu.yield
    }) : () -> ()
    %mul3A = arith.constant 640 : i32
    %mul3A_0 = arith.muli %arg1, %mul3A : i32
    %add3A = arith.constant 0 : i32
    %add3A_1 = arith.addi %mul3A_0, %add3A : i32
    %multiple_of3A = tpu.assume_multiple %add3A_1, 64 : i32
    "tpu.region"() ({
      %run_scoped3A = tpu.sem_alloc : memref<!tpu.dma_semaphore, #tpu.memory_space<semaphore_mem>>
      %dma_start3A_189 = arith.constant 0 : i32
      %dma_start3A_190 = tpu.memref_slice %arg8[%multiple_of3A, %dma_start3A_189] : memref<10240x128xf32, #tpu.memory_space<vmem_shared>> -> memref<64x128xf32, #tpu.memory_space<vmem_shared>>
      %dma_start3A_191 = arith.constant 0 : i32
      %dma_start3A_192 = tpu.memref_slice %arg8[%multiple_of3A, %dma_start3A_191] : memref<10240x128xf32, #tpu.memory_space<vmem_shared>> -> memref<64x128xf32, #tpu.memory_space<vmem_shared>>
      tpu.enqueue_dma source(%arg17 : memref<64x128xf32, #tpu.memory_space<vmem>>) target(%dma_start3A_192 : memref<64x128xf32, #tpu.memory_space<vmem_shared>>) target_semaphore(%run_scoped3A : memref<!tpu.dma_semaphore, #tpu.memory_space<semaphore_mem>>)
      %dma_wait3A_193 = arith.constant 0 : i32
      %dma_wait3A_194 = tpu.memref_slice %arg8[%multiple_of3A, %dma_wait3A_193] : memref<10240x128xf32, #tpu.memory_space<vmem_shared>> -> memref<64x128xf32, #tpu.memory_space<vmem_shared>>
      %dma_wait3A_195 = arith.constant 0 : i32
      %dma_wait3A_196 = tpu.memref_slice %arg8[%multiple_of3A, %dma_wait3A_195] : memref<10240x128xf32, #tpu.memory_space<vmem_shared>> -> memref<64x128xf32, #tpu.memory_space<vmem_shared>>
      tpu.wait_dma2 semaphore(%run_scoped3A : memref<!tpu.dma_semaphore, #tpu.memory_space<semaphore_mem>>) src(%arg17 : memref<64x128xf32, #tpu.memory_space<vmem>>) dst(%dma_wait3A_196 : memref<64x128xf32, #tpu.memory_space<vmem_shared>>)
      tpu.yield
    }) : () -> ()
    %mul3A_2 = arith.constant 640 : i32
    %mul3A_3 = arith.muli %arg1, %mul3A_2 : i32
    %add3A_4 = arith.constant 64 : i32
    %add3A_5 = arith.addi %mul3A_3, %add3A_4 : i32
    %multiple_of3A_6 = tpu.assume_multiple %add3A_5, 64 : i32
    "tpu.region"() ({
      %run_scoped3A = tpu.sem_alloc : memref<!tpu.dma_semaphore, #tpu.memory_space<semaphore_mem>>
      %dma_start3A_189 = arith.constant 0 : i32
      %dma_start3A_190 = tpu.memref_slice %arg8[%multiple_of3A_6, %dma_start3A_189] : memref<10240x128xf32, #tpu.memory_space<vmem_shared>> -> memref<64x128xf32, #tpu.memory_space<vmem_shared>>
      %dma_start3A_191 = arith.constant 0 : i32
      %dma_start3A_192 = tpu.memref_slice %arg8[%multiple_of3A_6, %dma_start3A_191] : memref<10240x128xf32, #tpu.memory_space<vmem_shared>> -> memref<64x128xf32, #tpu.memory_space<vmem_shared>>
      tpu.enqueue_dma source(%arg17 : memref<64x128xf32, #tpu.memory_space<vmem>>) target(%dma_start3A_192 : memref<64x128xf32, #tpu.memory_space<vmem_shared>>) target_semaphore(%run_scoped3A : memref<!tpu.dma_semaphore, #tpu.memory_space<semaphore_mem>>)
      %dma_wait3A_193 = arith.constant 0 : i32
      %dma_wait3A_194 = tpu.memref_slice %arg8[%multiple_of3A_6, %dma_wait3A_193] : memref<10240x128xf32, #tpu.memory_space<vmem_shared>> -> memref<64x128xf32, #tpu.memory_space<vmem_shared>>
      %dma_wait3A_195 = arith.constant 0 : i32
      %dma_wait3A_196 = tpu.memref_slice %arg8[%multiple_of3A_6, %dma_wait3A_195] : memref<10240x128xf32, #tpu.memory_space<vmem_shared>> -> memref<64x128xf32, #tpu.memory_space<vmem_shared>>
      tpu.wait_dma2 semaphore(%run_scoped3A : memref<!tpu.dma_semaphore, #tpu.memory_space<semaphore_mem>>) src(%arg17 : memref<64x128xf32, #tpu.memory_space<vmem>>) dst(%dma_wait3A_196 : memref<64x128xf32, #tpu.memory_space<vmem_shared>>)
      tpu.yield
    }) : () -> ()
    %mul3A_7 = arith.constant 640 : i32
    %mul3A_8 = arith.muli %arg1, %mul3A_7 : i32
    %add3A_9 = arith.constant 128 : i32
    %add3A_10 = arith.addi %mul3A_8, %add3A_9 : i32
    %multiple_of3A_11 = tpu.assume_multiple %add3A_10, 64 : i32
    "tpu.region"() ({
      %run_scoped3A = tpu.sem_alloc : memref<!tpu.dma_semaphore, #tpu.memory_space<semaphore_mem>>
      %dma_start3A_189 = arith.constant 0 : i32
      %dma_start3A_190 = tpu.memref_slice %arg8[%multiple_of3A_11, %dma_start3A_189] : memref<10240x128xf32, #tpu.memory_space<vmem_shared>> -> memref<64x128xf32, #tpu.memory_space<vmem_shared>>
      %dma_start3A_191 = arith.constant 0 : i32
      %dma_start3A_192 = tpu.memref_slice %arg8[%multiple_of3A_11, %dma_start3A_191] : memref<10240x128xf32, #tpu.memory_space<vmem_shared>> -> memref<64x128xf32, #tpu.memory_space<vmem_shared>>
      tpu.enqueue_dma source(%arg17 : memref<64x128xf32, #tpu.memory_space<vmem>>) target(%dma_start3A_192 : memref<64x128xf32, #tpu.memory_space<vmem_shared>>) target_semaphore(%run_scoped3A : memref<!tpu.dma_semaphore, #tpu.memory_space<semaphore_mem>>)
      %dma_wait3A_193 = arith.constant 0 : i32
      %dma_wait3A_194 = tpu.memref_slice %arg8[%multiple_of3A_11, %dma_wait3A_193] : memref<10240x128xf32, #tpu.memory_space<vmem_shared>> -> memref<64x128xf32, #tpu.memory_space<vmem_shared>>
      %dma_wait3A_195 = arith.constant 0 : i32
      %dma_wait3A_196 = tpu.memref_slice %arg8[%multiple_of3A_11, %dma_wait3A_195] : memref<10240x128xf32, #tpu.memory_space<vmem_shared>> -> memref<64x128xf32, #tpu.memory_space<vmem_shared>>
      tpu.wait_dma2 semaphore(%run_scoped3A : memref<!tpu.dma_semaphore, #tpu.memory_space<semaphore_mem>>) src(%arg17 : memref<64x128xf32, #tpu.memory_space<vmem>>) dst(%dma_wait3A_196 : memref<64x128xf32, #tpu.memory_space<vmem_shared>>)
      tpu.yield
    }) : () -> ()
    %mul3A_12 = arith.constant 640 : i32
    %mul3A_13 = arith.muli %arg1, %mul3A_12 : i32
    %add3A_14 = arith.constant 192 : i32
    %add3A_15 = arith.addi %mul3A_13, %add3A_14 : i32
    %multiple_of3A_16 = tpu.assume_multiple %add3A_15, 64 : i32
    "tpu.region"() ({
      %run_scoped3A = tpu.sem_alloc : memref<!tpu.dma_semaphore, #tpu.memory_space<semaphore_mem>>
      %dma_start3A_189 = arith.constant 0 : i32
      %dma_start3A_190 = tpu.memref_slice %arg8[%multiple_of3A_16, %dma_start3A_189] : memref<10240x128xf32, #tpu.memory_space<vmem_shared>> -> memref<64x128xf32, #tpu.memory_space<vmem_shared>>
      %dma_start3A_191 = arith.constant 0 : i32
      %dma_start3A_192 = tpu.memref_slice %arg8[%multiple_of3A_16, %dma_start3A_191] : memref<10240x128xf32, #tpu.memory_space<vmem_shared>> -> memref<64x128xf32, #tpu.memory_space<vmem_shared>>
      tpu.enqueue_dma source(%arg17 : memref<64x128xf32, #tpu.memory_space<vmem>>) target(%dma_start3A_192 : memref<64x128xf32, #tpu.memory_space<vmem_shared>>) target_semaphore(%run_scoped3A : memref<!tpu.dma_semaphore, #tpu.memory_space<semaphore_mem>>)
      %dma_wait3A_193 = arith.constant 0 : i32
      %dma_wait3A_194 = tpu.memref_slice %arg8[%multiple_of3A_16, %dma_wait3A_193] : memref<10240x128xf32, #tpu.memory_space<vmem_shared>> -> memref<64x128xf32, #tpu.memory_space<vmem_shared>>
      %dma_wait3A_195 = arith.constant 0 : i32
      %dma_wait3A_196 = tpu.memref_slice %arg8[%multiple_of3A_16, %dma_wait3A_195] : memref<10240x128xf32, #tpu.memory_space<vmem_shared>> -> memref<64x128xf32, #tpu.memory_space<vmem_shared>>
      tpu.wait_dma2 semaphore(%run_scoped3A : memref<!tpu.dma_semaphore, #tpu.memory_space<semaphore_mem>>) src(%arg17 : memref<64x128xf32, #tpu.memory_space<vmem>>) dst(%dma_wait3A_196 : memref<64x128xf32, #tpu.memory_space<vmem_shared>>)
      tpu.yield
    }) : () -> ()
    %mul3A_17 = arith.constant 640 : i32
    %mul3A_18 = arith.muli %arg1, %mul3A_17 : i32
    %add3A_19 = arith.constant 256 : i32
    %add3A_20 = arith.addi %mul3A_18, %add3A_19 : i32
    %multiple_of3A_21 = tpu.assume_multiple %add3A_20, 64 : i32
    "tpu.region"() ({
      %run_scoped3A = tpu.sem_alloc : memref<!tpu.dma_semaphore, #tpu.memory_space<semaphore_mem>>
      %dma_start3A_189 = arith.constant 0 : i32
      %dma_start3A_190 = tpu.memref_slice %arg8[%multiple_of3A_21, %dma_start3A_189] : memref<10240x128xf32, #tpu.memory_space<vmem_shared>> -> memref<64x128xf32, #tpu.memory_space<vmem_shared>>
      %dma_start3A_191 = arith.constant 0 : i32
      %dma_start3A_192 = tpu.memref_slice %arg8[%multiple_of3A_21, %dma_start3A_191] : memref<10240x128xf32, #tpu.memory_space<vmem_shared>> -> memref<64x128xf32, #tpu.memory_space<vmem_shared>>
      tpu.enqueue_dma source(%arg17 : memref<64x128xf32, #tpu.memory_space<vmem>>) target(%dma_start3A_192 : memref<64x128xf32, #tpu.memory_space<vmem_shared>>) target_semaphore(%run_scoped3A : memref<!tpu.dma_semaphore, #tpu.memory_space<semaphore_mem>>)
      %dma_wait3A_193 = arith.constant 0 : i32
      %dma_wait3A_194 = tpu.memref_slice %arg8[%multiple_of3A_21, %dma_wait3A_193] : memref<10240x128xf32, #tpu.memory_space<vmem_shared>> -> memref<64x128xf32, #tpu.memory_space<vmem_shared>>
      %dma_wait3A_195 = arith.constant 0 : i32
      %dma_wait3A_196 = tpu.memref_slice %arg8[%multiple_of3A_21, %dma_wait3A_195] : memref<10240x128xf32, #tpu.memory_space<vmem_shared>> -> memref<64x128xf32, #tpu.memory_space<vmem_shared>>
      tpu.wait_dma2 semaphore(%run_scoped3A : memref<!tpu.dma_semaphore, #tpu.memory_space<semaphore_mem>>) src(%arg17 : memref<64x128xf32, #tpu.memory_space<vmem>>) dst(%dma_wait3A_196 : memref<64x128xf32, #tpu.memory_space<vmem_shared>>)
      tpu.yield
    }) : () -> ()
    %mul3A_22 = arith.constant 640 : i32
    %mul3A_23 = arith.muli %arg1, %mul3A_22 : i32
    %add3A_24 = arith.constant 320 : i32
    %add3A_25 = arith.addi %mul3A_23, %add3A_24 : i32
    %multiple_of3A_26 = tpu.assume_multiple %add3A_25, 64 : i32
    "tpu.region"() ({
      %run_scoped3A = tpu.sem_alloc : memref<!tpu.dma_semaphore, #tpu.memory_space<semaphore_mem>>
      %dma_start3A_189 = arith.constant 0 : i32
      %dma_start3A_190 = tpu.memref_slice %arg8[%multiple_of3A_26, %dma_start3A_189] : memref<10240x128xf32, #tpu.memory_space<vmem_shared>> -> memref<64x128xf32, #tpu.memory_space<vmem_shared>>
      %dma_start3A_191 = arith.constant 0 : i32
      %dma_start3A_192 = tpu.memref_slice %arg8[%multiple_of3A_26, %dma_start3A_191] : memref<10240x128xf32, #tpu.memory_space<vmem_shared>> -> memref<64x128xf32, #tpu.memory_space<vmem_shared>>
      tpu.enqueue_dma source(%arg17 : memref<64x128xf32, #tpu.memory_space<vmem>>) target(%dma_start3A_192 : memref<64x128xf32, #tpu.memory_space<vmem_shared>>) target_semaphore(%run_scoped3A : memref<!tpu.dma_semaphore, #tpu.memory_space<semaphore_mem>>)
      %dma_wait3A_193 = arith.constant 0 : i32
      %dma_wait3A_194 = tpu.memref_slice %arg8[%multiple_of3A_26, %dma_wait3A_193] : memref<10240x128xf32, #tpu.memory_space<vmem_shared>> -> memref<64x128xf32, #tpu.memory_space<vmem_shared>>
      %dma_wait3A_195 = arith.constant 0 : i32
      %dma_wait3A_196 = tpu.memref_slice %arg8[%multiple_of3A_26, %dma_wait3A_195] : memref<10240x128xf32, #tpu.memory_space<vmem_shared>> -> memref<64x128xf32, #tpu.memory_space<vmem_shared>>
      tpu.wait_dma2 semaphore(%run_scoped3A : memref<!tpu.dma_semaphore, #tpu.memory_space<semaphore_mem>>) src(%arg17 : memref<64x128xf32, #tpu.memory_space<vmem>>) dst(%dma_wait3A_196 : memref<64x128xf32, #tpu.memory_space<vmem_shared>>)
      tpu.yield
    }) : () -> ()
    %mul3A_27 = arith.constant 640 : i32
    %mul3A_28 = arith.muli %arg1, %mul3A_27 : i32
    %add3A_29 = arith.constant 384 : i32
    %add3A_30 = arith.addi %mul3A_28, %add3A_29 : i32
    %multiple_of3A_31 = tpu.assume_multiple %add3A_30, 64 : i32
    "tpu.region"() ({
      %run_scoped3A = tpu.sem_alloc : memref<!tpu.dma_semaphore, #tpu.memory_space<semaphore_mem>>
      %dma_start3A_189 = arith.constant 0 : i32
      %dma_start3A_190 = tpu.memref_slice %arg8[%multiple_of3A_31, %dma_start3A_189] : memref<10240x128xf32, #tpu.memory_space<vmem_shared>> -> memref<64x128xf32, #tpu.memory_space<vmem_shared>>
      %dma_start3A_191 = arith.constant 0 : i32
      %dma_start3A_192 = tpu.memref_slice %arg8[%multiple_of3A_31, %dma_start3A_191] : memref<10240x128xf32, #tpu.memory_space<vmem_shared>> -> memref<64x128xf32, #tpu.memory_space<vmem_shared>>
      tpu.enqueue_dma source(%arg17 : memref<64x128xf32, #tpu.memory_space<vmem>>) target(%dma_start3A_192 : memref<64x128xf32, #tpu.memory_space<vmem_shared>>) target_semaphore(%run_scoped3A : memref<!tpu.dma_semaphore, #tpu.memory_space<semaphore_mem>>)
      %dma_wait3A_193 = arith.constant 0 : i32
      %dma_wait3A_194 = tpu.memref_slice %arg8[%multiple_of3A_31, %dma_wait3A_193] : memref<10240x128xf32, #tpu.memory_space<vmem_shared>> -> memref<64x128xf32, #tpu.memory_space<vmem_shared>>
      %dma_wait3A_195 = arith.constant 0 : i32
      %dma_wait3A_196 = tpu.memref_slice %arg8[%multiple_of3A_31, %dma_wait3A_195] : memref<10240x128xf32, #tpu.memory_space<vmem_shared>> -> memref<64x128xf32, #tpu.memory_space<vmem_shared>>
      tpu.wait_dma2 semaphore(%run_scoped3A : memref<!tpu.dma_semaphore, #tpu.memory_space<semaphore_mem>>) src(%arg17 : memref<64x128xf32, #tpu.memory_space<vmem>>) dst(%dma_wait3A_196 : memref<64x128xf32, #tpu.memory_space<vmem_shared>>)
      tpu.yield
    }) : () -> ()
    %mul3A_32 = arith.constant 640 : i32
    %mul3A_33 = arith.muli %arg1, %mul3A_32 : i32
    %add3A_34 = arith.constant 448 : i32
    %add3A_35 = arith.addi %mul3A_33, %add3A_34 : i32
    %multiple_of3A_36 = tpu.assume_multiple %add3A_35, 64 : i32
    "tpu.region"() ({
      %run_scoped3A = tpu.sem_alloc : memref<!tpu.dma_semaphore, #tpu.memory_space<semaphore_mem>>
      %dma_start3A_189 = arith.constant 0 : i32
      %dma_start3A_190 = tpu.memref_slice %arg8[%multiple_of3A_36, %dma_start3A_189] : memref<10240x128xf32, #tpu.memory_space<vmem_shared>> -> memref<64x128xf32, #tpu.memory_space<vmem_shared>>
      %dma_start3A_191 = arith.constant 0 : i32
      %dma_start3A_192 = tpu.memref_slice %arg8[%multiple_of3A_36, %dma_start3A_191] : memref<10240x128xf32, #tpu.memory_space<vmem_shared>> -> memref<64x128xf32, #tpu.memory_space<vmem_shared>>
      tpu.enqueue_dma source(%arg17 : memref<64x128xf32, #tpu.memory_space<vmem>>) target(%dma_start3A_192 : memref<64x128xf32, #tpu.memory_space<vmem_shared>>) target_semaphore(%run_scoped3A : memref<!tpu.dma_semaphore, #tpu.memory_space<semaphore_mem>>)
      %dma_wait3A_193 = arith.constant 0 : i32
      %dma_wait3A_194 = tpu.memref_slice %arg8[%multiple_of3A_36, %dma_wait3A_193] : memref<10240x128xf32, #tpu.memory_space<vmem_shared>> -> memref<64x128xf32, #tpu.memory_space<vmem_shared>>
      %dma_wait3A_195 = arith.constant 0 : i32
      %dma_wait3A_196 = tpu.memref_slice %arg8[%multiple_of3A_36, %dma_wait3A_195] : memref<10240x128xf32, #tpu.memory_space<vmem_shared>> -> memref<64x128xf32, #tpu.memory_space<vmem_shared>>
      tpu.wait_dma2 semaphore(%run_scoped3A : memref<!tpu.dma_semaphore, #tpu.memory_space<semaphore_mem>>) src(%arg17 : memref<64x128xf32, #tpu.memory_space<vmem>>) dst(%dma_wait3A_196 : memref<64x128xf32, #tpu.memory_space<vmem_shared>>)
      tpu.yield
    }) : () -> ()
    %mul3A_37 = arith.constant 640 : i32
    %mul3A_38 = arith.muli %arg1, %mul3A_37 : i32
    %add3A_39 = arith.constant 512 : i32
    %add3A_40 = arith.addi %mul3A_38, %add3A_39 : i32
    %multiple_of3A_41 = tpu.assume_multiple %add3A_40, 64 : i32
    "tpu.region"() ({
      %run_scoped3A = tpu.sem_alloc : memref<!tpu.dma_semaphore, #tpu.memory_space<semaphore_mem>>
      %dma_start3A_189 = arith.constant 0 : i32
      %dma_start3A_190 = tpu.memref_slice %arg8[%multiple_of3A_41, %dma_start3A_189] : memref<10240x128xf32, #tpu.memory_space<vmem_shared>> -> memref<64x128xf32, #tpu.memory_space<vmem_shared>>
      %dma_start3A_191 = arith.constant 0 : i32
      %dma_start3A_192 = tpu.memref_slice %arg8[%multiple_of3A_41, %dma_start3A_191] : memref<10240x128xf32, #tpu.memory_space<vmem_shared>> -> memref<64x128xf32, #tpu.memory_space<vmem_shared>>
      tpu.enqueue_dma source(%arg17 : memref<64x128xf32, #tpu.memory_space<vmem>>) target(%dma_start3A_192 : memref<64x128xf32, #tpu.memory_space<vmem_shared>>) target_semaphore(%run_scoped3A : memref<!tpu.dma_semaphore, #tpu.memory_space<semaphore_mem>>)
      %dma_wait3A_193 = arith.constant 0 : i32
      %dma_wait3A_194 = tpu.memref_slice %arg8[%multiple_of3A_41, %dma_wait3A_193] : memref<10240x128xf32, #tpu.memory_space<vmem_shared>> -> memref<64x128xf32, #tpu.memory_space<vmem_shared>>
      %dma_wait3A_195 = arith.constant 0 : i32
      %dma_wait3A_196 = tpu.memref_slice %arg8[%multiple_of3A_41, %dma_wait3A_195] : memref<10240x128xf32, #tpu.memory_space<vmem_shared>> -> memref<64x128xf32, #tpu.memory_space<vmem_shared>>
      tpu.wait_dma2 semaphore(%run_scoped3A : memref<!tpu.dma_semaphore, #tpu.memory_space<semaphore_mem>>) src(%arg17 : memref<64x128xf32, #tpu.memory_space<vmem>>) dst(%dma_wait3A_196 : memref<64x128xf32, #tpu.memory_space<vmem_shared>>)
      tpu.yield
    }) : () -> ()
    %mul3A_42 = arith.constant 640 : i32
    %mul3A_43 = arith.muli %arg1, %mul3A_42 : i32
    %add3A_44 = arith.constant 576 : i32
    %add3A_45 = arith.addi %mul3A_43, %add3A_44 : i32
    %multiple_of3A_46 = tpu.assume_multiple %add3A_45, 64 : i32
    "tpu.region"() ({
      %run_scoped3A = tpu.sem_alloc : memref<!tpu.dma_semaphore, #tpu.memory_space<semaphore_mem>>
      %dma_start3A_189 = arith.constant 0 : i32
      %dma_start3A_190 = tpu.memref_slice %arg8[%multiple_of3A_46, %dma_start3A_189] : memref<10240x128xf32, #tpu.memory_space<vmem_shared>> -> memref<64x128xf32, #tpu.memory_space<vmem_shared>>
      %dma_start3A_191 = arith.constant 0 : i32
      %dma_start3A_192 = tpu.memref_slice %arg8[%multiple_of3A_46, %dma_start3A_191] : memref<10240x128xf32, #tpu.memory_space<vmem_shared>> -> memref<64x128xf32, #tpu.memory_space<vmem_shared>>
      tpu.enqueue_dma source(%arg17 : memref<64x128xf32, #tpu.memory_space<vmem>>) target(%dma_start3A_192 : memref<64x128xf32, #tpu.memory_space<vmem_shared>>) target_semaphore(%run_scoped3A : memref<!tpu.dma_semaphore, #tpu.memory_space<semaphore_mem>>)
      %dma_wait3A_193 = arith.constant 0 : i32
      %dma_wait3A_194 = tpu.memref_slice %arg8[%multiple_of3A_46, %dma_wait3A_193] : memref<10240x128xf32, #tpu.memory_space<vmem_shared>> -> memref<64x128xf32, #tpu.memory_space<vmem_shared>>
      %dma_wait3A_195 = arith.constant 0 : i32
      %dma_wait3A_196 = tpu.memref_slice %arg8[%multiple_of3A_46, %dma_wait3A_195] : memref<10240x128xf32, #tpu.memory_space<vmem_shared>> -> memref<64x128xf32, #tpu.memory_space<vmem_shared>>
      tpu.wait_dma2 semaphore(%run_scoped3A : memref<!tpu.dma_semaphore, #tpu.memory_space<semaphore_mem>>) src(%arg17 : memref<64x128xf32, #tpu.memory_space<vmem>>) dst(%dma_wait3A_196 : memref<64x128xf32, #tpu.memory_space<vmem_shared>>)
      tpu.yield
    }) : () -> ()
    %barrier3A = arith.constant 0 : index
    tpu.barrier barrier_id(%barrier3A)
    %mul3A_47 = arith.constant 160 : i32
    %mul3A_48 = arith.muli %arg1, %mul3A_47 : i32
    %add3A_49 = arith.constant 0 : i32
    %add3A_50 = arith.addi %mul3A_48, %add3A_49 : i32
    %mul3A_51 = arith.constant 64 : i32
    %mul3A_52 = arith.muli %add3A_50, %mul3A_51 : i32
    %multiple_of3A_53 = tpu.assume_multiple %mul3A_52, 8 : i32
    %dma_start3A = tpu.memref_slice %arg4[%multiple_of3A_53] : memref<163840xi32, #tpu.memory_space<hbm>> -> memref<64xi32, #tpu.memory_space<hbm>>
    %dma_start3A_54 = tpu.memref_slice %arg4[%multiple_of3A_53] : memref<163840xi32, #tpu.memory_space<hbm>> -> memref<64xi32, #tpu.memory_space<hbm>>
    tpu.enqueue_dma source(%dma_start3A_54 : memref<64xi32, #tpu.memory_space<hbm>>) target(%arg9 : memref<64xi32, #tpu.memory_space<vmem>>) target_semaphore(%arg21 : memref<!tpu.dma_semaphore, #tpu.memory_space<semaphore_mem>>)
    %mul3A_55 = arith.constant 160 : i32
    %mul3A_56 = arith.muli %arg1, %mul3A_55 : i32
    %add3A_57 = arith.constant 0 : i32
    %add3A_58 = arith.addi %mul3A_56, %add3A_57 : i32
    %mul3A_59 = arith.constant 64 : i32
    %mul3A_60 = arith.muli %add3A_58, %mul3A_59 : i32
    %multiple_of3A_61 = tpu.assume_multiple %mul3A_60, 8 : i32
    %dma_start3A_62 = tpu.memref_slice %arg5[%multiple_of3A_61] : memref<163840xi32, #tpu.memory_space<hbm>> -> memref<64xi32, #tpu.memory_space<hbm>>
    %dma_start3A_63 = tpu.memref_slice %arg5[%multiple_of3A_61] : memref<163840xi32, #tpu.memory_space<hbm>> -> memref<64xi32, #tpu.memory_space<hbm>>
    tpu.enqueue_dma source(%dma_start3A_63 : memref<64xi32, #tpu.memory_space<hbm>>) target(%arg13 : memref<64xi32, #tpu.memory_space<vmem>>) target_semaphore(%arg25 : memref<!tpu.dma_semaphore, #tpu.memory_space<semaphore_mem>>)
    %dma_wait3A = arith.constant 0 : i32
    %dma_wait3A_64 = tpu.memref_slice %arg4[%dma_wait3A] : memref<163840xi32, #tpu.memory_space<hbm>> -> memref<64xi32, #tpu.memory_space<hbm>>
    %dma_wait3A_65 = arith.constant 0 : i32
    %dma_wait3A_66 = tpu.memref_slice %arg4[%dma_wait3A_65] : memref<163840xi32, #tpu.memory_space<hbm>> -> memref<64xi32, #tpu.memory_space<hbm>>
    tpu.wait_dma2 semaphore(%arg21 : memref<!tpu.dma_semaphore, #tpu.memory_space<semaphore_mem>>) src(%dma_wait3A_66 : memref<64xi32, #tpu.memory_space<hbm>>) dst(%arg9 : memref<64xi32, #tpu.memory_space<vmem>>)
    %eq3A = arith.constant 0 : i32
    %eq3A_67 = arith.cmpi eq, %arg0, %eq3A : i32
    %convert_element_type3A = arith.extui %eq3A_67 : i1 to i32
    %cond3A = arith.constant 0 : i32
    %cond3A_68 = arith.cmpi ne, %convert_element_type3A, %cond3A : i32
    scf.if %cond3A_68 {
      %dma_start3A_189 = arith.constant 0 : i32
      %dma_start3A_190 = arith.constant 0 : i32
      %dma_start3A_191 = tpu.memref_slice %arg2[%dma_start3A_189, %dma_start3A_190] : memref<10240x128xf32, #tpu.memory_space<hbm>> -> memref<10240x128xf32, #tpu.memory_space<hbm>>
      tpu.enqueue_indirect_dma source(%dma_start3A_191 : memref<10240x128xf32, #tpu.memory_space<hbm>>) target(%arg17 : memref<64x128xf32, #tpu.memory_space<vmem>>) offsets(%arg9 : memref<64xi32, #tpu.memory_space<vmem>>) semaphore(%arg29 : memref<!tpu.dma_semaphore, #tpu.memory_space<semaphore_mem>>)
    } else {
    }
    %eq3A_69 = arith.constant 1 : i32
    %eq3A_70 = arith.cmpi eq, %arg0, %eq3A_69 : i32
    %convert_element_type3A_71 = arith.extui %eq3A_70 : i1 to i32
    %cond3A_72 = arith.constant 0 : i32
    %cond3A_73 = arith.cmpi ne, %convert_element_type3A_71, %cond3A_72 : i32
    scf.if %cond3A_73 {
      %dma_start3A_189 = arith.constant 0 : i32
      %dma_start3A_190 = arith.constant 0 : i32
      %dma_start3A_191 = tpu.memref_slice %arg3[%dma_start3A_189, %dma_start3A_190] : memref<10240x128xf32, #tpu.memory_space<hbm>> -> memref<10240x128xf32, #tpu.memory_space<hbm>>
      tpu.enqueue_indirect_dma source(%dma_start3A_191 : memref<10240x128xf32, #tpu.memory_space<hbm>>) target(%arg17 : memref<64x128xf32, #tpu.memory_space<vmem>>) offsets(%arg9 : memref<64xi32, #tpu.memory_space<vmem>>) semaphore(%arg29 : memref<!tpu.dma_semaphore, #tpu.memory_space<semaphore_mem>>)
    } else {
    }
    %mul3A_74 = arith.constant 160 : i32
    %mul3A_75 = arith.muli %arg1, %mul3A_74 : i32
    %add3A_76 = arith.constant 1 : i32
    %add3A_77 = arith.addi %mul3A_75, %add3A_76 : i32
    %mul3A_78 = arith.constant 64 : i32
    %mul3A_79 = arith.muli %add3A_77, %mul3A_78 : i32
    %multiple_of3A_80 = tpu.assume_multiple %mul3A_79, 8 : i32
    %dma_start3A_81 = tpu.memref_slice %arg4[%multiple_of3A_80] : memref<163840xi32, #tpu.memory_space<hbm>> -> memref<64xi32, #tpu.memory_space<hbm>>
    %dma_start3A_82 = tpu.memref_slice %arg4[%multiple_of3A_80] : memref<163840xi32, #tpu.memory_space<hbm>> -> memref<64xi32, #tpu.memory_space<hbm>>
    tpu.enqueue_dma source(%dma_start3A_82 : memref<64xi32, #tpu.memory_space<hbm>>) target(%arg10 : memref<64xi32, #tpu.memory_space<vmem>>) target_semaphore(%arg22 : memref<!tpu.dma_semaphore, #tpu.memory_space<semaphore_mem>>)
    %mul3A_83 = arith.constant 160 : i32
    %mul3A_84 = arith.muli %arg1, %mul3A_83 : i32
    %add3A_85 = arith.constant 1 : i32
    %add3A_86 = arith.addi %mul3A_84, %add3A_85 : i32
    %mul3A_87 = arith.constant 64 : i32
    %mul3A_88 = arith.muli %add3A_86, %mul3A_87 : i32
    %multiple_of3A_89 = tpu.assume_multiple %mul3A_88, 8 : i32
    %dma_start3A_90 = tpu.memref_slice %arg5[%multiple_of3A_89] : memref<163840xi32, #tpu.memory_space<hbm>> -> memref<64xi32, #tpu.memory_space<hbm>>
    %dma_start3A_91 = tpu.memref_slice %arg5[%multiple_of3A_89] : memref<163840xi32, #tpu.memory_space<hbm>> -> memref<64xi32, #tpu.memory_space<hbm>>
    tpu.enqueue_dma source(%dma_start3A_91 : memref<64xi32, #tpu.memory_space<hbm>>) target(%arg14 : memref<64xi32, #tpu.memory_space<vmem>>) target_semaphore(%arg26 : memref<!tpu.dma_semaphore, #tpu.memory_space<semaphore_mem>>)
    %dma_wait3A_92 = arith.constant 0 : i32
    %dma_wait3A_93 = tpu.memref_slice %arg4[%dma_wait3A_92] : memref<163840xi32, #tpu.memory_space<hbm>> -> memref<64xi32, #tpu.memory_space<hbm>>
    %dma_wait3A_94 = arith.constant 0 : i32
    %dma_wait3A_95 = tpu.memref_slice %arg4[%dma_wait3A_94] : memref<163840xi32, #tpu.memory_space<hbm>> -> memref<64xi32, #tpu.memory_space<hbm>>
    tpu.wait_dma2 semaphore(%arg22 : memref<!tpu.dma_semaphore, #tpu.memory_space<semaphore_mem>>) src(%dma_wait3A_95 : memref<64xi32, #tpu.memory_space<hbm>>) dst(%arg10 : memref<64xi32, #tpu.memory_space<vmem>>)
    %eq3A_96 = arith.constant 0 : i32
    %eq3A_97 = arith.cmpi eq, %arg0, %eq3A_96 : i32
    %convert_element_type3A_98 = arith.extui %eq3A_97 : i1 to i32
    %cond3A_99 = arith.constant 0 : i32
    %cond3A_100 = arith.cmpi ne, %convert_element_type3A_98, %cond3A_99 : i32
    scf.if %cond3A_100 {
      %dma_start3A_189 = arith.constant 0 : i32
      %dma_start3A_190 = arith.constant 0 : i32
      %dma_start3A_191 = tpu.memref_slice %arg2[%dma_start3A_189, %dma_start3A_190] : memref<10240x128xf32, #tpu.memory_space<hbm>> -> memref<10240x128xf32, #tpu.memory_space<hbm>>
      tpu.enqueue_indirect_dma source(%dma_start3A_191 : memref<10240x128xf32, #tpu.memory_space<hbm>>) target(%arg18 : memref<64x128xf32, #tpu.memory_space<vmem>>) offsets(%arg10 : memref<64xi32, #tpu.memory_space<vmem>>) semaphore(%arg30 : memref<!tpu.dma_semaphore, #tpu.memory_space<semaphore_mem>>)
    } else {
    }
    %eq3A_101 = arith.constant 1 : i32
    %eq3A_102 = arith.cmpi eq, %arg0, %eq3A_101 : i32
    %convert_element_type3A_103 = arith.extui %eq3A_102 : i1 to i32
    %cond3A_104 = arith.constant 0 : i32
    %cond3A_105 = arith.cmpi ne, %convert_element_type3A_103, %cond3A_104 : i32
    scf.if %cond3A_105 {
      %dma_start3A_189 = arith.constant 0 : i32
      %dma_start3A_190 = arith.constant 0 : i32
      %dma_start3A_191 = tpu.memref_slice %arg3[%dma_start3A_189, %dma_start3A_190] : memref<10240x128xf32, #tpu.memory_space<hbm>> -> memref<10240x128xf32, #tpu.memory_space<hbm>>
      tpu.enqueue_indirect_dma source(%dma_start3A_191 : memref<10240x128xf32, #tpu.memory_space<hbm>>) target(%arg18 : memref<64x128xf32, #tpu.memory_space<vmem>>) offsets(%arg10 : memref<64xi32, #tpu.memory_space<vmem>>) semaphore(%arg30 : memref<!tpu.dma_semaphore, #tpu.memory_space<semaphore_mem>>)
    } else {
    }
    %mul3A_106 = arith.constant 160 : i32
    %mul3A_107 = arith.muli %arg1, %mul3A_106 : i32
    %add3A_108 = arith.constant 2 : i32
    %add3A_109 = arith.addi %mul3A_107, %add3A_108 : i32
    %mul3A_110 = arith.constant 64 : i32
    %mul3A_111 = arith.muli %add3A_109, %mul3A_110 : i32
    %multiple_of3A_112 = tpu.assume_multiple %mul3A_111, 8 : i32
    %dma_start3A_113 = tpu.memref_slice %arg4[%multiple_of3A_112] : memref<163840xi32, #tpu.memory_space<hbm>> -> memref<64xi32, #tpu.memory_space<hbm>>
    %dma_start3A_114 = tpu.memref_slice %arg4[%multiple_of3A_112] : memref<163840xi32, #tpu.memory_space<hbm>> -> memref<64xi32, #tpu.memory_space<hbm>>
    tpu.enqueue_dma source(%dma_start3A_114 : memref<64xi32, #tpu.memory_space<hbm>>) target(%arg11 : memref<64xi32, #tpu.memory_space<vmem>>) target_semaphore(%arg23 : memref<!tpu.dma_semaphore, #tpu.memory_space<semaphore_mem>>)
    %mul3A_115 = arith.constant 160 : i32
    %mul3A_116 = arith.muli %arg1, %mul3A_115 : i32
    %add3A_117 = arith.constant 2 : i32
    %add3A_118 = arith.addi %mul3A_116, %add3A_117 : i32
    %mul3A_119 = arith.constant 64 : i32
    %mul3A_120 = arith.muli %add3A_118, %mul3A_119 : i32
    %multiple_of3A_121 = tpu.assume_multiple %mul3A_120, 8 : i32
    %dma_start3A_122 = tpu.memref_slice %arg5[%multiple_of3A_121] : memref<163840xi32, #tpu.memory_space<hbm>> -> memref<64xi32, #tpu.memory_space<hbm>>
    %dma_start3A_123 = tpu.memref_slice %arg5[%multiple_of3A_121] : memref<163840xi32, #tpu.memory_space<hbm>> -> memref<64xi32, #tpu.memory_space<hbm>>
    tpu.enqueue_dma source(%dma_start3A_123 : memref<64xi32, #tpu.memory_space<hbm>>) target(%arg15 : memref<64xi32, #tpu.memory_space<vmem>>) target_semaphore(%arg27 : memref<!tpu.dma_semaphore, #tpu.memory_space<semaphore_mem>>)
    %dma_wait3A_124 = arith.constant 0 : i32
    %dma_wait3A_125 = tpu.memref_slice %arg4[%dma_wait3A_124] : memref<163840xi32, #tpu.memory_space<hbm>> -> memref<64xi32, #tpu.memory_space<hbm>>
    %dma_wait3A_126 = arith.constant 0 : i32
    %dma_wait3A_127 = tpu.memref_slice %arg4[%dma_wait3A_126] : memref<163840xi32, #tpu.memory_space<hbm>> -> memref<64xi32, #tpu.memory_space<hbm>>
    tpu.wait_dma2 semaphore(%arg23 : memref<!tpu.dma_semaphore, #tpu.memory_space<semaphore_mem>>) src(%dma_wait3A_127 : memref<64xi32, #tpu.memory_space<hbm>>) dst(%arg11 : memref<64xi32, #tpu.memory_space<vmem>>)
    %eq3A_128 = arith.constant 0 : i32
    %eq3A_129 = arith.cmpi eq, %arg0, %eq3A_128 : i32
    %convert_element_type3A_130 = arith.extui %eq3A_129 : i1 to i32
    %cond3A_131 = arith.constant 0 : i32
    %cond3A_132 = arith.cmpi ne, %convert_element_type3A_130, %cond3A_131 : i32
    scf.if %cond3A_132 {
      %dma_start3A_189 = arith.constant 0 : i32
      %dma_start3A_190 = arith.constant 0 : i32
      %dma_start3A_191 = tpu.memref_slice %arg2[%dma_start3A_189, %dma_start3A_190] : memref<10240x128xf32, #tpu.memory_space<hbm>> -> memref<10240x128xf32, #tpu.memory_space<hbm>>
      tpu.enqueue_indirect_dma source(%dma_start3A_191 : memref<10240x128xf32, #tpu.memory_space<hbm>>) target(%arg19 : memref<64x128xf32, #tpu.memory_space<vmem>>) offsets(%arg11 : memref<64xi32, #tpu.memory_space<vmem>>) semaphore(%arg31 : memref<!tpu.dma_semaphore, #tpu.memory_space<semaphore_mem>>)
    } else {
    }
    %eq3A_133 = arith.constant 1 : i32
    %eq3A_134 = arith.cmpi eq, %arg0, %eq3A_133 : i32
    %convert_element_type3A_135 = arith.extui %eq3A_134 : i1 to i32
    %cond3A_136 = arith.constant 0 : i32
    %cond3A_137 = arith.cmpi ne, %convert_element_type3A_135, %cond3A_136 : i32
    scf.if %cond3A_137 {
      %dma_start3A_189 = arith.constant 0 : i32
      %dma_start3A_190 = arith.constant 0 : i32
      %dma_start3A_191 = tpu.memref_slice %arg3[%dma_start3A_189, %dma_start3A_190] : memref<10240x128xf32, #tpu.memory_space<hbm>> -> memref<10240x128xf32, #tpu.memory_space<hbm>>
      tpu.enqueue_indirect_dma source(%dma_start3A_191 : memref<10240x128xf32, #tpu.memory_space<hbm>>) target(%arg19 : memref<64x128xf32, #tpu.memory_space<vmem>>) offsets(%arg11 : memref<64xi32, #tpu.memory_space<vmem>>) semaphore(%arg31 : memref<!tpu.dma_semaphore, #tpu.memory_space<semaphore_mem>>)
    } else {
    }
    %mul3A_138 = arith.constant 160 : i32
    %mul3A_139 = arith.muli %arg1, %mul3A_138 : i32
    %add3A_140 = arith.constant 3 : i32
    %add3A_141 = arith.addi %mul3A_139, %add3A_140 : i32
    %mul3A_142 = arith.constant 64 : i32
    %mul3A_143 = arith.muli %add3A_141, %mul3A_142 : i32
    %multiple_of3A_144 = tpu.assume_multiple %mul3A_143, 8 : i32
    %dma_start3A_145 = tpu.memref_slice %arg4[%multiple_of3A_144] : memref<163840xi32, #tpu.memory_space<hbm>> -> memref<64xi32, #tpu.memory_space<hbm>>
    %dma_start3A_146 = tpu.memref_slice %arg4[%multiple_of3A_144] : memref<163840xi32, #tpu.memory_space<hbm>> -> memref<64xi32, #tpu.memory_space<hbm>>
    tpu.enqueue_dma source(%dma_start3A_146 : memref<64xi32, #tpu.memory_space<hbm>>) target(%arg12 : memref<64xi32, #tpu.memory_space<vmem>>) target_semaphore(%arg24 : memref<!tpu.dma_semaphore, #tpu.memory_space<semaphore_mem>>)
    %mul3A_147 = arith.constant 160 : i32
    %mul3A_148 = arith.muli %arg1, %mul3A_147 : i32
    %add3A_149 = arith.constant 3 : i32
    %add3A_150 = arith.addi %mul3A_148, %add3A_149 : i32
    %mul3A_151 = arith.constant 64 : i32
    %mul3A_152 = arith.muli %add3A_150, %mul3A_151 : i32
    %multiple_of3A_153 = tpu.assume_multiple %mul3A_152, 8 : i32
    %dma_start3A_154 = tpu.memref_slice %arg5[%multiple_of3A_153] : memref<163840xi32, #tpu.memory_space<hbm>> -> memref<64xi32, #tpu.memory_space<hbm>>
    %dma_start3A_155 = tpu.memref_slice %arg5[%multiple_of3A_153] : memref<163840xi32, #tpu.memory_space<hbm>> -> memref<64xi32, #tpu.memory_space<hbm>>
    tpu.enqueue_dma source(%dma_start3A_155 : memref<64xi32, #tpu.memory_space<hbm>>) target(%arg16 : memref<64xi32, #tpu.memory_space<vmem>>) target_semaphore(%arg28 : memref<!tpu.dma_semaphore, #tpu.memory_space<semaphore_mem>>)
    %dma_wait3A_156 = arith.constant 0 : i32
    %dma_wait3A_157 = tpu.memref_slice %arg4[%dma_wait3A_156] : memref<163840xi32, #tpu.memory_space<hbm>> -> memref<64xi32, #tpu.memory_space<hbm>>
    %dma_wait3A_158 = arith.constant 0 : i32
    %dma_wait3A_159 = tpu.memref_slice %arg4[%dma_wait3A_158] : memref<163840xi32, #tpu.memory_space<hbm>> -> memref<64xi32, #tpu.memory_space<hbm>>
    tpu.wait_dma2 semaphore(%arg24 : memref<!tpu.dma_semaphore, #tpu.memory_space<semaphore_mem>>) src(%dma_wait3A_159 : memref<64xi32, #tpu.memory_space<hbm>>) dst(%arg12 : memref<64xi32, #tpu.memory_space<vmem>>)
    %eq3A_160 = arith.constant 0 : i32
    %eq3A_161 = arith.cmpi eq, %arg0, %eq3A_160 : i32
    %convert_element_type3A_162 = arith.extui %eq3A_161 : i1 to i32
    %cond3A_163 = arith.constant 0 : i32
    %cond3A_164 = arith.cmpi ne, %convert_element_type3A_162, %cond3A_163 : i32
    scf.if %cond3A_164 {
      %dma_start3A_189 = arith.constant 0 : i32
      %dma_start3A_190 = arith.constant 0 : i32
      %dma_start3A_191 = tpu.memref_slice %arg2[%dma_start3A_189, %dma_start3A_190] : memref<10240x128xf32, #tpu.memory_space<hbm>> -> memref<10240x128xf32, #tpu.memory_space<hbm>>
      tpu.enqueue_indirect_dma source(%dma_start3A_191 : memref<10240x128xf32, #tpu.memory_space<hbm>>) target(%arg20 : memref<64x128xf32, #tpu.memory_space<vmem>>) offsets(%arg12 : memref<64xi32, #tpu.memory_space<vmem>>) semaphore(%arg32 : memref<!tpu.dma_semaphore, #tpu.memory_space<semaphore_mem>>)
    } else {
    }
    %eq3A_165 = arith.constant 1 : i32
    %eq3A_166 = arith.cmpi eq, %arg0, %eq3A_165 : i32
    %convert_element_type3A_167 = arith.extui %eq3A_166 : i1 to i32
    %cond3A_168 = arith.constant 0 : i32
    %cond3A_169 = arith.cmpi ne, %convert_element_type3A_167, %cond3A_168 : i32
    scf.if %cond3A_169 {
      %dma_start3A_189 = arith.constant 0 : i32
      %dma_start3A_190 = arith.constant 0 : i32
      %dma_start3A_191 = tpu.memref_slice %arg3[%dma_start3A_189, %dma_start3A_190] : memref<10240x128xf32, #tpu.memory_space<hbm>> -> memref<10240x128xf32, #tpu.memory_space<hbm>>
      tpu.enqueue_indirect_dma source(%dma_start3A_191 : memref<10240x128xf32, #tpu.memory_space<hbm>>) target(%arg20 : memref<64x128xf32, #tpu.memory_space<vmem>>) offsets(%arg12 : memref<64xi32, #tpu.memory_space<vmem>>) semaphore(%arg32 : memref<!tpu.dma_semaphore, #tpu.memory_space<semaphore_mem>>)
    } else {
    }
    %scan3A = arith.constant 0 : i32
    %scan3A_170 = arith.constant 0 : i32
    %scan3A_171 = arith.constant 40 : i32
    %scan3A_172 = arith.addi %scan3A_170, %scan3A_171 : i32
    %scan3A_173 = arith.constant 1 : i32
    scf.for %scan3A_189 = %scan3A_170 to %scan3A_172 step %scan3A_173  : i32 {
      %mul3A_190 = arith.constant 4 : i32
      %mul3A_191 = arith.muli %mul3A_190, %scan3A_189 : i32
      %add3A_192 = arith.constant 0 : i32
      %add3A_193 = arith.addi %mul3A_191, %add3A_192 : i32
      %dma_wait3A_194 = arith.constant 0 : i32
      %dma_wait3A_195 = arith.constant 0 : i32
      %dma_wait3A_196 = tpu.memref_slice %arg2[%dma_wait3A_194, %dma_wait3A_195] : memref<10240x128xf32, #tpu.memory_space<hbm>> -> memref<10240x128xf32, #tpu.memory_space<hbm>>
      tpu.wait_indirect_dma semaphore(%arg29 : memref<!tpu.dma_semaphore, #tpu.memory_space<semaphore_mem>>) src(%dma_wait3A_196 : memref<10240x128xf32, #tpu.memory_space<hbm>>) dst(%arg17 : memref<64x128xf32, #tpu.memory_space<vmem>>)
      %add3A_197 = arith.constant 4 : i32
      %add3A_198 = arith.addi %add3A_193, %add3A_197 : i32
      %lt3A = arith.constant 160 : i32
      %lt3A_199 = arith.cmpi slt, %add3A_198, %lt3A : i32
      %convert_element_type3A_200 = arith.extui %lt3A_199 : i1 to i32
      %cond3A_201 = arith.constant 0 : i32
      %cond3A_202 = arith.cmpi ne, %convert_element_type3A_200, %cond3A_201 : i32
      scf.if %cond3A_202 {
        %add3A_289 = arith.constant 4 : i32
        %add3A_290 = arith.addi %add3A_193, %add3A_289 : i32
        %mul3A_291 = arith.constant 160 : i32
        %mul3A_292 = arith.muli %arg1, %mul3A_291 : i32
        %add3A_293 = arith.addi %mul3A_292, %add3A_290 : i32
        %mul3A_294 = arith.constant 64 : i32
        %mul3A_295 = arith.muli %add3A_293, %mul3A_294 : i32
        %multiple_of3A_296 = tpu.assume_multiple %mul3A_295, 8 : i32
        %dma_start3A_297 = tpu.memref_slice %arg4[%multiple_of3A_296] : memref<163840xi32, #tpu.memory_space<hbm>> -> memref<64xi32, #tpu.memory_space<hbm>>
        %dma_start3A_298 = tpu.memref_slice %arg4[%multiple_of3A_296] : memref<163840xi32, #tpu.memory_space<hbm>> -> memref<64xi32, #tpu.memory_space<hbm>>
        tpu.enqueue_dma source(%dma_start3A_298 : memref<64xi32, #tpu.memory_space<hbm>>) target(%arg9 : memref<64xi32, #tpu.memory_space<vmem>>) target_semaphore(%arg21 : memref<!tpu.dma_semaphore, #tpu.memory_space<semaphore_mem>>)
      } else {
      }
      %dma_wait3A_203 = arith.constant 0 : i32
      %dma_wait3A_204 = tpu.memref_slice %arg5[%dma_wait3A_203] : memref<163840xi32, #tpu.memory_space<hbm>> -> memref<64xi32, #tpu.memory_space<hbm>>
      %dma_wait3A_205 = arith.constant 0 : i32
      %dma_wait3A_206 = tpu.memref_slice %arg5[%dma_wait3A_205] : memref<163840xi32, #tpu.memory_space<hbm>> -> memref<64xi32, #tpu.memory_space<hbm>>
      tpu.wait_dma2 semaphore(%arg25 : memref<!tpu.dma_semaphore, #tpu.memory_space<semaphore_mem>>) src(%dma_wait3A_206 : memref<64xi32, #tpu.memory_space<hbm>>) dst(%arg13 : memref<64xi32, #tpu.memory_space<vmem>>)
      "tpu.region"() ({
        %run_scoped3A = tpu.sem_alloc : memref<!tpu.dma_semaphore, #tpu.memory_space<semaphore_mem>>
        %dma_start3A_289 = arith.constant 0 : i32
        %dma_start3A_290 = arith.constant 0 : i32
        %dma_start3A_291 = tpu.memref_slice %arg8[%dma_start3A_289, %dma_start3A_290] : memref<10240x128xf32, #tpu.memory_space<vmem_shared>> -> memref<10240x128xf32, #tpu.memory_space<vmem_shared>>
        tpu.enqueue_indirect_dma source(%arg17 : memref<64x128xf32, #tpu.memory_space<vmem>>) target(%dma_start3A_291 : memref<10240x128xf32, #tpu.memory_space<vmem_shared>>) offsets(%arg13 : memref<64xi32, #tpu.memory_space<vmem>>) semaphore(%run_scoped3A : memref<!tpu.dma_semaphore, #tpu.memory_space<semaphore_mem>>) {add = true}
        %dma_wait3A_292 = arith.constant 0 : i32
        %dma_wait3A_293 = arith.constant 0 : i32
        %dma_wait3A_294 = tpu.memref_slice %arg8[%dma_wait3A_292, %dma_wait3A_293] : memref<10240x128xf32, #tpu.memory_space<vmem_shared>> -> memref<10240x128xf32, #tpu.memory_space<vmem_shared>>
        tpu.wait_indirect_dma semaphore(%run_scoped3A : memref<!tpu.dma_semaphore, #tpu.memory_space<semaphore_mem>>) src(%arg17 : memref<64x128xf32, #tpu.memory_space<vmem>>) dst(%dma_wait3A_294 : memref<10240x128xf32, #tpu.memory_space<vmem_shared>>)
        tpu.yield
      }) : () -> ()
      %add3A_207 = arith.constant 4 : i32
      %add3A_208 = arith.addi %add3A_193, %add3A_207 : i32
      %lt3A_209 = arith.constant 160 : i32
      %lt3A_210 = arith.cmpi slt, %add3A_208, %lt3A_209 : i32
      %convert_element_type3A_211 = arith.extui %lt3A_210 : i1 to i32
      %cond3A_212 = arith.constant 0 : i32
      %cond3A_213 = arith.cmpi ne, %convert_element_type3A_211, %cond3A_212 : i32
      scf.if %cond3A_213 {
        %add3A_289 = arith.constant 4 : i32
        %add3A_290 = arith.addi %add3A_193, %add3A_289 : i32
        %mul3A_291 = arith.constant 160 : i32
        %mul3A_292 = arith.muli %arg1, %mul3A_291 : i32
        %add3A_293 = arith.addi %mul3A_292, %add3A_290 : i32
        %mul3A_294 = arith.constant 64 : i32
        %mul3A_295 = arith.muli %add3A_293, %mul3A_294 : i32
        %multiple_of3A_296 = tpu.assume_multiple %mul3A_295, 8 : i32
        %dma_start3A_297 = tpu.memref_slice %arg5[%multiple_of3A_296] : memref<163840xi32, #tpu.memory_space<hbm>> -> memref<64xi32, #tpu.memory_space<hbm>>
        %dma_start3A_298 = tpu.memref_slice %arg5[%multiple_of3A_296] : memref<163840xi32, #tpu.memory_space<hbm>> -> memref<64xi32, #tpu.memory_space<hbm>>
        tpu.enqueue_dma source(%dma_start3A_298 : memref<64xi32, #tpu.memory_space<hbm>>) target(%arg13 : memref<64xi32, #tpu.memory_space<vmem>>) target_semaphore(%arg25 : memref<!tpu.dma_semaphore, #tpu.memory_space<semaphore_mem>>)
        %dma_wait3A_299 = arith.constant 0 : i32
        %dma_wait3A_300 = tpu.memref_slice %arg4[%dma_wait3A_299] : memref<163840xi32, #tpu.memory_space<hbm>> -> memref<64xi32, #tpu.memory_space<hbm>>
        %dma_wait3A_301 = arith.constant 0 : i32
        %dma_wait3A_302 = tpu.memref_slice %arg4[%dma_wait3A_301] : memref<163840xi32, #tpu.memory_space<hbm>> -> memref<64xi32, #tpu.memory_space<hbm>>
        tpu.wait_dma2 semaphore(%arg21 : memref<!tpu.dma_semaphore, #tpu.memory_space<semaphore_mem>>) src(%dma_wait3A_302 : memref<64xi32, #tpu.memory_space<hbm>>) dst(%arg9 : memref<64xi32, #tpu.memory_space<vmem>>)
        %eq3A_303 = arith.constant 0 : i32
        %eq3A_304 = arith.cmpi eq, %arg0, %eq3A_303 : i32
        %convert_element_type3A_305 = arith.extui %eq3A_304 : i1 to i32
        %cond3A_306 = arith.constant 0 : i32
        %cond3A_307 = arith.cmpi ne, %convert_element_type3A_305, %cond3A_306 : i32
        scf.if %cond3A_307 {
          %dma_start3A_313 = arith.constant 0 : i32
          %dma_start3A_314 = arith.constant 0 : i32
          %dma_start3A_315 = tpu.memref_slice %arg2[%dma_start3A_313, %dma_start3A_314] : memref<10240x128xf32, #tpu.memory_space<hbm>> -> memref<10240x128xf32, #tpu.memory_space<hbm>>
          tpu.enqueue_indirect_dma source(%dma_start3A_315 : memref<10240x128xf32, #tpu.memory_space<hbm>>) target(%arg17 : memref<64x128xf32, #tpu.memory_space<vmem>>) offsets(%arg9 : memref<64xi32, #tpu.memory_space<vmem>>) semaphore(%arg29 : memref<!tpu.dma_semaphore, #tpu.memory_space<semaphore_mem>>)
        } else {
        }
        %eq3A_308 = arith.constant 1 : i32
        %eq3A_309 = arith.cmpi eq, %arg0, %eq3A_308 : i32
        %convert_element_type3A_310 = arith.extui %eq3A_309 : i1 to i32
        %cond3A_311 = arith.constant 0 : i32
        %cond3A_312 = arith.cmpi ne, %convert_element_type3A_310, %cond3A_311 : i32
        scf.if %cond3A_312 {
          %dma_start3A_313 = arith.constant 0 : i32
          %dma_start3A_314 = arith.constant 0 : i32
          %dma_start3A_315 = tpu.memref_slice %arg3[%dma_start3A_313, %dma_start3A_314] : memref<10240x128xf32, #tpu.memory_space<hbm>> -> memref<10240x128xf32, #tpu.memory_space<hbm>>
          tpu.enqueue_indirect_dma source(%dma_start3A_315 : memref<10240x128xf32, #tpu.memory_space<hbm>>) target(%arg17 : memref<64x128xf32, #tpu.memory_space<vmem>>) offsets(%arg9 : memref<64xi32, #tpu.memory_space<vmem>>) semaphore(%arg29 : memref<!tpu.dma_semaphore, #tpu.memory_space<semaphore_mem>>)
        } else {
        }
      } else {
      }
      %mul3A_214 = arith.constant 4 : i32
      %mul3A_215 = arith.muli %mul3A_214, %scan3A_189 : i32
      %add3A_216 = arith.constant 1 : i32
      %add3A_217 = arith.addi %mul3A_215, %add3A_216 : i32
      %dma_wait3A_218 = arith.constant 0 : i32
      %dma_wait3A_219 = arith.constant 0 : i32
      %dma_wait3A_220 = tpu.memref_slice %arg2[%dma_wait3A_218, %dma_wait3A_219] : memref<10240x128xf32, #tpu.memory_space<hbm>> -> memref<10240x128xf32, #tpu.memory_space<hbm>>
      tpu.wait_indirect_dma semaphore(%arg30 : memref<!tpu.dma_semaphore, #tpu.memory_space<semaphore_mem>>) src(%dma_wait3A_220 : memref<10240x128xf32, #tpu.memory_space<hbm>>) dst(%arg18 : memref<64x128xf32, #tpu.memory_space<vmem>>)
      %add3A_221 = arith.constant 4 : i32
      %add3A_222 = arith.addi %add3A_217, %add3A_221 : i32
      %lt3A_223 = arith.constant 160 : i32
      %lt3A_224 = arith.cmpi slt, %add3A_222, %lt3A_223 : i32
      %convert_element_type3A_225 = arith.extui %lt3A_224 : i1 to i32
      %cond3A_226 = arith.constant 0 : i32
      %cond3A_227 = arith.cmpi ne, %convert_element_type3A_225, %cond3A_226 : i32
      scf.if %cond3A_227 {
        %add3A_289 = arith.constant 4 : i32
        %add3A_290 = arith.addi %add3A_217, %add3A_289 : i32
        %mul3A_291 = arith.constant 160 : i32
        %mul3A_292 = arith.muli %arg1, %mul3A_291 : i32
        %add3A_293 = arith.addi %mul3A_292, %add3A_290 : i32
        %mul3A_294 = arith.constant 64 : i32
        %mul3A_295 = arith.muli %add3A_293, %mul3A_294 : i32
        %multiple_of3A_296 = tpu.assume_multiple %mul3A_295, 8 : i32
        %dma_start3A_297 = tpu.memref_slice %arg4[%multiple_of3A_296] : memref<163840xi32, #tpu.memory_space<hbm>> -> memref<64xi32, #tpu.memory_space<hbm>>
        %dma_start3A_298 = tpu.memref_slice %arg4[%multiple_of3A_296] : memref<163840xi32, #tpu.memory_space<hbm>> -> memref<64xi32, #tpu.memory_space<hbm>>
        tpu.enqueue_dma source(%dma_start3A_298 : memref<64xi32, #tpu.memory_space<hbm>>) target(%arg10 : memref<64xi32, #tpu.memory_space<vmem>>) target_semaphore(%arg22 : memref<!tpu.dma_semaphore, #tpu.memory_space<semaphore_mem>>)
      } else {
      }
      %dma_wait3A_228 = arith.constant 0 : i32
      %dma_wait3A_229 = tpu.memref_slice %arg5[%dma_wait3A_228] : memref<163840xi32, #tpu.memory_space<hbm>> -> memref<64xi32, #tpu.memory_space<hbm>>
      %dma_wait3A_230 = arith.constant 0 : i32
      %dma_wait3A_231 = tpu.memref_slice %arg5[%dma_wait3A_230] : memref<163840xi32, #tpu.memory_space<hbm>> -> memref<64xi32, #tpu.memory_space<hbm>>
      tpu.wait_dma2 semaphore(%arg26 : memref<!tpu.dma_semaphore, #tpu.memory_space<semaphore_mem>>) src(%dma_wait3A_231 : memref<64xi32, #tpu.memory_space<hbm>>) dst(%arg14 : memref<64xi32, #tpu.memory_space<vmem>>)
      "tpu.region"() ({
        %run_scoped3A = tpu.sem_alloc : memref<!tpu.dma_semaphore, #tpu.memory_space<semaphore_mem>>
        %dma_start3A_289 = arith.constant 0 : i32
        %dma_start3A_290 = arith.constant 0 : i32
        %dma_start3A_291 = tpu.memref_slice %arg8[%dma_start3A_289, %dma_start3A_290] : memref<10240x128xf32, #tpu.memory_space<vmem_shared>> -> memref<10240x128xf32, #tpu.memory_space<vmem_shared>>
        tpu.enqueue_indirect_dma source(%arg18 : memref<64x128xf32, #tpu.memory_space<vmem>>) target(%dma_start3A_291 : memref<10240x128xf32, #tpu.memory_space<vmem_shared>>) offsets(%arg14 : memref<64xi32, #tpu.memory_space<vmem>>) semaphore(%run_scoped3A : memref<!tpu.dma_semaphore, #tpu.memory_space<semaphore_mem>>) {add = true}
        %dma_wait3A_292 = arith.constant 0 : i32
        %dma_wait3A_293 = arith.constant 0 : i32
        %dma_wait3A_294 = tpu.memref_slice %arg8[%dma_wait3A_292, %dma_wait3A_293] : memref<10240x128xf32, #tpu.memory_space<vmem_shared>> -> memref<10240x128xf32, #tpu.memory_space<vmem_shared>>
        tpu.wait_indirect_dma semaphore(%run_scoped3A : memref<!tpu.dma_semaphore, #tpu.memory_space<semaphore_mem>>) src(%arg18 : memref<64x128xf32, #tpu.memory_space<vmem>>) dst(%dma_wait3A_294 : memref<10240x128xf32, #tpu.memory_space<vmem_shared>>)
        tpu.yield
      }) : () -> ()
      %add3A_232 = arith.constant 4 : i32
      %add3A_233 = arith.addi %add3A_217, %add3A_232 : i32
      %lt3A_234 = arith.constant 160 : i32
      %lt3A_235 = arith.cmpi slt, %add3A_233, %lt3A_234 : i32
      %convert_element_type3A_236 = arith.extui %lt3A_235 : i1 to i32
      %cond3A_237 = arith.constant 0 : i32
      %cond3A_238 = arith.cmpi ne, %convert_element_type3A_236, %cond3A_237 : i32
      scf.if %cond3A_238 {
        %add3A_289 = arith.constant 4 : i32
        %add3A_290 = arith.addi %add3A_217, %add3A_289 : i32
        %mul3A_291 = arith.constant 160 : i32
        %mul3A_292 = arith.muli %arg1, %mul3A_291 : i32
        %add3A_293 = arith.addi %mul3A_292, %add3A_290 : i32
        %mul3A_294 = arith.constant 64 : i32
        %mul3A_295 = arith.muli %add3A_293, %mul3A_294 : i32
        %multiple_of3A_296 = tpu.assume_multiple %mul3A_295, 8 : i32
        %dma_start3A_297 = tpu.memref_slice %arg5[%multiple_of3A_296] : memref<163840xi32, #tpu.memory_space<hbm>> -> memref<64xi32, #tpu.memory_space<hbm>>
        %dma_start3A_298 = tpu.memref_slice %arg5[%multiple_of3A_296] : memref<163840xi32, #tpu.memory_space<hbm>> -> memref<64xi32, #tpu.memory_space<hbm>>
        tpu.enqueue_dma source(%dma_start3A_298 : memref<64xi32, #tpu.memory_space<hbm>>) target(%arg14 : memref<64xi32, #tpu.memory_space<vmem>>) target_semaphore(%arg26 : memref<!tpu.dma_semaphore, #tpu.memory_space<semaphore_mem>>)
        %dma_wait3A_299 = arith.constant 0 : i32
        %dma_wait3A_300 = tpu.memref_slice %arg4[%dma_wait3A_299] : memref<163840xi32, #tpu.memory_space<hbm>> -> memref<64xi32, #tpu.memory_space<hbm>>
        %dma_wait3A_301 = arith.constant 0 : i32
        %dma_wait3A_302 = tpu.memref_slice %arg4[%dma_wait3A_301] : memref<163840xi32, #tpu.memory_space<hbm>> -> memref<64xi32, #tpu.memory_space<hbm>>
        tpu.wait_dma2 semaphore(%arg22 : memref<!tpu.dma_semaphore, #tpu.memory_space<semaphore_mem>>) src(%dma_wait3A_302 : memref<64xi32, #tpu.memory_space<hbm>>) dst(%arg10 : memref<64xi32, #tpu.memory_space<vmem>>)
        %eq3A_303 = arith.constant 0 : i32
        %eq3A_304 = arith.cmpi eq, %arg0, %eq3A_303 : i32
        %convert_element_type3A_305 = arith.extui %eq3A_304 : i1 to i32
        %cond3A_306 = arith.constant 0 : i32
        %cond3A_307 = arith.cmpi ne, %convert_element_type3A_305, %cond3A_306 : i32
        scf.if %cond3A_307 {
          %dma_start3A_313 = arith.constant 0 : i32
          %dma_start3A_314 = arith.constant 0 : i32
          %dma_start3A_315 = tpu.memref_slice %arg2[%dma_start3A_313, %dma_start3A_314] : memref<10240x128xf32, #tpu.memory_space<hbm>> -> memref<10240x128xf32, #tpu.memory_space<hbm>>
          tpu.enqueue_indirect_dma source(%dma_start3A_315 : memref<10240x128xf32, #tpu.memory_space<hbm>>) target(%arg18 : memref<64x128xf32, #tpu.memory_space<vmem>>) offsets(%arg10 : memref<64xi32, #tpu.memory_space<vmem>>) semaphore(%arg30 : memref<!tpu.dma_semaphore, #tpu.memory_space<semaphore_mem>>)
        } else {
        }
        %eq3A_308 = arith.constant 1 : i32
        %eq3A_309 = arith.cmpi eq, %arg0, %eq3A_308 : i32
        %convert_element_type3A_310 = arith.extui %eq3A_309 : i1 to i32
        %cond3A_311 = arith.constant 0 : i32
        %cond3A_312 = arith.cmpi ne, %convert_element_type3A_310, %cond3A_311 : i32
        scf.if %cond3A_312 {
          %dma_start3A_313 = arith.constant 0 : i32
          %dma_start3A_314 = arith.constant 0 : i32
          %dma_start3A_315 = tpu.memref_slice %arg3[%dma_start3A_313, %dma_start3A_314] : memref<10240x128xf32, #tpu.memory_space<hbm>> -> memref<10240x128xf32, #tpu.memory_space<hbm>>
          tpu.enqueue_indirect_dma source(%dma_start3A_315 : memref<10240x128xf32, #tpu.memory_space<hbm>>) target(%arg18 : memref<64x128xf32, #tpu.memory_space<vmem>>) offsets(%arg10 : memref<64xi32, #tpu.memory_space<vmem>>) semaphore(%arg30 : memref<!tpu.dma_semaphore, #tpu.memory_space<semaphore_mem>>)
        } else {
        }
      } else {
      }
      %mul3A_239 = arith.constant 4 : i32
      %mul3A_240 = arith.muli %mul3A_239, %scan3A_189 : i32
      %add3A_241 = arith.constant 2 : i32
      %add3A_242 = arith.addi %mul3A_240, %add3A_241 : i32
      %dma_wait3A_243 = arith.constant 0 : i32
      %dma_wait3A_244 = arith.constant 0 : i32
      %dma_wait3A_245 = tpu.memref_slice %arg2[%dma_wait3A_243, %dma_wait3A_244] : memref<10240x128xf32, #tpu.memory_space<hbm>> -> memref<10240x128xf32, #tpu.memory_space<hbm>>
      tpu.wait_indirect_dma semaphore(%arg31 : memref<!tpu.dma_semaphore, #tpu.memory_space<semaphore_mem>>) src(%dma_wait3A_245 : memref<10240x128xf32, #tpu.memory_space<hbm>>) dst(%arg19 : memref<64x128xf32, #tpu.memory_space<vmem>>)
      %add3A_246 = arith.constant 4 : i32
      %add3A_247 = arith.addi %add3A_242, %add3A_246 : i32
      %lt3A_248 = arith.constant 160 : i32
      %lt3A_249 = arith.cmpi slt, %add3A_247, %lt3A_248 : i32
      %convert_element_type3A_250 = arith.extui %lt3A_249 : i1 to i32
      %cond3A_251 = arith.constant 0 : i32
      %cond3A_252 = arith.cmpi ne, %convert_element_type3A_250, %cond3A_251 : i32
      scf.if %cond3A_252 {
        %add3A_289 = arith.constant 4 : i32
        %add3A_290 = arith.addi %add3A_242, %add3A_289 : i32
        %mul3A_291 = arith.constant 160 : i32
        %mul3A_292 = arith.muli %arg1, %mul3A_291 : i32
        %add3A_293 = arith.addi %mul3A_292, %add3A_290 : i32
        %mul3A_294 = arith.constant 64 : i32
        %mul3A_295 = arith.muli %add3A_293, %mul3A_294 : i32
        %multiple_of3A_296 = tpu.assume_multiple %mul3A_295, 8 : i32
        %dma_start3A_297 = tpu.memref_slice %arg4[%multiple_of3A_296] : memref<163840xi32, #tpu.memory_space<hbm>> -> memref<64xi32, #tpu.memory_space<hbm>>
        %dma_start3A_298 = tpu.memref_slice %arg4[%multiple_of3A_296] : memref<163840xi32, #tpu.memory_space<hbm>> -> memref<64xi32, #tpu.memory_space<hbm>>
        tpu.enqueue_dma source(%dma_start3A_298 : memref<64xi32, #tpu.memory_space<hbm>>) target(%arg11 : memref<64xi32, #tpu.memory_space<vmem>>) target_semaphore(%arg23 : memref<!tpu.dma_semaphore, #tpu.memory_space<semaphore_mem>>)
      } else {
      }
      %dma_wait3A_253 = arith.constant 0 : i32
      %dma_wait3A_254 = tpu.memref_slice %arg5[%dma_wait3A_253] : memref<163840xi32, #tpu.memory_space<hbm>> -> memref<64xi32, #tpu.memory_space<hbm>>
      %dma_wait3A_255 = arith.constant 0 : i32
      %dma_wait3A_256 = tpu.memref_slice %arg5[%dma_wait3A_255] : memref<163840xi32, #tpu.memory_space<hbm>> -> memref<64xi32, #tpu.memory_space<hbm>>
      tpu.wait_dma2 semaphore(%arg27 : memref<!tpu.dma_semaphore, #tpu.memory_space<semaphore_mem>>) src(%dma_wait3A_256 : memref<64xi32, #tpu.memory_space<hbm>>) dst(%arg15 : memref<64xi32, #tpu.memory_space<vmem>>)
      "tpu.region"() ({
        %run_scoped3A = tpu.sem_alloc : memref<!tpu.dma_semaphore, #tpu.memory_space<semaphore_mem>>
        %dma_start3A_289 = arith.constant 0 : i32
        %dma_start3A_290 = arith.constant 0 : i32
        %dma_start3A_291 = tpu.memref_slice %arg8[%dma_start3A_289, %dma_start3A_290] : memref<10240x128xf32, #tpu.memory_space<vmem_shared>> -> memref<10240x128xf32, #tpu.memory_space<vmem_shared>>
        tpu.enqueue_indirect_dma source(%arg19 : memref<64x128xf32, #tpu.memory_space<vmem>>) target(%dma_start3A_291 : memref<10240x128xf32, #tpu.memory_space<vmem_shared>>) offsets(%arg15 : memref<64xi32, #tpu.memory_space<vmem>>) semaphore(%run_scoped3A : memref<!tpu.dma_semaphore, #tpu.memory_space<semaphore_mem>>) {add = true}
        %dma_wait3A_292 = arith.constant 0 : i32
        %dma_wait3A_293 = arith.constant 0 : i32
        %dma_wait3A_294 = tpu.memref_slice %arg8[%dma_wait3A_292, %dma_wait3A_293] : memref<10240x128xf32, #tpu.memory_space<vmem_shared>> -> memref<10240x128xf32, #tpu.memory_space<vmem_shared>>
        tpu.wait_indirect_dma semaphore(%run_scoped3A : memref<!tpu.dma_semaphore, #tpu.memory_space<semaphore_mem>>) src(%arg19 : memref<64x128xf32, #tpu.memory_space<vmem>>) dst(%dma_wait3A_294 : memref<10240x128xf32, #tpu.memory_space<vmem_shared>>)
        tpu.yield
      }) : () -> ()
      %add3A_257 = arith.constant 4 : i32
      %add3A_258 = arith.addi %add3A_242, %add3A_257 : i32
      %lt3A_259 = arith.constant 160 : i32
      %lt3A_260 = arith.cmpi slt, %add3A_258, %lt3A_259 : i32
      %convert_element_type3A_261 = arith.extui %lt3A_260 : i1 to i32
      %cond3A_262 = arith.constant 0 : i32
      %cond3A_263 = arith.cmpi ne, %convert_element_type3A_261, %cond3A_262 : i32
      scf.if %cond3A_263 {
        %add3A_289 = arith.constant 4 : i32
        %add3A_290 = arith.addi %add3A_242, %add3A_289 : i32
        %mul3A_291 = arith.constant 160 : i32
        %mul3A_292 = arith.muli %arg1, %mul3A_291 : i32
        %add3A_293 = arith.addi %mul3A_292, %add3A_290 : i32
        %mul3A_294 = arith.constant 64 : i32
        %mul3A_295 = arith.muli %add3A_293, %mul3A_294 : i32
        %multiple_of3A_296 = tpu.assume_multiple %mul3A_295, 8 : i32
        %dma_start3A_297 = tpu.memref_slice %arg5[%multiple_of3A_296] : memref<163840xi32, #tpu.memory_space<hbm>> -> memref<64xi32, #tpu.memory_space<hbm>>
        %dma_start3A_298 = tpu.memref_slice %arg5[%multiple_of3A_296] : memref<163840xi32, #tpu.memory_space<hbm>> -> memref<64xi32, #tpu.memory_space<hbm>>
        tpu.enqueue_dma source(%dma_start3A_298 : memref<64xi32, #tpu.memory_space<hbm>>) target(%arg15 : memref<64xi32, #tpu.memory_space<vmem>>) target_semaphore(%arg27 : memref<!tpu.dma_semaphore, #tpu.memory_space<semaphore_mem>>)
        %dma_wait3A_299 = arith.constant 0 : i32
        %dma_wait3A_300 = tpu.memref_slice %arg4[%dma_wait3A_299] : memref<163840xi32, #tpu.memory_space<hbm>> -> memref<64xi32, #tpu.memory_space<hbm>>
        %dma_wait3A_301 = arith.constant 0 : i32
        %dma_wait3A_302 = tpu.memref_slice %arg4[%dma_wait3A_301] : memref<163840xi32, #tpu.memory_space<hbm>> -> memref<64xi32, #tpu.memory_space<hbm>>
        tpu.wait_dma2 semaphore(%arg23 : memref<!tpu.dma_semaphore, #tpu.memory_space<semaphore_mem>>) src(%dma_wait3A_302 : memref<64xi32, #tpu.memory_space<hbm>>) dst(%arg11 : memref<64xi32, #tpu.memory_space<vmem>>)
        %eq3A_303 = arith.constant 0 : i32
        %eq3A_304 = arith.cmpi eq, %arg0, %eq3A_303 : i32
        %convert_element_type3A_305 = arith.extui %eq3A_304 : i1 to i32
        %cond3A_306 = arith.constant 0 : i32
        %cond3A_307 = arith.cmpi ne, %convert_element_type3A_305, %cond3A_306 : i32
        scf.if %cond3A_307 {
          %dma_start3A_313 = arith.constant 0 : i32
          %dma_start3A_314 = arith.constant 0 : i32
          %dma_start3A_315 = tpu.memref_slice %arg2[%dma_start3A_313, %dma_start3A_314] : memref<10240x128xf32, #tpu.memory_space<hbm>> -> memref<10240x128xf32, #tpu.memory_space<hbm>>
          tpu.enqueue_indirect_dma source(%dma_start3A_315 : memref<10240x128xf32, #tpu.memory_space<hbm>>) target(%arg19 : memref<64x128xf32, #tpu.memory_space<vmem>>) offsets(%arg11 : memref<64xi32, #tpu.memory_space<vmem>>) semaphore(%arg31 : memref<!tpu.dma_semaphore, #tpu.memory_space<semaphore_mem>>)
        } else {
        }
        %eq3A_308 = arith.constant 1 : i32
        %eq3A_309 = arith.cmpi eq, %arg0, %eq3A_308 : i32
        %convert_element_type3A_310 = arith.extui %eq3A_309 : i1 to i32
        %cond3A_311 = arith.constant 0 : i32
        %cond3A_312 = arith.cmpi ne, %convert_element_type3A_310, %cond3A_311 : i32
        scf.if %cond3A_312 {
          %dma_start3A_313 = arith.constant 0 : i32
          %dma_start3A_314 = arith.constant 0 : i32
          %dma_start3A_315 = tpu.memref_slice %arg3[%dma_start3A_313, %dma_start3A_314] : memref<10240x128xf32, #tpu.memory_space<hbm>> -> memref<10240x128xf32, #tpu.memory_space<hbm>>
          tpu.enqueue_indirect_dma source(%dma_start3A_315 : memref<10240x128xf32, #tpu.memory_space<hbm>>) target(%arg19 : memref<64x128xf32, #tpu.memory_space<vmem>>) offsets(%arg11 : memref<64xi32, #tpu.memory_space<vmem>>) semaphore(%arg31 : memref<!tpu.dma_semaphore, #tpu.memory_space<semaphore_mem>>)
        } else {
        }
      } else {
      }
      %mul3A_264 = arith.constant 4 : i32
      %mul3A_265 = arith.muli %mul3A_264, %scan3A_189 : i32
      %add3A_266 = arith.constant 3 : i32
      %add3A_267 = arith.addi %mul3A_265, %add3A_266 : i32
      %dma_wait3A_268 = arith.constant 0 : i32
      %dma_wait3A_269 = arith.constant 0 : i32
      %dma_wait3A_270 = tpu.memref_slice %arg2[%dma_wait3A_268, %dma_wait3A_269] : memref<10240x128xf32, #tpu.memory_space<hbm>> -> memref<10240x128xf32, #tpu.memory_space<hbm>>
      tpu.wait_indirect_dma semaphore(%arg32 : memref<!tpu.dma_semaphore, #tpu.memory_space<semaphore_mem>>) src(%dma_wait3A_270 : memref<10240x128xf32, #tpu.memory_space<hbm>>) dst(%arg20 : memref<64x128xf32, #tpu.memory_space<vmem>>)
      %add3A_271 = arith.constant 4 : i32
      %add3A_272 = arith.addi %add3A_267, %add3A_271 : i32
      %lt3A_273 = arith.constant 160 : i32
      %lt3A_274 = arith.cmpi slt, %add3A_272, %lt3A_273 : i32
      %convert_element_type3A_275 = arith.extui %lt3A_274 : i1 to i32
      %cond3A_276 = arith.constant 0 : i32
      %cond3A_277 = arith.cmpi ne, %convert_element_type3A_275, %cond3A_276 : i32
      scf.if %cond3A_277 {
        %add3A_289 = arith.constant 4 : i32
        %add3A_290 = arith.addi %add3A_267, %add3A_289 : i32
        %mul3A_291 = arith.constant 160 : i32
        %mul3A_292 = arith.muli %arg1, %mul3A_291 : i32
        %add3A_293 = arith.addi %mul3A_292, %add3A_290 : i32
        %mul3A_294 = arith.constant 64 : i32
        %mul3A_295 = arith.muli %add3A_293, %mul3A_294 : i32
        %multiple_of3A_296 = tpu.assume_multiple %mul3A_295, 8 : i32
        %dma_start3A_297 = tpu.memref_slice %arg4[%multiple_of3A_296] : memref<163840xi32, #tpu.memory_space<hbm>> -> memref<64xi32, #tpu.memory_space<hbm>>
        %dma_start3A_298 = tpu.memref_slice %arg4[%multiple_of3A_296] : memref<163840xi32, #tpu.memory_space<hbm>> -> memref<64xi32, #tpu.memory_space<hbm>>
        tpu.enqueue_dma source(%dma_start3A_298 : memref<64xi32, #tpu.memory_space<hbm>>) target(%arg12 : memref<64xi32, #tpu.memory_space<vmem>>) target_semaphore(%arg24 : memref<!tpu.dma_semaphore, #tpu.memory_space<semaphore_mem>>)
      } else {
      }
      %dma_wait3A_278 = arith.constant 0 : i32
      %dma_wait3A_279 = tpu.memref_slice %arg5[%dma_wait3A_278] : memref<163840xi32, #tpu.memory_space<hbm>> -> memref<64xi32, #tpu.memory_space<hbm>>
      %dma_wait3A_280 = arith.constant 0 : i32
      %dma_wait3A_281 = tpu.memref_slice %arg5[%dma_wait3A_280] : memref<163840xi32, #tpu.memory_space<hbm>> -> memref<64xi32, #tpu.memory_space<hbm>>
      tpu.wait_dma2 semaphore(%arg28 : memref<!tpu.dma_semaphore, #tpu.memory_space<semaphore_mem>>) src(%dma_wait3A_281 : memref<64xi32, #tpu.memory_space<hbm>>) dst(%arg16 : memref<64xi32, #tpu.memory_space<vmem>>)
      "tpu.region"() ({
        %run_scoped3A = tpu.sem_alloc : memref<!tpu.dma_semaphore, #tpu.memory_space<semaphore_mem>>
        %dma_start3A_289 = arith.constant 0 : i32
        %dma_start3A_290 = arith.constant 0 : i32
        %dma_start3A_291 = tpu.memref_slice %arg8[%dma_start3A_289, %dma_start3A_290] : memref<10240x128xf32, #tpu.memory_space<vmem_shared>> -> memref<10240x128xf32, #tpu.memory_space<vmem_shared>>
        tpu.enqueue_indirect_dma source(%arg20 : memref<64x128xf32, #tpu.memory_space<vmem>>) target(%dma_start3A_291 : memref<10240x128xf32, #tpu.memory_space<vmem_shared>>) offsets(%arg16 : memref<64xi32, #tpu.memory_space<vmem>>) semaphore(%run_scoped3A : memref<!tpu.dma_semaphore, #tpu.memory_space<semaphore_mem>>) {add = true}
        %dma_wait3A_292 = arith.constant 0 : i32
        %dma_wait3A_293 = arith.constant 0 : i32
        %dma_wait3A_294 = tpu.memref_slice %arg8[%dma_wait3A_292, %dma_wait3A_293] : memref<10240x128xf32, #tpu.memory_space<vmem_shared>> -> memref<10240x128xf32, #tpu.memory_space<vmem_shared>>
        tpu.wait_indirect_dma semaphore(%run_scoped3A : memref<!tpu.dma_semaphore, #tpu.memory_space<semaphore_mem>>) src(%arg20 : memref<64x128xf32, #tpu.memory_space<vmem>>) dst(%dma_wait3A_294 : memref<10240x128xf32, #tpu.memory_space<vmem_shared>>)
        tpu.yield
      }) : () -> ()
      %add3A_282 = arith.constant 4 : i32
      %add3A_283 = arith.addi %add3A_267, %add3A_282 : i32
      %lt3A_284 = arith.constant 160 : i32
      %lt3A_285 = arith.cmpi slt, %add3A_283, %lt3A_284 : i32
      %convert_element_type3A_286 = arith.extui %lt3A_285 : i1 to i32
      %cond3A_287 = arith.constant 0 : i32
      %cond3A_288 = arith.cmpi ne, %convert_element_type3A_286, %cond3A_287 : i32
      scf.if %cond3A_288 {
        %add3A_289 = arith.constant 4 : i32
        %add3A_290 = arith.addi %add3A_267, %add3A_289 : i32
        %mul3A_291 = arith.constant 160 : i32
        %mul3A_292 = arith.muli %arg1, %mul3A_291 : i32
        %add3A_293 = arith.addi %mul3A_292, %add3A_290 : i32
        %mul3A_294 = arith.constant 64 : i32
        %mul3A_295 = arith.muli %add3A_293, %mul3A_294 : i32
        %multiple_of3A_296 = tpu.assume_multiple %mul3A_295, 8 : i32
        %dma_start3A_297 = tpu.memref_slice %arg5[%multiple_of3A_296] : memref<163840xi32, #tpu.memory_space<hbm>> -> memref<64xi32, #tpu.memory_space<hbm>>
        %dma_start3A_298 = tpu.memref_slice %arg5[%multiple_of3A_296] : memref<163840xi32, #tpu.memory_space<hbm>> -> memref<64xi32, #tpu.memory_space<hbm>>
        tpu.enqueue_dma source(%dma_start3A_298 : memref<64xi32, #tpu.memory_space<hbm>>) target(%arg16 : memref<64xi32, #tpu.memory_space<vmem>>) target_semaphore(%arg28 : memref<!tpu.dma_semaphore, #tpu.memory_space<semaphore_mem>>)
        %dma_wait3A_299 = arith.constant 0 : i32
        %dma_wait3A_300 = tpu.memref_slice %arg4[%dma_wait3A_299] : memref<163840xi32, #tpu.memory_space<hbm>> -> memref<64xi32, #tpu.memory_space<hbm>>
        %dma_wait3A_301 = arith.constant 0 : i32
        %dma_wait3A_302 = tpu.memref_slice %arg4[%dma_wait3A_301] : memref<163840xi32, #tpu.memory_space<hbm>> -> memref<64xi32, #tpu.memory_space<hbm>>
        tpu.wait_dma2 semaphore(%arg24 : memref<!tpu.dma_semaphore, #tpu.memory_space<semaphore_mem>>) src(%dma_wait3A_302 : memref<64xi32, #tpu.memory_space<hbm>>) dst(%arg12 : memref<64xi32, #tpu.memory_space<vmem>>)
        %eq3A_303 = arith.constant 0 : i32
        %eq3A_304 = arith.cmpi eq, %arg0, %eq3A_303 : i32
        %convert_element_type3A_305 = arith.extui %eq3A_304 : i1 to i32
        %cond3A_306 = arith.constant 0 : i32
        %cond3A_307 = arith.cmpi ne, %convert_element_type3A_305, %cond3A_306 : i32
        scf.if %cond3A_307 {
          %dma_start3A_313 = arith.constant 0 : i32
          %dma_start3A_314 = arith.constant 0 : i32
          %dma_start3A_315 = tpu.memref_slice %arg2[%dma_start3A_313, %dma_start3A_314] : memref<10240x128xf32, #tpu.memory_space<hbm>> -> memref<10240x128xf32, #tpu.memory_space<hbm>>
          tpu.enqueue_indirect_dma source(%dma_start3A_315 : memref<10240x128xf32, #tpu.memory_space<hbm>>) target(%arg20 : memref<64x128xf32, #tpu.memory_space<vmem>>) offsets(%arg12 : memref<64xi32, #tpu.memory_space<vmem>>) semaphore(%arg32 : memref<!tpu.dma_semaphore, #tpu.memory_space<semaphore_mem>>)
        } else {
        }
        %eq3A_308 = arith.constant 1 : i32
        %eq3A_309 = arith.cmpi eq, %arg0, %eq3A_308 : i32
        %convert_element_type3A_310 = arith.extui %eq3A_309 : i1 to i32
        %cond3A_311 = arith.constant 0 : i32
        %cond3A_312 = arith.cmpi ne, %convert_element_type3A_310, %cond3A_311 : i32
        scf.if %cond3A_312 {
          %dma_start3A_313 = arith.constant 0 : i32
          %dma_start3A_314 = arith.constant 0 : i32
          %dma_start3A_315 = tpu.memref_slice %arg3[%dma_start3A_313, %dma_start3A_314] : memref<10240x128xf32, #tpu.memory_space<hbm>> -> memref<10240x128xf32, #tpu.memory_space<hbm>>
          tpu.enqueue_indirect_dma source(%dma_start3A_315 : memref<10240x128xf32, #tpu.memory_space<hbm>>) target(%arg20 : memref<64x128xf32, #tpu.memory_space<vmem>>) offsets(%arg12 : memref<64xi32, #tpu.memory_space<vmem>>) semaphore(%arg32 : memref<!tpu.dma_semaphore, #tpu.memory_space<semaphore_mem>>)
        } else {
        }
      } else {
      }
    }
    %scan3A_174 = arith.constant 40 : i32
    %barrier3A_175 = arith.constant 0 : index
    tpu.barrier barrier_id(%barrier3A_175)
    %mul3A_176 = arith.constant 640 : i32
    %mul3A_177 = arith.muli %arg1, %mul3A_176 : i32
    %multiple_of3A_178 = tpu.assume_multiple %mul3A_177, 8 : i32
    %eq3A_179 = arith.constant 0 : i32
    %eq3A_180 = arith.cmpi eq, %arg0, %eq3A_179 : i32
    %convert_element_type3A_181 = arith.extui %eq3A_180 : i1 to i32
    %cond3A_182 = arith.constant 0 : i32
    %cond3A_183 = arith.cmpi ne, %convert_element_type3A_181, %cond3A_182 : i32
    scf.if %cond3A_183 {
      %run_scoped3A = arith.constant 0 : i32
      "tpu.region"() ({
        %run_scoped3A_189 = tpu.sem_alloc : memref<!tpu.dma_semaphore, #tpu.memory_space<semaphore_mem>>
        %dma_start3A_190 = arith.constant 0 : i32
        %dma_start3A_191 = tpu.memref_slice %arg7[%run_scoped3A, %multiple_of3A_178, %dma_start3A_190] : memref<2x10240x128xf32, #tpu.memory_space<hbm>> -> memref<1x640x128xf32, #tpu.memory_space<hbm>>
        %dma_start3A_192 = tpu.memref_squeeze %dma_start3A_191 : memref<1x640x128xf32, #tpu.memory_space<hbm>> -> memref<640x128xf32, #tpu.memory_space<hbm>>
        %dma_start3A_193 = arith.constant 0 : i32
        %dma_start3A_194 = tpu.memref_slice %arg8[%multiple_of3A_178, %dma_start3A_193] : memref<10240x128xf32, #tpu.memory_space<vmem_shared>> -> memref<640x128xf32, #tpu.memory_space<vmem_shared>>
        tpu.enqueue_dma source(%dma_start3A_194 : memref<640x128xf32, #tpu.memory_space<vmem_shared>>) target(%dma_start3A_192 : memref<640x128xf32, #tpu.memory_space<hbm>>) target_semaphore(%run_scoped3A_189 : memref<!tpu.dma_semaphore, #tpu.memory_space<semaphore_mem>>)
        %dma_wait3A_195 = arith.constant 0 : i32
        %dma_wait3A_196 = tpu.memref_slice %arg7[%run_scoped3A, %multiple_of3A_178, %dma_wait3A_195] : memref<2x10240x128xf32, #tpu.memory_space<hbm>> -> memref<1x640x128xf32, #tpu.memory_space<hbm>>
        %dma_wait3A_197 = tpu.memref_squeeze %dma_wait3A_196 : memref<1x640x128xf32, #tpu.memory_space<hbm>> -> memref<640x128xf32, #tpu.memory_space<hbm>>
        %dma_wait3A_198 = arith.constant 0 : i32
        %dma_wait3A_199 = tpu.memref_slice %arg8[%multiple_of3A_178, %dma_wait3A_198] : memref<10240x128xf32, #tpu.memory_space<vmem_shared>> -> memref<640x128xf32, #tpu.memory_space<vmem_shared>>
        tpu.wait_dma2 semaphore(%run_scoped3A_189 : memref<!tpu.dma_semaphore, #tpu.memory_space<semaphore_mem>>) src(%dma_wait3A_199 : memref<640x128xf32, #tpu.memory_space<vmem_shared>>) dst(%dma_wait3A_197 : memref<640x128xf32, #tpu.memory_space<hbm>>)
        tpu.yield
      }) : () -> ()
    } else {
    }
    %eq3A_184 = arith.constant 1 : i32
    %eq3A_185 = arith.cmpi eq, %arg0, %eq3A_184 : i32
    %convert_element_type3A_186 = arith.extui %eq3A_185 : i1 to i32
    %cond3A_187 = arith.constant 0 : i32
    %cond3A_188 = arith.cmpi ne, %convert_element_type3A_186, %cond3A_187 : i32
    scf.if %cond3A_188 {
      %run_scoped3A = arith.constant 1 : i32
      "tpu.region"() ({
        %run_scoped3A_189 = tpu.sem_alloc : memref<!tpu.dma_semaphore, #tpu.memory_space<semaphore_mem>>
        %dma_start3A_190 = arith.constant 0 : i32
        %dma_start3A_191 = tpu.memref_slice %arg7[%run_scoped3A, %multiple_of3A_178, %dma_start3A_190] : memref<2x10240x128xf32, #tpu.memory_space<hbm>> -> memref<1x640x128xf32, #tpu.memory_space<hbm>>
        %dma_start3A_192 = tpu.memref_squeeze %dma_start3A_191 : memref<1x640x128xf32, #tpu.memory_space<hbm>> -> memref<640x128xf32, #tpu.memory_space<hbm>>
        %dma_start3A_193 = arith.constant 0 : i32
        %dma_start3A_194 = tpu.memref_slice %arg8[%multiple_of3A_178, %dma_start3A_193] : memref<10240x128xf32, #tpu.memory_space<vmem_shared>> -> memref<640x128xf32, #tpu.memory_space<vmem_shared>>
        tpu.enqueue_dma source(%dma_start3A_194 : memref<640x128xf32, #tpu.memory_space<vmem_shared>>) target(%dma_start3A_192 : memref<640x128xf32, #tpu.memory_space<hbm>>) target_semaphore(%run_scoped3A_189 : memref<!tpu.dma_semaphore, #tpu.memory_space<semaphore_mem>>)
        %dma_wait3A_195 = arith.constant 0 : i32
        %dma_wait3A_196 = tpu.memref_slice %arg7[%run_scoped3A, %multiple_of3A_178, %dma_wait3A_195] : memref<2x10240x128xf32, #tpu.memory_space<hbm>> -> memref<1x640x128xf32, #tpu.memory_space<hbm>>
        %dma_wait3A_197 = tpu.memref_squeeze %dma_wait3A_196 : memref<1x640x128xf32, #tpu.memory_space<hbm>> -> memref<640x128xf32, #tpu.memory_space<hbm>>
        %dma_wait3A_198 = arith.constant 0 : i32
        %dma_wait3A_199 = tpu.memref_slice %arg8[%multiple_of3A_178, %dma_wait3A_198] : memref<10240x128xf32, #tpu.memory_space<vmem_shared>> -> memref<640x128xf32, #tpu.memory_space<vmem_shared>>
        tpu.wait_dma2 semaphore(%run_scoped3A_189 : memref<!tpu.dma_semaphore, #tpu.memory_space<semaphore_mem>>) src(%dma_wait3A_199 : memref<640x128xf32, #tpu.memory_space<vmem_shared>>) dst(%dma_wait3A_197 : memref<640x128xf32, #tpu.memory_space<hbm>>)
        tpu.yield
      }) : () -> ()
    } else {
    }
    return
  }
}

#map = affine_map<(d0, d1) -> (0, 0)>
#map1 = affine_map<(d0, d1) -> (0)>
#map2 = affine_map<(d0, d1) -> (0, 0, 0)>
module attributes {stable_mosaic.version = 14 : i64} {
  func.func @body(%arg0: i32, %arg1: i32, %arg2: memref<10240x128xf32, #tpu.memory_space<hbm>>, %arg3: memref<10240x128xf32, #tpu.memory_space<hbm>>, %arg4: memref<163840xi32, #tpu.memory_space<hbm>>, %arg5: memref<163840xi32, #tpu.memory_space<hbm>>, %arg6: memref<64x128xf32, #tpu.memory_space<hbm>>, %arg7: memref<2x10240x128xf32, #tpu.memory_space<hbm>>, %arg8: memref<10240x128xf32, #tpu.memory_space<vmem_shared>>, %arg9: memref<64xi32, #tpu.memory_space<vmem>>, %arg10: memref<64xi32, #tpu.memory_space<vmem>>, %arg11: memref<64xi32, #tpu.memory_space<vmem>>, %arg12: memref<64xi32, #tpu.memory_space<vmem>>, %arg13: memref<64xi32, #tpu.memory_space<vmem>>, %arg14: memref<64xi32, #tpu.memory_space<vmem>>, %arg15: memref<64xi32, #tpu.memory_space<vmem>>, %arg16: memref<64xi32, #tpu.memory_space<vmem>>, %arg17: memref<64x128xf32, #tpu.memory_space<vmem>>, %arg18: memref<64x128xf32, #tpu.memory_space<vmem>>, %arg19: memref<64x128xf32, #tpu.memory_space<vmem>>, %arg20: memref<64x128xf32, #tpu.memory_space<vmem>>, %arg21: memref<!tpu.dma_semaphore, #tpu.memory_space<semaphore_mem>>, %arg22: memref<!tpu.dma_semaphore, #tpu.memory_space<semaphore_mem>>, %arg23: memref<!tpu.dma_semaphore, #tpu.memory_space<semaphore_mem>>, %arg24: memref<!tpu.dma_semaphore, #tpu.memory_space<semaphore_mem>>, %arg25: memref<!tpu.dma_semaphore, #tpu.memory_space<semaphore_mem>>, %arg26: memref<!tpu.dma_semaphore, #tpu.memory_space<semaphore_mem>>, %arg27: memref<!tpu.dma_semaphore, #tpu.memory_space<semaphore_mem>>, %arg28: memref<!tpu.dma_semaphore, #tpu.memory_space<semaphore_mem>>, %arg29: memref<!tpu.dma_semaphore, #tpu.memory_space<semaphore_mem>>, %arg30: memref<!tpu.dma_semaphore, #tpu.memory_space<semaphore_mem>>, %arg31: memref<!tpu.dma_semaphore, #tpu.memory_space<semaphore_mem>>, %arg32: memref<!tpu.dma_semaphore, #tpu.memory_space<semaphore_mem>>) attributes {dimension_semantics = [#tpu.dimension_semantics<core_parallel>, #tpu.dimension_semantics<subcore_parallel>], iteration_bounds = array<i64: 2, 16>, scalar_prefetch = 0 : i64, scratch_operands = 25 : i64, tpu.core_type = #tpu.core_type<sc_vector_subcore>, window_params = [{transform_indices = #map}, {transform_indices = #map}, {transform_indices = #map1}, {transform_indices = #map1}, {transform_indices = #map}, {transform_indices = #map2}]} {
    "tpu.region"() ({
      %run_scoped3A = tpu.sem_alloc : memref<!tpu.dma_semaphore, #tpu.memory_space<semaphore_mem>>
      tpu.enqueue_dma source(%arg6 : memref<64x128xf32, #tpu.memory_space<hbm>>) target(%arg17 : memref<64x128xf32, #tpu.memory_space<vmem>>) target_semaphore(%run_scoped3A : memref<!tpu.dma_semaphore, #tpu.memory_space<semaphore_mem>>)
      tpu.wait_dma2 semaphore(%run_scoped3A : memref<!tpu.dma_semaphore, #tpu.memory_space<semaphore_mem>>) src(%arg6 : memref<64x128xf32, #tpu.memory_space<hbm>>) dst(%arg17 : memref<64x128xf32, #tpu.memory_space<vmem>>)
      tpu.yield
    }) : () -> ()
    %mul3A = arith.constant 640 : i32
    %mul3A_0 = arith.muli %arg1, %mul3A : i32
    %add3A = arith.constant 0 : i32
    %add3A_1 = arith.addi %mul3A_0, %add3A : i32
    %multiple_of3A = tpu.assume_multiple %add3A_1, 64 : i32
    "tpu.region"() ({
      %run_scoped3A = tpu.sem_alloc : memref<!tpu.dma_semaphore, #tpu.memory_space<semaphore_mem>>
      %dma_start3A_189 = arith.constant 0 : i32
      %dma_start3A_190 = tpu.memref_slice %arg8[%multiple_of3A, %dma_start3A_189] : memref<10240x128xf32, #tpu.memory_space<vmem_shared>> -> memref<64x128xf32, #tpu.memory_space<vmem_shared>>
      %dma_start3A_191 = arith.constant 0 : i32
      %dma_start3A_192 = tpu.memref_slice %arg8[%multiple_of3A, %dma_start3A_191] : memref<10240x128xf32, #tpu.memory_space<vmem_shared>> -> memref<64x128xf32, #tpu.memory_space<vmem_shared>>
      tpu.enqueue_dma source(%arg17 : memref<64x128xf32, #tpu.memory_space<vmem>>) target(%dma_start3A_192 : memref<64x128xf32, #tpu.memory_space<vmem_shared>>) target_semaphore(%run_scoped3A : memref<!tpu.dma_semaphore, #tpu.memory_space<semaphore_mem>>)
      %dma_wait3A_193 = arith.constant 0 : i32
      %dma_wait3A_194 = tpu.memref_slice %arg8[%multiple_of3A, %dma_wait3A_193] : memref<10240x128xf32, #tpu.memory_space<vmem_shared>> -> memref<64x128xf32, #tpu.memory_space<vmem_shared>>
      %dma_wait3A_195 = arith.constant 0 : i32
      %dma_wait3A_196 = tpu.memref_slice %arg8[%multiple_of3A, %dma_wait3A_195] : memref<10240x128xf32, #tpu.memory_space<vmem_shared>> -> memref<64x128xf32, #tpu.memory_space<vmem_shared>>
      tpu.wait_dma2 semaphore(%run_scoped3A : memref<!tpu.dma_semaphore, #tpu.memory_space<semaphore_mem>>) src(%arg17 : memref<64x128xf32, #tpu.memory_space<vmem>>) dst(%dma_wait3A_196 : memref<64x128xf32, #tpu.memory_space<vmem_shared>>)
      tpu.yield
    }) : () -> ()
    %mul3A_2 = arith.constant 640 : i32
    %mul3A_3 = arith.muli %arg1, %mul3A_2 : i32
    %add3A_4 = arith.constant 64 : i32
    %add3A_5 = arith.addi %mul3A_3, %add3A_4 : i32
    %multiple_of3A_6 = tpu.assume_multiple %add3A_5, 64 : i32
    "tpu.region"() ({
      %run_scoped3A = tpu.sem_alloc : memref<!tpu.dma_semaphore, #tpu.memory_space<semaphore_mem>>
      %dma_start3A_189 = arith.constant 0 : i32
      %dma_start3A_190 = tpu.memref_slice %arg8[%multiple_of3A_6, %dma_start3A_189] : memref<10240x128xf32, #tpu.memory_space<vmem_shared>> -> memref<64x128xf32, #tpu.memory_space<vmem_shared>>
      %dma_start3A_191 = arith.constant 0 : i32
      %dma_start3A_192 = tpu.memref_slice %arg8[%multiple_of3A_6, %dma_start3A_191] : memref<10240x128xf32, #tpu.memory_space<vmem_shared>> -> memref<64x128xf32, #tpu.memory_space<vmem_shared>>
      tpu.enqueue_dma source(%arg17 : memref<64x128xf32, #tpu.memory_space<vmem>>) target(%dma_start3A_192 : memref<64x128xf32, #tpu.memory_space<vmem_shared>>) target_semaphore(%run_scoped3A : memref<!tpu.dma_semaphore, #tpu.memory_space<semaphore_mem>>)
      %dma_wait3A_193 = arith.constant 0 : i32
      %dma_wait3A_194 = tpu.memref_slice %arg8[%multiple_of3A_6, %dma_wait3A_193] : memref<10240x128xf32, #tpu.memory_space<vmem_shared>> -> memref<64x128xf32, #tpu.memory_space<vmem_shared>>
      %dma_wait3A_195 = arith.constant 0 : i32
      %dma_wait3A_196 = tpu.memref_slice %arg8[%multiple_of3A_6, %dma_wait3A_195] : memref<10240x128xf32, #tpu.memory_space<vmem_shared>> -> memref<64x128xf32, #tpu.memory_space<vmem_shared>>
      tpu.wait_dma2 semaphore(%run_scoped3A : memref<!tpu.dma_semaphore, #tpu.memory_space<semaphore_mem>>) src(%arg17 : memref<64x128xf32, #tpu.memory_space<vmem>>) dst(%dma_wait3A_196 : memref<64x128xf32, #tpu.memory_space<vmem_shared>>)
      tpu.yield
    }) : () -> ()
    %mul3A_7 = arith.constant 640 : i32
    %mul3A_8 = arith.muli %arg1, %mul3A_7 : i32
    %add3A_9 = arith.constant 128 : i32
    %add3A_10 = arith.addi %mul3A_8, %add3A_9 : i32
    %multiple_of3A_11 = tpu.assume_multiple %add3A_10, 64 : i32
    "tpu.region"() ({
      %run_scoped3A = tpu.sem_alloc : memref<!tpu.dma_semaphore, #tpu.memory_space<semaphore_mem>>
      %dma_start3A_189 = arith.constant 0 : i32
      %dma_start3A_190 = tpu.memref_slice %arg8[%multiple_of3A_11, %dma_start3A_189] : memref<10240x128xf32, #tpu.memory_space<vmem_shared>> -> memref<64x128xf32, #tpu.memory_space<vmem_shared>>
      %dma_start3A_191 = arith.constant 0 : i32
      %dma_start3A_192 = tpu.memref_slice %arg8[%multiple_of3A_11, %dma_start3A_191] : memref<10240x128xf32, #tpu.memory_space<vmem_shared>> -> memref<64x128xf32, #tpu.memory_space<vmem_shared>>
      tpu.enqueue_dma source(%arg17 : memref<64x128xf32, #tpu.memory_space<vmem>>) target(%dma_start3A_192 : memref<64x128xf32, #tpu.memory_space<vmem_shared>>) target_semaphore(%run_scoped3A : memref<!tpu.dma_semaphore, #tpu.memory_space<semaphore_mem>>)
      %dma_wait3A_193 = arith.constant 0 : i32
      %dma_wait3A_194 = tpu.memref_slice %arg8[%multiple_of3A_11, %dma_wait3A_193] : memref<10240x128xf32, #tpu.memory_space<vmem_shared>> -> memref<64x128xf32, #tpu.memory_space<vmem_shared>>
      %dma_wait3A_195 = arith.constant 0 : i32
      %dma_wait3A_196 = tpu.memref_slice %arg8[%multiple_of3A_11, %dma_wait3A_195] : memref<10240x128xf32, #tpu.memory_space<vmem_shared>> -> memref<64x128xf32, #tpu.memory_space<vmem_shared>>
      tpu.wait_dma2 semaphore(%run_scoped3A : memref<!tpu.dma_semaphore, #tpu.memory_space<semaphore_mem>>) src(%arg17 : memref<64x128xf32, #tpu.memory_space<vmem>>) dst(%dma_wait3A_196 : memref<64x128xf32, #tpu.memory_space<vmem_shared>>)
      tpu.yield
    }) : () -> ()
    %mul3A_12 = arith.constant 640 : i32
    %mul3A_13 = arith.muli %arg1, %mul3A_12 : i32
    %add3A_14 = arith.constant 192 : i32
    %add3A_15 = arith.addi %mul3A_13, %add3A_14 : i32
    %multiple_of3A_16 = tpu.assume_multiple %add3A_15, 64 : i32
    "tpu.region"() ({
      %run_scoped3A = tpu.sem_alloc : memref<!tpu.dma_semaphore, #tpu.memory_space<semaphore_mem>>
      %dma_start3A_189 = arith.constant 0 : i32
      %dma_start3A_190 = tpu.memref_slice %arg8[%multiple_of3A_16, %dma_start3A_189] : memref<10240x128xf32, #tpu.memory_space<vmem_shared>> -> memref<64x128xf32, #tpu.memory_space<vmem_shared>>
      %dma_start3A_191 = arith.constant 0 : i32
      %dma_start3A_192 = tpu.memref_slice %arg8[%multiple_of3A_16, %dma_start3A_191] : memref<10240x128xf32, #tpu.memory_space<vmem_shared>> -> memref<64x128xf32, #tpu.memory_space<vmem_shared>>
      tpu.enqueue_dma source(%arg17 : memref<64x128xf32, #tpu.memory_space<vmem>>) target(%dma_start3A_192 : memref<64x128xf32, #tpu.memory_space<vmem_shared>>) target_semaphore(%run_scoped3A : memref<!tpu.dma_semaphore, #tpu.memory_space<semaphore_mem>>)
      %dma_wait3A_193 = arith.constant 0 : i32
      %dma_wait3A_194 = tpu.memref_slice %arg8[%multiple_of3A_16, %dma_wait3A_193] : memref<10240x128xf32, #tpu.memory_space<vmem_shared>> -> memref<64x128xf32, #tpu.memory_space<vmem_shared>>
      %dma_wait3A_195 = arith.constant 0 : i32
      %dma_wait3A_196 = tpu.memref_slice %arg8[%multiple_of3A_16, %dma_wait3A_195] : memref<10240x128xf32, #tpu.memory_space<vmem_shared>> -> memref<64x128xf32, #tpu.memory_space<vmem_shared>>
      tpu.wait_dma2 semaphore(%run_scoped3A : memref<!tpu.dma_semaphore, #tpu.memory_space<semaphore_mem>>) src(%arg17 : memref<64x128xf32, #tpu.memory_space<vmem>>) dst(%dma_wait3A_196 : memref<64x128xf32, #tpu.memory_space<vmem_shared>>)
      tpu.yield
    }) : () -> ()
    %mul3A_17 = arith.constant 640 : i32
    %mul3A_18 = arith.muli %arg1, %mul3A_17 : i32
    %add3A_19 = arith.constant 256 : i32
    %add3A_20 = arith.addi %mul3A_18, %add3A_19 : i32
    %multiple_of3A_21 = tpu.assume_multiple %add3A_20, 64 : i32
    "tpu.region"() ({
      %run_scoped3A = tpu.sem_alloc : memref<!tpu.dma_semaphore, #tpu.memory_space<semaphore_mem>>
      %dma_start3A_189 = arith.constant 0 : i32
      %dma_start3A_190 = tpu.memref_slice %arg8[%multiple_of3A_21, %dma_start3A_189] : memref<10240x128xf32, #tpu.memory_space<vmem_shared>> -> memref<64x128xf32, #tpu.memory_space<vmem_shared>>
      %dma_start3A_191 = arith.constant 0 : i32
      %dma_start3A_192 = tpu.memref_slice %arg8[%multiple_of3A_21, %dma_start3A_191] : memref<10240x128xf32, #tpu.memory_space<vmem_shared>> -> memref<64x128xf32, #tpu.memory_space<vmem_shared>>
      tpu.enqueue_dma source(%arg17 : memref<64x128xf32, #tpu.memory_space<vmem>>) target(%dma_start3A_192 : memref<64x128xf32, #tpu.memory_space<vmem_shared>>) target_semaphore(%run_scoped3A : memref<!tpu.dma_semaphore, #tpu.memory_space<semaphore_mem>>)
      %dma_wait3A_193 = arith.constant 0 : i32
      %dma_wait3A_194 = tpu.memref_slice %arg8[%multiple_of3A_21, %dma_wait3A_193] : memref<10240x128xf32, #tpu.memory_space<vmem_shared>> -> memref<64x128xf32, #tpu.memory_space<vmem_shared>>
      %dma_wait3A_195 = arith.constant 0 : i32
      %dma_wait3A_196 = tpu.memref_slice %arg8[%multiple_of3A_21, %dma_wait3A_195] : memref<10240x128xf32, #tpu.memory_space<vmem_shared>> -> memref<64x128xf32, #tpu.memory_space<vmem_shared>>
      tpu.wait_dma2 semaphore(%run_scoped3A : memref<!tpu.dma_semaphore, #tpu.memory_space<semaphore_mem>>) src(%arg17 : memref<64x128xf32, #tpu.memory_space<vmem>>) dst(%dma_wait3A_196 : memref<64x128xf32, #tpu.memory_space<vmem_shared>>)
      tpu.yield
    }) : () -> ()
    %mul3A_22 = arith.constant 640 : i32
    %mul3A_23 = arith.muli %arg1, %mul3A_22 : i32
    %add3A_24 = arith.constant 320 : i32
    %add3A_25 = arith.addi %mul3A_23, %add3A_24 : i32
    %multiple_of3A_26 = tpu.assume_multiple %add3A_25, 64 : i32
    "tpu.region"() ({
      %run_scoped3A = tpu.sem_alloc : memref<!tpu.dma_semaphore, #tpu.memory_space<semaphore_mem>>
      %dma_start3A_189 = arith.constant 0 : i32
      %dma_start3A_190 = tpu.memref_slice %arg8[%multiple_of3A_26, %dma_start3A_189] : memref<10240x128xf32, #tpu.memory_space<vmem_shared>> -> memref<64x128xf32, #tpu.memory_space<vmem_shared>>
      %dma_start3A_191 = arith.constant 0 : i32
      %dma_start3A_192 = tpu.memref_slice %arg8[%multiple_of3A_26, %dma_start3A_191] : memref<10240x128xf32, #tpu.memory_space<vmem_shared>> -> memref<64x128xf32, #tpu.memory_space<vmem_shared>>
      tpu.enqueue_dma source(%arg17 : memref<64x128xf32, #tpu.memory_space<vmem>>) target(%dma_start3A_192 : memref<64x128xf32, #tpu.memory_space<vmem_shared>>) target_semaphore(%run_scoped3A : memref<!tpu.dma_semaphore, #tpu.memory_space<semaphore_mem>>)
      %dma_wait3A_193 = arith.constant 0 : i32
      %dma_wait3A_194 = tpu.memref_slice %arg8[%multiple_of3A_26, %dma_wait3A_193] : memref<10240x128xf32, #tpu.memory_space<vmem_shared>> -> memref<64x128xf32, #tpu.memory_space<vmem_shared>>
      %dma_wait3A_195 = arith.constant 0 : i32
      %dma_wait3A_196 = tpu.memref_slice %arg8[%multiple_of3A_26, %dma_wait3A_195] : memref<10240x128xf32, #tpu.memory_space<vmem_shared>> -> memref<64x128xf32, #tpu.memory_space<vmem_shared>>
      tpu.wait_dma2 semaphore(%run_scoped3A : memref<!tpu.dma_semaphore, #tpu.memory_space<semaphore_mem>>) src(%arg17 : memref<64x128xf32, #tpu.memory_space<vmem>>) dst(%dma_wait3A_196 : memref<64x128xf32, #tpu.memory_space<vmem_shared>>)
      tpu.yield
    }) : () -> ()
    %mul3A_27 = arith.constant 640 : i32
    %mul3A_28 = arith.muli %arg1, %mul3A_27 : i32
    %add3A_29 = arith.constant 384 : i32
    %add3A_30 = arith.addi %mul3A_28, %add3A_29 : i32
    %multiple_of3A_31 = tpu.assume_multiple %add3A_30, 64 : i32
    "tpu.region"() ({
      %run_scoped3A = tpu.sem_alloc : memref<!tpu.dma_semaphore, #tpu.memory_space<semaphore_mem>>
      %dma_start3A_189 = arith.constant 0 : i32
      %dma_start3A_190 = tpu.memref_slice %arg8[%multiple_of3A_31, %dma_start3A_189] : memref<10240x128xf32, #tpu.memory_space<vmem_shared>> -> memref<64x128xf32, #tpu.memory_space<vmem_shared>>
      %dma_start3A_191 = arith.constant 0 : i32
      %dma_start3A_192 = tpu.memref_slice %arg8[%multiple_of3A_31, %dma_start3A_191] : memref<10240x128xf32, #tpu.memory_space<vmem_shared>> -> memref<64x128xf32, #tpu.memory_space<vmem_shared>>
      tpu.enqueue_dma source(%arg17 : memref<64x128xf32, #tpu.memory_space<vmem>>) target(%dma_start3A_192 : memref<64x128xf32, #tpu.memory_space<vmem_shared>>) target_semaphore(%run_scoped3A : memref<!tpu.dma_semaphore, #tpu.memory_space<semaphore_mem>>)
      %dma_wait3A_193 = arith.constant 0 : i32
      %dma_wait3A_194 = tpu.memref_slice %arg8[%multiple_of3A_31, %dma_wait3A_193] : memref<10240x128xf32, #tpu.memory_space<vmem_shared>> -> memref<64x128xf32, #tpu.memory_space<vmem_shared>>
      %dma_wait3A_195 = arith.constant 0 : i32
      %dma_wait3A_196 = tpu.memref_slice %arg8[%multiple_of3A_31, %dma_wait3A_195] : memref<10240x128xf32, #tpu.memory_space<vmem_shared>> -> memref<64x128xf32, #tpu.memory_space<vmem_shared>>
      tpu.wait_dma2 semaphore(%run_scoped3A : memref<!tpu.dma_semaphore, #tpu.memory_space<semaphore_mem>>) src(%arg17 : memref<64x128xf32, #tpu.memory_space<vmem>>) dst(%dma_wait3A_196 : memref<64x128xf32, #tpu.memory_space<vmem_shared>>)
      tpu.yield
    }) : () -> ()
    %mul3A_32 = arith.constant 640 : i32
    %mul3A_33 = arith.muli %arg1, %mul3A_32 : i32
    %add3A_34 = arith.constant 448 : i32
    %add3A_35 = arith.addi %mul3A_33, %add3A_34 : i32
    %multiple_of3A_36 = tpu.assume_multiple %add3A_35, 64 : i32
    "tpu.region"() ({
      %run_scoped3A = tpu.sem_alloc : memref<!tpu.dma_semaphore, #tpu.memory_space<semaphore_mem>>
      %dma_start3A_189 = arith.constant 0 : i32
      %dma_start3A_190 = tpu.memref_slice %arg8[%multiple_of3A_36, %dma_start3A_189] : memref<10240x128xf32, #tpu.memory_space<vmem_shared>> -> memref<64x128xf32, #tpu.memory_space<vmem_shared>>
      %dma_start3A_191 = arith.constant 0 : i32
      %dma_start3A_192 = tpu.memref_slice %arg8[%multiple_of3A_36, %dma_start3A_191] : memref<10240x128xf32, #tpu.memory_space<vmem_shared>> -> memref<64x128xf32, #tpu.memory_space<vmem_shared>>
      tpu.enqueue_dma source(%arg17 : memref<64x128xf32, #tpu.memory_space<vmem>>) target(%dma_start3A_192 : memref<64x128xf32, #tpu.memory_space<vmem_shared>>) target_semaphore(%run_scoped3A : memref<!tpu.dma_semaphore, #tpu.memory_space<semaphore_mem>>)
      %dma_wait3A_193 = arith.constant 0 : i32
      %dma_wait3A_194 = tpu.memref_slice %arg8[%multiple_of3A_36, %dma_wait3A_193] : memref<10240x128xf32, #tpu.memory_space<vmem_shared>> -> memref<64x128xf32, #tpu.memory_space<vmem_shared>>
      %dma_wait3A_195 = arith.constant 0 : i32
      %dma_wait3A_196 = tpu.memref_slice %arg8[%multiple_of3A_36, %dma_wait3A_195] : memref<10240x128xf32, #tpu.memory_space<vmem_shared>> -> memref<64x128xf32, #tpu.memory_space<vmem_shared>>
      tpu.wait_dma2 semaphore(%run_scoped3A : memref<!tpu.dma_semaphore, #tpu.memory_space<semaphore_mem>>) src(%arg17 : memref<64x128xf32, #tpu.memory_space<vmem>>) dst(%dma_wait3A_196 : memref<64x128xf32, #tpu.memory_space<vmem_shared>>)
      tpu.yield
    }) : () -> ()
    %mul3A_37 = arith.constant 640 : i32
    %mul3A_38 = arith.muli %arg1, %mul3A_37 : i32
    %add3A_39 = arith.constant 512 : i32
    %add3A_40 = arith.addi %mul3A_38, %add3A_39 : i32
    %multiple_of3A_41 = tpu.assume_multiple %add3A_40, 64 : i32
    "tpu.region"() ({
      %run_scoped3A = tpu.sem_alloc : memref<!tpu.dma_semaphore, #tpu.memory_space<semaphore_mem>>
      %dma_start3A_189 = arith.constant 0 : i32
      %dma_start3A_190 = tpu.memref_slice %arg8[%multiple_of3A_41, %dma_start3A_189] : memref<10240x128xf32, #tpu.memory_space<vmem_shared>> -> memref<64x128xf32, #tpu.memory_space<vmem_shared>>
      %dma_start3A_191 = arith.constant 0 : i32
      %dma_start3A_192 = tpu.memref_slice %arg8[%multiple_of3A_41, %dma_start3A_191] : memref<10240x128xf32, #tpu.memory_space<vmem_shared>> -> memref<64x128xf32, #tpu.memory_space<vmem_shared>>
      tpu.enqueue_dma source(%arg17 : memref<64x128xf32, #tpu.memory_space<vmem>>) target(%dma_start3A_192 : memref<64x128xf32, #tpu.memory_space<vmem_shared>>) target_semaphore(%run_scoped3A : memref<!tpu.dma_semaphore, #tpu.memory_space<semaphore_mem>>)
      %dma_wait3A_193 = arith.constant 0 : i32
      %dma_wait3A_194 = tpu.memref_slice %arg8[%multiple_of3A_41, %dma_wait3A_193] : memref<10240x128xf32, #tpu.memory_space<vmem_shared>> -> memref<64x128xf32, #tpu.memory_space<vmem_shared>>
      %dma_wait3A_195 = arith.constant 0 : i32
      %dma_wait3A_196 = tpu.memref_slice %arg8[%multiple_of3A_41, %dma_wait3A_195] : memref<10240x128xf32, #tpu.memory_space<vmem_shared>> -> memref<64x128xf32, #tpu.memory_space<vmem_shared>>
      tpu.wait_dma2 semaphore(%run_scoped3A : memref<!tpu.dma_semaphore, #tpu.memory_space<semaphore_mem>>) src(%arg17 : memref<64x128xf32, #tpu.memory_space<vmem>>) dst(%dma_wait3A_196 : memref<64x128xf32, #tpu.memory_space<vmem_shared>>)
      tpu.yield
    }) : () -> ()
    %mul3A_42 = arith.constant 640 : i32
    %mul3A_43 = arith.muli %arg1, %mul3A_42 : i32
    %add3A_44 = arith.constant 576 : i32
    %add3A_45 = arith.addi %mul3A_43, %add3A_44 : i32
    %multiple_of3A_46 = tpu.assume_multiple %add3A_45, 64 : i32
    "tpu.region"() ({
      %run_scoped3A = tpu.sem_alloc : memref<!tpu.dma_semaphore, #tpu.memory_space<semaphore_mem>>
      %dma_start3A_189 = arith.constant 0 : i32
      %dma_start3A_190 = tpu.memref_slice %arg8[%multiple_of3A_46, %dma_start3A_189] : memref<10240x128xf32, #tpu.memory_space<vmem_shared>> -> memref<64x128xf32, #tpu.memory_space<vmem_shared>>
      %dma_start3A_191 = arith.constant 0 : i32
      %dma_start3A_192 = tpu.memref_slice %arg8[%multiple_of3A_46, %dma_start3A_191] : memref<10240x128xf32, #tpu.memory_space<vmem_shared>> -> memref<64x128xf32, #tpu.memory_space<vmem_shared>>
      tpu.enqueue_dma source(%arg17 : memref<64x128xf32, #tpu.memory_space<vmem>>) target(%dma_start3A_192 : memref<64x128xf32, #tpu.memory_space<vmem_shared>>) target_semaphore(%run_scoped3A : memref<!tpu.dma_semaphore, #tpu.memory_space<semaphore_mem>>)
      %dma_wait3A_193 = arith.constant 0 : i32
      %dma_wait3A_194 = tpu.memref_slice %arg8[%multiple_of3A_46, %dma_wait3A_193] : memref<10240x128xf32, #tpu.memory_space<vmem_shared>> -> memref<64x128xf32, #tpu.memory_space<vmem_shared>>
      %dma_wait3A_195 = arith.constant 0 : i32
      %dma_wait3A_196 = tpu.memref_slice %arg8[%multiple_of3A_46, %dma_wait3A_195] : memref<10240x128xf32, #tpu.memory_space<vmem_shared>> -> memref<64x128xf32, #tpu.memory_space<vmem_shared>>
      tpu.wait_dma2 semaphore(%run_scoped3A : memref<!tpu.dma_semaphore, #tpu.memory_space<semaphore_mem>>) src(%arg17 : memref<64x128xf32, #tpu.memory_space<vmem>>) dst(%dma_wait3A_196 : memref<64x128xf32, #tpu.memory_space<vmem_shared>>)
      tpu.yield
    }) : () -> ()
    %barrier3A = arith.constant 0 : index
    tpu.barrier barrier_id(%barrier3A)
    %mul3A_47 = arith.constant 160 : i32
    %mul3A_48 = arith.muli %arg1, %mul3A_47 : i32
    %add3A_49 = arith.constant 0 : i32
    %add3A_50 = arith.addi %mul3A_48, %add3A_49 : i32
    %mul3A_51 = arith.constant 64 : i32
    %mul3A_52 = arith.muli %add3A_50, %mul3A_51 : i32
    %multiple_of3A_53 = tpu.assume_multiple %mul3A_52, 8 : i32
    %dma_start3A = tpu.memref_slice %arg4[%multiple_of3A_53] : memref<163840xi32, #tpu.memory_space<hbm>> -> memref<64xi32, #tpu.memory_space<hbm>>
    %dma_start3A_54 = tpu.memref_slice %arg4[%multiple_of3A_53] : memref<163840xi32, #tpu.memory_space<hbm>> -> memref<64xi32, #tpu.memory_space<hbm>>
    tpu.enqueue_dma source(%dma_start3A_54 : memref<64xi32, #tpu.memory_space<hbm>>) target(%arg9 : memref<64xi32, #tpu.memory_space<vmem>>) target_semaphore(%arg21 : memref<!tpu.dma_semaphore, #tpu.memory_space<semaphore_mem>>)
    %mul3A_55 = arith.constant 160 : i32
    %mul3A_56 = arith.muli %arg1, %mul3A_55 : i32
    %add3A_57 = arith.constant 0 : i32
    %add3A_58 = arith.addi %mul3A_56, %add3A_57 : i32
    %mul3A_59 = arith.constant 64 : i32
    %mul3A_60 = arith.muli %add3A_58, %mul3A_59 : i32
    %multiple_of3A_61 = tpu.assume_multiple %mul3A_60, 8 : i32
    %dma_start3A_62 = tpu.memref_slice %arg5[%multiple_of3A_61] : memref<163840xi32, #tpu.memory_space<hbm>> -> memref<64xi32, #tpu.memory_space<hbm>>
    %dma_start3A_63 = tpu.memref_slice %arg5[%multiple_of3A_61] : memref<163840xi32, #tpu.memory_space<hbm>> -> memref<64xi32, #tpu.memory_space<hbm>>
    tpu.enqueue_dma source(%dma_start3A_63 : memref<64xi32, #tpu.memory_space<hbm>>) target(%arg13 : memref<64xi32, #tpu.memory_space<vmem>>) target_semaphore(%arg25 : memref<!tpu.dma_semaphore, #tpu.memory_space<semaphore_mem>>)
    %dma_wait3A = arith.constant 0 : i32
    %dma_wait3A_64 = tpu.memref_slice %arg4[%dma_wait3A] : memref<163840xi32, #tpu.memory_space<hbm>> -> memref<64xi32, #tpu.memory_space<hbm>>
    %dma_wait3A_65 = arith.constant 0 : i32
    %dma_wait3A_66 = tpu.memref_slice %arg4[%dma_wait3A_65] : memref<163840xi32, #tpu.memory_space<hbm>> -> memref<64xi32, #tpu.memory_space<hbm>>
    tpu.wait_dma2 semaphore(%arg21 : memref<!tpu.dma_semaphore, #tpu.memory_space<semaphore_mem>>) src(%dma_wait3A_66 : memref<64xi32, #tpu.memory_space<hbm>>) dst(%arg9 : memref<64xi32, #tpu.memory_space<vmem>>)
    %eq3A = arith.constant 0 : i32
    %eq3A_67 = arith.cmpi eq, %arg0, %eq3A : i32
    %convert_element_type3A = arith.extui %eq3A_67 : i1 to i32
    %cond3A = arith.constant 0 : i32
    %cond3A_68 = arith.cmpi ne, %convert_element_type3A, %cond3A : i32
    scf.if %cond3A_68 {
      %dma_start3A_189 = arith.constant 0 : i32
      %dma_start3A_190 = arith.constant 0 : i32
      %dma_start3A_191 = tpu.memref_slice %arg2[%dma_start3A_189, %dma_start3A_190] : memref<10240x128xf32, #tpu.memory_space<hbm>> -> memref<10240x128xf32, #tpu.memory_space<hbm>>
      tpu.enqueue_indirect_dma source(%dma_start3A_191 : memref<10240x128xf32, #tpu.memory_space<hbm>>) target(%arg17 : memref<64x128xf32, #tpu.memory_space<vmem>>) offsets(%arg9 : memref<64xi32, #tpu.memory_space<vmem>>) semaphore(%arg29 : memref<!tpu.dma_semaphore, #tpu.memory_space<semaphore_mem>>)
    } else {
    }
    %eq3A_69 = arith.constant 1 : i32
    %eq3A_70 = arith.cmpi eq, %arg0, %eq3A_69 : i32
    %convert_element_type3A_71 = arith.extui %eq3A_70 : i1 to i32
    %cond3A_72 = arith.constant 0 : i32
    %cond3A_73 = arith.cmpi ne, %convert_element_type3A_71, %cond3A_72 : i32
    scf.if %cond3A_73 {
      %dma_start3A_189 = arith.constant 0 : i32
      %dma_start3A_190 = arith.constant 0 : i32
      %dma_start3A_191 = tpu.memref_slice %arg3[%dma_start3A_189, %dma_start3A_190] : memref<10240x128xf32, #tpu.memory_space<hbm>> -> memref<10240x128xf32, #tpu.memory_space<hbm>>
      tpu.enqueue_indirect_dma source(%dma_start3A_191 : memref<10240x128xf32, #tpu.memory_space<hbm>>) target(%arg17 : memref<64x128xf32, #tpu.memory_space<vmem>>) offsets(%arg9 : memref<64xi32, #tpu.memory_space<vmem>>) semaphore(%arg29 : memref<!tpu.dma_semaphore, #tpu.memory_space<semaphore_mem>>)
    } else {
    }
    %mul3A_74 = arith.constant 160 : i32
    %mul3A_75 = arith.muli %arg1, %mul3A_74 : i32
    %add3A_76 = arith.constant 1 : i32
    %add3A_77 = arith.addi %mul3A_75, %add3A_76 : i32
    %mul3A_78 = arith.constant 64 : i32
    %mul3A_79 = arith.muli %add3A_77, %mul3A_78 : i32
    %multiple_of3A_80 = tpu.assume_multiple %mul3A_79, 8 : i32
    %dma_start3A_81 = tpu.memref_slice %arg4[%multiple_of3A_80] : memref<163840xi32, #tpu.memory_space<hbm>> -> memref<64xi32, #tpu.memory_space<hbm>>
    %dma_start3A_82 = tpu.memref_slice %arg4[%multiple_of3A_80] : memref<163840xi32, #tpu.memory_space<hbm>> -> memref<64xi32, #tpu.memory_space<hbm>>
    tpu.enqueue_dma source(%dma_start3A_82 : memref<64xi32, #tpu.memory_space<hbm>>) target(%arg10 : memref<64xi32, #tpu.memory_space<vmem>>) target_semaphore(%arg22 : memref<!tpu.dma_semaphore, #tpu.memory_space<semaphore_mem>>)
    %mul3A_83 = arith.constant 160 : i32
    %mul3A_84 = arith.muli %arg1, %mul3A_83 : i32
    %add3A_85 = arith.constant 1 : i32
    %add3A_86 = arith.addi %mul3A_84, %add3A_85 : i32
    %mul3A_87 = arith.constant 64 : i32
    %mul3A_88 = arith.muli %add3A_86, %mul3A_87 : i32
    %multiple_of3A_89 = tpu.assume_multiple %mul3A_88, 8 : i32
    %dma_start3A_90 = tpu.memref_slice %arg5[%multiple_of3A_89] : memref<163840xi32, #tpu.memory_space<hbm>> -> memref<64xi32, #tpu.memory_space<hbm>>
    %dma_start3A_91 = tpu.memref_slice %arg5[%multiple_of3A_89] : memref<163840xi32, #tpu.memory_space<hbm>> -> memref<64xi32, #tpu.memory_space<hbm>>
    tpu.enqueue_dma source(%dma_start3A_91 : memref<64xi32, #tpu.memory_space<hbm>>) target(%arg14 : memref<64xi32, #tpu.memory_space<vmem>>) target_semaphore(%arg26 : memref<!tpu.dma_semaphore, #tpu.memory_space<semaphore_mem>>)
    %dma_wait3A_92 = arith.constant 0 : i32
    %dma_wait3A_93 = tpu.memref_slice %arg4[%dma_wait3A_92] : memref<163840xi32, #tpu.memory_space<hbm>> -> memref<64xi32, #tpu.memory_space<hbm>>
    %dma_wait3A_94 = arith.constant 0 : i32
    %dma_wait3A_95 = tpu.memref_slice %arg4[%dma_wait3A_94] : memref<163840xi32, #tpu.memory_space<hbm>> -> memref<64xi32, #tpu.memory_space<hbm>>
    tpu.wait_dma2 semaphore(%arg22 : memref<!tpu.dma_semaphore, #tpu.memory_space<semaphore_mem>>) src(%dma_wait3A_95 : memref<64xi32, #tpu.memory_space<hbm>>) dst(%arg10 : memref<64xi32, #tpu.memory_space<vmem>>)
    %eq3A_96 = arith.constant 0 : i32
    %eq3A_97 = arith.cmpi eq, %arg0, %eq3A_96 : i32
    %convert_element_type3A_98 = arith.extui %eq3A_97 : i1 to i32
    %cond3A_99 = arith.constant 0 : i32
    %cond3A_100 = arith.cmpi ne, %convert_element_type3A_98, %cond3A_99 : i32
    scf.if %cond3A_100 {
      %dma_start3A_189 = arith.constant 0 : i32
      %dma_start3A_190 = arith.constant 0 : i32
      %dma_start3A_191 = tpu.memref_slice %arg2[%dma_start3A_189, %dma_start3A_190] : memref<10240x128xf32, #tpu.memory_space<hbm>> -> memref<10240x128xf32, #tpu.memory_space<hbm>>
      tpu.enqueue_indirect_dma source(%dma_start3A_191 : memref<10240x128xf32, #tpu.memory_space<hbm>>) target(%arg18 : memref<64x128xf32, #tpu.memory_space<vmem>>) offsets(%arg10 : memref<64xi32, #tpu.memory_space<vmem>>) semaphore(%arg30 : memref<!tpu.dma_semaphore, #tpu.memory_space<semaphore_mem>>)
    } else {
    }
    %eq3A_101 = arith.constant 1 : i32
    %eq3A_102 = arith.cmpi eq, %arg0, %eq3A_101 : i32
    %convert_element_type3A_103 = arith.extui %eq3A_102 : i1 to i32
    %cond3A_104 = arith.constant 0 : i32
    %cond3A_105 = arith.cmpi ne, %convert_element_type3A_103, %cond3A_104 : i32
    scf.if %cond3A_105 {
      %dma_start3A_189 = arith.constant 0 : i32
      %dma_start3A_190 = arith.constant 0 : i32
      %dma_start3A_191 = tpu.memref_slice %arg3[%dma_start3A_189, %dma_start3A_190] : memref<10240x128xf32, #tpu.memory_space<hbm>> -> memref<10240x128xf32, #tpu.memory_space<hbm>>
      tpu.enqueue_indirect_dma source(%dma_start3A_191 : memref<10240x128xf32, #tpu.memory_space<hbm>>) target(%arg18 : memref<64x128xf32, #tpu.memory_space<vmem>>) offsets(%arg10 : memref<64xi32, #tpu.memory_space<vmem>>) semaphore(%arg30 : memref<!tpu.dma_semaphore, #tpu.memory_space<semaphore_mem>>)
    } else {
    }
    %mul3A_106 = arith.constant 160 : i32
    %mul3A_107 = arith.muli %arg1, %mul3A_106 : i32
    %add3A_108 = arith.constant 2 : i32
    %add3A_109 = arith.addi %mul3A_107, %add3A_108 : i32
    %mul3A_110 = arith.constant 64 : i32
    %mul3A_111 = arith.muli %add3A_109, %mul3A_110 : i32
    %multiple_of3A_112 = tpu.assume_multiple %mul3A_111, 8 : i32
    %dma_start3A_113 = tpu.memref_slice %arg4[%multiple_of3A_112] : memref<163840xi32, #tpu.memory_space<hbm>> -> memref<64xi32, #tpu.memory_space<hbm>>
    %dma_start3A_114 = tpu.memref_slice %arg4[%multiple_of3A_112] : memref<163840xi32, #tpu.memory_space<hbm>> -> memref<64xi32, #tpu.memory_space<hbm>>
    tpu.enqueue_dma source(%dma_start3A_114 : memref<64xi32, #tpu.memory_space<hbm>>) target(%arg11 : memref<64xi32, #tpu.memory_space<vmem>>) target_semaphore(%arg23 : memref<!tpu.dma_semaphore, #tpu.memory_space<semaphore_mem>>)
    %mul3A_115 = arith.constant 160 : i32
    %mul3A_116 = arith.muli %arg1, %mul3A_115 : i32
    %add3A_117 = arith.constant 2 : i32
    %add3A_118 = arith.addi %mul3A_116, %add3A_117 : i32
    %mul3A_119 = arith.constant 64 : i32
    %mul3A_120 = arith.muli %add3A_118, %mul3A_119 : i32
    %multiple_of3A_121 = tpu.assume_multiple %mul3A_120, 8 : i32
    %dma_start3A_122 = tpu.memref_slice %arg5[%multiple_of3A_121] : memref<163840xi32, #tpu.memory_space<hbm>> -> memref<64xi32, #tpu.memory_space<hbm>>
    %dma_start3A_123 = tpu.memref_slice %arg5[%multiple_of3A_121] : memref<163840xi32, #tpu.memory_space<hbm>> -> memref<64xi32, #tpu.memory_space<hbm>>
    tpu.enqueue_dma source(%dma_start3A_123 : memref<64xi32, #tpu.memory_space<hbm>>) target(%arg15 : memref<64xi32, #tpu.memory_space<vmem>>) target_semaphore(%arg27 : memref<!tpu.dma_semaphore, #tpu.memory_space<semaphore_mem>>)
    %dma_wait3A_124 = arith.constant 0 : i32
    %dma_wait3A_125 = tpu.memref_slice %arg4[%dma_wait3A_124] : memref<163840xi32, #tpu.memory_space<hbm>> -> memref<64xi32, #tpu.memory_space<hbm>>
    %dma_wait3A_126 = arith.constant 0 : i32
    %dma_wait3A_127 = tpu.memref_slice %arg4[%dma_wait3A_126] : memref<163840xi32, #tpu.memory_space<hbm>> -> memref<64xi32, #tpu.memory_space<hbm>>
    tpu.wait_dma2 semaphore(%arg23 : memref<!tpu.dma_semaphore, #tpu.memory_space<semaphore_mem>>) src(%dma_wait3A_127 : memref<64xi32, #tpu.memory_space<hbm>>) dst(%arg11 : memref<64xi32, #tpu.memory_space<vmem>>)
    %eq3A_128 = arith.constant 0 : i32
    %eq3A_129 = arith.cmpi eq, %arg0, %eq3A_128 : i32
    %convert_element_type3A_130 = arith.extui %eq3A_129 : i1 to i32
    %cond3A_131 = arith.constant 0 : i32
    %cond3A_132 = arith.cmpi ne, %convert_element_type3A_130, %cond3A_131 : i32
    scf.if %cond3A_132 {
      %dma_start3A_189 = arith.constant 0 : i32
      %dma_start3A_190 = arith.constant 0 : i32
      %dma_start3A_191 = tpu.memref_slice %arg2[%dma_start3A_189, %dma_start3A_190] : memref<10240x128xf32, #tpu.memory_space<hbm>> -> memref<10240x128xf32, #tpu.memory_space<hbm>>
      tpu.enqueue_indirect_dma source(%dma_start3A_191 : memref<10240x128xf32, #tpu.memory_space<hbm>>) target(%arg19 : memref<64x128xf32, #tpu.memory_space<vmem>>) offsets(%arg11 : memref<64xi32, #tpu.memory_space<vmem>>) semaphore(%arg31 : memref<!tpu.dma_semaphore, #tpu.memory_space<semaphore_mem>>)
    } else {
    }
    %eq3A_133 = arith.constant 1 : i32
    %eq3A_134 = arith.cmpi eq, %arg0, %eq3A_133 : i32
    %convert_element_type3A_135 = arith.extui %eq3A_134 : i1 to i32
    %cond3A_136 = arith.constant 0 : i32
    %cond3A_137 = arith.cmpi ne, %convert_element_type3A_135, %cond3A_136 : i32
    scf.if %cond3A_137 {
      %dma_start3A_189 = arith.constant 0 : i32
      %dma_start3A_190 = arith.constant 0 : i32
      %dma_start3A_191 = tpu.memref_slice %arg3[%dma_start3A_189, %dma_start3A_190] : memref<10240x128xf32, #tpu.memory_space<hbm>> -> memref<10240x128xf32, #tpu.memory_space<hbm>>
      tpu.enqueue_indirect_dma source(%dma_start3A_191 : memref<10240x128xf32, #tpu.memory_space<hbm>>) target(%arg19 : memref<64x128xf32, #tpu.memory_space<vmem>>) offsets(%arg11 : memref<64xi32, #tpu.memory_space<vmem>>) semaphore(%arg31 : memref<!tpu.dma_semaphore, #tpu.memory_space<semaphore_mem>>)
    } else {
    }
    %mul3A_138 = arith.constant 160 : i32
    %mul3A_139 = arith.muli %arg1, %mul3A_138 : i32
    %add3A_140 = arith.constant 3 : i32
    %add3A_141 = arith.addi %mul3A_139, %add3A_140 : i32
    %mul3A_142 = arith.constant 64 : i32
    %mul3A_143 = arith.muli %add3A_141, %mul3A_142 : i32
    %multiple_of3A_144 = tpu.assume_multiple %mul3A_143, 8 : i32
    %dma_start3A_145 = tpu.memref_slice %arg4[%multiple_of3A_144] : memref<163840xi32, #tpu.memory_space<hbm>> -> memref<64xi32, #tpu.memory_space<hbm>>
    %dma_start3A_146 = tpu.memref_slice %arg4[%multiple_of3A_144] : memref<163840xi32, #tpu.memory_space<hbm>> -> memref<64xi32, #tpu.memory_space<hbm>>
    tpu.enqueue_dma source(%dma_start3A_146 : memref<64xi32, #tpu.memory_space<hbm>>) target(%arg12 : memref<64xi32, #tpu.memory_space<vmem>>) target_semaphore(%arg24 : memref<!tpu.dma_semaphore, #tpu.memory_space<semaphore_mem>>)
    %mul3A_147 = arith.constant 160 : i32
    %mul3A_148 = arith.muli %arg1, %mul3A_147 : i32
    %add3A_149 = arith.constant 3 : i32
    %add3A_150 = arith.addi %mul3A_148, %add3A_149 : i32
    %mul3A_151 = arith.constant 64 : i32
    %mul3A_152 = arith.muli %add3A_150, %mul3A_151 : i32
    %multiple_of3A_153 = tpu.assume_multiple %mul3A_152, 8 : i32
    %dma_start3A_154 = tpu.memref_slice %arg5[%multiple_of3A_153] : memref<163840xi32, #tpu.memory_space<hbm>> -> memref<64xi32, #tpu.memory_space<hbm>>
    %dma_start3A_155 = tpu.memref_slice %arg5[%multiple_of3A_153] : memref<163840xi32, #tpu.memory_space<hbm>> -> memref<64xi32, #tpu.memory_space<hbm>>
    tpu.enqueue_dma source(%dma_start3A_155 : memref<64xi32, #tpu.memory_space<hbm>>) target(%arg16 : memref<64xi32, #tpu.memory_space<vmem>>) target_semaphore(%arg28 : memref<!tpu.dma_semaphore, #tpu.memory_space<semaphore_mem>>)
    %dma_wait3A_156 = arith.constant 0 : i32
    %dma_wait3A_157 = tpu.memref_slice %arg4[%dma_wait3A_156] : memref<163840xi32, #tpu.memory_space<hbm>> -> memref<64xi32, #tpu.memory_space<hbm>>
    %dma_wait3A_158 = arith.constant 0 : i32
    %dma_wait3A_159 = tpu.memref_slice %arg4[%dma_wait3A_158] : memref<163840xi32, #tpu.memory_space<hbm>> -> memref<64xi32, #tpu.memory_space<hbm>>
    tpu.wait_dma2 semaphore(%arg24 : memref<!tpu.dma_semaphore, #tpu.memory_space<semaphore_mem>>) src(%dma_wait3A_159 : memref<64xi32, #tpu.memory_space<hbm>>) dst(%arg12 : memref<64xi32, #tpu.memory_space<vmem>>)
    %eq3A_160 = arith.constant 0 : i32
    %eq3A_161 = arith.cmpi eq, %arg0, %eq3A_160 : i32
    %convert_element_type3A_162 = arith.extui %eq3A_161 : i1 to i32
    %cond3A_163 = arith.constant 0 : i32
    %cond3A_164 = arith.cmpi ne, %convert_element_type3A_162, %cond3A_163 : i32
    scf.if %cond3A_164 {
      %dma_start3A_189 = arith.constant 0 : i32
      %dma_start3A_190 = arith.constant 0 : i32
      %dma_start3A_191 = tpu.memref_slice %arg2[%dma_start3A_189, %dma_start3A_190] : memref<10240x128xf32, #tpu.memory_space<hbm>> -> memref<10240x128xf32, #tpu.memory_space<hbm>>
      tpu.enqueue_indirect_dma source(%dma_start3A_191 : memref<10240x128xf32, #tpu.memory_space<hbm>>) target(%arg20 : memref<64x128xf32, #tpu.memory_space<vmem>>) offsets(%arg12 : memref<64xi32, #tpu.memory_space<vmem>>) semaphore(%arg32 : memref<!tpu.dma_semaphore, #tpu.memory_space<semaphore_mem>>)
    } else {
    }
    %eq3A_165 = arith.constant 1 : i32
    %eq3A_166 = arith.cmpi eq, %arg0, %eq3A_165 : i32
    %convert_element_type3A_167 = arith.extui %eq3A_166 : i1 to i32
    %cond3A_168 = arith.constant 0 : i32
    %cond3A_169 = arith.cmpi ne, %convert_element_type3A_167, %cond3A_168 : i32
    scf.if %cond3A_169 {
      %dma_start3A_189 = arith.constant 0 : i32
      %dma_start3A_190 = arith.constant 0 : i32
      %dma_start3A_191 = tpu.memref_slice %arg3[%dma_start3A_189, %dma_start3A_190] : memref<10240x128xf32, #tpu.memory_space<hbm>> -> memref<10240x128xf32, #tpu.memory_space<hbm>>
      tpu.enqueue_indirect_dma source(%dma_start3A_191 : memref<10240x128xf32, #tpu.memory_space<hbm>>) target(%arg20 : memref<64x128xf32, #tpu.memory_space<vmem>>) offsets(%arg12 : memref<64xi32, #tpu.memory_space<vmem>>) semaphore(%arg32 : memref<!tpu.dma_semaphore, #tpu.memory_space<semaphore_mem>>)
    } else {
    }
    %scan3A = arith.constant 0 : i32
    %scan3A_170 = arith.constant 0 : i32
    %scan3A_171 = arith.constant 40 : i32
    %scan3A_172 = arith.addi %scan3A_170, %scan3A_171 : i32
    %scan3A_173 = arith.constant 1 : i32
    scf.for %scan3A_189 = %scan3A_170 to %scan3A_172 step %scan3A_173  : i32 {
      %mul3A_190 = arith.constant 4 : i32
      %mul3A_191 = arith.muli %mul3A_190, %scan3A_189 : i32
      %add3A_192 = arith.constant 0 : i32
      %add3A_193 = arith.addi %mul3A_191, %add3A_192 : i32
      %dma_wait3A_194 = arith.constant 0 : i32
      %dma_wait3A_195 = arith.constant 0 : i32
      %dma_wait3A_196 = tpu.memref_slice %arg2[%dma_wait3A_194, %dma_wait3A_195] : memref<10240x128xf32, #tpu.memory_space<hbm>> -> memref<10240x128xf32, #tpu.memory_space<hbm>>
      tpu.wait_indirect_dma semaphore(%arg29 : memref<!tpu.dma_semaphore, #tpu.memory_space<semaphore_mem>>) src(%dma_wait3A_196 : memref<10240x128xf32, #tpu.memory_space<hbm>>) dst(%arg17 : memref<64x128xf32, #tpu.memory_space<vmem>>)
      %add3A_197 = arith.constant 4 : i32
      %add3A_198 = arith.addi %add3A_193, %add3A_197 : i32
      %lt3A = arith.constant 160 : i32
      %lt3A_199 = arith.cmpi slt, %add3A_198, %lt3A : i32
      %convert_element_type3A_200 = arith.extui %lt3A_199 : i1 to i32
      %cond3A_201 = arith.constant 0 : i32
      %cond3A_202 = arith.cmpi ne, %convert_element_type3A_200, %cond3A_201 : i32
      scf.if %cond3A_202 {
        %add3A_289 = arith.constant 4 : i32
        %add3A_290 = arith.addi %add3A_193, %add3A_289 : i32
        %mul3A_291 = arith.constant 160 : i32
        %mul3A_292 = arith.muli %arg1, %mul3A_291 : i32
        %add3A_293 = arith.addi %mul3A_292, %add3A_290 : i32
        %mul3A_294 = arith.constant 64 : i32
        %mul3A_295 = arith.muli %add3A_293, %mul3A_294 : i32
        %multiple_of3A_296 = tpu.assume_multiple %mul3A_295, 8 : i32
        %dma_start3A_297 = tpu.memref_slice %arg4[%multiple_of3A_296] : memref<163840xi32, #tpu.memory_space<hbm>> -> memref<64xi32, #tpu.memory_space<hbm>>
        %dma_start3A_298 = tpu.memref_slice %arg4[%multiple_of3A_296] : memref<163840xi32, #tpu.memory_space<hbm>> -> memref<64xi32, #tpu.memory_space<hbm>>
        tpu.enqueue_dma source(%dma_start3A_298 : memref<64xi32, #tpu.memory_space<hbm>>) target(%arg9 : memref<64xi32, #tpu.memory_space<vmem>>) target_semaphore(%arg21 : memref<!tpu.dma_semaphore, #tpu.memory_space<semaphore_mem>>)
      } else {
      }
      %dma_wait3A_203 = arith.constant 0 : i32
      %dma_wait3A_204 = tpu.memref_slice %arg5[%dma_wait3A_203] : memref<163840xi32, #tpu.memory_space<hbm>> -> memref<64xi32, #tpu.memory_space<hbm>>
      %dma_wait3A_205 = arith.constant 0 : i32
      %dma_wait3A_206 = tpu.memref_slice %arg5[%dma_wait3A_205] : memref<163840xi32, #tpu.memory_space<hbm>> -> memref<64xi32, #tpu.memory_space<hbm>>
      tpu.wait_dma2 semaphore(%arg25 : memref<!tpu.dma_semaphore, #tpu.memory_space<semaphore_mem>>) src(%dma_wait3A_206 : memref<64xi32, #tpu.memory_space<hbm>>) dst(%arg13 : memref<64xi32, #tpu.memory_space<vmem>>)
      "tpu.region"() ({
        %run_scoped3A = tpu.sem_alloc : memref<!tpu.dma_semaphore, #tpu.memory_space<semaphore_mem>>
        %dma_start3A_289 = arith.constant 0 : i32
        %dma_start3A_290 = arith.constant 0 : i32
        %dma_start3A_291 = tpu.memref_slice %arg8[%dma_start3A_289, %dma_start3A_290] : memref<10240x128xf32, #tpu.memory_space<vmem_shared>> -> memref<10240x128xf32, #tpu.memory_space<vmem_shared>>
        tpu.enqueue_indirect_dma source(%arg17 : memref<64x128xf32, #tpu.memory_space<vmem>>) target(%dma_start3A_291 : memref<10240x128xf32, #tpu.memory_space<vmem_shared>>) offsets(%arg13 : memref<64xi32, #tpu.memory_space<vmem>>) semaphore(%run_scoped3A : memref<!tpu.dma_semaphore, #tpu.memory_space<semaphore_mem>>) {add = true}
        %dma_wait3A_292 = arith.constant 0 : i32
        %dma_wait3A_293 = arith.constant 0 : i32
        %dma_wait3A_294 = tpu.memref_slice %arg8[%dma_wait3A_292, %dma_wait3A_293] : memref<10240x128xf32, #tpu.memory_space<vmem_shared>> -> memref<10240x128xf32, #tpu.memory_space<vmem_shared>>
        tpu.wait_indirect_dma semaphore(%run_scoped3A : memref<!tpu.dma_semaphore, #tpu.memory_space<semaphore_mem>>) src(%arg17 : memref<64x128xf32, #tpu.memory_space<vmem>>) dst(%dma_wait3A_294 : memref<10240x128xf32, #tpu.memory_space<vmem_shared>>)
        tpu.yield
      }) : () -> ()
      %add3A_207 = arith.constant 4 : i32
      %add3A_208 = arith.addi %add3A_193, %add3A_207 : i32
      %lt3A_209 = arith.constant 160 : i32
      %lt3A_210 = arith.cmpi slt, %add3A_208, %lt3A_209 : i32
      %convert_element_type3A_211 = arith.extui %lt3A_210 : i1 to i32
      %cond3A_212 = arith.constant 0 : i32
      %cond3A_213 = arith.cmpi ne, %convert_element_type3A_211, %cond3A_212 : i32
      scf.if %cond3A_213 {
        %add3A_289 = arith.constant 4 : i32
        %add3A_290 = arith.addi %add3A_193, %add3A_289 : i32
        %mul3A_291 = arith.constant 160 : i32
        %mul3A_292 = arith.muli %arg1, %mul3A_291 : i32
        %add3A_293 = arith.addi %mul3A_292, %add3A_290 : i32
        %mul3A_294 = arith.constant 64 : i32
        %mul3A_295 = arith.muli %add3A_293, %mul3A_294 : i32
        %multiple_of3A_296 = tpu.assume_multiple %mul3A_295, 8 : i32
        %dma_start3A_297 = tpu.memref_slice %arg5[%multiple_of3A_296] : memref<163840xi32, #tpu.memory_space<hbm>> -> memref<64xi32, #tpu.memory_space<hbm>>
        %dma_start3A_298 = tpu.memref_slice %arg5[%multiple_of3A_296] : memref<163840xi32, #tpu.memory_space<hbm>> -> memref<64xi32, #tpu.memory_space<hbm>>
        tpu.enqueue_dma source(%dma_start3A_298 : memref<64xi32, #tpu.memory_space<hbm>>) target(%arg13 : memref<64xi32, #tpu.memory_space<vmem>>) target_semaphore(%arg25 : memref<!tpu.dma_semaphore, #tpu.memory_space<semaphore_mem>>)
        %dma_wait3A_299 = arith.constant 0 : i32
        %dma_wait3A_300 = tpu.memref_slice %arg4[%dma_wait3A_299] : memref<163840xi32, #tpu.memory_space<hbm>> -> memref<64xi32, #tpu.memory_space<hbm>>
        %dma_wait3A_301 = arith.constant 0 : i32
        %dma_wait3A_302 = tpu.memref_slice %arg4[%dma_wait3A_301] : memref<163840xi32, #tpu.memory_space<hbm>> -> memref<64xi32, #tpu.memory_space<hbm>>
        tpu.wait_dma2 semaphore(%arg21 : memref<!tpu.dma_semaphore, #tpu.memory_space<semaphore_mem>>) src(%dma_wait3A_302 : memref<64xi32, #tpu.memory_space<hbm>>) dst(%arg9 : memref<64xi32, #tpu.memory_space<vmem>>)
        %eq3A_303 = arith.constant 0 : i32
        %eq3A_304 = arith.cmpi eq, %arg0, %eq3A_303 : i32
        %convert_element_type3A_305 = arith.extui %eq3A_304 : i1 to i32
        %cond3A_306 = arith.constant 0 : i32
        %cond3A_307 = arith.cmpi ne, %convert_element_type3A_305, %cond3A_306 : i32
        scf.if %cond3A_307 {
          %dma_start3A_313 = arith.constant 0 : i32
          %dma_start3A_314 = arith.constant 0 : i32
          %dma_start3A_315 = tpu.memref_slice %arg2[%dma_start3A_313, %dma_start3A_314] : memref<10240x128xf32, #tpu.memory_space<hbm>> -> memref<10240x128xf32, #tpu.memory_space<hbm>>
          tpu.enqueue_indirect_dma source(%dma_start3A_315 : memref<10240x128xf32, #tpu.memory_space<hbm>>) target(%arg17 : memref<64x128xf32, #tpu.memory_space<vmem>>) offsets(%arg9 : memref<64xi32, #tpu.memory_space<vmem>>) semaphore(%arg29 : memref<!tpu.dma_semaphore, #tpu.memory_space<semaphore_mem>>)
        } else {
        }
        %eq3A_308 = arith.constant 1 : i32
        %eq3A_309 = arith.cmpi eq, %arg0, %eq3A_308 : i32
        %convert_element_type3A_310 = arith.extui %eq3A_309 : i1 to i32
        %cond3A_311 = arith.constant 0 : i32
        %cond3A_312 = arith.cmpi ne, %convert_element_type3A_310, %cond3A_311 : i32
        scf.if %cond3A_312 {
          %dma_start3A_313 = arith.constant 0 : i32
          %dma_start3A_314 = arith.constant 0 : i32
          %dma_start3A_315 = tpu.memref_slice %arg3[%dma_start3A_313, %dma_start3A_314] : memref<10240x128xf32, #tpu.memory_space<hbm>> -> memref<10240x128xf32, #tpu.memory_space<hbm>>
          tpu.enqueue_indirect_dma source(%dma_start3A_315 : memref<10240x128xf32, #tpu.memory_space<hbm>>) target(%arg17 : memref<64x128xf32, #tpu.memory_space<vmem>>) offsets(%arg9 : memref<64xi32, #tpu.memory_space<vmem>>) semaphore(%arg29 : memref<!tpu.dma_semaphore, #tpu.memory_space<semaphore_mem>>)
        } else {
        }
      } else {
      }
      %mul3A_214 = arith.constant 4 : i32
      %mul3A_215 = arith.muli %mul3A_214, %scan3A_189 : i32
      %add3A_216 = arith.constant 1 : i32
      %add3A_217 = arith.addi %mul3A_215, %add3A_216 : i32
      %dma_wait3A_218 = arith.constant 0 : i32
      %dma_wait3A_219 = arith.constant 0 : i32
      %dma_wait3A_220 = tpu.memref_slice %arg2[%dma_wait3A_218, %dma_wait3A_219] : memref<10240x128xf32, #tpu.memory_space<hbm>> -> memref<10240x128xf32, #tpu.memory_space<hbm>>
      tpu.wait_indirect_dma semaphore(%arg30 : memref<!tpu.dma_semaphore, #tpu.memory_space<semaphore_mem>>) src(%dma_wait3A_220 : memref<10240x128xf32, #tpu.memory_space<hbm>>) dst(%arg18 : memref<64x128xf32, #tpu.memory_space<vmem>>)
      %add3A_221 = arith.constant 4 : i32
      %add3A_222 = arith.addi %add3A_217, %add3A_221 : i32
      %lt3A_223 = arith.constant 160 : i32
      %lt3A_224 = arith.cmpi slt, %add3A_222, %lt3A_223 : i32
      %convert_element_type3A_225 = arith.extui %lt3A_224 : i1 to i32
      %cond3A_226 = arith.constant 0 : i32
      %cond3A_227 = arith.cmpi ne, %convert_element_type3A_225, %cond3A_226 : i32
      scf.if %cond3A_227 {
        %add3A_289 = arith.constant 4 : i32
        %add3A_290 = arith.addi %add3A_217, %add3A_289 : i32
        %mul3A_291 = arith.constant 160 : i32
        %mul3A_292 = arith.muli %arg1, %mul3A_291 : i32
        %add3A_293 = arith.addi %mul3A_292, %add3A_290 : i32
        %mul3A_294 = arith.constant 64 : i32
        %mul3A_295 = arith.muli %add3A_293, %mul3A_294 : i32
        %multiple_of3A_296 = tpu.assume_multiple %mul3A_295, 8 : i32
        %dma_start3A_297 = tpu.memref_slice %arg4[%multiple_of3A_296] : memref<163840xi32, #tpu.memory_space<hbm>> -> memref<64xi32, #tpu.memory_space<hbm>>
        %dma_start3A_298 = tpu.memref_slice %arg4[%multiple_of3A_296] : memref<163840xi32, #tpu.memory_space<hbm>> -> memref<64xi32, #tpu.memory_space<hbm>>
        tpu.enqueue_dma source(%dma_start3A_298 : memref<64xi32, #tpu.memory_space<hbm>>) target(%arg10 : memref<64xi32, #tpu.memory_space<vmem>>) target_semaphore(%arg22 : memref<!tpu.dma_semaphore, #tpu.memory_space<semaphore_mem>>)
      } else {
      }
      %dma_wait3A_228 = arith.constant 0 : i32
      %dma_wait3A_229 = tpu.memref_slice %arg5[%dma_wait3A_228] : memref<163840xi32, #tpu.memory_space<hbm>> -> memref<64xi32, #tpu.memory_space<hbm>>
      %dma_wait3A_230 = arith.constant 0 : i32
      %dma_wait3A_231 = tpu.memref_slice %arg5[%dma_wait3A_230] : memref<163840xi32, #tpu.memory_space<hbm>> -> memref<64xi32, #tpu.memory_space<hbm>>
      tpu.wait_dma2 semaphore(%arg26 : memref<!tpu.dma_semaphore, #tpu.memory_space<semaphore_mem>>) src(%dma_wait3A_231 : memref<64xi32, #tpu.memory_space<hbm>>) dst(%arg14 : memref<64xi32, #tpu.memory_space<vmem>>)
      "tpu.region"() ({
        %run_scoped3A = tpu.sem_alloc : memref<!tpu.dma_semaphore, #tpu.memory_space<semaphore_mem>>
        %dma_start3A_289 = arith.constant 0 : i32
        %dma_start3A_290 = arith.constant 0 : i32
        %dma_start3A_291 = tpu.memref_slice %arg8[%dma_start3A_289, %dma_start3A_290] : memref<10240x128xf32, #tpu.memory_space<vmem_shared>> -> memref<10240x128xf32, #tpu.memory_space<vmem_shared>>
        tpu.enqueue_indirect_dma source(%arg18 : memref<64x128xf32, #tpu.memory_space<vmem>>) target(%dma_start3A_291 : memref<10240x128xf32, #tpu.memory_space<vmem_shared>>) offsets(%arg14 : memref<64xi32, #tpu.memory_space<vmem>>) semaphore(%run_scoped3A : memref<!tpu.dma_semaphore, #tpu.memory_space<semaphore_mem>>) {add = true}
        %dma_wait3A_292 = arith.constant 0 : i32
        %dma_wait3A_293 = arith.constant 0 : i32
        %dma_wait3A_294 = tpu.memref_slice %arg8[%dma_wait3A_292, %dma_wait3A_293] : memref<10240x128xf32, #tpu.memory_space<vmem_shared>> -> memref<10240x128xf32, #tpu.memory_space<vmem_shared>>
        tpu.wait_indirect_dma semaphore(%run_scoped3A : memref<!tpu.dma_semaphore, #tpu.memory_space<semaphore_mem>>) src(%arg18 : memref<64x128xf32, #tpu.memory_space<vmem>>) dst(%dma_wait3A_294 : memref<10240x128xf32, #tpu.memory_space<vmem_shared>>)
        tpu.yield
      }) : () -> ()
      %add3A_232 = arith.constant 4 : i32
      %add3A_233 = arith.addi %add3A_217, %add3A_232 : i32
      %lt3A_234 = arith.constant 160 : i32
      %lt3A_235 = arith.cmpi slt, %add3A_233, %lt3A_234 : i32
      %convert_element_type3A_236 = arith.extui %lt3A_235 : i1 to i32
      %cond3A_237 = arith.constant 0 : i32
      %cond3A_238 = arith.cmpi ne, %convert_element_type3A_236, %cond3A_237 : i32
      scf.if %cond3A_238 {
        %add3A_289 = arith.constant 4 : i32
        %add3A_290 = arith.addi %add3A_217, %add3A_289 : i32
        %mul3A_291 = arith.constant 160 : i32
        %mul3A_292 = arith.muli %arg1, %mul3A_291 : i32
        %add3A_293 = arith.addi %mul3A_292, %add3A_290 : i32
        %mul3A_294 = arith.constant 64 : i32
        %mul3A_295 = arith.muli %add3A_293, %mul3A_294 : i32
        %multiple_of3A_296 = tpu.assume_multiple %mul3A_295, 8 : i32
        %dma_start3A_297 = tpu.memref_slice %arg5[%multiple_of3A_296] : memref<163840xi32, #tpu.memory_space<hbm>> -> memref<64xi32, #tpu.memory_space<hbm>>
        %dma_start3A_298 = tpu.memref_slice %arg5[%multiple_of3A_296] : memref<163840xi32, #tpu.memory_space<hbm>> -> memref<64xi32, #tpu.memory_space<hbm>>
        tpu.enqueue_dma source(%dma_start3A_298 : memref<64xi32, #tpu.memory_space<hbm>>) target(%arg14 : memref<64xi32, #tpu.memory_space<vmem>>) target_semaphore(%arg26 : memref<!tpu.dma_semaphore, #tpu.memory_space<semaphore_mem>>)
        %dma_wait3A_299 = arith.constant 0 : i32
        %dma_wait3A_300 = tpu.memref_slice %arg4[%dma_wait3A_299] : memref<163840xi32, #tpu.memory_space<hbm>> -> memref<64xi32, #tpu.memory_space<hbm>>
        %dma_wait3A_301 = arith.constant 0 : i32
        %dma_wait3A_302 = tpu.memref_slice %arg4[%dma_wait3A_301] : memref<163840xi32, #tpu.memory_space<hbm>> -> memref<64xi32, #tpu.memory_space<hbm>>
        tpu.wait_dma2 semaphore(%arg22 : memref<!tpu.dma_semaphore, #tpu.memory_space<semaphore_mem>>) src(%dma_wait3A_302 : memref<64xi32, #tpu.memory_space<hbm>>) dst(%arg10 : memref<64xi32, #tpu.memory_space<vmem>>)
        %eq3A_303 = arith.constant 0 : i32
        %eq3A_304 = arith.cmpi eq, %arg0, %eq3A_303 : i32
        %convert_element_type3A_305 = arith.extui %eq3A_304 : i1 to i32
        %cond3A_306 = arith.constant 0 : i32
        %cond3A_307 = arith.cmpi ne, %convert_element_type3A_305, %cond3A_306 : i32
        scf.if %cond3A_307 {
          %dma_start3A_313 = arith.constant 0 : i32
          %dma_start3A_314 = arith.constant 0 : i32
          %dma_start3A_315 = tpu.memref_slice %arg2[%dma_start3A_313, %dma_start3A_314] : memref<10240x128xf32, #tpu.memory_space<hbm>> -> memref<10240x128xf32, #tpu.memory_space<hbm>>
          tpu.enqueue_indirect_dma source(%dma_start3A_315 : memref<10240x128xf32, #tpu.memory_space<hbm>>) target(%arg18 : memref<64x128xf32, #tpu.memory_space<vmem>>) offsets(%arg10 : memref<64xi32, #tpu.memory_space<vmem>>) semaphore(%arg30 : memref<!tpu.dma_semaphore, #tpu.memory_space<semaphore_mem>>)
        } else {
        }
        %eq3A_308 = arith.constant 1 : i32
        %eq3A_309 = arith.cmpi eq, %arg0, %eq3A_308 : i32
        %convert_element_type3A_310 = arith.extui %eq3A_309 : i1 to i32
        %cond3A_311 = arith.constant 0 : i32
        %cond3A_312 = arith.cmpi ne, %convert_element_type3A_310, %cond3A_311 : i32
        scf.if %cond3A_312 {
          %dma_start3A_313 = arith.constant 0 : i32
          %dma_start3A_314 = arith.constant 0 : i32
          %dma_start3A_315 = tpu.memref_slice %arg3[%dma_start3A_313, %dma_start3A_314] : memref<10240x128xf32, #tpu.memory_space<hbm>> -> memref<10240x128xf32, #tpu.memory_space<hbm>>
          tpu.enqueue_indirect_dma source(%dma_start3A_315 : memref<10240x128xf32, #tpu.memory_space<hbm>>) target(%arg18 : memref<64x128xf32, #tpu.memory_space<vmem>>) offsets(%arg10 : memref<64xi32, #tpu.memory_space<vmem>>) semaphore(%arg30 : memref<!tpu.dma_semaphore, #tpu.memory_space<semaphore_mem>>)
        } else {
        }
      } else {
      }
      %mul3A_239 = arith.constant 4 : i32
      %mul3A_240 = arith.muli %mul3A_239, %scan3A_189 : i32
      %add3A_241 = arith.constant 2 : i32
      %add3A_242 = arith.addi %mul3A_240, %add3A_241 : i32
      %dma_wait3A_243 = arith.constant 0 : i32
      %dma_wait3A_244 = arith.constant 0 : i32
      %dma_wait3A_245 = tpu.memref_slice %arg2[%dma_wait3A_243, %dma_wait3A_244] : memref<10240x128xf32, #tpu.memory_space<hbm>> -> memref<10240x128xf32, #tpu.memory_space<hbm>>
      tpu.wait_indirect_dma semaphore(%arg31 : memref<!tpu.dma_semaphore, #tpu.memory_space<semaphore_mem>>) src(%dma_wait3A_245 : memref<10240x128xf32, #tpu.memory_space<hbm>>) dst(%arg19 : memref<64x128xf32, #tpu.memory_space<vmem>>)
      %add3A_246 = arith.constant 4 : i32
      %add3A_247 = arith.addi %add3A_242, %add3A_246 : i32
      %lt3A_248 = arith.constant 160 : i32
      %lt3A_249 = arith.cmpi slt, %add3A_247, %lt3A_248 : i32
      %convert_element_type3A_250 = arith.extui %lt3A_249 : i1 to i32
      %cond3A_251 = arith.constant 0 : i32
      %cond3A_252 = arith.cmpi ne, %convert_element_type3A_250, %cond3A_251 : i32
      scf.if %cond3A_252 {
        %add3A_289 = arith.constant 4 : i32
        %add3A_290 = arith.addi %add3A_242, %add3A_289 : i32
        %mul3A_291 = arith.constant 160 : i32
        %mul3A_292 = arith.muli %arg1, %mul3A_291 : i32
        %add3A_293 = arith.addi %mul3A_292, %add3A_290 : i32
        %mul3A_294 = arith.constant 64 : i32
        %mul3A_295 = arith.muli %add3A_293, %mul3A_294 : i32
        %multiple_of3A_296 = tpu.assume_multiple %mul3A_295, 8 : i32
        %dma_start3A_297 = tpu.memref_slice %arg4[%multiple_of3A_296] : memref<163840xi32, #tpu.memory_space<hbm>> -> memref<64xi32, #tpu.memory_space<hbm>>
        %dma_start3A_298 = tpu.memref_slice %arg4[%multiple_of3A_296] : memref<163840xi32, #tpu.memory_space<hbm>> -> memref<64xi32, #tpu.memory_space<hbm>>
        tpu.enqueue_dma source(%dma_start3A_298 : memref<64xi32, #tpu.memory_space<hbm>>) target(%arg11 : memref<64xi32, #tpu.memory_space<vmem>>) target_semaphore(%arg23 : memref<!tpu.dma_semaphore, #tpu.memory_space<semaphore_mem>>)
      } else {
      }
      %dma_wait3A_253 = arith.constant 0 : i32
      %dma_wait3A_254 = tpu.memref_slice %arg5[%dma_wait3A_253] : memref<163840xi32, #tpu.memory_space<hbm>> -> memref<64xi32, #tpu.memory_space<hbm>>
      %dma_wait3A_255 = arith.constant 0 : i32
      %dma_wait3A_256 = tpu.memref_slice %arg5[%dma_wait3A_255] : memref<163840xi32, #tpu.memory_space<hbm>> -> memref<64xi32, #tpu.memory_space<hbm>>
      tpu.wait_dma2 semaphore(%arg27 : memref<!tpu.dma_semaphore, #tpu.memory_space<semaphore_mem>>) src(%dma_wait3A_256 : memref<64xi32, #tpu.memory_space<hbm>>) dst(%arg15 : memref<64xi32, #tpu.memory_space<vmem>>)
      "tpu.region"() ({
        %run_scoped3A = tpu.sem_alloc : memref<!tpu.dma_semaphore, #tpu.memory_space<semaphore_mem>>
        %dma_start3A_289 = arith.constant 0 : i32
        %dma_start3A_290 = arith.constant 0 : i32
        %dma_start3A_291 = tpu.memref_slice %arg8[%dma_start3A_289, %dma_start3A_290] : memref<10240x128xf32, #tpu.memory_space<vmem_shared>> -> memref<10240x128xf32, #tpu.memory_space<vmem_shared>>
        tpu.enqueue_indirect_dma source(%arg19 : memref<64x128xf32, #tpu.memory_space<vmem>>) target(%dma_start3A_291 : memref<10240x128xf32, #tpu.memory_space<vmem_shared>>) offsets(%arg15 : memref<64xi32, #tpu.memory_space<vmem>>) semaphore(%run_scoped3A : memref<!tpu.dma_semaphore, #tpu.memory_space<semaphore_mem>>) {add = true}
        %dma_wait3A_292 = arith.constant 0 : i32
        %dma_wait3A_293 = arith.constant 0 : i32
        %dma_wait3A_294 = tpu.memref_slice %arg8[%dma_wait3A_292, %dma_wait3A_293] : memref<10240x128xf32, #tpu.memory_space<vmem_shared>> -> memref<10240x128xf32, #tpu.memory_space<vmem_shared>>
        tpu.wait_indirect_dma semaphore(%run_scoped3A : memref<!tpu.dma_semaphore, #tpu.memory_space<semaphore_mem>>) src(%arg19 : memref<64x128xf32, #tpu.memory_space<vmem>>) dst(%dma_wait3A_294 : memref<10240x128xf32, #tpu.memory_space<vmem_shared>>)
        tpu.yield
      }) : () -> ()
      %add3A_257 = arith.constant 4 : i32
      %add3A_258 = arith.addi %add3A_242, %add3A_257 : i32
      %lt3A_259 = arith.constant 160 : i32
      %lt3A_260 = arith.cmpi slt, %add3A_258, %lt3A_259 : i32
      %convert_element_type3A_261 = arith.extui %lt3A_260 : i1 to i32
      %cond3A_262 = arith.constant 0 : i32
      %cond3A_263 = arith.cmpi ne, %convert_element_type3A_261, %cond3A_262 : i32
      scf.if %cond3A_263 {
        %add3A_289 = arith.constant 4 : i32
        %add3A_290 = arith.addi %add3A_242, %add3A_289 : i32
        %mul3A_291 = arith.constant 160 : i32
        %mul3A_292 = arith.muli %arg1, %mul3A_291 : i32
        %add3A_293 = arith.addi %mul3A_292, %add3A_290 : i32
        %mul3A_294 = arith.constant 64 : i32
        %mul3A_295 = arith.muli %add3A_293, %mul3A_294 : i32
        %multiple_of3A_296 = tpu.assume_multiple %mul3A_295, 8 : i32
        %dma_start3A_297 = tpu.memref_slice %arg5[%multiple_of3A_296] : memref<163840xi32, #tpu.memory_space<hbm>> -> memref<64xi32, #tpu.memory_space<hbm>>
        %dma_start3A_298 = tpu.memref_slice %arg5[%multiple_of3A_296] : memref<163840xi32, #tpu.memory_space<hbm>> -> memref<64xi32, #tpu.memory_space<hbm>>
        tpu.enqueue_dma source(%dma_start3A_298 : memref<64xi32, #tpu.memory_space<hbm>>) target(%arg15 : memref<64xi32, #tpu.memory_space<vmem>>) target_semaphore(%arg27 : memref<!tpu.dma_semaphore, #tpu.memory_space<semaphore_mem>>)
        %dma_wait3A_299 = arith.constant 0 : i32
        %dma_wait3A_300 = tpu.memref_slice %arg4[%dma_wait3A_299] : memref<163840xi32, #tpu.memory_space<hbm>> -> memref<64xi32, #tpu.memory_space<hbm>>
        %dma_wait3A_301 = arith.constant 0 : i32
        %dma_wait3A_302 = tpu.memref_slice %arg4[%dma_wait3A_301] : memref<163840xi32, #tpu.memory_space<hbm>> -> memref<64xi32, #tpu.memory_space<hbm>>
        tpu.wait_dma2 semaphore(%arg23 : memref<!tpu.dma_semaphore, #tpu.memory_space<semaphore_mem>>) src(%dma_wait3A_302 : memref<64xi32, #tpu.memory_space<hbm>>) dst(%arg11 : memref<64xi32, #tpu.memory_space<vmem>>)
        %eq3A_303 = arith.constant 0 : i32
        %eq3A_304 = arith.cmpi eq, %arg0, %eq3A_303 : i32
        %convert_element_type3A_305 = arith.extui %eq3A_304 : i1 to i32
        %cond3A_306 = arith.constant 0 : i32
        %cond3A_307 = arith.cmpi ne, %convert_element_type3A_305, %cond3A_306 : i32
        scf.if %cond3A_307 {
          %dma_start3A_313 = arith.constant 0 : i32
          %dma_start3A_314 = arith.constant 0 : i32
          %dma_start3A_315 = tpu.memref_slice %arg2[%dma_start3A_313, %dma_start3A_314] : memref<10240x128xf32, #tpu.memory_space<hbm>> -> memref<10240x128xf32, #tpu.memory_space<hbm>>
          tpu.enqueue_indirect_dma source(%dma_start3A_315 : memref<10240x128xf32, #tpu.memory_space<hbm>>) target(%arg19 : memref<64x128xf32, #tpu.memory_space<vmem>>) offsets(%arg11 : memref<64xi32, #tpu.memory_space<vmem>>) semaphore(%arg31 : memref<!tpu.dma_semaphore, #tpu.memory_space<semaphore_mem>>)
        } else {
        }
        %eq3A_308 = arith.constant 1 : i32
        %eq3A_309 = arith.cmpi eq, %arg0, %eq3A_308 : i32
        %convert_element_type3A_310 = arith.extui %eq3A_309 : i1 to i32
        %cond3A_311 = arith.constant 0 : i32
        %cond3A_312 = arith.cmpi ne, %convert_element_type3A_310, %cond3A_311 : i32
        scf.if %cond3A_312 {
          %dma_start3A_313 = arith.constant 0 : i32
          %dma_start3A_314 = arith.constant 0 : i32
          %dma_start3A_315 = tpu.memref_slice %arg3[%dma_start3A_313, %dma_start3A_314] : memref<10240x128xf32, #tpu.memory_space<hbm>> -> memref<10240x128xf32, #tpu.memory_space<hbm>>
          tpu.enqueue_indirect_dma source(%dma_start3A_315 : memref<10240x128xf32, #tpu.memory_space<hbm>>) target(%arg19 : memref<64x128xf32, #tpu.memory_space<vmem>>) offsets(%arg11 : memref<64xi32, #tpu.memory_space<vmem>>) semaphore(%arg31 : memref<!tpu.dma_semaphore, #tpu.memory_space<semaphore_mem>>)
        } else {
        }
      } else {
      }
      %mul3A_264 = arith.constant 4 : i32
      %mul3A_265 = arith.muli %mul3A_264, %scan3A_189 : i32
      %add3A_266 = arith.constant 3 : i32
      %add3A_267 = arith.addi %mul3A_265, %add3A_266 : i32
      %dma_wait3A_268 = arith.constant 0 : i32
      %dma_wait3A_269 = arith.constant 0 : i32
      %dma_wait3A_270 = tpu.memref_slice %arg2[%dma_wait3A_268, %dma_wait3A_269] : memref<10240x128xf32, #tpu.memory_space<hbm>> -> memref<10240x128xf32, #tpu.memory_space<hbm>>
      tpu.wait_indirect_dma semaphore(%arg32 : memref<!tpu.dma_semaphore, #tpu.memory_space<semaphore_mem>>) src(%dma_wait3A_270 : memref<10240x128xf32, #tpu.memory_space<hbm>>) dst(%arg20 : memref<64x128xf32, #tpu.memory_space<vmem>>)
      %add3A_271 = arith.constant 4 : i32
      %add3A_272 = arith.addi %add3A_267, %add3A_271 : i32
      %lt3A_273 = arith.constant 160 : i32
      %lt3A_274 = arith.cmpi slt, %add3A_272, %lt3A_273 : i32
      %convert_element_type3A_275 = arith.extui %lt3A_274 : i1 to i32
      %cond3A_276 = arith.constant 0 : i32
      %cond3A_277 = arith.cmpi ne, %convert_element_type3A_275, %cond3A_276 : i32
      scf.if %cond3A_277 {
        %add3A_289 = arith.constant 4 : i32
        %add3A_290 = arith.addi %add3A_267, %add3A_289 : i32
        %mul3A_291 = arith.constant 160 : i32
        %mul3A_292 = arith.muli %arg1, %mul3A_291 : i32
        %add3A_293 = arith.addi %mul3A_292, %add3A_290 : i32
        %mul3A_294 = arith.constant 64 : i32
        %mul3A_295 = arith.muli %add3A_293, %mul3A_294 : i32
        %multiple_of3A_296 = tpu.assume_multiple %mul3A_295, 8 : i32
        %dma_start3A_297 = tpu.memref_slice %arg4[%multiple_of3A_296] : memref<163840xi32, #tpu.memory_space<hbm>> -> memref<64xi32, #tpu.memory_space<hbm>>
        %dma_start3A_298 = tpu.memref_slice %arg4[%multiple_of3A_296] : memref<163840xi32, #tpu.memory_space<hbm>> -> memref<64xi32, #tpu.memory_space<hbm>>
        tpu.enqueue_dma source(%dma_start3A_298 : memref<64xi32, #tpu.memory_space<hbm>>) target(%arg12 : memref<64xi32, #tpu.memory_space<vmem>>) target_semaphore(%arg24 : memref<!tpu.dma_semaphore, #tpu.memory_space<semaphore_mem>>)
      } else {
      }
      %dma_wait3A_278 = arith.constant 0 : i32
      %dma_wait3A_279 = tpu.memref_slice %arg5[%dma_wait3A_278] : memref<163840xi32, #tpu.memory_space<hbm>> -> memref<64xi32, #tpu.memory_space<hbm>>
      %dma_wait3A_280 = arith.constant 0 : i32
      %dma_wait3A_281 = tpu.memref_slice %arg5[%dma_wait3A_280] : memref<163840xi32, #tpu.memory_space<hbm>> -> memref<64xi32, #tpu.memory_space<hbm>>
      tpu.wait_dma2 semaphore(%arg28 : memref<!tpu.dma_semaphore, #tpu.memory_space<semaphore_mem>>) src(%dma_wait3A_281 : memref<64xi32, #tpu.memory_space<hbm>>) dst(%arg16 : memref<64xi32, #tpu.memory_space<vmem>>)
      "tpu.region"() ({
        %run_scoped3A = tpu.sem_alloc : memref<!tpu.dma_semaphore, #tpu.memory_space<semaphore_mem>>
        %dma_start3A_289 = arith.constant 0 : i32
        %dma_start3A_290 = arith.constant 0 : i32
        %dma_start3A_291 = tpu.memref_slice %arg8[%dma_start3A_289, %dma_start3A_290] : memref<10240x128xf32, #tpu.memory_space<vmem_shared>> -> memref<10240x128xf32, #tpu.memory_space<vmem_shared>>
        tpu.enqueue_indirect_dma source(%arg20 : memref<64x128xf32, #tpu.memory_space<vmem>>) target(%dma_start3A_291 : memref<10240x128xf32, #tpu.memory_space<vmem_shared>>) offsets(%arg16 : memref<64xi32, #tpu.memory_space<vmem>>) semaphore(%run_scoped3A : memref<!tpu.dma_semaphore, #tpu.memory_space<semaphore_mem>>) {add = true}
        %dma_wait3A_292 = arith.constant 0 : i32
        %dma_wait3A_293 = arith.constant 0 : i32
        %dma_wait3A_294 = tpu.memref_slice %arg8[%dma_wait3A_292, %dma_wait3A_293] : memref<10240x128xf32, #tpu.memory_space<vmem_shared>> -> memref<10240x128xf32, #tpu.memory_space<vmem_shared>>
        tpu.wait_indirect_dma semaphore(%run_scoped3A : memref<!tpu.dma_semaphore, #tpu.memory_space<semaphore_mem>>) src(%arg20 : memref<64x128xf32, #tpu.memory_space<vmem>>) dst(%dma_wait3A_294 : memref<10240x128xf32, #tpu.memory_space<vmem_shared>>)
        tpu.yield
      }) : () -> ()
      %add3A_282 = arith.constant 4 : i32
      %add3A_283 = arith.addi %add3A_267, %add3A_282 : i32
      %lt3A_284 = arith.constant 160 : i32
      %lt3A_285 = arith.cmpi slt, %add3A_283, %lt3A_284 : i32
      %convert_element_type3A_286 = arith.extui %lt3A_285 : i1 to i32
      %cond3A_287 = arith.constant 0 : i32
      %cond3A_288 = arith.cmpi ne, %convert_element_type3A_286, %cond3A_287 : i32
      scf.if %cond3A_288 {
        %add3A_289 = arith.constant 4 : i32
        %add3A_290 = arith.addi %add3A_267, %add3A_289 : i32
        %mul3A_291 = arith.constant 160 : i32
        %mul3A_292 = arith.muli %arg1, %mul3A_291 : i32
        %add3A_293 = arith.addi %mul3A_292, %add3A_290 : i32
        %mul3A_294 = arith.constant 64 : i32
        %mul3A_295 = arith.muli %add3A_293, %mul3A_294 : i32
        %multiple_of3A_296 = tpu.assume_multiple %mul3A_295, 8 : i32
        %dma_start3A_297 = tpu.memref_slice %arg5[%multiple_of3A_296] : memref<163840xi32, #tpu.memory_space<hbm>> -> memref<64xi32, #tpu.memory_space<hbm>>
        %dma_start3A_298 = tpu.memref_slice %arg5[%multiple_of3A_296] : memref<163840xi32, #tpu.memory_space<hbm>> -> memref<64xi32, #tpu.memory_space<hbm>>
        tpu.enqueue_dma source(%dma_start3A_298 : memref<64xi32, #tpu.memory_space<hbm>>) target(%arg16 : memref<64xi32, #tpu.memory_space<vmem>>) target_semaphore(%arg28 : memref<!tpu.dma_semaphore, #tpu.memory_space<semaphore_mem>>)
        %dma_wait3A_299 = arith.constant 0 : i32
        %dma_wait3A_300 = tpu.memref_slice %arg4[%dma_wait3A_299] : memref<163840xi32, #tpu.memory_space<hbm>> -> memref<64xi32, #tpu.memory_space<hbm>>
        %dma_wait3A_301 = arith.constant 0 : i32
        %dma_wait3A_302 = tpu.memref_slice %arg4[%dma_wait3A_301] : memref<163840xi32, #tpu.memory_space<hbm>> -> memref<64xi32, #tpu.memory_space<hbm>>
        tpu.wait_dma2 semaphore(%arg24 : memref<!tpu.dma_semaphore, #tpu.memory_space<semaphore_mem>>) src(%dma_wait3A_302 : memref<64xi32, #tpu.memory_space<hbm>>) dst(%arg12 : memref<64xi32, #tpu.memory_space<vmem>>)
        %eq3A_303 = arith.constant 0 : i32
        %eq3A_304 = arith.cmpi eq, %arg0, %eq3A_303 : i32
        %convert_element_type3A_305 = arith.extui %eq3A_304 : i1 to i32
        %cond3A_306 = arith.constant 0 : i32
        %cond3A_307 = arith.cmpi ne, %convert_element_type3A_305, %cond3A_306 : i32
        scf.if %cond3A_307 {
          %dma_start3A_313 = arith.constant 0 : i32
          %dma_start3A_314 = arith.constant 0 : i32
          %dma_start3A_315 = tpu.memref_slice %arg2[%dma_start3A_313, %dma_start3A_314] : memref<10240x128xf32, #tpu.memory_space<hbm>> -> memref<10240x128xf32, #tpu.memory_space<hbm>>
          tpu.enqueue_indirect_dma source(%dma_start3A_315 : memref<10240x128xf32, #tpu.memory_space<hbm>>) target(%arg20 : memref<64x128xf32, #tpu.memory_space<vmem>>) offsets(%arg12 : memref<64xi32, #tpu.memory_space<vmem>>) semaphore(%arg32 : memref<!tpu.dma_semaphore, #tpu.memory_space<semaphore_mem>>)
        } else {
        }
        %eq3A_308 = arith.constant 1 : i32
        %eq3A_309 = arith.cmpi eq, %arg0, %eq3A_308 : i32
        %convert_element_type3A_310 = arith.extui %eq3A_309 : i1 to i32
        %cond3A_311 = arith.constant 0 : i32
        %cond3A_312 = arith.cmpi ne, %convert_element_type3A_310, %cond3A_311 : i32
        scf.if %cond3A_312 {
          %dma_start3A_313 = arith.constant 0 : i32
          %dma_start3A_314 = arith.constant 0 : i32
          %dma_start3A_315 = tpu.memref_slice %arg3[%dma_start3A_313, %dma_start3A_314] : memref<10240x128xf32, #tpu.memory_space<hbm>> -> memref<10240x128xf32, #tpu.memory_space<hbm>>
          tpu.enqueue_indirect_dma source(%dma_start3A_315 : memref<10240x128xf32, #tpu.memory_space<hbm>>) target(%arg20 : memref<64x128xf32, #tpu.memory_space<vmem>>) offsets(%arg12 : memref<64xi32, #tpu.memory_space<vmem>>) semaphore(%arg32 : memref<!tpu.dma_semaphore, #tpu.memory_space<semaphore_mem>>)
        } else {
        }
      } else {
      }
    }
    %scan3A_174 = arith.constant 40 : i32
    %barrier3A_175 = arith.constant 0 : index
    tpu.barrier barrier_id(%barrier3A_175)
    %mul3A_176 = arith.constant 640 : i32
    %mul3A_177 = arith.muli %arg1, %mul3A_176 : i32
    %multiple_of3A_178 = tpu.assume_multiple %mul3A_177, 8 : i32
    %eq3A_179 = arith.constant 0 : i32
    %eq3A_180 = arith.cmpi eq, %arg0, %eq3A_179 : i32
    %convert_element_type3A_181 = arith.extui %eq3A_180 : i1 to i32
    %cond3A_182 = arith.constant 0 : i32
    %cond3A_183 = arith.cmpi ne, %convert_element_type3A_181, %cond3A_182 : i32
    scf.if %cond3A_183 {
      %run_scoped3A = arith.constant 0 : i32
      "tpu.region"() ({
        %run_scoped3A_189 = tpu.sem_alloc : memref<!tpu.dma_semaphore, #tpu.memory_space<semaphore_mem>>
        %dma_start3A_190 = arith.constant 0 : i32
        %dma_start3A_191 = tpu.memref_slice %arg7[%run_scoped3A, %multiple_of3A_178, %dma_start3A_190] : memref<2x10240x128xf32, #tpu.memory_space<hbm>> -> memref<1x640x128xf32, #tpu.memory_space<hbm>>
        %dma_start3A_192 = tpu.memref_squeeze %dma_start3A_191 : memref<1x640x128xf32, #tpu.memory_space<hbm>> -> memref<640x128xf32, #tpu.memory_space<hbm>>
        %dma_start3A_193 = arith.constant 0 : i32
        %dma_start3A_194 = tpu.memref_slice %arg8[%multiple_of3A_178, %dma_start3A_193] : memref<10240x128xf32, #tpu.memory_space<vmem_shared>> -> memref<640x128xf32, #tpu.memory_space<vmem_shared>>
        tpu.enqueue_dma source(%dma_start3A_194 : memref<640x128xf32, #tpu.memory_space<vmem_shared>>) target(%dma_start3A_192 : memref<640x128xf32, #tpu.memory_space<hbm>>) target_semaphore(%run_scoped3A_189 : memref<!tpu.dma_semaphore, #tpu.memory_space<semaphore_mem>>)
        %dma_wait3A_195 = arith.constant 0 : i32
        %dma_wait3A_196 = tpu.memref_slice %arg7[%run_scoped3A, %multiple_of3A_178, %dma_wait3A_195] : memref<2x10240x128xf32, #tpu.memory_space<hbm>> -> memref<1x640x128xf32, #tpu.memory_space<hbm>>
        %dma_wait3A_197 = tpu.memref_squeeze %dma_wait3A_196 : memref<1x640x128xf32, #tpu.memory_space<hbm>> -> memref<640x128xf32, #tpu.memory_space<hbm>>
        %dma_wait3A_198 = arith.constant 0 : i32
        %dma_wait3A_199 = tpu.memref_slice %arg8[%multiple_of3A_178, %dma_wait3A_198] : memref<10240x128xf32, #tpu.memory_space<vmem_shared>> -> memref<640x128xf32, #tpu.memory_space<vmem_shared>>
        tpu.wait_dma2 semaphore(%run_scoped3A_189 : memref<!tpu.dma_semaphore, #tpu.memory_space<semaphore_mem>>) src(%dma_wait3A_199 : memref<640x128xf32, #tpu.memory_space<vmem_shared>>) dst(%dma_wait3A_197 : memref<640x128xf32, #tpu.memory_space<hbm>>)
        tpu.yield
      }) : () -> ()
    } else {
    }
    %eq3A_184 = arith.constant 1 : i32
    %eq3A_185 = arith.cmpi eq, %arg0, %eq3A_184 : i32
    %convert_element_type3A_186 = arith.extui %eq3A_185 : i1 to i32
    %cond3A_187 = arith.constant 0 : i32
    %cond3A_188 = arith.cmpi ne, %convert_element_type3A_186, %cond3A_187 : i32
    scf.if %cond3A_188 {
      %run_scoped3A = arith.constant 1 : i32
      "tpu.region"() ({
        %run_scoped3A_189 = tpu.sem_alloc : memref<!tpu.dma_semaphore, #tpu.memory_space<semaphore_mem>>
        %dma_start3A_190 = arith.constant 0 : i32
        %dma_start3A_191 = tpu.memref_slice %arg7[%run_scoped3A, %multiple_of3A_178, %dma_start3A_190] : memref<2x10240x128xf32, #tpu.memory_space<hbm>> -> memref<1x640x128xf32, #tpu.memory_space<hbm>>
        %dma_start3A_192 = tpu.memref_squeeze %dma_start3A_191 : memref<1x640x128xf32, #tpu.memory_space<hbm>> -> memref<640x128xf32, #tpu.memory_space<hbm>>
        %dma_start3A_193 = arith.constant 0 : i32
        %dma_start3A_194 = tpu.memref_slice %arg8[%multiple_of3A_178, %dma_start3A_193] : memref<10240x128xf32, #tpu.memory_space<vmem_shared>> -> memref<640x128xf32, #tpu.memory_space<vmem_shared>>
        tpu.enqueue_dma source(%dma_start3A_194 : memref<640x128xf32, #tpu.memory_space<vmem_shared>>) target(%dma_start3A_192 : memref<640x128xf32, #tpu.memory_space<hbm>>) target_semaphore(%run_scoped3A_189 : memref<!tpu.dma_semaphore, #tpu.memory_space<semaphore_mem>>)
        %dma_wait3A_195 = arith.constant 0 : i32
        %dma_wait3A_196 = tpu.memref_slice %arg7[%run_scoped3A, %multiple_of3A_178, %dma_wait3A_195] : memref<2x10240x128xf32, #tpu.memory_space<hbm>> -> memref<1x640x128xf32, #tpu.memory_space<hbm>>
        %dma_wait3A_197 = tpu.memref_squeeze %dma_wait3A_196 : memref<1x640x128xf32, #tpu.memory_space<hbm>> -> memref<640x128xf32, #tpu.memory_space<hbm>>
        %dma_wait3A_198 = arith.constant 0 : i32
        %dma_wait3A_199 = tpu.memref_slice %arg8[%multiple_of3A_178, %dma_wait3A_198] : memref<10240x128xf32, #tpu.memory_space<vmem_shared>> -> memref<640x128xf32, #tpu.memory_space<vmem_shared>>
        tpu.wait_dma2 semaphore(%run_scoped3A_189 : memref<!tpu.dma_semaphore, #tpu.memory_space<semaphore_mem>>) src(%dma_wait3A_199 : memref<640x128xf32, #tpu.memory_space<vmem_shared>>) dst(%dma_wait3A_197 : memref<640x128xf32, #tpu.memory_space<hbm>>)
        tpu.yield
      }) : () -> ()
    } else {
    }
    return
  }
}

#map = affine_map<(d0, d1) -> (0, 0, 0)>
#map1 = affine_map<(d0, d1) -> (0, 0)>
module attributes {stable_mosaic.version = 14 : i64} {
  func.func @body(%arg0: i32, %arg1: i32, %arg2: memref<32x80x64xi32, #tpu.memory_space<hbm>>, %arg3: memref<64x128xf32, #tpu.memory_space<hbm>>, %arg4: memref<64x128xf32, #tpu.memory_space<hbm>>, %arg5: memref<2x10240x128xf32, #tpu.memory_space<hbm>>, %arg6: memref<10240x128xf32, #tpu.memory_space<vmem_shared>>, %arg7: memref<80x64xi32, #tpu.memory_space<vmem>>, %arg8: memref<64x128xf32, #tpu.memory_space<vmem>>, %arg9: memref<64x128xf32, #tpu.memory_space<vmem>>) attributes {dimension_semantics = [#tpu.dimension_semantics<core_parallel>, #tpu.dimension_semantics<subcore_parallel>], iteration_bounds = array<i64: 2, 16>, scalar_prefetch = 0 : i64, scratch_operands = 4 : i64, tpu.core_type = #tpu.core_type<sc_vector_subcore>, window_params = [{transform_indices = #map}, {transform_indices = #map1}, {transform_indices = #map1}, {transform_indices = #map}]} {
    "tpu.region"() ({
      %run_scoped3A = tpu.sem_alloc : memref<!tpu.dma_semaphore, #tpu.memory_space<semaphore_mem>>
      %dma_start3A = arith.constant 0 : i32
      %dma_start3A_73 = arith.constant 0 : i32
      %dma_start3A_74 = tpu.memref_slice %arg3[%dma_start3A, %dma_start3A_73] : memref<64x128xf32, #tpu.memory_space<hbm>> -> memref<64x128xf32, #tpu.memory_space<hbm>>
      %dma_start3A_75 = arith.constant 0 : i32
      %dma_start3A_76 = arith.constant 0 : i32
      %dma_start3A_77 = tpu.memref_slice %arg3[%dma_start3A_75, %dma_start3A_76] : memref<64x128xf32, #tpu.memory_space<hbm>> -> memref<64x128xf32, #tpu.memory_space<hbm>>
      tpu.enqueue_dma source(%dma_start3A_77 : memref<64x128xf32, #tpu.memory_space<hbm>>) target(%arg9 : memref<64x128xf32, #tpu.memory_space<vmem>>) target_semaphore(%run_scoped3A : memref<!tpu.dma_semaphore, #tpu.memory_space<semaphore_mem>>)
      %dma_wait3A = arith.constant 0 : i32
      %dma_wait3A_78 = arith.constant 0 : i32
      %dma_wait3A_79 = tpu.memref_slice %arg3[%dma_wait3A, %dma_wait3A_78] : memref<64x128xf32, #tpu.memory_space<hbm>> -> memref<64x128xf32, #tpu.memory_space<hbm>>
      %dma_wait3A_80 = arith.constant 0 : i32
      %dma_wait3A_81 = arith.constant 0 : i32
      %dma_wait3A_82 = tpu.memref_slice %arg3[%dma_wait3A_80, %dma_wait3A_81] : memref<64x128xf32, #tpu.memory_space<hbm>> -> memref<64x128xf32, #tpu.memory_space<hbm>>
      tpu.wait_dma2 semaphore(%run_scoped3A : memref<!tpu.dma_semaphore, #tpu.memory_space<semaphore_mem>>) src(%dma_wait3A_82 : memref<64x128xf32, #tpu.memory_space<hbm>>) dst(%arg9 : memref<64x128xf32, #tpu.memory_space<vmem>>)
      tpu.yield
    }) : () -> ()
    "tpu.region"() ({
      %run_scoped3A = tpu.sem_alloc : memref<!tpu.dma_semaphore, #tpu.memory_space<semaphore_mem>>
      tpu.enqueue_dma source(%arg4 : memref<64x128xf32, #tpu.memory_space<hbm>>) target(%arg8 : memref<64x128xf32, #tpu.memory_space<vmem>>) target_semaphore(%run_scoped3A : memref<!tpu.dma_semaphore, #tpu.memory_space<semaphore_mem>>)
      tpu.wait_dma2 semaphore(%run_scoped3A : memref<!tpu.dma_semaphore, #tpu.memory_space<semaphore_mem>>) src(%arg4 : memref<64x128xf32, #tpu.memory_space<hbm>>) dst(%arg8 : memref<64x128xf32, #tpu.memory_space<vmem>>)
      tpu.yield
    }) : () -> ()
    %eq3A = arith.constant 0 : i32
    %eq3A_0 = arith.cmpi eq, %arg0, %eq3A : i32
    %convert_element_type3A = arith.extui %eq3A_0 : i1 to i32
    %cond3A = arith.constant 0 : i32
    %cond3A_1 = arith.cmpi ne, %convert_element_type3A, %cond3A : i32
    scf.if %cond3A_1 {
      "tpu.region"() ({
        %run_scoped3A = tpu.sem_alloc : memref<!tpu.dma_semaphore, #tpu.memory_space<semaphore_mem>>
        %dma_start3A = arith.constant 0 : i32
        %dma_start3A_73 = arith.constant 0 : i32
        %dma_start3A_74 = tpu.memref_slice %arg2[%arg1, %dma_start3A, %dma_start3A_73] : memref<32x80x64xi32, #tpu.memory_space<hbm>> -> memref<1x80x64xi32, #tpu.memory_space<hbm>>
        %dma_start3A_75 = tpu.memref_squeeze %dma_start3A_74 : memref<1x80x64xi32, #tpu.memory_space<hbm>> -> memref<80x64xi32, #tpu.memory_space<hbm>>
        %dma_start3A_76 = arith.constant 0 : i32
        %dma_start3A_77 = arith.constant 0 : i32
        %dma_start3A_78 = tpu.memref_slice %arg2[%arg1, %dma_start3A_76, %dma_start3A_77] : memref<32x80x64xi32, #tpu.memory_space<hbm>> -> memref<1x80x64xi32, #tpu.memory_space<hbm>>
        %dma_start3A_79 = tpu.memref_squeeze %dma_start3A_78 : memref<1x80x64xi32, #tpu.memory_space<hbm>> -> memref<80x64xi32, #tpu.memory_space<hbm>>
        tpu.enqueue_dma source(%dma_start3A_79 : memref<80x64xi32, #tpu.memory_space<hbm>>) target(%arg7 : memref<80x64xi32, #tpu.memory_space<vmem>>) target_semaphore(%run_scoped3A : memref<!tpu.dma_semaphore, #tpu.memory_space<semaphore_mem>>)
        %dma_wait3A = arith.constant 0 : i32
        %dma_wait3A_80 = arith.constant 0 : i32
        %dma_wait3A_81 = tpu.memref_slice %arg2[%arg1, %dma_wait3A, %dma_wait3A_80] : memref<32x80x64xi32, #tpu.memory_space<hbm>> -> memref<1x80x64xi32, #tpu.memory_space<hbm>>
        %dma_wait3A_82 = tpu.memref_squeeze %dma_wait3A_81 : memref<1x80x64xi32, #tpu.memory_space<hbm>> -> memref<80x64xi32, #tpu.memory_space<hbm>>
        %dma_wait3A_83 = arith.constant 0 : i32
        %dma_wait3A_84 = arith.constant 0 : i32
        %dma_wait3A_85 = tpu.memref_slice %arg2[%arg1, %dma_wait3A_83, %dma_wait3A_84] : memref<32x80x64xi32, #tpu.memory_space<hbm>> -> memref<1x80x64xi32, #tpu.memory_space<hbm>>
        %dma_wait3A_86 = tpu.memref_squeeze %dma_wait3A_85 : memref<1x80x64xi32, #tpu.memory_space<hbm>> -> memref<80x64xi32, #tpu.memory_space<hbm>>
        tpu.wait_dma2 semaphore(%run_scoped3A : memref<!tpu.dma_semaphore, #tpu.memory_space<semaphore_mem>>) src(%dma_wait3A_86 : memref<80x64xi32, #tpu.memory_space<hbm>>) dst(%arg7 : memref<80x64xi32, #tpu.memory_space<vmem>>)
        tpu.yield
      }) : () -> ()
    } else {
    }
    %eq3A_2 = arith.constant 1 : i32
    %eq3A_3 = arith.cmpi eq, %arg0, %eq3A_2 : i32
    %convert_element_type3A_4 = arith.extui %eq3A_3 : i1 to i32
    %cond3A_5 = arith.constant 0 : i32
    %cond3A_6 = arith.cmpi ne, %convert_element_type3A_4, %cond3A_5 : i32
    scf.if %cond3A_6 {
      %add3A_73 = arith.constant 16 : i32
      %add3A_74 = arith.addi %add3A_73, %arg1 : i32
      "tpu.region"() ({
        %run_scoped3A = tpu.sem_alloc : memref<!tpu.dma_semaphore, #tpu.memory_space<semaphore_mem>>
        %dma_start3A = arith.constant 0 : i32
        %dma_start3A_75 = arith.constant 0 : i32
        %dma_start3A_76 = tpu.memref_slice %arg2[%add3A_74, %dma_start3A, %dma_start3A_75] : memref<32x80x64xi32, #tpu.memory_space<hbm>> -> memref<1x80x64xi32, #tpu.memory_space<hbm>>
        %dma_start3A_77 = tpu.memref_squeeze %dma_start3A_76 : memref<1x80x64xi32, #tpu.memory_space<hbm>> -> memref<80x64xi32, #tpu.memory_space<hbm>>
        %dma_start3A_78 = arith.constant 0 : i32
        %dma_start3A_79 = arith.constant 0 : i32
        %dma_start3A_80 = tpu.memref_slice %arg2[%add3A_74, %dma_start3A_78, %dma_start3A_79] : memref<32x80x64xi32, #tpu.memory_space<hbm>> -> memref<1x80x64xi32, #tpu.memory_space<hbm>>
        %dma_start3A_81 = tpu.memref_squeeze %dma_start3A_80 : memref<1x80x64xi32, #tpu.memory_space<hbm>> -> memref<80x64xi32, #tpu.memory_space<hbm>>
        tpu.enqueue_dma source(%dma_start3A_81 : memref<80x64xi32, #tpu.memory_space<hbm>>) target(%arg7 : memref<80x64xi32, #tpu.memory_space<vmem>>) target_semaphore(%run_scoped3A : memref<!tpu.dma_semaphore, #tpu.memory_space<semaphore_mem>>)
        %dma_wait3A = arith.constant 0 : i32
        %dma_wait3A_82 = arith.constant 0 : i32
        %dma_wait3A_83 = tpu.memref_slice %arg2[%add3A_74, %dma_wait3A, %dma_wait3A_82] : memref<32x80x64xi32, #tpu.memory_space<hbm>> -> memref<1x80x64xi32, #tpu.memory_space<hbm>>
        %dma_wait3A_84 = tpu.memref_squeeze %dma_wait3A_83 : memref<1x80x64xi32, #tpu.memory_space<hbm>> -> memref<80x64xi32, #tpu.memory_space<hbm>>
        %dma_wait3A_85 = arith.constant 0 : i32
        %dma_wait3A_86 = arith.constant 0 : i32
        %dma_wait3A_87 = tpu.memref_slice %arg2[%add3A_74, %dma_wait3A_85, %dma_wait3A_86] : memref<32x80x64xi32, #tpu.memory_space<hbm>> -> memref<1x80x64xi32, #tpu.memory_space<hbm>>
        %dma_wait3A_88 = tpu.memref_squeeze %dma_wait3A_87 : memref<1x80x64xi32, #tpu.memory_space<hbm>> -> memref<80x64xi32, #tpu.memory_space<hbm>>
        tpu.wait_dma2 semaphore(%run_scoped3A : memref<!tpu.dma_semaphore, #tpu.memory_space<semaphore_mem>>) src(%dma_wait3A_88 : memref<80x64xi32, #tpu.memory_space<hbm>>) dst(%arg7 : memref<80x64xi32, #tpu.memory_space<vmem>>)
        tpu.yield
      }) : () -> ()
    } else {
    }
    %mul3A = arith.constant 640 : i32
    %mul3A_7 = arith.muli %arg1, %mul3A : i32
    %add3A = arith.constant 0 : i32
    %add3A_8 = arith.addi %mul3A_7, %add3A : i32
    %multiple_of3A = tpu.assume_multiple %add3A_8, 64 : i32
    "tpu.region"() ({
      %run_scoped3A = tpu.sem_alloc : memref<!tpu.dma_semaphore, #tpu.memory_space<semaphore_mem>>
      %dma_start3A = arith.constant 0 : i32
      %dma_start3A_73 = tpu.memref_slice %arg6[%multiple_of3A, %dma_start3A] : memref<10240x128xf32, #tpu.memory_space<vmem_shared>> -> memref<64x128xf32, #tpu.memory_space<vmem_shared>>
      %dma_start3A_74 = arith.constant 0 : i32
      %dma_start3A_75 = tpu.memref_slice %arg6[%multiple_of3A, %dma_start3A_74] : memref<10240x128xf32, #tpu.memory_space<vmem_shared>> -> memref<64x128xf32, #tpu.memory_space<vmem_shared>>
      tpu.enqueue_dma source(%arg9 : memref<64x128xf32, #tpu.memory_space<vmem>>) target(%dma_start3A_75 : memref<64x128xf32, #tpu.memory_space<vmem_shared>>) target_semaphore(%run_scoped3A : memref<!tpu.dma_semaphore, #tpu.memory_space<semaphore_mem>>)
      %dma_wait3A = arith.constant 0 : i32
      %dma_wait3A_76 = tpu.memref_slice %arg6[%multiple_of3A, %dma_wait3A] : memref<10240x128xf32, #tpu.memory_space<vmem_shared>> -> memref<64x128xf32, #tpu.memory_space<vmem_shared>>
      %dma_wait3A_77 = arith.constant 0 : i32
      %dma_wait3A_78 = tpu.memref_slice %arg6[%multiple_of3A, %dma_wait3A_77] : memref<10240x128xf32, #tpu.memory_space<vmem_shared>> -> memref<64x128xf32, #tpu.memory_space<vmem_shared>>
      tpu.wait_dma2 semaphore(%run_scoped3A : memref<!tpu.dma_semaphore, #tpu.memory_space<semaphore_mem>>) src(%arg9 : memref<64x128xf32, #tpu.memory_space<vmem>>) dst(%dma_wait3A_78 : memref<64x128xf32, #tpu.memory_space<vmem_shared>>)
      tpu.yield
    }) : () -> ()
    %mul3A_9 = arith.constant 640 : i32
    %mul3A_10 = arith.muli %arg1, %mul3A_9 : i32
    %add3A_11 = arith.constant 64 : i32
    %add3A_12 = arith.addi %mul3A_10, %add3A_11 : i32
    %multiple_of3A_13 = tpu.assume_multiple %add3A_12, 64 : i32
    "tpu.region"() ({
      %run_scoped3A = tpu.sem_alloc : memref<!tpu.dma_semaphore, #tpu.memory_space<semaphore_mem>>
      %dma_start3A = arith.constant 0 : i32
      %dma_start3A_73 = tpu.memref_slice %arg6[%multiple_of3A_13, %dma_start3A] : memref<10240x128xf32, #tpu.memory_space<vmem_shared>> -> memref<64x128xf32, #tpu.memory_space<vmem_shared>>
      %dma_start3A_74 = arith.constant 0 : i32
      %dma_start3A_75 = tpu.memref_slice %arg6[%multiple_of3A_13, %dma_start3A_74] : memref<10240x128xf32, #tpu.memory_space<vmem_shared>> -> memref<64x128xf32, #tpu.memory_space<vmem_shared>>
      tpu.enqueue_dma source(%arg9 : memref<64x128xf32, #tpu.memory_space<vmem>>) target(%dma_start3A_75 : memref<64x128xf32, #tpu.memory_space<vmem_shared>>) target_semaphore(%run_scoped3A : memref<!tpu.dma_semaphore, #tpu.memory_space<semaphore_mem>>)
      %dma_wait3A = arith.constant 0 : i32
      %dma_wait3A_76 = tpu.memref_slice %arg6[%multiple_of3A_13, %dma_wait3A] : memref<10240x128xf32, #tpu.memory_space<vmem_shared>> -> memref<64x128xf32, #tpu.memory_space<vmem_shared>>
      %dma_wait3A_77 = arith.constant 0 : i32
      %dma_wait3A_78 = tpu.memref_slice %arg6[%multiple_of3A_13, %dma_wait3A_77] : memref<10240x128xf32, #tpu.memory_space<vmem_shared>> -> memref<64x128xf32, #tpu.memory_space<vmem_shared>>
      tpu.wait_dma2 semaphore(%run_scoped3A : memref<!tpu.dma_semaphore, #tpu.memory_space<semaphore_mem>>) src(%arg9 : memref<64x128xf32, #tpu.memory_space<vmem>>) dst(%dma_wait3A_78 : memref<64x128xf32, #tpu.memory_space<vmem_shared>>)
      tpu.yield
    }) : () -> ()
    %mul3A_14 = arith.constant 640 : i32
    %mul3A_15 = arith.muli %arg1, %mul3A_14 : i32
    %add3A_16 = arith.constant 128 : i32
    %add3A_17 = arith.addi %mul3A_15, %add3A_16 : i32
    %multiple_of3A_18 = tpu.assume_multiple %add3A_17, 64 : i32
    "tpu.region"() ({
      %run_scoped3A = tpu.sem_alloc : memref<!tpu.dma_semaphore, #tpu.memory_space<semaphore_mem>>
      %dma_start3A = arith.constant 0 : i32
      %dma_start3A_73 = tpu.memref_slice %arg6[%multiple_of3A_18, %dma_start3A] : memref<10240x128xf32, #tpu.memory_space<vmem_shared>> -> memref<64x128xf32, #tpu.memory_space<vmem_shared>>
      %dma_start3A_74 = arith.constant 0 : i32
      %dma_start3A_75 = tpu.memref_slice %arg6[%multiple_of3A_18, %dma_start3A_74] : memref<10240x128xf32, #tpu.memory_space<vmem_shared>> -> memref<64x128xf32, #tpu.memory_space<vmem_shared>>
      tpu.enqueue_dma source(%arg9 : memref<64x128xf32, #tpu.memory_space<vmem>>) target(%dma_start3A_75 : memref<64x128xf32, #tpu.memory_space<vmem_shared>>) target_semaphore(%run_scoped3A : memref<!tpu.dma_semaphore, #tpu.memory_space<semaphore_mem>>)
      %dma_wait3A = arith.constant 0 : i32
      %dma_wait3A_76 = tpu.memref_slice %arg6[%multiple_of3A_18, %dma_wait3A] : memref<10240x128xf32, #tpu.memory_space<vmem_shared>> -> memref<64x128xf32, #tpu.memory_space<vmem_shared>>
      %dma_wait3A_77 = arith.constant 0 : i32
      %dma_wait3A_78 = tpu.memref_slice %arg6[%multiple_of3A_18, %dma_wait3A_77] : memref<10240x128xf32, #tpu.memory_space<vmem_shared>> -> memref<64x128xf32, #tpu.memory_space<vmem_shared>>
      tpu.wait_dma2 semaphore(%run_scoped3A : memref<!tpu.dma_semaphore, #tpu.memory_space<semaphore_mem>>) src(%arg9 : memref<64x128xf32, #tpu.memory_space<vmem>>) dst(%dma_wait3A_78 : memref<64x128xf32, #tpu.memory_space<vmem_shared>>)
      tpu.yield
    }) : () -> ()
    %mul3A_19 = arith.constant 640 : i32
    %mul3A_20 = arith.muli %arg1, %mul3A_19 : i32
    %add3A_21 = arith.constant 192 : i32
    %add3A_22 = arith.addi %mul3A_20, %add3A_21 : i32
    %multiple_of3A_23 = tpu.assume_multiple %add3A_22, 64 : i32
    "tpu.region"() ({
      %run_scoped3A = tpu.sem_alloc : memref<!tpu.dma_semaphore, #tpu.memory_space<semaphore_mem>>
      %dma_start3A = arith.constant 0 : i32
      %dma_start3A_73 = tpu.memref_slice %arg6[%multiple_of3A_23, %dma_start3A] : memref<10240x128xf32, #tpu.memory_space<vmem_shared>> -> memref<64x128xf32, #tpu.memory_space<vmem_shared>>
      %dma_start3A_74 = arith.constant 0 : i32
      %dma_start3A_75 = tpu.memref_slice %arg6[%multiple_of3A_23, %dma_start3A_74] : memref<10240x128xf32, #tpu.memory_space<vmem_shared>> -> memref<64x128xf32, #tpu.memory_space<vmem_shared>>
      tpu.enqueue_dma source(%arg9 : memref<64x128xf32, #tpu.memory_space<vmem>>) target(%dma_start3A_75 : memref<64x128xf32, #tpu.memory_space<vmem_shared>>) target_semaphore(%run_scoped3A : memref<!tpu.dma_semaphore, #tpu.memory_space<semaphore_mem>>)
      %dma_wait3A = arith.constant 0 : i32
      %dma_wait3A_76 = tpu.memref_slice %arg6[%multiple_of3A_23, %dma_wait3A] : memref<10240x128xf32, #tpu.memory_space<vmem_shared>> -> memref<64x128xf32, #tpu.memory_space<vmem_shared>>
      %dma_wait3A_77 = arith.constant 0 : i32
      %dma_wait3A_78 = tpu.memref_slice %arg6[%multiple_of3A_23, %dma_wait3A_77] : memref<10240x128xf32, #tpu.memory_space<vmem_shared>> -> memref<64x128xf32, #tpu.memory_space<vmem_shared>>
      tpu.wait_dma2 semaphore(%run_scoped3A : memref<!tpu.dma_semaphore, #tpu.memory_space<semaphore_mem>>) src(%arg9 : memref<64x128xf32, #tpu.memory_space<vmem>>) dst(%dma_wait3A_78 : memref<64x128xf32, #tpu.memory_space<vmem_shared>>)
      tpu.yield
    }) : () -> ()
    %mul3A_24 = arith.constant 640 : i32
    %mul3A_25 = arith.muli %arg1, %mul3A_24 : i32
    %add3A_26 = arith.constant 256 : i32
    %add3A_27 = arith.addi %mul3A_25, %add3A_26 : i32
    %multiple_of3A_28 = tpu.assume_multiple %add3A_27, 64 : i32
    "tpu.region"() ({
      %run_scoped3A = tpu.sem_alloc : memref<!tpu.dma_semaphore, #tpu.memory_space<semaphore_mem>>
      %dma_start3A = arith.constant 0 : i32
      %dma_start3A_73 = tpu.memref_slice %arg6[%multiple_of3A_28, %dma_start3A] : memref<10240x128xf32, #tpu.memory_space<vmem_shared>> -> memref<64x128xf32, #tpu.memory_space<vmem_shared>>
      %dma_start3A_74 = arith.constant 0 : i32
      %dma_start3A_75 = tpu.memref_slice %arg6[%multiple_of3A_28, %dma_start3A_74] : memref<10240x128xf32, #tpu.memory_space<vmem_shared>> -> memref<64x128xf32, #tpu.memory_space<vmem_shared>>
      tpu.enqueue_dma source(%arg9 : memref<64x128xf32, #tpu.memory_space<vmem>>) target(%dma_start3A_75 : memref<64x128xf32, #tpu.memory_space<vmem_shared>>) target_semaphore(%run_scoped3A : memref<!tpu.dma_semaphore, #tpu.memory_space<semaphore_mem>>)
      %dma_wait3A = arith.constant 0 : i32
      %dma_wait3A_76 = tpu.memref_slice %arg6[%multiple_of3A_28, %dma_wait3A] : memref<10240x128xf32, #tpu.memory_space<vmem_shared>> -> memref<64x128xf32, #tpu.memory_space<vmem_shared>>
      %dma_wait3A_77 = arith.constant 0 : i32
      %dma_wait3A_78 = tpu.memref_slice %arg6[%multiple_of3A_28, %dma_wait3A_77] : memref<10240x128xf32, #tpu.memory_space<vmem_shared>> -> memref<64x128xf32, #tpu.memory_space<vmem_shared>>
      tpu.wait_dma2 semaphore(%run_scoped3A : memref<!tpu.dma_semaphore, #tpu.memory_space<semaphore_mem>>) src(%arg9 : memref<64x128xf32, #tpu.memory_space<vmem>>) dst(%dma_wait3A_78 : memref<64x128xf32, #tpu.memory_space<vmem_shared>>)
      tpu.yield
    }) : () -> ()
    %mul3A_29 = arith.constant 640 : i32
    %mul3A_30 = arith.muli %arg1, %mul3A_29 : i32
    %add3A_31 = arith.constant 320 : i32
    %add3A_32 = arith.addi %mul3A_30, %add3A_31 : i32
    %multiple_of3A_33 = tpu.assume_multiple %add3A_32, 64 : i32
    "tpu.region"() ({
      %run_scoped3A = tpu.sem_alloc : memref<!tpu.dma_semaphore, #tpu.memory_space<semaphore_mem>>
      %dma_start3A = arith.constant 0 : i32
      %dma_start3A_73 = tpu.memref_slice %arg6[%multiple_of3A_33, %dma_start3A] : memref<10240x128xf32, #tpu.memory_space<vmem_shared>> -> memref<64x128xf32, #tpu.memory_space<vmem_shared>>
      %dma_start3A_74 = arith.constant 0 : i32
      %dma_start3A_75 = tpu.memref_slice %arg6[%multiple_of3A_33, %dma_start3A_74] : memref<10240x128xf32, #tpu.memory_space<vmem_shared>> -> memref<64x128xf32, #tpu.memory_space<vmem_shared>>
      tpu.enqueue_dma source(%arg9 : memref<64x128xf32, #tpu.memory_space<vmem>>) target(%dma_start3A_75 : memref<64x128xf32, #tpu.memory_space<vmem_shared>>) target_semaphore(%run_scoped3A : memref<!tpu.dma_semaphore, #tpu.memory_space<semaphore_mem>>)
      %dma_wait3A = arith.constant 0 : i32
      %dma_wait3A_76 = tpu.memref_slice %arg6[%multiple_of3A_33, %dma_wait3A] : memref<10240x128xf32, #tpu.memory_space<vmem_shared>> -> memref<64x128xf32, #tpu.memory_space<vmem_shared>>
      %dma_wait3A_77 = arith.constant 0 : i32
      %dma_wait3A_78 = tpu.memref_slice %arg6[%multiple_of3A_33, %dma_wait3A_77] : memref<10240x128xf32, #tpu.memory_space<vmem_shared>> -> memref<64x128xf32, #tpu.memory_space<vmem_shared>>
      tpu.wait_dma2 semaphore(%run_scoped3A : memref<!tpu.dma_semaphore, #tpu.memory_space<semaphore_mem>>) src(%arg9 : memref<64x128xf32, #tpu.memory_space<vmem>>) dst(%dma_wait3A_78 : memref<64x128xf32, #tpu.memory_space<vmem_shared>>)
      tpu.yield
    }) : () -> ()
    %mul3A_34 = arith.constant 640 : i32
    %mul3A_35 = arith.muli %arg1, %mul3A_34 : i32
    %add3A_36 = arith.constant 384 : i32
    %add3A_37 = arith.addi %mul3A_35, %add3A_36 : i32
    %multiple_of3A_38 = tpu.assume_multiple %add3A_37, 64 : i32
    "tpu.region"() ({
      %run_scoped3A = tpu.sem_alloc : memref<!tpu.dma_semaphore, #tpu.memory_space<semaphore_mem>>
      %dma_start3A = arith.constant 0 : i32
      %dma_start3A_73 = tpu.memref_slice %arg6[%multiple_of3A_38, %dma_start3A] : memref<10240x128xf32, #tpu.memory_space<vmem_shared>> -> memref<64x128xf32, #tpu.memory_space<vmem_shared>>
      %dma_start3A_74 = arith.constant 0 : i32
      %dma_start3A_75 = tpu.memref_slice %arg6[%multiple_of3A_38, %dma_start3A_74] : memref<10240x128xf32, #tpu.memory_space<vmem_shared>> -> memref<64x128xf32, #tpu.memory_space<vmem_shared>>
      tpu.enqueue_dma source(%arg9 : memref<64x128xf32, #tpu.memory_space<vmem>>) target(%dma_start3A_75 : memref<64x128xf32, #tpu.memory_space<vmem_shared>>) target_semaphore(%run_scoped3A : memref<!tpu.dma_semaphore, #tpu.memory_space<semaphore_mem>>)
      %dma_wait3A = arith.constant 0 : i32
      %dma_wait3A_76 = tpu.memref_slice %arg6[%multiple_of3A_38, %dma_wait3A] : memref<10240x128xf32, #tpu.memory_space<vmem_shared>> -> memref<64x128xf32, #tpu.memory_space<vmem_shared>>
      %dma_wait3A_77 = arith.constant 0 : i32
      %dma_wait3A_78 = tpu.memref_slice %arg6[%multiple_of3A_38, %dma_wait3A_77] : memref<10240x128xf32, #tpu.memory_space<vmem_shared>> -> memref<64x128xf32, #tpu.memory_space<vmem_shared>>
      tpu.wait_dma2 semaphore(%run_scoped3A : memref<!tpu.dma_semaphore, #tpu.memory_space<semaphore_mem>>) src(%arg9 : memref<64x128xf32, #tpu.memory_space<vmem>>) dst(%dma_wait3A_78 : memref<64x128xf32, #tpu.memory_space<vmem_shared>>)
      tpu.yield
    }) : () -> ()
    %mul3A_39 = arith.constant 640 : i32
    %mul3A_40 = arith.muli %arg1, %mul3A_39 : i32
    %add3A_41 = arith.constant 448 : i32
    %add3A_42 = arith.addi %mul3A_40, %add3A_41 : i32
    %multiple_of3A_43 = tpu.assume_multiple %add3A_42, 64 : i32
    "tpu.region"() ({
      %run_scoped3A = tpu.sem_alloc : memref<!tpu.dma_semaphore, #tpu.memory_space<semaphore_mem>>
      %dma_start3A = arith.constant 0 : i32
      %dma_start3A_73 = tpu.memref_slice %arg6[%multiple_of3A_43, %dma_start3A] : memref<10240x128xf32, #tpu.memory_space<vmem_shared>> -> memref<64x128xf32, #tpu.memory_space<vmem_shared>>
      %dma_start3A_74 = arith.constant 0 : i32
      %dma_start3A_75 = tpu.memref_slice %arg6[%multiple_of3A_43, %dma_start3A_74] : memref<10240x128xf32, #tpu.memory_space<vmem_shared>> -> memref<64x128xf32, #tpu.memory_space<vmem_shared>>
      tpu.enqueue_dma source(%arg9 : memref<64x128xf32, #tpu.memory_space<vmem>>) target(%dma_start3A_75 : memref<64x128xf32, #tpu.memory_space<vmem_shared>>) target_semaphore(%run_scoped3A : memref<!tpu.dma_semaphore, #tpu.memory_space<semaphore_mem>>)
      %dma_wait3A = arith.constant 0 : i32
      %dma_wait3A_76 = tpu.memref_slice %arg6[%multiple_of3A_43, %dma_wait3A] : memref<10240x128xf32, #tpu.memory_space<vmem_shared>> -> memref<64x128xf32, #tpu.memory_space<vmem_shared>>
      %dma_wait3A_77 = arith.constant 0 : i32
      %dma_wait3A_78 = tpu.memref_slice %arg6[%multiple_of3A_43, %dma_wait3A_77] : memref<10240x128xf32, #tpu.memory_space<vmem_shared>> -> memref<64x128xf32, #tpu.memory_space<vmem_shared>>
      tpu.wait_dma2 semaphore(%run_scoped3A : memref<!tpu.dma_semaphore, #tpu.memory_space<semaphore_mem>>) src(%arg9 : memref<64x128xf32, #tpu.memory_space<vmem>>) dst(%dma_wait3A_78 : memref<64x128xf32, #tpu.memory_space<vmem_shared>>)
      tpu.yield
    }) : () -> ()
    %mul3A_44 = arith.constant 640 : i32
    %mul3A_45 = arith.muli %arg1, %mul3A_44 : i32
    %add3A_46 = arith.constant 512 : i32
    %add3A_47 = arith.addi %mul3A_45, %add3A_46 : i32
    %multiple_of3A_48 = tpu.assume_multiple %add3A_47, 64 : i32
    "tpu.region"() ({
      %run_scoped3A = tpu.sem_alloc : memref<!tpu.dma_semaphore, #tpu.memory_space<semaphore_mem>>
      %dma_start3A = arith.constant 0 : i32
      %dma_start3A_73 = tpu.memref_slice %arg6[%multiple_of3A_48, %dma_start3A] : memref<10240x128xf32, #tpu.memory_space<vmem_shared>> -> memref<64x128xf32, #tpu.memory_space<vmem_shared>>
      %dma_start3A_74 = arith.constant 0 : i32
      %dma_start3A_75 = tpu.memref_slice %arg6[%multiple_of3A_48, %dma_start3A_74] : memref<10240x128xf32, #tpu.memory_space<vmem_shared>> -> memref<64x128xf32, #tpu.memory_space<vmem_shared>>
      tpu.enqueue_dma source(%arg9 : memref<64x128xf32, #tpu.memory_space<vmem>>) target(%dma_start3A_75 : memref<64x128xf32, #tpu.memory_space<vmem_shared>>) target_semaphore(%run_scoped3A : memref<!tpu.dma_semaphore, #tpu.memory_space<semaphore_mem>>)
      %dma_wait3A = arith.constant 0 : i32
      %dma_wait3A_76 = tpu.memref_slice %arg6[%multiple_of3A_48, %dma_wait3A] : memref<10240x128xf32, #tpu.memory_space<vmem_shared>> -> memref<64x128xf32, #tpu.memory_space<vmem_shared>>
      %dma_wait3A_77 = arith.constant 0 : i32
      %dma_wait3A_78 = tpu.memref_slice %arg6[%multiple_of3A_48, %dma_wait3A_77] : memref<10240x128xf32, #tpu.memory_space<vmem_shared>> -> memref<64x128xf32, #tpu.memory_space<vmem_shared>>
      tpu.wait_dma2 semaphore(%run_scoped3A : memref<!tpu.dma_semaphore, #tpu.memory_space<semaphore_mem>>) src(%arg9 : memref<64x128xf32, #tpu.memory_space<vmem>>) dst(%dma_wait3A_78 : memref<64x128xf32, #tpu.memory_space<vmem_shared>>)
      tpu.yield
    }) : () -> ()
    %mul3A_49 = arith.constant 640 : i32
    %mul3A_50 = arith.muli %arg1, %mul3A_49 : i32
    %add3A_51 = arith.constant 576 : i32
    %add3A_52 = arith.addi %mul3A_50, %add3A_51 : i32
    %multiple_of3A_53 = tpu.assume_multiple %add3A_52, 64 : i32
    "tpu.region"() ({
      %run_scoped3A = tpu.sem_alloc : memref<!tpu.dma_semaphore, #tpu.memory_space<semaphore_mem>>
      %dma_start3A = arith.constant 0 : i32
      %dma_start3A_73 = tpu.memref_slice %arg6[%multiple_of3A_53, %dma_start3A] : memref<10240x128xf32, #tpu.memory_space<vmem_shared>> -> memref<64x128xf32, #tpu.memory_space<vmem_shared>>
      %dma_start3A_74 = arith.constant 0 : i32
      %dma_start3A_75 = tpu.memref_slice %arg6[%multiple_of3A_53, %dma_start3A_74] : memref<10240x128xf32, #tpu.memory_space<vmem_shared>> -> memref<64x128xf32, #tpu.memory_space<vmem_shared>>
      tpu.enqueue_dma source(%arg9 : memref<64x128xf32, #tpu.memory_space<vmem>>) target(%dma_start3A_75 : memref<64x128xf32, #tpu.memory_space<vmem_shared>>) target_semaphore(%run_scoped3A : memref<!tpu.dma_semaphore, #tpu.memory_space<semaphore_mem>>)
      %dma_wait3A = arith.constant 0 : i32
      %dma_wait3A_76 = tpu.memref_slice %arg6[%multiple_of3A_53, %dma_wait3A] : memref<10240x128xf32, #tpu.memory_space<vmem_shared>> -> memref<64x128xf32, #tpu.memory_space<vmem_shared>>
      %dma_wait3A_77 = arith.constant 0 : i32
      %dma_wait3A_78 = tpu.memref_slice %arg6[%multiple_of3A_53, %dma_wait3A_77] : memref<10240x128xf32, #tpu.memory_space<vmem_shared>> -> memref<64x128xf32, #tpu.memory_space<vmem_shared>>
      tpu.wait_dma2 semaphore(%run_scoped3A : memref<!tpu.dma_semaphore, #tpu.memory_space<semaphore_mem>>) src(%arg9 : memref<64x128xf32, #tpu.memory_space<vmem>>) dst(%dma_wait3A_78 : memref<64x128xf32, #tpu.memory_space<vmem_shared>>)
      tpu.yield
    }) : () -> ()
    %barrier3A = arith.constant 0 : index
    tpu.barrier barrier_id(%barrier3A)
    %scan3A = arith.constant 0 : i32
    %scan3A_54 = arith.constant 0 : i32
    %scan3A_55 = arith.constant 80 : i32
    %scan3A_56 = arith.addi %scan3A_54, %scan3A_55 : i32
    %scan3A_57 = arith.constant 1 : i32
    scf.for %scan3A_73 = %scan3A_54 to %scan3A_56 step %scan3A_57  : i32 {
      "tpu.region"() ({
        %run_scoped3A = tpu.sem_alloc : memref<!tpu.dma_semaphore, #tpu.memory_space<semaphore_mem>>
        %dma_start3A = arith.constant 0 : i32
        %dma_start3A_74 = tpu.memref_slice %arg7[%scan3A_73, %dma_start3A] : memref<80x64xi32, #tpu.memory_space<vmem>> -> memref<1x64xi32, #tpu.memory_space<vmem>>
        %dma_start3A_75 = tpu.memref_squeeze %dma_start3A_74 : memref<1x64xi32, #tpu.memory_space<vmem>> -> memref<64xi32, #tpu.memory_space<vmem>>
        %dma_start3A_76 = arith.constant 0 : i32
        %dma_start3A_77 = arith.constant 0 : i32
        %dma_start3A_78 = tpu.memref_slice %arg6[%dma_start3A_76, %dma_start3A_77] : memref<10240x128xf32, #tpu.memory_space<vmem_shared>> -> memref<10240x128xf32, #tpu.memory_space<vmem_shared>>
        tpu.enqueue_indirect_dma source(%arg8 : memref<64x128xf32, #tpu.memory_space<vmem>>) target(%dma_start3A_78 : memref<10240x128xf32, #tpu.memory_space<vmem_shared>>) offsets(%dma_start3A_75 : memref<64xi32, #tpu.memory_space<vmem>>) semaphore(%run_scoped3A : memref<!tpu.dma_semaphore, #tpu.memory_space<semaphore_mem>>) {add = true}
        %dma_wait3A = arith.constant 0 : i32
        %dma_wait3A_79 = tpu.memref_slice %arg7[%scan3A_73, %dma_wait3A] : memref<80x64xi32, #tpu.memory_space<vmem>> -> memref<1x64xi32, #tpu.memory_space<vmem>>
        %dma_wait3A_80 = tpu.memref_squeeze %dma_wait3A_79 : memref<1x64xi32, #tpu.memory_space<vmem>> -> memref<64xi32, #tpu.memory_space<vmem>>
        %dma_wait3A_81 = arith.constant 0 : i32
        %dma_wait3A_82 = arith.constant 0 : i32
        %dma_wait3A_83 = tpu.memref_slice %arg6[%dma_wait3A_81, %dma_wait3A_82] : memref<10240x128xf32, #tpu.memory_space<vmem_shared>> -> memref<10240x128xf32, #tpu.memory_space<vmem_shared>>
        tpu.wait_indirect_dma semaphore(%run_scoped3A : memref<!tpu.dma_semaphore, #tpu.memory_space<semaphore_mem>>) src(%arg8 : memref<64x128xf32, #tpu.memory_space<vmem>>) dst(%dma_wait3A_83 : memref<10240x128xf32, #tpu.memory_space<vmem_shared>>)
        tpu.yield
      }) : () -> ()
    }
    %scan3A_58 = arith.constant 80 : i32
    %barrier3A_59 = arith.constant 0 : index
    tpu.barrier barrier_id(%barrier3A_59)
    %mul3A_60 = arith.constant 640 : i32
    %mul3A_61 = arith.muli %arg1, %mul3A_60 : i32
    %multiple_of3A_62 = tpu.assume_multiple %mul3A_61, 8 : i32
    %eq3A_63 = arith.constant 0 : i32
    %eq3A_64 = arith.cmpi eq, %arg0, %eq3A_63 : i32
    %convert_element_type3A_65 = arith.extui %eq3A_64 : i1 to i32
    %cond3A_66 = arith.constant 0 : i32
    %cond3A_67 = arith.cmpi ne, %convert_element_type3A_65, %cond3A_66 : i32
    scf.if %cond3A_67 {
      %run_scoped3A = arith.constant 0 : i32
      "tpu.region"() ({
        %run_scoped3A_73 = tpu.sem_alloc : memref<!tpu.dma_semaphore, #tpu.memory_space<semaphore_mem>>
        %dma_start3A = arith.constant 0 : i32
        %dma_start3A_74 = tpu.memref_slice %arg5[%run_scoped3A, %multiple_of3A_62, %dma_start3A] : memref<2x10240x128xf32, #tpu.memory_space<hbm>> -> memref<1x640x128xf32, #tpu.memory_space<hbm>>
        %dma_start3A_75 = tpu.memref_squeeze %dma_start3A_74 : memref<1x640x128xf32, #tpu.memory_space<hbm>> -> memref<640x128xf32, #tpu.memory_space<hbm>>
        %dma_start3A_76 = arith.constant 0 : i32
        %dma_start3A_77 = tpu.memref_slice %arg6[%multiple_of3A_62, %dma_start3A_76] : memref<10240x128xf32, #tpu.memory_space<vmem_shared>> -> memref<640x128xf32, #tpu.memory_space<vmem_shared>>
        tpu.enqueue_dma source(%dma_start3A_77 : memref<640x128xf32, #tpu.memory_space<vmem_shared>>) target(%dma_start3A_75 : memref<640x128xf32, #tpu.memory_space<hbm>>) target_semaphore(%run_scoped3A_73 : memref<!tpu.dma_semaphore, #tpu.memory_space<semaphore_mem>>)
        %dma_wait3A = arith.constant 0 : i32
        %dma_wait3A_78 = tpu.memref_slice %arg5[%run_scoped3A, %multiple_of3A_62, %dma_wait3A] : memref<2x10240x128xf32, #tpu.memory_space<hbm>> -> memref<1x640x128xf32, #tpu.memory_space<hbm>>
        %dma_wait3A_79 = tpu.memref_squeeze %dma_wait3A_78 : memref<1x640x128xf32, #tpu.memory_space<hbm>> -> memref<640x128xf32, #tpu.memory_space<hbm>>
        %dma_wait3A_80 = arith.constant 0 : i32
        %dma_wait3A_81 = tpu.memref_slice %arg6[%multiple_of3A_62, %dma_wait3A_80] : memref<10240x128xf32, #tpu.memory_space<vmem_shared>> -> memref<640x128xf32, #tpu.memory_space<vmem_shared>>
        tpu.wait_dma2 semaphore(%run_scoped3A_73 : memref<!tpu.dma_semaphore, #tpu.memory_space<semaphore_mem>>) src(%dma_wait3A_81 : memref<640x128xf32, #tpu.memory_space<vmem_shared>>) dst(%dma_wait3A_79 : memref<640x128xf32, #tpu.memory_space<hbm>>)
        tpu.yield
      }) : () -> ()
    } else {
    }
    %eq3A_68 = arith.constant 1 : i32
    %eq3A_69 = arith.cmpi eq, %arg0, %eq3A_68 : i32
    %convert_element_type3A_70 = arith.extui %eq3A_69 : i1 to i32
    %cond3A_71 = arith.constant 0 : i32
    %cond3A_72 = arith.cmpi ne, %convert_element_type3A_70, %cond3A_71 : i32
    scf.if %cond3A_72 {
      %run_scoped3A = arith.constant 1 : i32
      "tpu.region"() ({
        %run_scoped3A_73 = tpu.sem_alloc : memref<!tpu.dma_semaphore, #tpu.memory_space<semaphore_mem>>
        %dma_start3A = arith.constant 0 : i32
        %dma_start3A_74 = tpu.memref_slice %arg5[%run_scoped3A, %multiple_of3A_62, %dma_start3A] : memref<2x10240x128xf32, #tpu.memory_space<hbm>> -> memref<1x640x128xf32, #tpu.memory_space<hbm>>
        %dma_start3A_75 = tpu.memref_squeeze %dma_start3A_74 : memref<1x640x128xf32, #tpu.memory_space<hbm>> -> memref<640x128xf32, #tpu.memory_space<hbm>>
        %dma_start3A_76 = arith.constant 0 : i32
        %dma_start3A_77 = tpu.memref_slice %arg6[%multiple_of3A_62, %dma_start3A_76] : memref<10240x128xf32, #tpu.memory_space<vmem_shared>> -> memref<640x128xf32, #tpu.memory_space<vmem_shared>>
        tpu.enqueue_dma source(%dma_start3A_77 : memref<640x128xf32, #tpu.memory_space<vmem_shared>>) target(%dma_start3A_75 : memref<640x128xf32, #tpu.memory_space<hbm>>) target_semaphore(%run_scoped3A_73 : memref<!tpu.dma_semaphore, #tpu.memory_space<semaphore_mem>>)
        %dma_wait3A = arith.constant 0 : i32
        %dma_wait3A_78 = tpu.memref_slice %arg5[%run_scoped3A, %multiple_of3A_62, %dma_wait3A] : memref<2x10240x128xf32, #tpu.memory_space<hbm>> -> memref<1x640x128xf32, #tpu.memory_space<hbm>>
        %dma_wait3A_79 = tpu.memref_squeeze %dma_wait3A_78 : memref<1x640x128xf32, #tpu.memory_space<hbm>> -> memref<640x128xf32, #tpu.memory_space<hbm>>
        %dma_wait3A_80 = arith.constant 0 : i32
        %dma_wait3A_81 = tpu.memref_slice %arg6[%multiple_of3A_62, %dma_wait3A_80] : memref<10240x128xf32, #tpu.memory_space<vmem_shared>> -> memref<640x128xf32, #tpu.memory_space<vmem_shared>>
        tpu.wait_dma2 semaphore(%run_scoped3A_73 : memref<!tpu.dma_semaphore, #tpu.memory_space<semaphore_mem>>) src(%dma_wait3A_81 : memref<640x128xf32, #tpu.memory_space<vmem_shared>>) dst(%dma_wait3A_79 : memref<640x128xf32, #tpu.memory_space<hbm>>)
        tpu.yield
      }) : () -> ()
    } else {
    }
    return
  }
}

module attributes {stable_mosaic.version = 14 : i64} {
  func.func @body(%arg0: i32, %arg1: memref<512x128xf32, #tpu.memory_space<vmem>>, %arg2: memref<512x128xf32, #tpu.memory_space<vmem>>, %arg3: memref<512x16xf32, #tpu.memory_space<vmem>>, %arg4: memref<512x128xf32, #tpu.memory_space<vmem>>, %arg5: memref<512x128xf32, #tpu.memory_space<vmem>>, %arg6: memref<256x256xf32, #tpu.memory_space<vmem>>, %arg7: memref<1x256xf32, #tpu.memory_space<vmem>>, %arg8: memref<256x256xf32, #tpu.memory_space<vmem>>, %arg9: memref<512x128xf32, #tpu.memory_space<vmem>>, %arg10: memref<512x128xf32, #tpu.memory_space<vmem>>) attributes {dimension_semantics = [#tpu.dimension_semantics<arbitrary>], iteration_bounds = array<i64: 20>, scalar_prefetch = 0 : i64, scratch_operands = 0 : i64, tpu.core_type = #tpu.core_type<tc>, window_params = [{transform_indices = @transform_0, window_bounds = array<i64: 512, 128>}, {transform_indices = @transform_1, window_bounds = array<i64: 512, 128>}, {transform_indices = @transform_2, window_bounds = array<i64: 512, 16>}, {transform_indices = @transform_3, window_bounds = array<i64: 512, 128>}, {transform_indices = @transform_4, window_bounds = array<i64: 512, 128>}, {pipeline_mode = #tpu.pipeline_mode<synchronous>, transform_indices = @transform_5, window_bounds = array<i64: 256, 256>}, {pipeline_mode = #tpu.pipeline_mode<synchronous>, transform_indices = @transform_6, window_bounds = array<i64: 1, 256>}, {pipeline_mode = #tpu.pipeline_mode<synchronous>, transform_indices = @transform_7, window_bounds = array<i64: 256, 256>}, {transform_indices = @transform_8, window_bounds = array<i64: 512, 128>}, {transform_indices = @transform_9, window_bounds = array<i64: 512, 128>}]} {
    %get3A = arith.constant 0 : index
    %get3A_0 = arith.constant 0 : index
    %get3A_1 = vector.load %arg3[%get3A, %get3A_0] : memref<512x16xf32, #tpu.memory_space<vmem>>, vector<512x1xf32>
    %max3A = arith.constant 1.000000e+00 : f32
    %max3A_2 = vector.broadcast %max3A : f32 to vector<512x1xf32>
    %max3A_3 = arith.maximumf %get3A_1, %max3A_2 : vector<512x1xf32>
    %div3A = arith.constant 1.000000e+00 : f32
    %div3A_4 = vector.broadcast %div3A : f32 to vector<512x1xf32>
    %div3A_5 = arith.divf %div3A_4, %max3A_3 : vector<512x1xf32>
    %get3A_6 = arith.constant 0 : index
    %get3A_7 = arith.constant 0 : index
    %get3A_8 = vector.load %arg1[%get3A_6, %get3A_7] : memref<512x128xf32, #tpu.memory_space<vmem>>, vector<512x128xf32>
    %get3A_9 = arith.constant 0 : index
    %get3A_10 = arith.constant 0 : index
    %get3A_11 = vector.load %arg2[%get3A_9, %get3A_10] : memref<512x128xf32, #tpu.memory_space<vmem>>, vector<512x128xf32>
    %concatenate3A = tpu.concatenate %get3A_8, %get3A_11 in 1 : vector<512x128xf32>, vector<512x128xf32> -> vector<512x256xf32>
    %mul3A = vector.broadcast %div3A_5 : vector<512x1xf32> to vector<512x256xf32>
    %mul3A_12 = arith.mulf %concatenate3A, %mul3A : vector<512x256xf32>
    %get3A_13 = arith.constant 0 : index
    %get3A_14 = arith.constant 0 : index
    %get3A_15 = vector.load %arg4[%get3A_13, %get3A_14] : memref<512x128xf32, #tpu.memory_space<vmem>>, vector<512x128xf32>
    %get3A_16 = arith.constant 0 : index
    %get3A_17 = arith.constant 0 : index
    %get3A_18 = vector.load %arg5[%get3A_16, %get3A_17] : memref<512x128xf32, #tpu.memory_space<vmem>>, vector<512x128xf32>
    %concatenate3A_19 = tpu.concatenate %get3A_15, %get3A_18 in 1 : vector<512x128xf32>, vector<512x128xf32> -> vector<512x256xf32>
    %get3A_20 = arith.constant 0 : index
    %get3A_21 = arith.constant 0 : index
    %get3A_22 = vector.load %arg6[%get3A_20, %get3A_21] : memref<256x256xf32, #tpu.memory_space<vmem>>, vector<256x256xf32>
    %dot_general3A = arith.constant dense<0.000000e+00> : vector<512x256xf32>
    %dot_general3A_23 = tpu.matmul %mul3A_12, %get3A_22, %dot_general3A {dimension_numbers = #tpu.dot_dimension_numbers<[1], [1], [0], [0], [0, 0, 1, 0], [], []>, transpose_lhs_hint = false} : vector<512x256xf32>, vector<256x256xf32>, vector<512x256xf32> -> vector<512x256xf32>
    %get3A_24 = arith.constant 0 : index
    %get3A_25 = arith.constant 0 : index
    %get3A_26 = vector.load %arg7[%get3A_24, %get3A_25] : memref<1x256xf32, #tpu.memory_space<vmem>>, vector<1x256xf32>
    %add3A = vector.broadcast %get3A_26 : vector<1x256xf32> to vector<512x256xf32>
    %add3A_27 = arith.addf %dot_general3A_23, %add3A : vector<512x256xf32>
    %get3A_28 = arith.constant 0 : index
    %get3A_29 = arith.constant 0 : index
    %get3A_30 = vector.load %arg8[%get3A_28, %get3A_29] : memref<256x256xf32, #tpu.memory_space<vmem>>, vector<256x256xf32>
    %dot_general3A_31 = arith.constant dense<0.000000e+00> : vector<512x256xf32>
    %dot_general3A_32 = tpu.matmul %concatenate3A_19, %get3A_30, %dot_general3A_31 {dimension_numbers = #tpu.dot_dimension_numbers<[1], [1], [0], [0], [0, 0, 1, 0], [], []>, transpose_lhs_hint = false} : vector<512x256xf32>, vector<256x256xf32>, vector<512x256xf32> -> vector<512x256xf32>
    %add3A_33 = arith.addf %add3A_27, %dot_general3A_32 : vector<512x256xf32>
    %max3A_34 = arith.constant 0.000000e+00 : f32
    %max3A_35 = vector.broadcast %max3A_34 : f32 to vector<512x256xf32>
    %max3A_36 = arith.maximumf %add3A_33, %max3A_35 : vector<512x256xf32>
    %slice3A = vector.extract_strided_slice %max3A_36 {offsets = [0, 0], sizes = [512, 128], strides = [1, 1]} : vector<512x256xf32> to vector<512x128xf32>
    %swap3A = arith.constant 0 : index
    %swap3A_37 = arith.constant 0 : index
    %swap3A_38 = vector.load %arg9[%swap3A, %swap3A_37] : memref<512x128xf32, #tpu.memory_space<vmem>>, vector<512x128xf32>
    tpu.vector_store %arg9[%swap3A, %swap3A_37], %slice3A {strides = array<i32>} : memref<512x128xf32, #tpu.memory_space<vmem>>, vector<512x128xf32>,
    %slice3A_39 = vector.extract_strided_slice %max3A_36 {offsets = [0, 128], sizes = [512, 128], strides = [1, 1]} : vector<512x256xf32> to vector<512x128xf32>
    %swap3A_40 = arith.constant 0 : index
    %swap3A_41 = arith.constant 0 : index
    %swap3A_42 = vector.load %arg10[%swap3A_40, %swap3A_41] : memref<512x128xf32, #tpu.memory_space<vmem>>, vector<512x128xf32>
    tpu.vector_store %arg10[%swap3A_40, %swap3A_41], %slice3A_39 {strides = array<i32>} : memref<512x128xf32, #tpu.memory_space<vmem>>, vector<512x128xf32>,
    return
  }
  func.func @transform_0(%arg0: i32) -> (i32, i32) {
    %c0_i32 = arith.constant 0 : i32
    %c0_i32_0 = arith.constant 0 : i32
    return %arg0, %c0_i32 : i32, i32
  }
  func.func @transform_1(%arg0: i32) -> (i32, i32) {
    %c0_i32 = arith.constant 0 : i32
    %c0_i32_0 = arith.constant 0 : i32
    return %arg0, %c0_i32 : i32, i32
  }
  func.func @transform_2(%arg0: i32) -> (i32, i32) {
    %c0_i32 = arith.constant 0 : i32
    %c0_i32_0 = arith.constant 0 : i32
    return %arg0, %c0_i32 : i32, i32
  }
  func.func @transform_3(%arg0: i32) -> (i32, i32) {
    %c0_i32 = arith.constant 0 : i32
    %c0_i32_0 = arith.constant 0 : i32
    return %arg0, %c0_i32 : i32, i32
  }
  func.func @transform_4(%arg0: i32) -> (i32, i32) {
    %c0_i32 = arith.constant 0 : i32
    %c0_i32_0 = arith.constant 0 : i32
    return %arg0, %c0_i32 : i32, i32
  }
  func.func @transform_5(%arg0: i32) -> (i32, i32) {
    %c0_i32 = arith.constant 0 : i32
    %c0_i32_0 = arith.constant 0 : i32
    %c0_i32_1 = arith.constant 0 : i32
    return %c0_i32, %c0_i32_0 : i32, i32
  }
  func.func @transform_6(%arg0: i32) -> (i32, i32) {
    %c0_i32 = arith.constant 0 : i32
    %c0_i32_0 = arith.constant 0 : i32
    %c0_i32_1 = arith.constant 0 : i32
    return %c0_i32, %c0_i32_0 : i32, i32
  }
  func.func @transform_7(%arg0: i32) -> (i32, i32) {
    %c0_i32 = arith.constant 0 : i32
    %c0_i32_0 = arith.constant 0 : i32
    %c0_i32_1 = arith.constant 0 : i32
    return %c0_i32, %c0_i32_0 : i32, i32
  }
  func.func @transform_8(%arg0: i32) -> (i32, i32) {
    %c0_i32 = arith.constant 0 : i32
    %c0_i32_0 = arith.constant 0 : i32
    return %arg0, %c0_i32 : i32, i32
  }
  func.func @transform_9(%arg0: i32) -> (i32, i32) {
    %c0_i32 = arith.constant 0 : i32
    %c0_i32_0 = arith.constant 0 : i32
    return %arg0, %c0_i32 : i32, i32
  }
}

module attributes {stable_mosaic.version = 14 : i64} {
  func.func @body(%arg0: i32, %arg1: memref<512x128xf32, #tpu.memory_space<vmem>>, %arg2: memref<512x128xf32, #tpu.memory_space<vmem>>, %arg3: memref<512x16xf32, #tpu.memory_space<vmem>>, %arg4: memref<512x128xf32, #tpu.memory_space<vmem>>, %arg5: memref<512x128xf32, #tpu.memory_space<vmem>>, %arg6: memref<256x256xf32, #tpu.memory_space<vmem>>, %arg7: memref<1x256xf32, #tpu.memory_space<vmem>>, %arg8: memref<256x256xf32, #tpu.memory_space<vmem>>, %arg9: memref<512x256xf32, #tpu.memory_space<vmem>>) attributes {dimension_semantics = [#tpu.dimension_semantics<arbitrary>], iteration_bounds = array<i64: 20>, scalar_prefetch = 0 : i64, scratch_operands = 0 : i64, tpu.core_type = #tpu.core_type<tc>, window_params = [{transform_indices = @transform_0, window_bounds = array<i64: 512, 128>}, {transform_indices = @transform_1, window_bounds = array<i64: 512, 128>}, {transform_indices = @transform_2, window_bounds = array<i64: 512, 16>}, {transform_indices = @transform_3, window_bounds = array<i64: 512, 128>}, {transform_indices = @transform_4, window_bounds = array<i64: 512, 128>}, {pipeline_mode = #tpu.pipeline_mode<synchronous>, transform_indices = @transform_5, window_bounds = array<i64: 256, 256>}, {pipeline_mode = #tpu.pipeline_mode<synchronous>, transform_indices = @transform_6, window_bounds = array<i64: 1, 256>}, {pipeline_mode = #tpu.pipeline_mode<synchronous>, transform_indices = @transform_7, window_bounds = array<i64: 256, 256>}, {transform_indices = @transform_8, window_bounds = array<i64: 512, 256>}]} {
    %get3A = arith.constant 0 : index
    %get3A_0 = arith.constant 0 : index
    %get3A_1 = vector.load %arg3[%get3A, %get3A_0] : memref<512x16xf32, #tpu.memory_space<vmem>>, vector<512x1xf32>
    %max3A = arith.constant 1.000000e+00 : f32
    %max3A_2 = vector.broadcast %max3A : f32 to vector<512x1xf32>
    %max3A_3 = arith.maximumf %get3A_1, %max3A_2 : vector<512x1xf32>
    %div3A = arith.constant 1.000000e+00 : f32
    %div3A_4 = vector.broadcast %div3A : f32 to vector<512x1xf32>
    %div3A_5 = arith.divf %div3A_4, %max3A_3 : vector<512x1xf32>
    %get3A_6 = arith.constant 0 : index
    %get3A_7 = arith.constant 0 : index
    %get3A_8 = vector.load %arg1[%get3A_6, %get3A_7] : memref<512x128xf32, #tpu.memory_space<vmem>>, vector<512x128xf32>
    %get3A_9 = arith.constant 0 : index
    %get3A_10 = arith.constant 0 : index
    %get3A_11 = vector.load %arg2[%get3A_9, %get3A_10] : memref<512x128xf32, #tpu.memory_space<vmem>>, vector<512x128xf32>
    %concatenate3A = tpu.concatenate %get3A_8, %get3A_11 in 1 : vector<512x128xf32>, vector<512x128xf32> -> vector<512x256xf32>
    %mul3A = vector.broadcast %div3A_5 : vector<512x1xf32> to vector<512x256xf32>
    %mul3A_12 = arith.mulf %concatenate3A, %mul3A : vector<512x256xf32>
    %get3A_13 = arith.constant 0 : index
    %get3A_14 = arith.constant 0 : index
    %get3A_15 = vector.load %arg4[%get3A_13, %get3A_14] : memref<512x128xf32, #tpu.memory_space<vmem>>, vector<512x128xf32>
    %get3A_16 = arith.constant 0 : index
    %get3A_17 = arith.constant 0 : index
    %get3A_18 = vector.load %arg5[%get3A_16, %get3A_17] : memref<512x128xf32, #tpu.memory_space<vmem>>, vector<512x128xf32>
    %concatenate3A_19 = tpu.concatenate %get3A_15, %get3A_18 in 1 : vector<512x128xf32>, vector<512x128xf32> -> vector<512x256xf32>
    %get3A_20 = arith.constant 0 : index
    %get3A_21 = arith.constant 0 : index
    %get3A_22 = vector.load %arg6[%get3A_20, %get3A_21] : memref<256x256xf32, #tpu.memory_space<vmem>>, vector<256x256xf32>
    %dot_general3A = arith.constant dense<0.000000e+00> : vector<512x256xf32>
    %dot_general3A_23 = tpu.matmul %mul3A_12, %get3A_22, %dot_general3A {dimension_numbers = #tpu.dot_dimension_numbers<[1], [1], [0], [0], [0, 0, 1, 0], [], []>, transpose_lhs_hint = false} : vector<512x256xf32>, vector<256x256xf32>, vector<512x256xf32> -> vector<512x256xf32>
    %get3A_24 = arith.constant 0 : index
    %get3A_25 = arith.constant 0 : index
    %get3A_26 = vector.load %arg7[%get3A_24, %get3A_25] : memref<1x256xf32, #tpu.memory_space<vmem>>, vector<1x256xf32>
    %add3A = vector.broadcast %get3A_26 : vector<1x256xf32> to vector<512x256xf32>
    %add3A_27 = arith.addf %dot_general3A_23, %add3A : vector<512x256xf32>
    %get3A_28 = arith.constant 0 : index
    %get3A_29 = arith.constant 0 : index
    %get3A_30 = vector.load %arg8[%get3A_28, %get3A_29] : memref<256x256xf32, #tpu.memory_space<vmem>>, vector<256x256xf32>
    %dot_general3A_31 = arith.constant dense<0.000000e+00> : vector<512x256xf32>
    %dot_general3A_32 = tpu.matmul %concatenate3A_19, %get3A_30, %dot_general3A_31 {dimension_numbers = #tpu.dot_dimension_numbers<[1], [1], [0], [0], [0, 0, 1, 0], [], []>, transpose_lhs_hint = false} : vector<512x256xf32>, vector<256x256xf32>, vector<512x256xf32> -> vector<512x256xf32>
    %add3A_33 = arith.addf %add3A_27, %dot_general3A_32 : vector<512x256xf32>
    %max3A_34 = arith.constant 0.000000e+00 : f32
    %max3A_35 = vector.broadcast %max3A_34 : f32 to vector<512x256xf32>
    %max3A_36 = arith.maximumf %add3A_33, %max3A_35 : vector<512x256xf32>
    %swap3A = arith.constant 0 : index
    %swap3A_37 = arith.constant 0 : index
    %swap3A_38 = vector.load %arg9[%swap3A, %swap3A_37] : memref<512x256xf32, #tpu.memory_space<vmem>>, vector<512x256xf32>
    tpu.vector_store %arg9[%swap3A, %swap3A_37], %max3A_36 {strides = array<i32>} : memref<512x256xf32, #tpu.memory_space<vmem>>, vector<512x256xf32>,
    return
  }
  func.func @transform_0(%arg0: i32) -> (i32, i32) {
    %c0_i32 = arith.constant 0 : i32
    %c0_i32_0 = arith.constant 0 : i32
    return %arg0, %c0_i32 : i32, i32
  }
  func.func @transform_1(%arg0: i32) -> (i32, i32) {
    %c0_i32 = arith.constant 0 : i32
    %c0_i32_0 = arith.constant 0 : i32
    return %arg0, %c0_i32 : i32, i32
  }
  func.func @transform_2(%arg0: i32) -> (i32, i32) {
    %c0_i32 = arith.constant 0 : i32
    %c0_i32_0 = arith.constant 0 : i32
    return %arg0, %c0_i32 : i32, i32
  }
  func.func @transform_3(%arg0: i32) -> (i32, i32) {
    %c0_i32 = arith.constant 0 : i32
    %c0_i32_0 = arith.constant 0 : i32
    return %arg0, %c0_i32 : i32, i32
  }
  func.func @transform_4(%arg0: i32) -> (i32, i32) {
    %c0_i32 = arith.constant 0 : i32
    %c0_i32_0 = arith.constant 0 : i32
    return %arg0, %c0_i32 : i32, i32
  }
  func.func @transform_5(%arg0: i32) -> (i32, i32) {
    %c0_i32 = arith.constant 0 : i32
    %c0_i32_0 = arith.constant 0 : i32
    %c0_i32_1 = arith.constant 0 : i32
    return %c0_i32, %c0_i32_0 : i32, i32
  }
  func.func @transform_6(%arg0: i32) -> (i32, i32) {
    %c0_i32 = arith.constant 0 : i32
    %c0_i32_0 = arith.constant 0 : i32
    %c0_i32_1 = arith.constant 0 : i32
    return %c0_i32, %c0_i32_0 : i32, i32
  }
  func.func @transform_7(%arg0: i32) -> (i32, i32) {
    %c0_i32 = arith.constant 0 : i32
    %c0_i32_0 = arith.constant 0 : i32
    %c0_i32_1 = arith.constant 0 : i32
    return %c0_i32, %c0_i32_0 : i32, i32
  }
  func.func @transform_8(%arg0: i32) -> (i32, i32) {
    %c0_i32 = arith.constant 0 : i32
    %c0_i32_0 = arith.constant 0 : i32
    return %arg0, %c0_i32 : i32, i32
  }
}

</mosaic_0001>

<sc_bundles>
// kernel: kernel.12.cloned.1.call-start
scs
__scs_entry_jumppad:
0x0: {  	(pc) =	sbr.rel $0x88, $3  }
0x1: {  	(tag) =	ssettag $0x0;
	lr =	simm.s32 $0x1  }
0x2: {  	[smem:$0x3F96] =	sst lr;
	_ =	strace $0xD0000000  }
0x3: {  	_ = 	snop  }
0x4: {  	_ = 	snop  }
0x5: {  	_ = 	snop  }
0x6: {  	_ = 	snop  }
0x7: {  	_ = 	snop  }
__scs_overlays_trampoline_lowered:
0x8: {  	[smem:$0x3FA5] =	sst s0  }
0x9: {  	[smem:$0x3FA6] =	sst s1  }
0xa: {  	[smem:$0x3FA7] =	sst s2  }
0xb: {  	[smem:$0x3FA8] =	sst s3  }
0xc: {  	[smem:$0x3FA9] =	sst s4  }
0xd: {  	[smem:$0x3FAA] =	sst s5  }
0xe: {  	[smem:$0x3FAB] =	sst s6  }
0xf: {  	[smem:$0x3FAC] =	sst s7  }
0x10: {  	[smem:$0x3FAD] =	sst s8  }
0x11: {  	[smem:$0x3FAE] =	sst s9;
	s0 =	simm.s32 @!p0 $0x0  }
0x12: {  	s1 =	sld [smem:$0x3F94];
	s0 =	simm.s32 @p0 $0x1  }
0x13: {  	[smem:$0x3FAF] =	sst s0;
	s0 =	simm.s32 @!p1 $0x0  }
0x14: {  	s2 =	sld [smem:$0x3F93];
	s0 =	simm.s32 @p1 $0x1  }
0x15: {  	[smem:$0x3FB0] =	sst s0;
	s0 =	simm.s32 @!p2 $0x0  }
0x16: {  	s3 =	sld [smem:$0x3FDB];
	s0 =	simm.s32 @p2 $0x1  }
0x17: {  	s4 =	simm.s32 $0x1BF5;
	[smem:$0x3FB2] =	sst s0  }
0x18: {  	s0 =	sld [smem:$0x3F95];
	_ =	swait.ge [sflag:s4], $0x0  }
0x19: {  	s7 =	sld [smem:$0x3F96]  }
0x1a: {  	s8 =	sadd.s32 $0xFFFFE003, lr  }
0x1b: {  	s9 =	sadd.s32 $0xFFFFFEF7, lr;
	s5 =	simm.s32 $0xFFFFFFFF;
	p2 =	slt.u32 s8, $0xFFFFF086  }
0x1c: {  	p1 =	slt.u32 s9, $0xF7A;
	s5 =	simm.s32 @!p2 $0x0  }
0x1d: {  	s5 =	simm.s32 @p1 $0x1;
	p0 =	seq.s32 s7, s2  }
0x1e: {  	s7 =	smul.u32 @!p0 $0xF7A, s2;
	p2 =	seq.s32 @!p0 s5, $0x0  }
0x1f: {  	s9 =	smul.u32 $0xF7A, s1;
	s8 =	simm.s32 @!p0 $0x1BF5;
	p2 =	por !p2, p0  }
0x20: {  	[sflag:s8] =	ssyncset.s32 @!p0 $0xFFFFF086;
	s6 =	sadd.s32 @!p0 s3, s7;
	s7 =	simm.s32 @!p0 $0x108  }
0x21: {  	s3 =	sadd.s32 s3, s9;
	s6 =	sadd.s32 @!p0 $0x88, s6;
	s7 =	simm.s32 @p2 $0x1082  }
0x22: {  	[simem:s7], [sflag:s8] =	dma.local @!p0 [hbm:s6], $0xF7A  }
0x23: {  	s9 =	sor.u32 $0xD0000000, s2;
	s6 =	simm.s32 $0x108;
	_ =	swait.ge @!p0 [sflag:s8], $0x0  }
0x24: {  	s3 =	sadd.s32 $0x88, s3;
	s6 =	simm.s32 @!p1 $0x1082;
	[sflag:s4] =	ssyncset.s32 $0xFFFFF086  }
0x25: {  	[simem:s6], [sflag:s4] =	dma.local [hbm:s3], $0xF7A  }
0x26: {  	[smem:$0x3F96] =	sst s1;
	(tag) =	ssettag s2;
	_ =	strace s9  }
0x27: {  	s1 =	sld [smem:$0x3FA6]  }
0x28: {  	s2 =	sld [smem:$0x3FA7]  }
0x29: {  	s4 =	sld [smem:$0x3FA9]  }
0x2a: {  	p0 =	seq.s32 s5, $0x0;
	s5 =	sld [smem:$0x3FAA]  }
0x2b: {  	s6 =	sld [smem:$0x3FAB]  }
0x2c: {  	s7 =	sld [smem:$0x3FAC]  }
0x2d: {  	s3 =	simm.s32 $0x108;
	s8 =	sld [smem:$0x3FAD]  }
0x2e: {  	s3 =	simm.s32 @!p0 $0x1082;
	s9 =	sld [smem:$0x3FAE]  }
0x2f: {  	lr =	sadd.s32 s0, s3;
	s0 =	sld [smem:$0x3FA5]  }
0x30: {  	s3 =	sld [smem:$0x3FA8]  }
0x31: {  	[smem:$0x3FB1] =	sst s10  }
0x32: {  	s10 =	sld [smem:$0x3FAF];
	_ =	sdelay $0x3  }
0x33: {  	p0 =	seq.s32 s10, $0x1;
	s10 =	sld [smem:$0x3FB1];
	_ =	sdelay $0x3  }
0x34: {  	[smem:$0x3FB1] =	sst s10  }
0x35: {  	s10 =	sld [smem:$0x3FB0];
	_ =	sdelay $0x3  }
0x36: {  	p1 =	seq.s32 s10, $0x1;
	s10 =	sld [smem:$0x3FB1];
	_ =	sdelay $0x3  }
0x37: {  	[smem:$0x3FB1] =	sst s10  }
0x38: {  	s10 =	sld [smem:$0x3FB2]  }
0x39: {  	_ = 	snop;
	(pc) =	sbr.ind lr, $3  }
0x3a: {  	_ = 	snop  }
0x3b: {  	_ = 	snop  }
0x3c: {  	p2 =	seq.s32 s10, $0x1;
	s10 =	sld [smem:$0x3FB1]  }
0x3d: {  	_ =	shalt  }
0x3e: {  	_ =	shalt  }
0x3f: {  	_ =	shalt  }
0x40: {  	_ =	shalt  }
0x41: {  	_ =	shalt  }
0x42: {  	_ =	shalt  }
0x43: {  	_ =	shalt  }
0x44: {  	_ =	shalt  }
0x45: {  	_ =	shalt  }
0x46: {  	_ =	shalt  }
0x47: {  	_ =	shalt  }
0x48: {  	_ =	shalt  }
0x49: {  	_ =	shalt  }
0x4a: {  	_ =	shalt  }
0x4b: {  	_ =	shalt  }
0x4c: {  	_ =	shalt  }
0x4d: {  	_ =	shalt  }
0x4e: {  	_ =	shalt  }
0x4f: {  	_ =	shalt  }
0x50: {  	_ =	shalt  }
0x51: {  	_ =	shalt  }
0x52: {  	_ =	shalt  }
0x53: {  	_ =	shalt  }
0x54: {  	_ =	shalt  }
0x55: {  	_ =	shalt  }
0x56: {  	_ =	shalt  }
0x57: {  	_ =	shalt  }
0x58: {  	_ =	shalt  }
0x59: {  	_ =	shalt  }
0x5a: {  	_ =	shalt  }
0x5b: {  	_ =	shalt  }
0x5c: {  	_ =	shalt  }
0x5d: {  	_ =	shalt  }
0x5e: {  	_ =	shalt  }
0x5f: {  	_ =	shalt  }
0x60: {  	_ =	shalt  }
0x61: {  	_ =	shalt  }
0x62: {  	_ =	shalt  }
0x63: {  	_ =	shalt  }
0x64: {  	_ =	shalt  }
0x65: {  	_ =	shalt  }
0x66: {  	_ =	shalt  }
0x67: {  	_ =	shalt  }
0x68: {  	_ =	shalt  }
0x69: {  	_ =	shalt  }
0x6a: {  	_ =	shalt  }
0x6b: {  	_ =	shalt  }
0x6c: {  	_ =	shalt  }
0x6d: {  	_ =	shalt  }
0x6e: {  	_ =	shalt  }
0x6f: {  	_ =	shalt  }
0x70: {  	_ =	shalt  }
0x71: {  	_ =	shalt  }
0x72: {  	_ =	shalt  }
0x73: {  	_ =	shalt  }
0x74: {  	_ =	shalt  }
0x75: {  	_ =	shalt  }
0x76: {  	_ =	shalt  }
0x77: {  	_ =	shalt  }
0x78: {  	_ =	shalt  }
0x79: {  	_ =	shalt  }
0x7a: {  	_ =	shalt  }
0x7b: {  	_ =	shalt  }
0x7c: {  	_ =	shalt  }
0x7d: {  	_ =	shalt  }
0x7e: {  	_ =	shalt  }
0x7f: {  	_ =	shalt  }
0x80: {  	_ =	shalt  }
0x81: {  	_ =	shalt  }
0x82: {  	_ =	shalt  }
0x83: {  	_ =	shalt  }
0x84: {  	_ =	shalt  }
0x85: {  	_ =	shalt  }
0x86: {  	_ =	shalt  }
0x87: {  	_ =	shalt  }
.Lfunc_end0:
.L_simem_size_0:
called_computation.1_lowered:
.L_overlay_start_0:
0x88: {  	s2 =	sld [smem:$0x3FD9]  }
0x89: {  	s3 =	sld [smem:$0x3FFE];
	_ =	sdelay $0x1  }
0x8a: {  	s1 =	srdreg.scid  }
0x8b: {  	s0 =	sand.u32 $0x1, s1  }
0x8c: {  	s17 =	sshll.u32 s0, $0xA;
	s2 =	sadd.s32 s3, s2  }
0x8d: {  	s2 =	sadd.s32 s2, s17  }
0x8e: {  	[smem:$0x3FBD] =	sst s2  }
0x8f: {  	_ = 	snop  }
0x90: {  	s2 =	sld [smem:$0x3FD0];
	(tm) =	ssettm $0x1  }
0x91: {  	s18 =	sld [smem:$0x3FFB];
	_ =	sdelay $0x3  }
0x92: {  	_ =	strace s18  }
0x93: {  	s3 =	sld [smem:$0x3FFC];
	_ =	sdelay $0x3  }
0x94: {  	_ =	strace s3  }
0x95: {  	s3 =	sld [smem:$0x3FFD];
	_ =	sdelay $0x3  }
0x96: {  	_ =	strace s3  }
0x97: {  	_ =	strace $0x8FFFFFFF  }
0x98: {  	s19 =	sld [smem:$0x3FDB];
	_ =	sdelay $0x1  }
0x99: {  	s4 =	simm.s32 $_scs_section_size  }
0x9a: {  	s5 =	simm.s32 $_size__tile_overlayer_lowered;
	s6 =	simm.s32 $_tile_overlayer_lowered  }
0x9b: {  	s22 =	simm.s32 $0x1BFF;
	s21 =	sshll.u32 s6, $0x1;
	s3 =	sadd.s32 s4, s19  }
0x9c: {  	s7 =	simm.s32 $0x0;
	s20 =	sshll.u32 s5, $0x1;
	s5 =	sadd.s32 s21, s3  }
0x9d: {  	[timem:s7], [sflag:s22] =	dma.local [hbm:s5], s20  }
0x9e: {  	_ =	swait.ge [sflag:s22], s20  }
0x9f: {  	s4 =	ssub.s32 $0x0, s20;
	[sflag:s22] =	ssyncset.done $0x0  }
0xa0: {  	[sflag:s22] =	ssyncadd.s32 s4;
	_ =	sdelay $0x1  }
0xa1: {  	s23 =	simm.s32 $0x1B8B  }
0xa2: {  	_ =	swait.ge [sflag:s23], $0x1  }
0xa3: {  	[sflag:s23] =	ssyncset.done $0x0  }
0xa4: {  	s25 =	simm.s32 $0x1B8E;
	s24 =	sld [smem:$0x3FFE];
	[sflag:s23] =	ssyncadd.s32 $0xFFFFFFFF  }
0xa5: {  	s26 =	simm.s32 $execute0_lowered;
	[smem:$0x3FD2] =	sst s25  }
0xa6: {  	s5 =	sshll.u32 s26, $0x1;
	_ =	strace $0x80000046;
	[dreg:$0x1] =	wrdreg $0xFFFFFFFF  }
0xa7: {  	s28 =	simm.s32 $_size_execute0_lowered;
	s3 =	sadd.s32 s3, s5;
	[dreg:$0x0] =	wrdreg $0x0  }
0xa8: {  	s5 =	sshll.u32 s28, $0x1;
	[dreg:$0x2] =	wrdreg s3  }
0xa9: {  	[dreg:$0x3] =	wrdreg s5  }
0xaa: {  	[dreg:$0x4] =	wrdreg $0xC0  }
0xab: {  	_ =	task [dreg:s7], $0x5FFFF  }
0xac: {  	[dreg:$0x1] =	wrdreg $0xFFFFFFFF  }
0xad: {  	[dreg:$0x0] =	wrdreg $0x60  }
0xae: {  	[dreg:$0x2] =	wrdreg s2  }
0xaf: {  	[dreg:$0x3] =	wrdreg s24  }
0xb0: {  	[dreg:$0x4] =	wrdreg $0x0  }
0xb1: {  	[dreg:$0x5] =	wrdreg $0xA  }
0xb2: {  	_ =	task.clear_ibuf [dreg:s7], $0x6FFFF;
	_ =	strace $0x90000046  }
0xb3: {  	s29 =	simm.s32 $0xA;
	_ =	strace $0x80000048  }
0xb4: {  	_ =	swait.ge [sflag:s29], $0x1  }
0xb5: {  	[sflag:s29] =	ssyncadd.s32 $0xFFFFFFFF  }
0xb6: {  	_ =	strace $0x90000048  }
0xb7: {  	_ =	sfence  }
0xb8: {  	s30 =	sld [smem:$0x0];
	_ =	sdelay $0x2  }
0xb9: {  	s31 =	sshll.u32 s1, $0xD;
	s1 =	sshrl.u32 s1, $0x2  }
0xba: {  	s3 =	sand.u32 $0x4000, s31;
	s1 =	sadd.s32 s1, s30  }
0xbb: {  	s0 =	sor.u32 s3, s0;
	s1 =	sshll.u32 s1, $0x11  }
0xbc: {  	s0 =	sor.u32 s1, s0  }
0xbd: {  	s0 =	sadd.s32 $0x8F2B, s0  }
0xbe: {  	[sflag:s0] =	ssyncadd.remote.s32 $0x1  }
0xbf: {  	_ =	sfence.sel $0xFFFF  }
0xc0: {  	[dreg:$0x0] =	wrdreg $0xFFFFFFFF;
	(pc) =	sbr.abs _section_cstart, $3  }
0xc1: {  	[dreg:$0x1] =	wrdreg $0xFFFFFFFF  }
0xc2: {  	_ =	task.clear_ibuf [dreg:s7], $0x2FFFF;
	_ =	strace $0x9FFFFFFF  }
0xc3: {  	(tm) =	ssettm $0x7FFFFFFF  }
tec
execute0_lowered:
.L_overlay_start_1:
0x0: {  	(tag) =	ssettag $0x1  }
0x1: {  	s0 =	rddreg [dreg:$0x0]  }
0x2: {  	s2 =	rddreg [dreg:$0x1]  }
0x3: {  	s1 =	rddreg [dreg:$0x2];
	s3 =	simm.s32 $0x0;
	s11 =	stileid.u32  }
0x4: {  	s25 =	srdreg.scid;
	s28 =	simm.s32 $0xD;
	s7 =	smul.u32 $0x14000, s11  }
0x5: {  	s31 =	simm.s32 $0x1;
	[smem:$0x7FF] =	sst s3;
	s9 =	smul.u32 $0x2800, s11  }
0x6: {  	s4 =	sadd.s32 $0x3400, s2;
	s5 =	sadd.s32 $0x30400, s2;
	s10 =	smul.u32 $0x50000, s11  }
0x7: {  	s6 =	sadd.s32 $0x2B400, s2;
	s8 =	sadd.s32 $0x35400, s2;
	s11 =	smul.u32 $0x500, s11  }
0x8: {  	_ =	strace $0x80000047;
	[dreg:$0x5] =	wrdreg s8;
	s8 =	sand.u32 $0x1, s25  }
0x9: {  	s7 =	sshrl.u32 s7, $0x3;
	p0 =	seq.s32 s8, $0x0;
	s8 =	ssub.s32 $0x2, s8  }
0xa: {  	s10 =	sshrl.u32 s10, $0x2;
	s18 =	sor.u32 $0x8, s11;
	s30 =	sadd.s32 s5, s11  }
0xb: {  	s19 =	sadd.s32 s6, s11;
	s21 =	sor.u32 $0x10, s11;
	s7 =	sadd.s32 $0x28000, s7  }
0xc: {  	s26 =	sshrl.u32 s8, $0x1;
	[dreg:$0x4] =	wrdreg s19;
	s20 =	sadd.s32 s5, s18  }
0xd: {  	s15 =	sadd.s32 s10, s1;
	s22 =	sadd.s32 s5, s21;
	[dreg:$0xe] =	wrdreg s20  }
0xe: {  	s4 =	smov.u32 @p0 s0;
	s0 =	simm.s32 $0x40;
	[dreg:$0x10] =	wrdreg s22  }
0xf: {  	s7 =	smov.u32 @p0 s9;
	s9 =	sadd.s32 $0x2000, s15;
	[dreg:$0x6] =	wrdreg s15  }
0x10: {  	s19 =	simm.s32 $0x9;
	s10 =	sadd.s32 $0x4000, s15;
	[dreg:$0x7] =	wrdreg s9  }
0x11: {  	s29 =	ssub.s32 s8, s26;
	s12 =	sadd.s32 $0x6000, s15;
	[dreg:$0x8] =	wrdreg s10  }
0x12: {  	s13 =	sadd.s32 $0x8000, s15;
	s14 =	sadd.s32 $0xA000, s15;
	[dreg:$0x9] =	wrdreg s12  }
0x13: {  	s16 =	sadd.s32 $0xC000, s15;
	s17 =	sadd.s32 $0xE000, s15;
	[dreg:$0xa] =	wrdreg s13  }
0x14: {  	s8 =	sor.u32 $0x18, s11;
	s24 =	sadd.s32 $0x10000, s15;
	[dreg:$0xb] =	wrdreg s14  }
0x15: {  	s25 =	sadd.s32 $0x12000, s15;
	s11 =	simm.s32 $0x3;
	[dreg:$0xc] =	wrdreg s16  }
0x16: {  	s20 =	simm.s32 $0x5;
	s22 =	simm.s32 $0x6;
	[dreg:$0xd] =	wrdreg s17  }
0x17: {  	s2 =	sadd.s32 s7, s2;
	s9 =	sadd.s32 s6, s18;
	[dreg:$0x14] =	wrdreg s24  }
0x18: {  	s5 =	sadd.s32 s5, s8;
	s23 =	sadd.s32 s6, s8;
	[dreg:$0x15] =	wrdreg s25  }
0x19: {  	s26 =	smax.u32 s29, $0x1;
	s7 =	simm.s32 $0x2;
	s12 =	simm.s32 $0x18400  }
0x1a: {  	s13 =	simm.s32 $0x14180;
	s16 =	simm.s32 $0x14380;
	[dreg:$0xf] =	wrdreg s9  }
0x1b: {  	s17 =	simm.s32 $0x4;
	s18 =	simm.s32 $0x1A400;
	[dreg:$0x12] =	wrdreg s5  }
0x1c: {  	s24 =	simm.s32 $0x7;
	s25 =	simm.s32 $0xC;
	[dreg:$0x13] =	wrdreg s23  }
0x1d: {  	s9 =	sadd.s32 s6, s21;
	[dreg:$0x16] =	wrdreg s26;
	s29 =	sadd.s32 $0x35800, s2  }
0x1e: {  	s21 =	simm.s32 $0xA;
	s23 =	simm.s32 $0xB;
	[dreg:$0x11] =	wrdreg s9  }
0x1f: {  	s6 =	simm.s32 $0x8;
	s5 =	simm.s32 $0x0;
	[dreg:$0x17] =	wrdreg s29  }
.LBB2_1:
0x20: {  	[dreg:$0x18] =	wrdreg s5  }
0x21: {  	s2 =	rddreg [dreg:$0x5];
	s29 =	simm.s32 $0x14400  }
0x22: {  	[tilespmem:s29], [sflag:$0xD] =	stream.linear.gather [hbm4b:s2+s3], $0x2000, $0x38;
	[tilespmem:$0x1C400] =	vst v63  }
0x23: {  	_ =	swait.ge [sflag:s28], $0x2000  }
0x24: {  	[sflag:s28] =	ssyncset.done $0x0  }
0x25: {  	[sflag:s28] =	ssyncadd.s32 $0xFFFFE000  }
0x26: {  	[spmem:s15] =	stream.linear.scatter [tilespmem:s29], [sflag:$0xD], $0x2000, $0x38;
	[tilespmem:$0x1C400] =	vst v63  }
0x27: {  	_ =	swait.ge [sflag:s28], $0x2000  }
0x28: {  	[sflag:s28] =	ssyncset.done $0x0  }
0x29: {  	s10 =	rddreg [dreg:$0x7];
	[sflag:s28] =	ssyncadd.s32 $0xFFFFE000  }
0x2a: {  	[spmem:s10] =	stream.linear.scatter [tilespmem:s29], [sflag:$0xD], $0x2000, $0x38;
	[tilespmem:$0x1C400] =	vst v63  }
0x2b: {  	_ =	swait.ge [sflag:s28], $0x2000  }
0x2c: {  	[sflag:s28] =	ssyncset.done $0x0  }
0x2d: {  	s14 =	rddreg [dreg:$0x8];
	[sflag:s28] =	ssyncadd.s32 $0xFFFFE000  }
0x2e: {  	[spmem:s14] =	stream.linear.scatter [tilespmem:s29], [sflag:$0xD], $0x2000, $0x38;
	[tilespmem:$0x1C400] =	vst v63  }
0x2f: {  	_ =	swait.ge [sflag:s28], $0x2000  }
0x30: {  	[sflag:s28] =	ssyncset.done $0x0  }
0x31: {  	s15 =	rddreg [dreg:$0x9];
	[sflag:s28] =	ssyncadd.s32 $0xFFFFE000  }
0x32: {  	[spmem:s15] =	stream.linear.scatter [tilespmem:s29], [sflag:$0xD], $0x2000, $0x38;
	[tilespmem:$0x1C400] =	vst v63  }
0x33: {  	_ =	swait.ge [sflag:s28], $0x2000  }
0x34: {  	[sflag:s28] =	ssyncset.done $0x0  }
0x35: {  	s26 =	rddreg [dreg:$0xa];
	[sflag:s28] =	ssyncadd.s32 $0xFFFFE000  }
0x36: {  	[spmem:s26] =	stream.linear.scatter [tilespmem:s29], [sflag:$0xD], $0x2000, $0x38;
	[tilespmem:$0x1C400] =	vst v63  }
0x37: {  	_ =	swait.ge [sflag:s28], $0x2000  }
0x38: {  	[sflag:s28] =	ssyncset.done $0x0  }
0x39: {  	s5 =	rddreg [dreg:$0xb];
	[sflag:s28] =	ssyncadd.s32 $0xFFFFE000  }
0x3a: {  	[spmem:s5] =	stream.linear.scatter [tilespmem:s29], [sflag:$0xD], $0x2000, $0x38;
	[tilespmem:$0x1C400] =	vst v63  }
0x3b: {  	_ =	swait.ge [sflag:s28], $0x2000  }
0x3c: {  	[sflag:s28] =	ssyncset.done $0x0  }
0x3d: {  	s8 =	rddreg [dreg:$0xc];
	[sflag:s28] =	ssyncadd.s32 $0xFFFFE000  }
0x3e: {  	[spmem:s8] =	stream.linear.scatter [tilespmem:s29], [sflag:$0xD], $0x2000, $0x38;
	[tilespmem:$0x1C400] =	vst v63  }
0x3f: {  	_ =	swait.ge [sflag:s28], $0x2000  }
0x40: {  	[sflag:s28] =	ssyncset.done $0x0  }
0x41: {  	s9 =	rddreg [dreg:$0xd];
	[sflag:s28] =	ssyncadd.s32 $0xFFFFE000  }
0x42: {  	[spmem:s9] =	stream.linear.scatter [tilespmem:s29], [sflag:$0xD], $0x2000, $0x38;
	[tilespmem:$0x1C400] =	vst v63  }
0x43: {  	_ =	swait.ge [sflag:s28], $0x2000  }
0x44: {  	[sflag:s28] =	ssyncset.done $0x0  }
0x45: {  	s10 =	rddreg [dreg:$0x14];
	[sflag:s28] =	ssyncadd.s32 $0xFFFFE000  }
0x46: {  	[spmem:s10] =	stream.linear.scatter [tilespmem:s29], [sflag:$0xD], $0x2000, $0x38;
	[tilespmem:$0x1C400] =	vst v63  }
0x47: {  	_ =	swait.ge [sflag:s28], $0x2000  }
0x48: {  	[sflag:s28] =	ssyncset.done $0x0  }
0x49: {  	s14 =	rddreg [dreg:$0x15];
	[sflag:s28] =	ssyncadd.s32 $0xFFFFE000  }
0x4a: {  	[spmem:s14] =	stream.linear.scatter [tilespmem:s29], [sflag:$0xD], $0x2000, $0x38;
	[tilespmem:$0x1C400] =	vst v63  }
0x4b: {  	_ =	swait.ge [sflag:s28], $0x2000  }
0x4c: {  	[sflag:s28] =	ssyncset.done $0x0  }
0x4d: {  	[sflag:s28] =	ssyncadd.s32 $0xFFFFE000  }
0x4e: {  	s8 =	simm.s32 $0x14000;
	[bflag:$0x0] =	sbarrier.arrive $0xFFFF  }
0x4f: {  	[tilespmem:s8], [sflag:$0x1] =	stream.linear.gather [hbm4b:s30+s3], $0x40, $0x38;
	[tilespmem:$0x1C400] =	vst v63  }
0x50: {  	s9 =	simm.s32 $0x14200;
	s2 =	rddreg [dreg:$0x4]  }
0x51: {  	[tilespmem:s9], [sflag:$0x5] =	stream.linear.gather [hbm4b:s2+s3], $0x40, $0x38;
	[tilespmem:$0x1C400] =	vst v63  }
0x52: {  	_ =	swait.ge [sflag:s31], $0x40  }
0x53: {  	[sflag:s31] =	ssyncset.done $0x0  }
0x54: {  	[sflag:s31] =	ssyncadd.s32 $0xFFFFFFC0  }
0x55: {  	[tilespmem:s29], [sflag:$0x9] =	stream.indirect.gather [hbm4b:s4+s0], $0x80, s8, s0, $0xb8;
	[tilespmem:$0x1C400] =	vst v63  }
0x56: {  	s10 =	simm.s32 $0x14080;
	s15 =	rddreg [dreg:$0xe]  }
0x57: {  	[tilespmem:s10], [sflag:$0x2] =	stream.linear.gather [hbm4b:s15+s3], $0x40, $0x38;
	[tilespmem:$0x1C400] =	vst v63  }
0x58: {  	s14 =	simm.s32 $0x14280;
	s26 =	rddreg [dreg:$0xf]  }
0x59: {  	[tilespmem:s14], [sflag:$0x6] =	stream.linear.gather [hbm4b:s26+s3], $0x40, $0x38;
	[tilespmem:$0x1C400] =	vst v63  }
0x5a: {  	_ =	swait.ge [sflag:s7], $0x40  }
0x5b: {  	[sflag:s7] =	ssyncset.done $0x0  }
0x5c: {  	s15 =	simm.s32 $0x16400;
	[sflag:s7] =	ssyncadd.s32 $0xFFFFFFC0  }
0x5d: {  	[tilespmem:s15], [sflag:$0xA] =	stream.indirect.gather [hbm4b:s4+s0], $0x80, s10, s0, $0xb8;
	[tilespmem:$0x1C400] =	vst v63  }
0x5e: {  	s14 =	simm.s32 $0x14100;
	s26 =	rddreg [dreg:$0x10]  }
0x5f: {  	[tilespmem:s14], [sflag:$0x3] =	stream.linear.gather [hbm4b:s26+s3], $0x40, $0x38;
	[tilespmem:$0x1C400] =	vst v63  }
0x60: {  	s15 =	rddreg [dreg:$0x11];
	s26 =	simm.s32 $0x14300  }
0x61: {  	[tilespmem:s26], [sflag:$0x7] =	stream.linear.gather [hbm4b:s15+s3], $0x40, $0x38;
	[tilespmem:$0x1C400] =	vst v63  }
0x62: {  	_ =	swait.ge [sflag:s11], $0x40  }
0x63: {  	[sflag:s11] =	ssyncset.done $0x0  }
0x64: {  	[sflag:s11] =	ssyncadd.s32 $0xFFFFFFC0  }
0x65: {  	[tilespmem:s12], [sflag:$0xB] =	stream.indirect.gather [hbm4b:s4+s0], $0x80, s14, s0, $0xb8;
	[tilespmem:$0x1C400] =	vst v63  }
0x66: {  	s15 =	rddreg [dreg:$0x12]  }
0x67: {  	[tilespmem:s13], [sflag:$0x4] =	stream.linear.gather [hbm4b:s15+s3], $0x40, $0x38;
	[tilespmem:$0x1C400] =	vst v63  }
0x68: {  	s26 =	rddreg [dreg:$0x13]  }
0x69: {  	[tilespmem:s16], [sflag:$0x8] =	stream.linear.gather [hbm4b:s26+s3], $0x40, $0x38;
	[tilespmem:$0x1C400] =	vst v63  }
0x6a: {  	_ =	swait.ge [sflag:s17], $0x40  }
0x6b: {  	[sflag:s17] =	ssyncset.done $0x0  }
0x6c: {  	[sflag:s17] =	ssyncadd.s32 $0xFFFFFFC0  }
0x6d: {  	[tilespmem:s18], [sflag:$0xC] =	stream.indirect.gather [hbm4b:s4+s0], $0x80, s13, s0, $0xb8;
	[tilespmem:$0x1C400] =	vst v63  }
0x6e: {  	_ =	swait.ge [sflag:s19], $0x2000  }
0x6f: {  	s14 =	sadd.s32 $0x0, s30;
	[sflag:s19] =	ssyncset.done $0x0  }
0x70: {  	s5 =	sadd.s32 $0x20, s14;
	[sflag:s19] =	ssyncadd.s32 $0xFFFFE000  }
0x71: {  	[tilespmem:s8], [sflag:$0x1] =	stream.linear.gather [hbm4b:s5+s3], $0x40, $0x38;
	[tilespmem:$0x1C400] =	vst v63  }
0x72: {  	_ =	swait.ge [sflag:s20], $0x40  }
0x73: {  	[sflag:s20] =	ssyncset.done $0x0  }
0x74: {  	[sflag:s20] =	ssyncadd.s32 $0xFFFFFFC0  }
0x75: {  	[spmem:s1] =	stream.indirect.scatter.add.f32 [tilespmem:s29], [sflag:$0xD], $0x80, s9, s0, $0xb8;
	[tilespmem:$0x1C400] =	vst v63  }
0x76: {  	_ =	swait.ge [sflag:s28], $0x2000  }
0x77: {  	s15 =	sadd.s32 $0x0, s2;
	[sflag:s28] =	ssyncset.done $0x0  }
0x78: {  	s26 =	sadd.s32 $0x20, s15;
	[sflag:s28] =	ssyncadd.s32 $0xFFFFE000  }
0x79: {  	[tilespmem:s9], [sflag:$0x5] =	stream.linear.gather [hbm4b:s26+s3], $0x40, $0x38;
	[tilespmem:$0x1C400] =	vst v63  }
0x7a: {  	_ =	swait.ge [sflag:s31], $0x40  }
0x7b: {  	[sflag:s31] =	ssyncset.done $0x0  }
0x7c: {  	[sflag:s31] =	ssyncadd.s32 $0xFFFFFFC0  }
0x7d: {  	[tilespmem:s29], [sflag:$0x9] =	stream.indirect.gather [hbm4b:s4+s0], $0x80, s8, s0, $0xb8;
	[tilespmem:$0x1C400] =	vst v63  }
0x7e: {  	_ =	swait.ge [sflag:s21], $0x2000  }
0x7f: {  	[sflag:s21] =	ssyncset.done $0x0  }
0x80: {  	s8 =	sadd.s32 $0x28, s14;
	[sflag:s21] =	ssyncadd.s32 $0xFFFFE000  }
0x81: {  	[tilespmem:s10], [sflag:$0x2] =	stream.linear.gather [hbm4b:s8+s3], $0x40, $0x38;
	[tilespmem:$0x1C400] =	vst v63  }
0x82: {  	_ =	swait.ge [sflag:s22], $0x40  }
0x83: {  	[sflag:s22] =	ssyncset.done $0x0  }
0x84: {  	s9 =	simm.s32 $0x16400;
	s26 =	simm.s32 $0x14280;
	[sflag:s22] =	ssyncadd.s32 $0xFFFFFFC0  }
0x85: {  	[spmem:s1] =	stream.indirect.scatter.add.f32 [tilespmem:s9], [sflag:$0xD], $0x80, s26, s0, $0xb8;
	[tilespmem:$0x1C400] =	vst v63  }
0x86: {  	_ =	swait.ge [sflag:s28], $0x2000  }
0x87: {  	[sflag:s28] =	ssyncset.done $0x0  }
0x88: {  	s29 =	sadd.s32 $0x28, s15;
	[sflag:s28] =	ssyncadd.s32 $0xFFFFE000  }
0x89: {  	[tilespmem:s26], [sflag:$0x6] =	stream.linear.gather [hbm4b:s29+s3], $0x40, $0x38;
	[tilespmem:$0x1C400] =	vst v63  }
0x8a: {  	_ =	swait.ge [sflag:s7], $0x40  }
0x8b: {  	[sflag:s7] =	ssyncset.done $0x0  }
0x8c: {  	[sflag:s7] =	ssyncadd.s32 $0xFFFFFFC0  }
0x8d: {  	[tilespmem:s9], [sflag:$0xA] =	stream.indirect.gather [hbm4b:s4+s0], $0x80, s10, s0, $0xb8;
	[tilespmem:$0x1C400] =	vst v63  }
0x8e: {  	_ =	swait.ge [sflag:s23], $0x2000  }
0x8f: {  	[sflag:s23] =	ssyncset.done $0x0  }
0x90: {  	s5 =	sadd.s32 $0x30, s14;
	s8 =	simm.s32 $0x14100;
	[sflag:s23] =	ssyncadd.s32 $0xFFFFE000  }
0x91: {  	[tilespmem:s8], [sflag:$0x3] =	stream.linear.gather [hbm4b:s5+s3], $0x40, $0x38;
	[tilespmem:$0x1C400] =	vst v63  }
0x92: {  	_ =	swait.ge [sflag:s24], $0x40  }
0x93: {  	[sflag:s24] =	ssyncset.done $0x0  }
0x94: {  	s9 =	simm.s32 $0x14300;
	[sflag:s24] =	ssyncadd.s32 $0xFFFFFFC0  }
0x95: {  	[spmem:s1] =	stream.indirect.scatter.add.f32 [tilespmem:s12], [sflag:$0xD], $0x80, s9, s0, $0xb8;
	[tilespmem:$0x1C400] =	vst v63  }
0x96: {  	_ =	swait.ge [sflag:s28], $0x2000  }
0x97: {  	[sflag:s28] =	ssyncset.done $0x0  }
0x98: {  	s10 =	sadd.s32 $0x30, s15;
	[sflag:s28] =	ssyncadd.s32 $0xFFFFE000  }
0x99: {  	[tilespmem:s9], [sflag:$0x7] =	stream.linear.gather [hbm4b:s10+s3], $0x40, $0x38;
	[tilespmem:$0x1C400] =	vst v63  }
0x9a: {  	_ =	swait.ge [sflag:s11], $0x40  }
0x9b: {  	[sflag:s11] =	ssyncset.done $0x0  }
0x9c: {  	[sflag:s11] =	ssyncadd.s32 $0xFFFFFFC0  }
0x9d: {  	[tilespmem:s12], [sflag:$0xB] =	stream.indirect.gather [hbm4b:s4+s0], $0x80, s8, s0, $0xb8;
	[tilespmem:$0x1C400] =	vst v63  }
0x9e: {  	_ =	swait.ge [sflag:s25], $0x2000  }
0x9f: {  	[sflag:s25] =	ssyncset.done $0x0  }
0xa0: {  	s14 =	sadd.s32 $0x38, s14;
	[sflag:s25] =	ssyncadd.s32 $0xFFFFE000  }
0xa1: {  	[tilespmem:s13], [sflag:$0x4] =	stream.linear.gather [hbm4b:s14+s3], $0x40, $0x38;
	[tilespmem:$0x1C400] =	vst v63  }
0xa2: {  	_ =	swait.ge [sflag:s6], $0x40  }
0xa3: {  	[sflag:s6] =	ssyncset.done $0x0  }
0xa4: {  	[sflag:s6] =	ssyncadd.s32 $0xFFFFFFC0  }
0xa5: {  	[spmem:s1] =	stream.indirect.scatter.add.f32 [tilespmem:s18], [sflag:$0xD], $0x80, s16, s0, $0xb8;
	[tilespmem:$0x1C400] =	vst v63  }
0xa6: {  	_ =	swait.ge [sflag:s28], $0x2000  }
0xa7: {  	[sflag:s28] =	ssyncset.done $0x0  }
0xa8: {  	s29 =	sadd.s32 $0x38, s15;
	[sflag:s28] =	ssyncadd.s32 $0xFFFFE000  }
0xa9: {  	[tilespmem:s16], [sflag:$0x8] =	stream.linear.gather [hbm4b:s29+s3], $0x40, $0x38;
	[tilespmem:$0x1C400] =	vst v63  }
0xaa: {  	_ =	swait.ge [sflag:s17], $0x40  }
0xab: {  	[sflag:s17] =	ssyncset.done $0x0  }
0xac: {  	[sflag:s17] =	ssyncadd.s32 $0xFFFFFFC0  }
0xad: {  	[tilespmem:s18], [sflag:$0xC] =	stream.indirect.gather [hbm4b:s4+s0], $0x80, s13, s0, $0xb8;
	[tilespmem:$0x1C400] =	vst v63  }
0xae: {  	s26 =	simm.s32 $0x40;
	_ =	swait.ge [sflag:s19], $0x2000  }
0xaf: {  	s15 =	simm.s32 $0x20;
	s14 =	sadd.s32 $0x20, s30;
	[sflag:s19] =	ssyncset.done $0x0  }
.LBB2_2:
0xb0: {  	s5 =	smov.u32 s30  }
0xb1: {  	s30 =	sadd.s32 $0x20, s14;
	[sflag:s19] =	ssyncadd.s32 $0xFFFFE000;
	s9 =	simm.s32 $0x14000  }
0xb2: {  	[tilespmem:s9], [sflag:$0x1] =	stream.linear.gather [hbm4b:s30+s3], $0x40, $0x38;
	[tilespmem:$0x1C400] =	vst v63  }
0xb3: {  	_ =	swait.ge [sflag:s20], $0x40  }
0xb4: {  	[sflag:s20] =	ssyncset.done $0x0  }
0xb5: {  	s8 =	simm.s32 $0x14400;
	s10 =	simm.s32 $0x14200;
	[sflag:s20] =	ssyncadd.s32 $0xFFFFFFC0  }
0xb6: {  	[spmem:s1] =	stream.indirect.scatter.add.f32 [tilespmem:s8], [sflag:$0xD], $0x80, s10, s0, $0xb8;
	[tilespmem:$0x1C400] =	vst v63  }
0xb7: {  	s2 =	smov.u32 s26;
	_ =	swait.ge [sflag:s28], $0x2000  }
0xb8: {  	s29 =	sadd.s32 $0x20, s26;
	p0 =	sne.s32 s26, $0x4C0;
	s26 =	rddreg [dreg:$0x4]  }
0xb9: {  	[sflag:s28] =	ssyncset.done $0x0;
	s26 =	sadd.s32 s15, s26  }
0xba: {  	s30 =	smov.u32 s5;
	[sflag:s28] =	ssyncadd.s32 $0xFFFFE000;
	s5 =	sadd.s32 $0x20, s26  }
0xbb: {  	[tilespmem:s10], [sflag:$0x5] =	stream.linear.gather [hbm4b:s5+s3], $0x40, $0x38;
	[tilespmem:$0x1C400] =	vst v63  }
0xbc: {  	_ =	swait.ge [sflag:s31], $0x40  }
0xbd: {  	[sflag:s31] =	ssyncset.done $0x0  }
0xbe: {  	[sflag:s31] =	ssyncadd.s32 $0xFFFFFFC0  }
0xbf: {  	[tilespmem:s8], [sflag:$0x9] =	stream.indirect.gather [hbm4b:s4+s0], $0x80, s9, s0, $0xb8;
	[tilespmem:$0x1C400] =	vst v63  }
0xc0: {  	_ =	swait.ge [sflag:s21], $0x2000  }
0xc1: {  	[sflag:s21] =	ssyncset.done $0x0  }
0xc2: {  	s10 =	sadd.s32 $0x28, s14;
	s5 =	simm.s32 $0x14080;
	[sflag:s21] =	ssyncadd.s32 $0xFFFFE000  }
0xc3: {  	[tilespmem:s5], [sflag:$0x2] =	stream.linear.gather [hbm4b:s10+s3], $0x40, $0x38;
	[tilespmem:$0x1C400] =	vst v63  }
0xc4: {  	_ =	swait.ge [sflag:s22], $0x40  }
0xc5: {  	s15 =	smov.u32 s2;
	[sflag:s22] =	ssyncset.done $0x0  }
0xc6: {  	s2 =	simm.s32 $0x14280;
	s9 =	simm.s32 $0x16400;
	[sflag:s22] =	ssyncadd.s32 $0xFFFFFFC0  }
0xc7: {  	[spmem:s1] =	stream.indirect.scatter.add.f32 [tilespmem:s9], [sflag:$0xD], $0x80, s2, s0, $0xb8;
	[tilespmem:$0x1C400] =	vst v63  }
0xc8: {  	_ =	swait.ge [sflag:s28], $0x2000  }
0xc9: {  	[sflag:s28] =	ssyncset.done $0x0  }
0xca: {  	s10 =	sadd.s32 $0x28, s26;
	[sflag:s28] =	ssyncadd.s32 $0xFFFFE000  }
0xcb: {  	[tilespmem:s2], [sflag:$0x6] =	stream.linear.gather [hbm4b:s10+s3], $0x40, $0x38;
	[tilespmem:$0x1C400] =	vst v63  }
0xcc: {  	_ =	swait.ge [sflag:s7], $0x40  }
0xcd: {  	[sflag:s7] =	ssyncset.done $0x0  }
0xce: {  	[sflag:s7] =	ssyncadd.s32 $0xFFFFFFC0  }
0xcf: {  	[tilespmem:s9], [sflag:$0xA] =	stream.indirect.gather [hbm4b:s4+s0], $0x80, s5, s0, $0xb8;
	[tilespmem:$0x1C400] =	vst v63  }
0xd0: {  	_ =	swait.ge [sflag:s23], $0x2000  }
0xd1: {  	[sflag:s23] =	ssyncset.done $0x0  }
0xd2: {  	s8 =	sadd.s32 $0x30, s14;
	s5 =	simm.s32 $0x14100;
	[sflag:s23] =	ssyncadd.s32 $0xFFFFE000  }
0xd3: {  	[tilespmem:s5], [sflag:$0x3] =	stream.linear.gather [hbm4b:s8+s3], $0x40, $0x38;
	[tilespmem:$0x1C400] =	vst v63  }
0xd4: {  	_ =	swait.ge [sflag:s24], $0x40  }
0xd5: {  	[sflag:s24] =	ssyncset.done $0x0  }
0xd6: {  	s9 =	simm.s32 $0x14300;
	[sflag:s24] =	ssyncadd.s32 $0xFFFFFFC0  }
0xd7: {  	[spmem:s1] =	stream.indirect.scatter.add.f32 [tilespmem:s12], [sflag:$0xD], $0x80, s9, s0, $0xb8;
	[tilespmem:$0x1C400] =	vst v63  }
0xd8: {  	_ =	swait.ge [sflag:s28], $0x2000  }
0xd9: {  	[sflag:s28] =	ssyncset.done $0x0  }
0xda: {  	s10 =	sadd.s32 $0x30, s26;
	[sflag:s28] =	ssyncadd.s32 $0xFFFFE000  }
0xdb: {  	[tilespmem:s9], [sflag:$0x7] =	stream.linear.gather [hbm4b:s10+s3], $0x40, $0x38;
	[tilespmem:$0x1C400] =	vst v63  }
0xdc: {  	_ =	swait.ge [sflag:s11], $0x40  }
0xdd: {  	[sflag:s11] =	ssyncset.done $0x0  }
0xde: {  	[sflag:s11] =	ssyncadd.s32 $0xFFFFFFC0  }
0xdf: {  	[tilespmem:s12], [sflag:$0xB] =	stream.indirect.gather [hbm4b:s4+s0], $0x80, s5, s0, $0xb8;
	[tilespmem:$0x1C400] =	vst v63  }
0xe0: {  	_ =	swait.ge [sflag:s25], $0x2000  }
0xe1: {  	[sflag:s25] =	ssyncset.done $0x0  }
0xe2: {  	s14 =	sadd.s32 $0x38, s14;
	[sflag:s25] =	ssyncadd.s32 $0xFFFFE000  }
0xe3: {  	[tilespmem:s13], [sflag:$0x4] =	stream.linear.gather [hbm4b:s14+s3], $0x40, $0x38;
	[tilespmem:$0x1C400] =	vst v63  }
0xe4: {  	_ =	swait.ge [sflag:s6], $0x40  }
0xe5: {  	[sflag:s6] =	ssyncset.done $0x0  }
0xe6: {  	[sflag:s6] =	ssyncadd.s32 $0xFFFFFFC0  }
0xe7: {  	[spmem:s1] =	stream.indirect.scatter.add.f32 [tilespmem:s18], [sflag:$0xD], $0x80, s16, s0, $0xb8;
	[tilespmem:$0x1C400] =	vst v63  }
0xe8: {  	_ =	swait.ge [sflag:s28], $0x2000  }
0xe9: {  	[sflag:s28] =	ssyncset.done $0x0  }
0xea: {  	s26 =	sadd.s32 $0x38, s26;
	[sflag:s28] =	ssyncadd.s32 $0xFFFFE000  }
0xeb: {  	[tilespmem:s16], [sflag:$0x8] =	stream.linear.gather [hbm4b:s26+s3], $0x40, $0x38;
	[tilespmem:$0x1C400] =	vst v63  }
0xec: {  	_ =	swait.ge [sflag:s17], $0x40  }
.Ltmp0:
0xed: {  	[sflag:s17] =	ssyncset.done $0x0;
	(pc) =	sbr.rel @p0 .LBB2_2-.Ltmp0, $4  }
0xee: {  	[sflag:s17] =	ssyncadd.s32 $0xFFFFFFC0  }
0xef: {  	[tilespmem:s18], [sflag:$0xC] =	stream.indirect.gather [hbm4b:s4+s0], $0x80, s13, s0, $0xb8;
	[tilespmem:$0x1C400] =	vst v63  }
0xf0: {  	_ =	swait.ge [sflag:s19], $0x2000  }
0xf1: {  	s14 =	sadd.s32 s15, s30;
	s26 =	smov.u32 s29;
	[sflag:s19] =	ssyncset.done $0x0  }
0xf2: {  	s2 =	sadd.s32 $0x20, s14;
	[sflag:s19] =	ssyncadd.s32 $0xFFFFE000;
	s8 =	simm.s32 $0x14000  }
0xf3: {  	[tilespmem:s8], [sflag:$0x1] =	stream.linear.gather [hbm4b:s2+s3], $0x40, $0x38;
	[tilespmem:$0x1C400] =	vst v63  }
0xf4: {  	_ =	swait.ge [sflag:s20], $0x40  }
0xf5: {  	[sflag:s20] =	ssyncset.done $0x0  }
0xf6: {  	s5 =	simm.s32 $0x14400;
	s9 =	simm.s32 $0x14200;
	[sflag:s20] =	ssyncadd.s32 $0xFFFFFFC0  }
0xf7: {  	[spmem:s1] =	stream.indirect.scatter.add.f32 [tilespmem:s5], [sflag:$0xD], $0x80, s9, s0, $0xb8;
	[tilespmem:$0x1C400] =	vst v63  }
0xf8: {  	_ =	swait.ge [sflag:s28], $0x2000  }
0xf9: {  	s10 =	rddreg [dreg:$0x4]  }
0xfa: {  	[sflag:s28] =	ssyncset.done $0x0;
	s2 =	sadd.s32 s15, s10  }
0xfb: {  	[sflag:s28] =	ssyncadd.s32 $0xFFFFE000;
	s15 =	sadd.s32 $0x20, s2  }
0xfc: {  	[tilespmem:s9], [sflag:$0x5] =	stream.linear.gather [hbm4b:s15+s3], $0x40, $0x38;
	[tilespmem:$0x1C400] =	vst v63  }
0xfd: {  	_ =	swait.ge [sflag:s31], $0x40  }
0xfe: {  	[sflag:s31] =	ssyncset.done $0x0  }
0xff: {  	[sflag:s31] =	ssyncadd.s32 $0xFFFFFFC0  }
0x100: {  	[tilespmem:s5], [sflag:$0x9] =	stream.indirect.gather [hbm4b:s4+s0], $0x80, s8, s0, $0xb8;
	[tilespmem:$0x1C400] =	vst v63  }
0x101: {  	_ =	swait.ge [sflag:s21], $0x2000  }
0x102: {  	[sflag:s21] =	ssyncset.done $0x0  }
0x103: {  	s26 =	sadd.s32 $0x28, s14;
	s8 =	simm.s32 $0x14080;
	[sflag:s21] =	ssyncadd.s32 $0xFFFFE000  }
0x104: {  	[tilespmem:s8], [sflag:$0x2] =	stream.linear.gather [hbm4b:s26+s3], $0x40, $0x38;
	[tilespmem:$0x1C400] =	vst v63  }
0x105: {  	_ =	swait.ge [sflag:s22], $0x40  }
0x106: {  	[sflag:s22] =	ssyncset.done $0x0  }
0x107: {  	s10 =	simm.s32 $0x14280;
	s26 =	simm.s32 $0x16400;
	[sflag:s22] =	ssyncadd.s32 $0xFFFFFFC0  }
0x108: {  	[spmem:s1] =	stream.indirect.scatter.add.f32 [tilespmem:s26], [sflag:$0xD], $0x80, s10, s0, $0xb8;
	[tilespmem:$0x1C400] =	vst v63  }
0x109: {  	_ =	swait.ge [sflag:s28], $0x2000  }
0x10a: {  	[sflag:s28] =	ssyncset.done $0x0  }
0x10b: {  	s29 =	sadd.s32 $0x28, s2;
	[sflag:s28] =	ssyncadd.s32 $0xFFFFE000  }
0x10c: {  	[tilespmem:s10], [sflag:$0x6] =	stream.linear.gather [hbm4b:s29+s3], $0x40, $0x38;
	[tilespmem:$0x1C400] =	vst v63  }
0x10d: {  	_ =	swait.ge [sflag:s7], $0x40  }
0x10e: {  	[sflag:s7] =	ssyncset.done $0x0  }
0x10f: {  	[sflag:s7] =	ssyncadd.s32 $0xFFFFFFC0  }
0x110: {  	[tilespmem:s26], [sflag:$0xA] =	stream.indirect.gather [hbm4b:s4+s0], $0x80, s8, s0, $0xb8;
	[tilespmem:$0x1C400] =	vst v63  }
0x111: {  	_ =	swait.ge [sflag:s23], $0x2000  }
0x112: {  	[sflag:s23] =	ssyncset.done $0x0  }
0x113: {  	s29 =	sadd.s32 $0x30, s14;
	s8 =	simm.s32 $0x14100;
	[sflag:s23] =	ssyncadd.s32 $0xFFFFE000  }
0x114: {  	[tilespmem:s8], [sflag:$0x3] =	stream.linear.gather [hbm4b:s29+s3], $0x40, $0x38;
	[tilespmem:$0x1C400] =	vst v63  }
0x115: {  	_ =	swait.ge [sflag:s24], $0x40  }
0x116: {  	[sflag:s24] =	ssyncset.done $0x0  }
0x117: {  	s29 =	simm.s32 $0x14300;
	[sflag:s24] =	ssyncadd.s32 $0xFFFFFFC0  }
0x118: {  	[spmem:s1] =	stream.indirect.scatter.add.f32 [tilespmem:s12], [sflag:$0xD], $0x80, s29, s0, $0xb8;
	[tilespmem:$0x1C400] =	vst v63  }
0x119: {  	_ =	swait.ge [sflag:s28], $0x2000  }
0x11a: {  	[sflag:s28] =	ssyncset.done $0x0  }
0x11b: {  	s15 =	sadd.s32 $0x30, s2;
	[sflag:s28] =	ssyncadd.s32 $0xFFFFE000  }
0x11c: {  	[tilespmem:s29], [sflag:$0x7] =	stream.linear.gather [hbm4b:s15+s3], $0x40, $0x38;
	[tilespmem:$0x1C400] =	vst v63  }
0x11d: {  	_ =	swait.ge [sflag:s11], $0x40  }
0x11e: {  	[sflag:s11] =	ssyncset.done $0x0  }
0x11f: {  	[sflag:s11] =	ssyncadd.s32 $0xFFFFFFC0  }
0x120: {  	[tilespmem:s12], [sflag:$0xB] =	stream.indirect.gather [hbm4b:s4+s0], $0x80, s8, s0, $0xb8;
	[tilespmem:$0x1C400] =	vst v63  }
0x121: {  	_ =	swait.ge [sflag:s25], $0x2000  }
0x122: {  	[sflag:s25] =	ssyncset.done $0x0  }
0x123: {  	s15 =	sadd.s32 $0x38, s14;
	[sflag:s25] =	ssyncadd.s32 $0xFFFFE000  }
0x124: {  	[tilespmem:s13], [sflag:$0x4] =	stream.linear.gather [hbm4b:s15+s3], $0x40, $0x38;
	[tilespmem:$0x1C400] =	vst v63  }
0x125: {  	_ =	swait.ge [sflag:s6], $0x40  }
0x126: {  	[sflag:s6] =	ssyncset.done $0x0  }
0x127: {  	[sflag:s6] =	ssyncadd.s32 $0xFFFFFFC0  }
0x128: {  	[spmem:s1] =	stream.indirect.scatter.add.f32 [tilespmem:s18], [sflag:$0xD], $0x80, s16, s0, $0xb8;
	[tilespmem:$0x1C400] =	vst v63  }
0x129: {  	_ =	swait.ge [sflag:s28], $0x2000  }
0x12a: {  	[sflag:s28] =	ssyncset.done $0x0  }
0x12b: {  	s2 =	sadd.s32 $0x38, s2;
	[sflag:s28] =	ssyncadd.s32 $0xFFFFE000  }
0x12c: {  	[tilespmem:s16], [sflag:$0x8] =	stream.linear.gather [hbm4b:s2+s3], $0x40, $0x38;
	[tilespmem:$0x1C400] =	vst v63  }
0x12d: {  	_ =	swait.ge [sflag:s17], $0x40  }
0x12e: {  	[sflag:s17] =	ssyncset.done $0x0  }
0x12f: {  	[sflag:s17] =	ssyncadd.s32 $0xFFFFFFC0  }
0x130: {  	[tilespmem:s18], [sflag:$0xC] =	stream.indirect.gather [hbm4b:s4+s0], $0x80, s13, s0, $0xb8;
	[tilespmem:$0x1C400] =	vst v63  }
0x131: {  	_ =	swait.ge [sflag:s19], $0x2000  }
0x132: {  	[sflag:s19] =	ssyncset.done $0x0  }
0x133: {  	[sflag:s19] =	ssyncadd.s32 $0xFFFFE000  }
0x134: {  	_ =	swait.ge [sflag:s20], $0x40  }
0x135: {  	[sflag:s20] =	ssyncset.done $0x0  }
0x136: {  	[sflag:s20] =	ssyncadd.s32 $0xFFFFFFC0  }
0x137: {  	[spmem:s1] =	stream.indirect.scatter.add.f32 [tilespmem:s5], [sflag:$0xD], $0x80, s9, s0, $0xb8;
	[tilespmem:$0x1C400] =	vst v63  }
0x138: {  	_ =	swait.ge [sflag:s28], $0x2000  }
0x139: {  	[sflag:s28] =	ssyncset.done $0x0  }
0x13a: {  	[sflag:s28] =	ssyncadd.s32 $0xFFFFE000  }
0x13b: {  	_ =	swait.ge [sflag:s21], $0x2000  }
0x13c: {  	[sflag:s21] =	ssyncset.done $0x0  }
0x13d: {  	[sflag:s21] =	ssyncadd.s32 $0xFFFFE000  }
0x13e: {  	_ =	swait.ge [sflag:s22], $0x40  }
0x13f: {  	[sflag:s22] =	ssyncset.done $0x0  }
0x140: {  	[sflag:s22] =	ssyncadd.s32 $0xFFFFFFC0  }
0x141: {  	[spmem:s1] =	stream.indirect.scatter.add.f32 [tilespmem:s26], [sflag:$0xD], $0x80, s10, s0, $0xb8;
	[tilespmem:$0x1C400] =	vst v63  }
0x142: {  	_ =	swait.ge [sflag:s28], $0x2000  }
0x143: {  	[sflag:s28] =	ssyncset.done $0x0  }
0x144: {  	[sflag:s28] =	ssyncadd.s32 $0xFFFFE000  }
0x145: {  	_ =	swait.ge [sflag:s23], $0x2000  }
0x146: {  	[sflag:s23] =	ssyncset.done $0x0  }
0x147: {  	[sflag:s23] =	ssyncadd.s32 $0xFFFFE000  }
0x148: {  	_ =	swait.ge [sflag:s24], $0x40  }
0x149: {  	[sflag:s24] =	ssyncset.done $0x0  }
0x14a: {  	[sflag:s24] =	ssyncadd.s32 $0xFFFFFFC0  }
0x14b: {  	[spmem:s1] =	stream.indirect.scatter.add.f32 [tilespmem:s12], [sflag:$0xD], $0x80, s29, s0, $0xb8;
	[tilespmem:$0x1C400] =	vst v63  }
0x14c: {  	_ =	swait.ge [sflag:s28], $0x2000  }
0x14d: {  	[sflag:s28] =	ssyncset.done $0x0  }
0x14e: {  	[sflag:s28] =	ssyncadd.s32 $0xFFFFE000  }
0x14f: {  	_ =	swait.ge [sflag:s25], $0x2000  }
0x150: {  	[sflag:s25] =	ssyncset.done $0x0  }
0x151: {  	[sflag:s25] =	ssyncadd.s32 $0xFFFFE000  }
0x152: {  	_ =	swait.ge [sflag:s6], $0x40  }
0x153: {  	[sflag:s6] =	ssyncset.done $0x0  }
0x154: {  	[sflag:s6] =	ssyncadd.s32 $0xFFFFFFC0  }
0x155: {  	[spmem:s1] =	stream.indirect.scatter.add.f32 [tilespmem:s18], [sflag:$0xD], $0x80, s16, s0, $0xb8;
	[tilespmem:$0x1C400] =	vst v63  }
0x156: {  	_ =	swait.ge [sflag:s28], $0x2000  }
0x157: {  	[sflag:s28] =	ssyncset.done $0x0  }
0x158: {  	[sflag:s28] =	ssyncadd.s32 $0xFFFFE000  }
0x159: {  	s8 =	stileid.u32;
	[bflag:$0x0] =	sbarrier.arrive $0xFFFF  }
0x15a: {  	s2 =	sshll.u32 s8, $0x6;
	s15 =	rddreg [dreg:$0x6]  }
0x15b: {  	s2 =	sor.u32 $0x1C0D, s2;
	s10 =	rddreg [dreg:$0x17];
	s9 =	sshrl.u32 s15, $0x3  }
0x15c: {  	[hbm:s10], [sflag:s2] =	dma.local [spmem:s9], $0x2800  }
0x15d: {  	_ =	swait.ge [sflag:s28], $0x2800  }
0x15e: {  	s26 =	rddreg [dreg:$0x18]  }
0x15f: {  	s29 =	rddreg [dreg:$0x16];
	s5 =	sadd.s32 $0x1, s26  }
0x160: {  	p0 =	sne.s32 s5, s29  }
.Ltmp1:
0x161: {  	_ = 	snop;
	(pc) =	sbr.rel @p0 .LBB2_1-.Ltmp1, $3  }
0x162: {  	_ =	sdelay $0x1  }
0x163: {  	[sflag:s28] =	ssyncset.done $0x0  }
0x164: {  	[sflag:s28] =	ssyncadd.s32 $0xFFFFD800  }
0x165: {  	_ =	sfence.sel $0x180000  }
0x166: {  	[bflag:$0x0] =	sbarrier.arrive $0xFFFF  }
0x167: {  	_ =	strace $0x90000047  }
0x168: {  	s0 =	stileid.u32;
	[bflag:$0x2] =	sbarrier.arrive $0xFFFF  }
0x169: {  	p0 =	sne.s32 s0, $0x0;
	s0 =	rddreg [dreg:$0x3]  }
0x16a: {  	s0 =	sadd.s32 @!p0 $0x100000, s0  }
0x16b: {  	[sflag:s0] =	ssyncadd.tile.s32 @!p0 $0x1;
	_ =	shalt  }
.Lfunc_end2:
_tile_overlayer_lowered:
.L_overlay_start_2:
0x16c: {  	(tag) =	ssettag $0x2  }
0x16d: {  	s0 =	rddreg [dreg:$0x0];
	s2 =	stileid.u32  }
0x16e: {  	s1 =	rddreg [dreg:$0x1];
	p0 =	sne.s32 s2, $0x0  }
0x16f: {  	s3 =	rddreg [dreg:$0x2];
	[bflag:$0x3] =	sbarrier.arrive $0xFFFF;
	s2 =	simm.s32 @!p0 $0x1C0D  }
0x170: {  	[timem:s3], [sflag:s2] =	dma.local @!p0 [hbm:s0], s1  }
0x171: {  	s0 =	simm.s32 @!p0 $0xD  }
0x172: {  	_ =	swait.ge @!p0 [sflag:s0], s1  }
0x173: {  	s1 =	ssub.s32 @!p0 $0x0, s1;
	[sflag:s0] =	ssyncset.done @!p0 $0x0  }
0x174: {  	[sflag:s0] =	ssyncadd.s32 @!p0 s1  }
0x175: {  	[bflag:$0x3] =	sbarrier.arrive $0xFFFF  }
0x176: {  	_ =	shalt  }

// kernel: kernel.15.cloned.1.call-start
scs
__scs_entry_jumppad:
0x0: {  	(pc) =	sbr.rel $0x88, $3  }
0x1: {  	(tag) =	ssettag $0x0;
	lr =	simm.s32 $0x1  }
0x2: {  	[smem:$0x3F96] =	sst lr;
	_ =	strace $0xD0000000  }
0x3: {  	_ = 	snop  }
0x4: {  	_ = 	snop  }
0x5: {  	_ = 	snop  }
0x6: {  	_ = 	snop  }
0x7: {  	_ = 	snop  }
__scs_overlays_trampoline_lowered:
0x8: {  	[smem:$0x3FA5] =	sst s0  }
0x9: {  	[smem:$0x3FA6] =	sst s1  }
0xa: {  	[smem:$0x3FA7] =	sst s2  }
0xb: {  	[smem:$0x3FA8] =	sst s3  }
0xc: {  	[smem:$0x3FA9] =	sst s4  }
0xd: {  	[smem:$0x3FAA] =	sst s5  }
0xe: {  	[smem:$0x3FAB] =	sst s6  }
0xf: {  	[smem:$0x3FAC] =	sst s7  }
0x10: {  	[smem:$0x3FAD] =	sst s8  }
0x11: {  	[smem:$0x3FAE] =	sst s9;
	s0 =	simm.s32 @!p0 $0x0  }
0x12: {  	s1 =	sld [smem:$0x3F94];
	s0 =	simm.s32 @p0 $0x1  }
0x13: {  	[smem:$0x3FAF] =	sst s0;
	s0 =	simm.s32 @!p1 $0x0  }
0x14: {  	s2 =	sld [smem:$0x3F93];
	s0 =	simm.s32 @p1 $0x1  }
0x15: {  	[smem:$0x3FB0] =	sst s0;
	s0 =	simm.s32 @!p2 $0x0  }
0x16: {  	s3 =	sld [smem:$0x3FDB];
	s0 =	simm.s32 @p2 $0x1  }
0x17: {  	s4 =	simm.s32 $0x1BF5;
	[smem:$0x3FB2] =	sst s0  }
0x18: {  	s0 =	sld [smem:$0x3F95];
	_ =	swait.ge [sflag:s4], $0x0  }
0x19: {  	s7 =	sld [smem:$0x3F96]  }
0x1a: {  	s8 =	sadd.s32 $0xFFFFE003, lr  }
0x1b: {  	s9 =	sadd.s32 $0xFFFFFEF7, lr;
	s5 =	simm.s32 $0xFFFFFFFF;
	p2 =	slt.u32 s8, $0xFFFFF086  }
0x1c: {  	p1 =	slt.u32 s9, $0xF7A;
	s5 =	simm.s32 @!p2 $0x0  }
0x1d: {  	s5 =	simm.s32 @p1 $0x1;
	p0 =	seq.s32 s7, s2  }
0x1e: {  	s7 =	smul.u32 @!p0 $0xF7A, s2;
	p2 =	seq.s32 @!p0 s5, $0x0  }
0x1f: {  	s9 =	smul.u32 $0xF7A, s1;
	s8 =	simm.s32 @!p0 $0x1BF5;
	p2 =	por !p2, p0  }
0x20: {  	[sflag:s8] =	ssyncset.s32 @!p0 $0xFFFFF086;
	s6 =	sadd.s32 @!p0 s3, s7;
	s7 =	simm.s32 @!p0 $0x108  }
0x21: {  	s3 =	sadd.s32 s3, s9;
	s6 =	sadd.s32 @!p0 $0x88, s6;
	s7 =	simm.s32 @p2 $0x1082  }
0x22: {  	[simem:s7], [sflag:s8] =	dma.local @!p0 [hbm:s6], $0xF7A  }
0x23: {  	s9 =	sor.u32 $0xD0000000, s2;
	s6 =	simm.s32 $0x108;
	_ =	swait.ge @!p0 [sflag:s8], $0x0  }
0x24: {  	s3 =	sadd.s32 $0x88, s3;
	s6 =	simm.s32 @!p1 $0x1082;
	[sflag:s4] =	ssyncset.s32 $0xFFFFF086  }
0x25: {  	[simem:s6], [sflag:s4] =	dma.local [hbm:s3], $0xF7A  }
0x26: {  	[smem:$0x3F96] =	sst s1;
	(tag) =	ssettag s2;
	_ =	strace s9  }
0x27: {  	s1 =	sld [smem:$0x3FA6]  }
0x28: {  	s2 =	sld [smem:$0x3FA7]  }
0x29: {  	s4 =	sld [smem:$0x3FA9]  }
0x2a: {  	p0 =	seq.s32 s5, $0x0;
	s5 =	sld [smem:$0x3FAA]  }
0x2b: {  	s6 =	sld [smem:$0x3FAB]  }
0x2c: {  	s7 =	sld [smem:$0x3FAC]  }
0x2d: {  	s3 =	simm.s32 $0x108;
	s8 =	sld [smem:$0x3FAD]  }
0x2e: {  	s3 =	simm.s32 @!p0 $0x1082;
	s9 =	sld [smem:$0x3FAE]  }
0x2f: {  	lr =	sadd.s32 s0, s3;
	s0 =	sld [smem:$0x3FA5]  }
0x30: {  	s3 =	sld [smem:$0x3FA8]  }
0x31: {  	[smem:$0x3FB1] =	sst s10  }
0x32: {  	s10 =	sld [smem:$0x3FAF];
	_ =	sdelay $0x3  }
0x33: {  	p0 =	seq.s32 s10, $0x1;
	s10 =	sld [smem:$0x3FB1];
	_ =	sdelay $0x3  }
0x34: {  	[smem:$0x3FB1] =	sst s10  }
0x35: {  	s10 =	sld [smem:$0x3FB0];
	_ =	sdelay $0x3  }
0x36: {  	p1 =	seq.s32 s10, $0x1;
	s10 =	sld [smem:$0x3FB1];
	_ =	sdelay $0x3  }
0x37: {  	[smem:$0x3FB1] =	sst s10  }
0x38: {  	s10 =	sld [smem:$0x3FB2]  }
0x39: {  	_ = 	snop;
	(pc) =	sbr.ind lr, $3  }
0x3a: {  	_ = 	snop  }
0x3b: {  	_ = 	snop  }
0x3c: {  	p2 =	seq.s32 s10, $0x1;
	s10 =	sld [smem:$0x3FB1]  }
0x3d: {  	_ =	shalt  }
0x3e: {  	_ =	shalt  }
0x3f: {  	_ =	shalt  }
0x40: {  	_ =	shalt  }
0x41: {  	_ =	shalt  }
0x42: {  	_ =	shalt  }
0x43: {  	_ =	shalt  }
0x44: {  	_ =	shalt  }
0x45: {  	_ =	shalt  }
0x46: {  	_ =	shalt  }
0x47: {  	_ =	shalt  }
0x48: {  	_ =	shalt  }
0x49: {  	_ =	shalt  }
0x4a: {  	_ =	shalt  }
0x4b: {  	_ =	shalt  }
0x4c: {  	_ =	shalt  }
0x4d: {  	_ =	shalt  }
0x4e: {  	_ =	shalt  }
0x4f: {  	_ =	shalt  }
0x50: {  	_ =	shalt  }
0x51: {  	_ =	shalt  }
0x52: {  	_ =	shalt  }
0x53: {  	_ =	shalt  }
0x54: {  	_ =	shalt  }
0x55: {  	_ =	shalt  }
0x56: {  	_ =	shalt  }
0x57: {  	_ =	shalt  }
0x58: {  	_ =	shalt  }
0x59: {  	_ =	shalt  }
0x5a: {  	_ =	shalt  }
0x5b: {  	_ =	shalt  }
0x5c: {  	_ =	shalt  }
0x5d: {  	_ =	shalt  }
0x5e: {  	_ =	shalt  }
0x5f: {  	_ =	shalt  }
0x60: {  	_ =	shalt  }
0x61: {  	_ =	shalt  }
0x62: {  	_ =	shalt  }
0x63: {  	_ =	shalt  }
0x64: {  	_ =	shalt  }
0x65: {  	_ =	shalt  }
0x66: {  	_ =	shalt  }
0x67: {  	_ =	shalt  }
0x68: {  	_ =	shalt  }
0x69: {  	_ =	shalt  }
0x6a: {  	_ =	shalt  }
0x6b: {  	_ =	shalt  }
0x6c: {  	_ =	shalt  }
0x6d: {  	_ =	shalt  }
0x6e: {  	_ =	shalt  }
0x6f: {  	_ =	shalt  }
0x70: {  	_ =	shalt  }
0x71: {  	_ =	shalt  }
0x72: {  	_ =	shalt  }
0x73: {  	_ =	shalt  }
0x74: {  	_ =	shalt  }
0x75: {  	_ =	shalt  }
0x76: {  	_ =	shalt  }
0x77: {  	_ =	shalt  }
0x78: {  	_ =	shalt  }
0x79: {  	_ =	shalt  }
0x7a: {  	_ =	shalt  }
0x7b: {  	_ =	shalt  }
0x7c: {  	_ =	shalt  }
0x7d: {  	_ =	shalt  }
0x7e: {  	_ =	shalt  }
0x7f: {  	_ =	shalt  }
0x80: {  	_ =	shalt  }
0x81: {  	_ =	shalt  }
0x82: {  	_ =	shalt  }
0x83: {  	_ =	shalt  }
0x84: {  	_ =	shalt  }
0x85: {  	_ =	shalt  }
0x86: {  	_ =	shalt  }
0x87: {  	_ =	shalt  }
.Lfunc_end0:
.L_simem_size_0:
called_computation.2_lowered:
.L_overlay_start_0:
0x88: {  	s2 =	sld [smem:$0x3FD9]  }
0x89: {  	s3 =	sld [smem:$0x3FFE];
	_ =	sdelay $0x1  }
0x8a: {  	s1 =	srdreg.scid  }
0x8b: {  	s0 =	sand.u32 $0x1, s1  }
0x8c: {  	s17 =	sshll.u32 s0, $0xA;
	s2 =	sadd.s32 s3, s2  }
0x8d: {  	s2 =	sadd.s32 s2, s17  }
0x8e: {  	[smem:$0x3FBD] =	sst s2  }
0x8f: {  	_ = 	snop  }
0x90: {  	s2 =	sld [smem:$0x3FD0];
	(tm) =	ssettm $0x1  }
0x91: {  	s18 =	sld [smem:$0x3FFB];
	_ =	sdelay $0x3  }
0x92: {  	_ =	strace s18  }
0x93: {  	s3 =	sld [smem:$0x3FFC];
	_ =	sdelay $0x3  }
0x94: {  	_ =	strace s3  }
0x95: {  	s3 =	sld [smem:$0x3FFD];
	_ =	sdelay $0x3  }
0x96: {  	_ =	strace s3  }
0x97: {  	_ =	strace $0x8FFFFFFF  }
0x98: {  	s19 =	sld [smem:$0x3FDB];
	_ =	sdelay $0x1  }
0x99: {  	s4 =	simm.s32 $_scs_section_size  }
0x9a: {  	s5 =	simm.s32 $_size__tile_overlayer_lowered;
	s6 =	simm.s32 $_tile_overlayer_lowered  }
0x9b: {  	s22 =	simm.s32 $0x1BFF;
	s21 =	sshll.u32 s6, $0x1;
	s3 =	sadd.s32 s4, s19  }
0x9c: {  	s7 =	simm.s32 $0x0;
	s20 =	sshll.u32 s5, $0x1;
	s5 =	sadd.s32 s21, s3  }
0x9d: {  	[timem:s7], [sflag:s22] =	dma.local [hbm:s5], s20  }
0x9e: {  	_ =	swait.ge [sflag:s22], s20  }
0x9f: {  	s4 =	ssub.s32 $0x0, s20;
	[sflag:s22] =	ssyncset.done $0x0  }
0xa0: {  	[sflag:s22] =	ssyncadd.s32 s4;
	_ =	sdelay $0x1  }
0xa1: {  	s23 =	simm.s32 $0x1B8B  }
0xa2: {  	_ =	swait.ge [sflag:s23], $0x1  }
0xa3: {  	[sflag:s23] =	ssyncset.done $0x0  }
0xa4: {  	s25 =	simm.s32 $0x1B8E;
	s24 =	sld [smem:$0x3FFE];
	[sflag:s23] =	ssyncadd.s32 $0xFFFFFFFF  }
0xa5: {  	s26 =	simm.s32 $execute0_lowered;
	[smem:$0x3FD2] =	sst s25  }
0xa6: {  	s5 =	sshll.u32 s26, $0x1;
	_ =	strace $0x8000004C;
	[dreg:$0x1] =	wrdreg $0xFFFFFFFF  }
0xa7: {  	s28 =	simm.s32 $_size_execute0_lowered;
	s3 =	sadd.s32 s3, s5;
	[dreg:$0x0] =	wrdreg $0x0  }
0xa8: {  	s5 =	sshll.u32 s28, $0x1;
	[dreg:$0x2] =	wrdreg s3  }
0xa9: {  	[dreg:$0x3] =	wrdreg s5  }
0xaa: {  	[dreg:$0x4] =	wrdreg $0xC0  }
0xab: {  	_ =	task [dreg:s7], $0x5FFFF  }
0xac: {  	[dreg:$0x1] =	wrdreg $0xFFFFFFFF  }
0xad: {  	[dreg:$0x0] =	wrdreg $0x60  }
0xae: {  	[dreg:$0x2] =	wrdreg s2  }
0xaf: {  	[dreg:$0x3] =	wrdreg s24  }
0xb0: {  	[dreg:$0x4] =	wrdreg $0x0  }
0xb1: {  	[dreg:$0x5] =	wrdreg $0x9  }
0xb2: {  	_ =	task.clear_ibuf [dreg:s7], $0x6FFFF;
	_ =	strace $0x9000004C  }
0xb3: {  	s29 =	simm.s32 $0x9;
	_ =	strace $0x8000004E  }
0xb4: {  	_ =	swait.ge [sflag:s29], $0x1  }
0xb5: {  	[sflag:s29] =	ssyncadd.s32 $0xFFFFFFFF  }
0xb6: {  	_ =	strace $0x9000004E  }
0xb7: {  	_ =	sfence  }
0xb8: {  	s30 =	sld [smem:$0x0];
	_ =	sdelay $0x2  }
0xb9: {  	s31 =	sshll.u32 s1, $0xD;
	s1 =	sshrl.u32 s1, $0x2  }
0xba: {  	s3 =	sand.u32 $0x4000, s31;
	s1 =	sadd.s32 s1, s30  }
0xbb: {  	s0 =	sor.u32 s3, s0;
	s1 =	sshll.u32 s1, $0x11  }
0xbc: {  	s0 =	sor.u32 s1, s0  }
0xbd: {  	s0 =	sadd.s32 $0x8F2B, s0  }
0xbe: {  	[sflag:s0] =	ssyncadd.remote.s32 $0x1  }
0xbf: {  	_ =	sfence.sel $0xFFFF  }
0xc0: {  	[dreg:$0x0] =	wrdreg $0xFFFFFFFF;
	(pc) =	sbr.abs _section_cstart, $3  }
0xc1: {  	[dreg:$0x1] =	wrdreg $0xFFFFFFFF  }
0xc2: {  	_ =	task.clear_ibuf [dreg:s7], $0x2FFFF;
	_ =	strace $0x9FFFFFFF  }
0xc3: {  	(tm) =	ssettm $0x7FFFFFFF  }
tec
execute0_lowered:
.L_overlay_start_1:
0x0: {  	(tag) =	ssettag $0x1  }
0x1: {  	s0 =	rddreg [dreg:$0x0]  }
0x2: {  	s2 =	rddreg [dreg:$0x1]  }
0x3: {  	s1 =	rddreg [dreg:$0x2];
	s3 =	simm.s32 $0x0;
	s11 =	stileid.u32  }
0x4: {  	s25 =	srdreg.scid;
	s28 =	simm.s32 $0xD;
	s7 =	smul.u32 $0x14000, s11  }
0x5: {  	s31 =	simm.s32 $0x1;
	[smem:$0x7FF] =	sst s3;
	s9 =	smul.u32 $0x2800, s11  }
0x6: {  	s4 =	sadd.s32 $0x3400, s2;
	s5 =	sadd.s32 $0x30400, s2;
	s10 =	smul.u32 $0x50000, s11  }
0x7: {  	s6 =	sadd.s32 $0x2B400, s2;
	s8 =	sadd.s32 $0x35400, s2;
	s11 =	smul.u32 $0x500, s11  }
0x8: {  	_ =	strace $0x8000004D;
	[dreg:$0x5] =	wrdreg s8;
	s8 =	sand.u32 $0x1, s25  }
0x9: {  	s7 =	sshrl.u32 s7, $0x3;
	p0 =	seq.s32 s8, $0x0;
	s8 =	ssub.s32 $0x2, s8  }
0xa: {  	s10 =	sshrl.u32 s10, $0x2;
	s18 =	sor.u32 $0x8, s11;
	s30 =	sadd.s32 s5, s11  }
0xb: {  	s19 =	sadd.s32 s6, s11;
	s21 =	sor.u32 $0x10, s11;
	s7 =	sadd.s32 $0x28000, s7  }
0xc: {  	s26 =	sshrl.u32 s8, $0x1;
	[dreg:$0x4] =	wrdreg s19;
	s20 =	sadd.s32 s5, s18  }
0xd: {  	s15 =	sadd.s32 s10, s1;
	s22 =	sadd.s32 s5, s21;
	[dreg:$0xe] =	wrdreg s20  }
0xe: {  	s4 =	smov.u32 @p0 s0;
	s0 =	simm.s32 $0x40;
	[dreg:$0x10] =	wrdreg s22  }
0xf: {  	s7 =	smov.u32 @p0 s9;
	s9 =	sadd.s32 $0x2000, s15;
	[dreg:$0x6] =	wrdreg s15  }
0x10: {  	s19 =	simm.s32 $0x9;
	s10 =	sadd.s32 $0x4000, s15;
	[dreg:$0x7] =	wrdreg s9  }
0x11: {  	s29 =	ssub.s32 s8, s26;
	s12 =	sadd.s32 $0x6000, s15;
	[dreg:$0x8] =	wrdreg s10  }
0x12: {  	s13 =	sadd.s32 $0x8000, s15;
	s14 =	sadd.s32 $0xA000, s15;
	[dreg:$0x9] =	wrdreg s12  }
0x13: {  	s16 =	sadd.s32 $0xC000, s15;
	s17 =	sadd.s32 $0xE000, s15;
	[dreg:$0xa] =	wrdreg s13  }
0x14: {  	s8 =	sor.u32 $0x18, s11;
	s24 =	sadd.s32 $0x10000, s15;
	[dreg:$0xb] =	wrdreg s14  }
0x15: {  	s25 =	sadd.s32 $0x12000, s15;
	s11 =	simm.s32 $0x3;
	[dreg:$0xc] =	wrdreg s16  }
0x16: {  	s20 =	simm.s32 $0x5;
	s22 =	simm.s32 $0x6;
	[dreg:$0xd] =	wrdreg s17  }
0x17: {  	s2 =	sadd.s32 s7, s2;
	s9 =	sadd.s32 s6, s18;
	[dreg:$0x14] =	wrdreg s24  }
0x18: {  	s5 =	sadd.s32 s5, s8;
	s23 =	sadd.s32 s6, s8;
	[dreg:$0x15] =	wrdreg s25  }
0x19: {  	s26 =	smax.u32 s29, $0x1;
	s7 =	simm.s32 $0x2;
	s12 =	simm.s32 $0x18400  }
0x1a: {  	s13 =	simm.s32 $0x14180;
	s16 =	simm.s32 $0x14380;
	[dreg:$0xf] =	wrdreg s9  }
0x1b: {  	s17 =	simm.s32 $0x4;
	s18 =	simm.s32 $0x1A400;
	[dreg:$0x12] =	wrdreg s5  }
0x1c: {  	s24 =	simm.s32 $0x7;
	s25 =	simm.s32 $0xC;
	[dreg:$0x13] =	wrdreg s23  }
0x1d: {  	s9 =	sadd.s32 s6, s21;
	[dreg:$0x16] =	wrdreg s26;
	s29 =	sadd.s32 $0x5D800, s2  }
0x1e: {  	s21 =	simm.s32 $0xA;
	s23 =	simm.s32 $0xB;
	[dreg:$0x11] =	wrdreg s9  }
0x1f: {  	s6 =	simm.s32 $0x8;
	s5 =	simm.s32 $0x0;
	[dreg:$0x17] =	wrdreg s29  }
.LBB2_1:
0x20: {  	[dreg:$0x18] =	wrdreg s5  }
0x21: {  	s2 =	rddreg [dreg:$0x5];
	s29 =	simm.s32 $0x14400  }
0x22: {  	[tilespmem:s29], [sflag:$0xD] =	stream.linear.gather [hbm4b:s2+s3], $0x2000, $0x38;
	[tilespmem:$0x1C400] =	vst v63  }
0x23: {  	_ =	swait.ge [sflag:s28], $0x2000  }
0x24: {  	[sflag:s28] =	ssyncset.done $0x0  }
0x25: {  	[sflag:s28] =	ssyncadd.s32 $0xFFFFE000  }
0x26: {  	[spmem:s15] =	stream.linear.scatter [tilespmem:s29], [sflag:$0xD], $0x2000, $0x38;
	[tilespmem:$0x1C400] =	vst v63  }
0x27: {  	_ =	swait.ge [sflag:s28], $0x2000  }
0x28: {  	[sflag:s28] =	ssyncset.done $0x0  }
0x29: {  	s10 =	rddreg [dreg:$0x7];
	[sflag:s28] =	ssyncadd.s32 $0xFFFFE000  }
0x2a: {  	[spmem:s10] =	stream.linear.scatter [tilespmem:s29], [sflag:$0xD], $0x2000, $0x38;
	[tilespmem:$0x1C400] =	vst v63  }
0x2b: {  	_ =	swait.ge [sflag:s28], $0x2000  }
0x2c: {  	[sflag:s28] =	ssyncset.done $0x0  }
0x2d: {  	s14 =	rddreg [dreg:$0x8];
	[sflag:s28] =	ssyncadd.s32 $0xFFFFE000  }
0x2e: {  	[spmem:s14] =	stream.linear.scatter [tilespmem:s29], [sflag:$0xD], $0x2000, $0x38;
	[tilespmem:$0x1C400] =	vst v63  }
0x2f: {  	_ =	swait.ge [sflag:s28], $0x2000  }
0x30: {  	[sflag:s28] =	ssyncset.done $0x0  }
0x31: {  	s15 =	rddreg [dreg:$0x9];
	[sflag:s28] =	ssyncadd.s32 $0xFFFFE000  }
0x32: {  	[spmem:s15] =	stream.linear.scatter [tilespmem:s29], [sflag:$0xD], $0x2000, $0x38;
	[tilespmem:$0x1C400] =	vst v63  }
0x33: {  	_ =	swait.ge [sflag:s28], $0x2000  }
0x34: {  	[sflag:s28] =	ssyncset.done $0x0  }
0x35: {  	s26 =	rddreg [dreg:$0xa];
	[sflag:s28] =	ssyncadd.s32 $0xFFFFE000  }
0x36: {  	[spmem:s26] =	stream.linear.scatter [tilespmem:s29], [sflag:$0xD], $0x2000, $0x38;
	[tilespmem:$0x1C400] =	vst v63  }
0x37: {  	_ =	swait.ge [sflag:s28], $0x2000  }
0x38: {  	[sflag:s28] =	ssyncset.done $0x0  }
0x39: {  	s5 =	rddreg [dreg:$0xb];
	[sflag:s28] =	ssyncadd.s32 $0xFFFFE000  }
0x3a: {  	[spmem:s5] =	stream.linear.scatter [tilespmem:s29], [sflag:$0xD], $0x2000, $0x38;
	[tilespmem:$0x1C400] =	vst v63  }
0x3b: {  	_ =	swait.ge [sflag:s28], $0x2000  }
0x3c: {  	[sflag:s28] =	ssyncset.done $0x0  }
0x3d: {  	s8 =	rddreg [dreg:$0xc];
	[sflag:s28] =	ssyncadd.s32 $0xFFFFE000  }
0x3e: {  	[spmem:s8] =	stream.linear.scatter [tilespmem:s29], [sflag:$0xD], $0x2000, $0x38;
	[tilespmem:$0x1C400] =	vst v63  }
0x3f: {  	_ =	swait.ge [sflag:s28], $0x2000  }
0x40: {  	[sflag:s28] =	ssyncset.done $0x0  }
0x41: {  	s9 =	rddreg [dreg:$0xd];
	[sflag:s28] =	ssyncadd.s32 $0xFFFFE000  }
0x42: {  	[spmem:s9] =	stream.linear.scatter [tilespmem:s29], [sflag:$0xD], $0x2000, $0x38;
	[tilespmem:$0x1C400] =	vst v63  }
0x43: {  	_ =	swait.ge [sflag:s28], $0x2000  }
0x44: {  	[sflag:s28] =	ssyncset.done $0x0  }
0x45: {  	s10 =	rddreg [dreg:$0x14];
	[sflag:s28] =	ssyncadd.s32 $0xFFFFE000  }
0x46: {  	[spmem:s10] =	stream.linear.scatter [tilespmem:s29], [sflag:$0xD], $0x2000, $0x38;
	[tilespmem:$0x1C400] =	vst v63  }
0x47: {  	_ =	swait.ge [sflag:s28], $0x2000  }
0x48: {  	[sflag:s28] =	ssyncset.done $0x0  }
0x49: {  	s14 =	rddreg [dreg:$0x15];
	[sflag:s28] =	ssyncadd.s32 $0xFFFFE000  }
0x4a: {  	[spmem:s14] =	stream.linear.scatter [tilespmem:s29], [sflag:$0xD], $0x2000, $0x38;
	[tilespmem:$0x1C400] =	vst v63  }
0x4b: {  	_ =	swait.ge [sflag:s28], $0x2000  }
0x4c: {  	[sflag:s28] =	ssyncset.done $0x0  }
0x4d: {  	[sflag:s28] =	ssyncadd.s32 $0xFFFFE000  }
0x4e: {  	s8 =	simm.s32 $0x14000;
	[bflag:$0x0] =	sbarrier.arrive $0xFFFF  }
0x4f: {  	[tilespmem:s8], [sflag:$0x1] =	stream.linear.gather [hbm4b:s30+s3], $0x40, $0x38;
	[tilespmem:$0x1C400] =	vst v63  }
0x50: {  	s9 =	simm.s32 $0x14200;
	s2 =	rddreg [dreg:$0x4]  }
0x51: {  	[tilespmem:s9], [sflag:$0x5] =	stream.linear.gather [hbm4b:s2+s3], $0x40, $0x38;
	[tilespmem:$0x1C400] =	vst v63  }
0x52: {  	_ =	swait.ge [sflag:s31], $0x40  }
0x53: {  	[sflag:s31] =	ssyncset.done $0x0  }
0x54: {  	[sflag:s31] =	ssyncadd.s32 $0xFFFFFFC0  }
0x55: {  	[tilespmem:s29], [sflag:$0x9] =	stream.indirect.gather [hbm4b:s4+s0], $0x80, s8, s0, $0xb8;
	[tilespmem:$0x1C400] =	vst v63  }
0x56: {  	s10 =	simm.s32 $0x14080;
	s15 =	rddreg [dreg:$0xe]  }
0x57: {  	[tilespmem:s10], [sflag:$0x2] =	stream.linear.gather [hbm4b:s15+s3], $0x40, $0x38;
	[tilespmem:$0x1C400] =	vst v63  }
0x58: {  	s14 =	simm.s32 $0x14280;
	s26 =	rddreg [dreg:$0xf]  }
0x59: {  	[tilespmem:s14], [sflag:$0x6] =	stream.linear.gather [hbm4b:s26+s3], $0x40, $0x38;
	[tilespmem:$0x1C400] =	vst v63  }
0x5a: {  	_ =	swait.ge [sflag:s7], $0x40  }
0x5b: {  	[sflag:s7] =	ssyncset.done $0x0  }
0x5c: {  	s15 =	simm.s32 $0x16400;
	[sflag:s7] =	ssyncadd.s32 $0xFFFFFFC0  }
0x5d: {  	[tilespmem:s15], [sflag:$0xA] =	stream.indirect.gather [hbm4b:s4+s0], $0x80, s10, s0, $0xb8;
	[tilespmem:$0x1C400] =	vst v63  }
0x5e: {  	s14 =	simm.s32 $0x14100;
	s26 =	rddreg [dreg:$0x10]  }
0x5f: {  	[tilespmem:s14], [sflag:$0x3] =	stream.linear.gather [hbm4b:s26+s3], $0x40, $0x38;
	[tilespmem:$0x1C400] =	vst v63  }
0x60: {  	s15 =	rddreg [dreg:$0x11];
	s26 =	simm.s32 $0x14300  }
0x61: {  	[tilespmem:s26], [sflag:$0x7] =	stream.linear.gather [hbm4b:s15+s3], $0x40, $0x38;
	[tilespmem:$0x1C400] =	vst v63  }
0x62: {  	_ =	swait.ge [sflag:s11], $0x40  }
0x63: {  	[sflag:s11] =	ssyncset.done $0x0  }
0x64: {  	[sflag:s11] =	ssyncadd.s32 $0xFFFFFFC0  }
0x65: {  	[tilespmem:s12], [sflag:$0xB] =	stream.indirect.gather [hbm4b:s4+s0], $0x80, s14, s0, $0xb8;
	[tilespmem:$0x1C400] =	vst v63  }
0x66: {  	s15 =	rddreg [dreg:$0x12]  }
0x67: {  	[tilespmem:s13], [sflag:$0x4] =	stream.linear.gather [hbm4b:s15+s3], $0x40, $0x38;
	[tilespmem:$0x1C400] =	vst v63  }
0x68: {  	s26 =	rddreg [dreg:$0x13]  }
0x69: {  	[tilespmem:s16], [sflag:$0x8] =	stream.linear.gather [hbm4b:s26+s3], $0x40, $0x38;
	[tilespmem:$0x1C400] =	vst v63  }
0x6a: {  	_ =	swait.ge [sflag:s17], $0x40  }
0x6b: {  	[sflag:s17] =	ssyncset.done $0x0  }
0x6c: {  	[sflag:s17] =	ssyncadd.s32 $0xFFFFFFC0  }
0x6d: {  	[tilespmem:s18], [sflag:$0xC] =	stream.indirect.gather [hbm4b:s4+s0], $0x80, s13, s0, $0xb8;
	[tilespmem:$0x1C400] =	vst v63  }
0x6e: {  	_ =	swait.ge [sflag:s19], $0x2000  }
0x6f: {  	s14 =	sadd.s32 $0x0, s30;
	[sflag:s19] =	ssyncset.done $0x0  }
0x70: {  	s5 =	sadd.s32 $0x20, s14;
	[sflag:s19] =	ssyncadd.s32 $0xFFFFE000  }
0x71: {  	[tilespmem:s8], [sflag:$0x1] =	stream.linear.gather [hbm4b:s5+s3], $0x40, $0x38;
	[tilespmem:$0x1C400] =	vst v63  }
0x72: {  	_ =	swait.ge [sflag:s20], $0x40  }
0x73: {  	[sflag:s20] =	ssyncset.done $0x0  }
0x74: {  	[sflag:s20] =	ssyncadd.s32 $0xFFFFFFC0  }
0x75: {  	[spmem:s1] =	stream.indirect.scatter.add.f32 [tilespmem:s29], [sflag:$0xD], $0x80, s9, s0, $0xb8;
	[tilespmem:$0x1C400] =	vst v63  }
0x76: {  	_ =	swait.ge [sflag:s28], $0x2000  }
0x77: {  	s15 =	sadd.s32 $0x0, s2;
	[sflag:s28] =	ssyncset.done $0x0  }
0x78: {  	s26 =	sadd.s32 $0x20, s15;
	[sflag:s28] =	ssyncadd.s32 $0xFFFFE000  }
0x79: {  	[tilespmem:s9], [sflag:$0x5] =	stream.linear.gather [hbm4b:s26+s3], $0x40, $0x38;
	[tilespmem:$0x1C400] =	vst v63  }
0x7a: {  	_ =	swait.ge [sflag:s31], $0x40  }
0x7b: {  	[sflag:s31] =	ssyncset.done $0x0  }
0x7c: {  	[sflag:s31] =	ssyncadd.s32 $0xFFFFFFC0  }
0x7d: {  	[tilespmem:s29], [sflag:$0x9] =	stream.indirect.gather [hbm4b:s4+s0], $0x80, s8, s0, $0xb8;
	[tilespmem:$0x1C400] =	vst v63  }
0x7e: {  	_ =	swait.ge [sflag:s21], $0x2000  }
0x7f: {  	[sflag:s21] =	ssyncset.done $0x0  }
0x80: {  	s8 =	sadd.s32 $0x28, s14;
	[sflag:s21] =	ssyncadd.s32 $0xFFFFE000  }
0x81: {  	[tilespmem:s10], [sflag:$0x2] =	stream.linear.gather [hbm4b:s8+s3], $0x40, $0x38;
	[tilespmem:$0x1C400] =	vst v63  }
0x82: {  	_ =	swait.ge [sflag:s22], $0x40  }
0x83: {  	[sflag:s22] =	ssyncset.done $0x0  }
0x84: {  	s9 =	simm.s32 $0x16400;
	s26 =	simm.s32 $0x14280;
	[sflag:s22] =	ssyncadd.s32 $0xFFFFFFC0  }
0x85: {  	[spmem:s1] =	stream.indirect.scatter.add.f32 [tilespmem:s9], [sflag:$0xD], $0x80, s26, s0, $0xb8;
	[tilespmem:$0x1C400] =	vst v63  }
0x86: {  	_ =	swait.ge [sflag:s28], $0x2000  }
0x87: {  	[sflag:s28] =	ssyncset.done $0x0  }
0x88: {  	s29 =	sadd.s32 $0x28, s15;
	[sflag:s28] =	ssyncadd.s32 $0xFFFFE000  }
0x89: {  	[tilespmem:s26], [sflag:$0x6] =	stream.linear.gather [hbm4b:s29+s3], $0x40, $0x38;
	[tilespmem:$0x1C400] =	vst v63  }
0x8a: {  	_ =	swait.ge [sflag:s7], $0x40  }
0x8b: {  	[sflag:s7] =	ssyncset.done $0x0  }
0x8c: {  	[sflag:s7] =	ssyncadd.s32 $0xFFFFFFC0  }
0x8d: {  	[tilespmem:s9], [sflag:$0xA] =	stream.indirect.gather [hbm4b:s4+s0], $0x80, s10, s0, $0xb8;
	[tilespmem:$0x1C400] =	vst v63  }
0x8e: {  	_ =	swait.ge [sflag:s23], $0x2000  }
0x8f: {  	[sflag:s23] =	ssyncset.done $0x0  }
0x90: {  	s5 =	sadd.s32 $0x30, s14;
	s8 =	simm.s32 $0x14100;
	[sflag:s23] =	ssyncadd.s32 $0xFFFFE000  }
0x91: {  	[tilespmem:s8], [sflag:$0x3] =	stream.linear.gather [hbm4b:s5+s3], $0x40, $0x38;
	[tilespmem:$0x1C400] =	vst v63  }
0x92: {  	_ =	swait.ge [sflag:s24], $0x40  }
0x93: {  	[sflag:s24] =	ssyncset.done $0x0  }
0x94: {  	s9 =	simm.s32 $0x14300;
	[sflag:s24] =	ssyncadd.s32 $0xFFFFFFC0  }
0x95: {  	[spmem:s1] =	stream.indirect.scatter.add.f32 [tilespmem:s12], [sflag:$0xD], $0x80, s9, s0, $0xb8;
	[tilespmem:$0x1C400] =	vst v63  }
0x96: {  	_ =	swait.ge [sflag:s28], $0x2000  }
0x97: {  	[sflag:s28] =	ssyncset.done $0x0  }
0x98: {  	s10 =	sadd.s32 $0x30, s15;
	[sflag:s28] =	ssyncadd.s32 $0xFFFFE000  }
0x99: {  	[tilespmem:s9], [sflag:$0x7] =	stream.linear.gather [hbm4b:s10+s3], $0x40, $0x38;
	[tilespmem:$0x1C400] =	vst v63  }
0x9a: {  	_ =	swait.ge [sflag:s11], $0x40  }
0x9b: {  	[sflag:s11] =	ssyncset.done $0x0  }
0x9c: {  	[sflag:s11] =	ssyncadd.s32 $0xFFFFFFC0  }
0x9d: {  	[tilespmem:s12], [sflag:$0xB] =	stream.indirect.gather [hbm4b:s4+s0], $0x80, s8, s0, $0xb8;
	[tilespmem:$0x1C400] =	vst v63  }
0x9e: {  	_ =	swait.ge [sflag:s25], $0x2000  }
0x9f: {  	[sflag:s25] =	ssyncset.done $0x0  }
0xa0: {  	s14 =	sadd.s32 $0x38, s14;
	[sflag:s25] =	ssyncadd.s32 $0xFFFFE000  }
0xa1: {  	[tilespmem:s13], [sflag:$0x4] =	stream.linear.gather [hbm4b:s14+s3], $0x40, $0x38;
	[tilespmem:$0x1C400] =	vst v63  }
0xa2: {  	_ =	swait.ge [sflag:s6], $0x40  }
0xa3: {  	[sflag:s6] =	ssyncset.done $0x0  }
0xa4: {  	[sflag:s6] =	ssyncadd.s32 $0xFFFFFFC0  }
0xa5: {  	[spmem:s1] =	stream.indirect.scatter.add.f32 [tilespmem:s18], [sflag:$0xD], $0x80, s16, s0, $0xb8;
	[tilespmem:$0x1C400] =	vst v63  }
0xa6: {  	_ =	swait.ge [sflag:s28], $0x2000  }
0xa7: {  	[sflag:s28] =	ssyncset.done $0x0  }
0xa8: {  	s29 =	sadd.s32 $0x38, s15;
	[sflag:s28] =	ssyncadd.s32 $0xFFFFE000  }
0xa9: {  	[tilespmem:s16], [sflag:$0x8] =	stream.linear.gather [hbm4b:s29+s3], $0x40, $0x38;
	[tilespmem:$0x1C400] =	vst v63  }
0xaa: {  	_ =	swait.ge [sflag:s17], $0x40  }
0xab: {  	[sflag:s17] =	ssyncset.done $0x0  }
0xac: {  	[sflag:s17] =	ssyncadd.s32 $0xFFFFFFC0  }
0xad: {  	[tilespmem:s18], [sflag:$0xC] =	stream.indirect.gather [hbm4b:s4+s0], $0x80, s13, s0, $0xb8;
	[tilespmem:$0x1C400] =	vst v63  }
0xae: {  	s26 =	simm.s32 $0x40;
	_ =	swait.ge [sflag:s19], $0x2000  }
0xaf: {  	s15 =	simm.s32 $0x20;
	s14 =	sadd.s32 $0x20, s30;
	[sflag:s19] =	ssyncset.done $0x0  }
.LBB2_2:
0xb0: {  	s5 =	smov.u32 s30  }
0xb1: {  	s30 =	sadd.s32 $0x20, s14;
	[sflag:s19] =	ssyncadd.s32 $0xFFFFE000;
	s9 =	simm.s32 $0x14000  }
0xb2: {  	[tilespmem:s9], [sflag:$0x1] =	stream.linear.gather [hbm4b:s30+s3], $0x40, $0x38;
	[tilespmem:$0x1C400] =	vst v63  }
0xb3: {  	_ =	swait.ge [sflag:s20], $0x40  }
0xb4: {  	[sflag:s20] =	ssyncset.done $0x0  }
0xb5: {  	s8 =	simm.s32 $0x14400;
	s10 =	simm.s32 $0x14200;
	[sflag:s20] =	ssyncadd.s32 $0xFFFFFFC0  }
0xb6: {  	[spmem:s1] =	stream.indirect.scatter.add.f32 [tilespmem:s8], [sflag:$0xD], $0x80, s10, s0, $0xb8;
	[tilespmem:$0x1C400] =	vst v63  }
0xb7: {  	s2 =	smov.u32 s26;
	_ =	swait.ge [sflag:s28], $0x2000  }
0xb8: {  	s29 =	sadd.s32 $0x20, s26;
	p0 =	sne.s32 s26, $0x4C0;
	s26 =	rddreg [dreg:$0x4]  }
0xb9: {  	[sflag:s28] =	ssyncset.done $0x0;
	s26 =	sadd.s32 s15, s26  }
0xba: {  	s30 =	smov.u32 s5;
	[sflag:s28] =	ssyncadd.s32 $0xFFFFE000;
	s5 =	sadd.s32 $0x20, s26  }
0xbb: {  	[tilespmem:s10], [sflag:$0x5] =	stream.linear.gather [hbm4b:s5+s3], $0x40, $0x38;
	[tilespmem:$0x1C400] =	vst v63  }
0xbc: {  	_ =	swait.ge [sflag:s31], $0x40  }
0xbd: {  	[sflag:s31] =	ssyncset.done $0x0  }
0xbe: {  	[sflag:s31] =	ssyncadd.s32 $0xFFFFFFC0  }
0xbf: {  	[tilespmem:s8], [sflag:$0x9] =	stream.indirect.gather [hbm4b:s4+s0], $0x80, s9, s0, $0xb8;
	[tilespmem:$0x1C400] =	vst v63  }
0xc0: {  	_ =	swait.ge [sflag:s21], $0x2000  }
0xc1: {  	[sflag:s21] =	ssyncset.done $0x0  }
0xc2: {  	s10 =	sadd.s32 $0x28, s14;
	s5 =	simm.s32 $0x14080;
	[sflag:s21] =	ssyncadd.s32 $0xFFFFE000  }
0xc3: {  	[tilespmem:s5], [sflag:$0x2] =	stream.linear.gather [hbm4b:s10+s3], $0x40, $0x38;
	[tilespmem:$0x1C400] =	vst v63  }
0xc4: {  	_ =	swait.ge [sflag:s22], $0x40  }
0xc5: {  	s15 =	smov.u32 s2;
	[sflag:s22] =	ssyncset.done $0x0  }
0xc6: {  	s2 =	simm.s32 $0x14280;
	s9 =	simm.s32 $0x16400;
	[sflag:s22] =	ssyncadd.s32 $0xFFFFFFC0  }
0xc7: {  	[spmem:s1] =	stream.indirect.scatter.add.f32 [tilespmem:s9], [sflag:$0xD], $0x80, s2, s0, $0xb8;
	[tilespmem:$0x1C400] =	vst v63  }
0xc8: {  	_ =	swait.ge [sflag:s28], $0x2000  }
0xc9: {  	[sflag:s28] =	ssyncset.done $0x0  }
0xca: {  	s10 =	sadd.s32 $0x28, s26;
	[sflag:s28] =	ssyncadd.s32 $0xFFFFE000  }
0xcb: {  	[tilespmem:s2], [sflag:$0x6] =	stream.linear.gather [hbm4b:s10+s3], $0x40, $0x38;
	[tilespmem:$0x1C400] =	vst v63  }
0xcc: {  	_ =	swait.ge [sflag:s7], $0x40  }
0xcd: {  	[sflag:s7] =	ssyncset.done $0x0  }
0xce: {  	[sflag:s7] =	ssyncadd.s32 $0xFFFFFFC0  }
0xcf: {  	[tilespmem:s9], [sflag:$0xA] =	stream.indirect.gather [hbm4b:s4+s0], $0x80, s5, s0, $0xb8;
	[tilespmem:$0x1C400] =	vst v63  }
0xd0: {  	_ =	swait.ge [sflag:s23], $0x2000  }
0xd1: {  	[sflag:s23] =	ssyncset.done $0x0  }
0xd2: {  	s8 =	sadd.s32 $0x30, s14;
	s5 =	simm.s32 $0x14100;
	[sflag:s23] =	ssyncadd.s32 $0xFFFFE000  }
0xd3: {  	[tilespmem:s5], [sflag:$0x3] =	stream.linear.gather [hbm4b:s8+s3], $0x40, $0x38;
	[tilespmem:$0x1C400] =	vst v63  }
0xd4: {  	_ =	swait.ge [sflag:s24], $0x40  }
0xd5: {  	[sflag:s24] =	ssyncset.done $0x0  }
0xd6: {  	s9 =	simm.s32 $0x14300;
	[sflag:s24] =	ssyncadd.s32 $0xFFFFFFC0  }
0xd7: {  	[spmem:s1] =	stream.indirect.scatter.add.f32 [tilespmem:s12], [sflag:$0xD], $0x80, s9, s0, $0xb8;
	[tilespmem:$0x1C400] =	vst v63  }
0xd8: {  	_ =	swait.ge [sflag:s28], $0x2000  }
0xd9: {  	[sflag:s28] =	ssyncset.done $0x0  }
0xda: {  	s10 =	sadd.s32 $0x30, s26;
	[sflag:s28] =	ssyncadd.s32 $0xFFFFE000  }
0xdb: {  	[tilespmem:s9], [sflag:$0x7] =	stream.linear.gather [hbm4b:s10+s3], $0x40, $0x38;
	[tilespmem:$0x1C400] =	vst v63  }
0xdc: {  	_ =	swait.ge [sflag:s11], $0x40  }
0xdd: {  	[sflag:s11] =	ssyncset.done $0x0  }
0xde: {  	[sflag:s11] =	ssyncadd.s32 $0xFFFFFFC0  }
0xdf: {  	[tilespmem:s12], [sflag:$0xB] =	stream.indirect.gather [hbm4b:s4+s0], $0x80, s5, s0, $0xb8;
	[tilespmem:$0x1C400] =	vst v63  }
0xe0: {  	_ =	swait.ge [sflag:s25], $0x2000  }
0xe1: {  	[sflag:s25] =	ssyncset.done $0x0  }
0xe2: {  	s14 =	sadd.s32 $0x38, s14;
	[sflag:s25] =	ssyncadd.s32 $0xFFFFE000  }
0xe3: {  	[tilespmem:s13], [sflag:$0x4] =	stream.linear.gather [hbm4b:s14+s3], $0x40, $0x38;
	[tilespmem:$0x1C400] =	vst v63  }
0xe4: {  	_ =	swait.ge [sflag:s6], $0x40  }
0xe5: {  	[sflag:s6] =	ssyncset.done $0x0  }
0xe6: {  	[sflag:s6] =	ssyncadd.s32 $0xFFFFFFC0  }
0xe7: {  	[spmem:s1] =	stream.indirect.scatter.add.f32 [tilespmem:s18], [sflag:$0xD], $0x80, s16, s0, $0xb8;
	[tilespmem:$0x1C400] =	vst v63  }
0xe8: {  	_ =	swait.ge [sflag:s28], $0x2000  }
0xe9: {  	[sflag:s28] =	ssyncset.done $0x0  }
0xea: {  	s26 =	sadd.s32 $0x38, s26;
	[sflag:s28] =	ssyncadd.s32 $0xFFFFE000  }
0xeb: {  	[tilespmem:s16], [sflag:$0x8] =	stream.linear.gather [hbm4b:s26+s3], $0x40, $0x38;
	[tilespmem:$0x1C400] =	vst v63  }
0xec: {  	_ =	swait.ge [sflag:s17], $0x40  }
.Ltmp0:
0xed: {  	[sflag:s17] =	ssyncset.done $0x0;
	(pc) =	sbr.rel @p0 .LBB2_2-.Ltmp0, $4  }
0xee: {  	[sflag:s17] =	ssyncadd.s32 $0xFFFFFFC0  }
0xef: {  	[tilespmem:s18], [sflag:$0xC] =	stream.indirect.gather [hbm4b:s4+s0], $0x80, s13, s0, $0xb8;
	[tilespmem:$0x1C400] =	vst v63  }
0xf0: {  	_ =	swait.ge [sflag:s19], $0x2000  }
0xf1: {  	s14 =	sadd.s32 s15, s30;
	s26 =	smov.u32 s29;
	[sflag:s19] =	ssyncset.done $0x0  }
0xf2: {  	s2 =	sadd.s32 $0x20, s14;
	[sflag:s19] =	ssyncadd.s32 $0xFFFFE000;
	s8 =	simm.s32 $0x14000  }
0xf3: {  	[tilespmem:s8], [sflag:$0x1] =	stream.linear.gather [hbm4b:s2+s3], $0x40, $0x38;
	[tilespmem:$0x1C400] =	vst v63  }
0xf4: {  	_ =	swait.ge [sflag:s20], $0x40  }
0xf5: {  	[sflag:s20] =	ssyncset.done $0x0  }
0xf6: {  	s5 =	simm.s32 $0x14400;
	s9 =	simm.s32 $0x14200;
	[sflag:s20] =	ssyncadd.s32 $0xFFFFFFC0  }
0xf7: {  	[spmem:s1] =	stream.indirect.scatter.add.f32 [tilespmem:s5], [sflag:$0xD], $0x80, s9, s0, $0xb8;
	[tilespmem:$0x1C400] =	vst v63  }
0xf8: {  	_ =	swait.ge [sflag:s28], $0x2000  }
0xf9: {  	s10 =	rddreg [dreg:$0x4]  }
0xfa: {  	[sflag:s28] =	ssyncset.done $0x0;
	s2 =	sadd.s32 s15, s10  }
0xfb: {  	[sflag:s28] =	ssyncadd.s32 $0xFFFFE000;
	s15 =	sadd.s32 $0x20, s2  }
0xfc: {  	[tilespmem:s9], [sflag:$0x5] =	stream.linear.gather [hbm4b:s15+s3], $0x40, $0x38;
	[tilespmem:$0x1C400] =	vst v63  }
0xfd: {  	_ =	swait.ge [sflag:s31], $0x40  }
0xfe: {  	[sflag:s31] =	ssyncset.done $0x0  }
0xff: {  	[sflag:s31] =	ssyncadd.s32 $0xFFFFFFC0  }
0x100: {  	[tilespmem:s5], [sflag:$0x9] =	stream.indirect.gather [hbm4b:s4+s0], $0x80, s8, s0, $0xb8;
	[tilespmem:$0x1C400] =	vst v63  }
0x101: {  	_ =	swait.ge [sflag:s21], $0x2000  }
0x102: {  	[sflag:s21] =	ssyncset.done $0x0  }
0x103: {  	s26 =	sadd.s32 $0x28, s14;
	s8 =	simm.s32 $0x14080;
	[sflag:s21] =	ssyncadd.s32 $0xFFFFE000  }
0x104: {  	[tilespmem:s8], [sflag:$0x2] =	stream.linear.gather [hbm4b:s26+s3], $0x40, $0x38;
	[tilespmem:$0x1C400] =	vst v63  }
0x105: {  	_ =	swait.ge [sflag:s22], $0x40  }
0x106: {  	[sflag:s22] =	ssyncset.done $0x0  }
0x107: {  	s10 =	simm.s32 $0x14280;
	s26 =	simm.s32 $0x16400;
	[sflag:s22] =	ssyncadd.s32 $0xFFFFFFC0  }
0x108: {  	[spmem:s1] =	stream.indirect.scatter.add.f32 [tilespmem:s26], [sflag:$0xD], $0x80, s10, s0, $0xb8;
	[tilespmem:$0x1C400] =	vst v63  }
0x109: {  	_ =	swait.ge [sflag:s28], $0x2000  }
0x10a: {  	[sflag:s28] =	ssyncset.done $0x0  }
0x10b: {  	s29 =	sadd.s32 $0x28, s2;
	[sflag:s28] =	ssyncadd.s32 $0xFFFFE000  }
0x10c: {  	[tilespmem:s10], [sflag:$0x6] =	stream.linear.gather [hbm4b:s29+s3], $0x40, $0x38;
	[tilespmem:$0x1C400] =	vst v63  }
0x10d: {  	_ =	swait.ge [sflag:s7], $0x40  }
0x10e: {  	[sflag:s7] =	ssyncset.done $0x0  }
0x10f: {  	[sflag:s7] =	ssyncadd.s32 $0xFFFFFFC0  }
0x110: {  	[tilespmem:s26], [sflag:$0xA] =	stream.indirect.gather [hbm4b:s4+s0], $0x80, s8, s0, $0xb8;
	[tilespmem:$0x1C400] =	vst v63  }
0x111: {  	_ =	swait.ge [sflag:s23], $0x2000  }
0x112: {  	[sflag:s23] =	ssyncset.done $0x0  }
0x113: {  	s29 =	sadd.s32 $0x30, s14;
	s8 =	simm.s32 $0x14100;
	[sflag:s23] =	ssyncadd.s32 $0xFFFFE000  }
0x114: {  	[tilespmem:s8], [sflag:$0x3] =	stream.linear.gather [hbm4b:s29+s3], $0x40, $0x38;
	[tilespmem:$0x1C400] =	vst v63  }
0x115: {  	_ =	swait.ge [sflag:s24], $0x40  }
0x116: {  	[sflag:s24] =	ssyncset.done $0x0  }
0x117: {  	s29 =	simm.s32 $0x14300;
	[sflag:s24] =	ssyncadd.s32 $0xFFFFFFC0  }
0x118: {  	[spmem:s1] =	stream.indirect.scatter.add.f32 [tilespmem:s12], [sflag:$0xD], $0x80, s29, s0, $0xb8;
	[tilespmem:$0x1C400] =	vst v63  }
0x119: {  	_ =	swait.ge [sflag:s28], $0x2000  }
0x11a: {  	[sflag:s28] =	ssyncset.done $0x0  }
0x11b: {  	s15 =	sadd.s32 $0x30, s2;
	[sflag:s28] =	ssyncadd.s32 $0xFFFFE000  }
0x11c: {  	[tilespmem:s29], [sflag:$0x7] =	stream.linear.gather [hbm4b:s15+s3], $0x40, $0x38;
	[tilespmem:$0x1C400] =	vst v63  }
0x11d: {  	_ =	swait.ge [sflag:s11], $0x40  }
0x11e: {  	[sflag:s11] =	ssyncset.done $0x0  }
0x11f: {  	[sflag:s11] =	ssyncadd.s32 $0xFFFFFFC0  }
0x120: {  	[tilespmem:s12], [sflag:$0xB] =	stream.indirect.gather [hbm4b:s4+s0], $0x80, s8, s0, $0xb8;
	[tilespmem:$0x1C400] =	vst v63  }
0x121: {  	_ =	swait.ge [sflag:s25], $0x2000  }
0x122: {  	[sflag:s25] =	ssyncset.done $0x0  }
0x123: {  	s15 =	sadd.s32 $0x38, s14;
	[sflag:s25] =	ssyncadd.s32 $0xFFFFE000  }
0x124: {  	[tilespmem:s13], [sflag:$0x4] =	stream.linear.gather [hbm4b:s15+s3], $0x40, $0x38;
	[tilespmem:$0x1C400] =	vst v63  }
0x125: {  	_ =	swait.ge [sflag:s6], $0x40  }
0x126: {  	[sflag:s6] =	ssyncset.done $0x0  }
0x127: {  	[sflag:s6] =	ssyncadd.s32 $0xFFFFFFC0  }
0x128: {  	[spmem:s1] =	stream.indirect.scatter.add.f32 [tilespmem:s18], [sflag:$0xD], $0x80, s16, s0, $0xb8;
	[tilespmem:$0x1C400] =	vst v63  }
0x129: {  	_ =	swait.ge [sflag:s28], $0x2000  }
0x12a: {  	[sflag:s28] =	ssyncset.done $0x0  }
0x12b: {  	s2 =	sadd.s32 $0x38, s2;
	[sflag:s28] =	ssyncadd.s32 $0xFFFFE000  }
0x12c: {  	[tilespmem:s16], [sflag:$0x8] =	stream.linear.gather [hbm4b:s2+s3], $0x40, $0x38;
	[tilespmem:$0x1C400] =	vst v63  }
0x12d: {  	_ =	swait.ge [sflag:s17], $0x40  }
0x12e: {  	[sflag:s17] =	ssyncset.done $0x0  }
0x12f: {  	[sflag:s17] =	ssyncadd.s32 $0xFFFFFFC0  }
0x130: {  	[tilespmem:s18], [sflag:$0xC] =	stream.indirect.gather [hbm4b:s4+s0], $0x80, s13, s0, $0xb8;
	[tilespmem:$0x1C400] =	vst v63  }
0x131: {  	_ =	swait.ge [sflag:s19], $0x2000  }
0x132: {  	[sflag:s19] =	ssyncset.done $0x0  }
0x133: {  	[sflag:s19] =	ssyncadd.s32 $0xFFFFE000  }
0x134: {  	_ =	swait.ge [sflag:s20], $0x40  }
0x135: {  	[sflag:s20] =	ssyncset.done $0x0  }
0x136: {  	[sflag:s20] =	ssyncadd.s32 $0xFFFFFFC0  }
0x137: {  	[spmem:s1] =	stream.indirect.scatter.add.f32 [tilespmem:s5], [sflag:$0xD], $0x80, s9, s0, $0xb8;
	[tilespmem:$0x1C400] =	vst v63  }
0x138: {  	_ =	swait.ge [sflag:s28], $0x2000  }
0x139: {  	[sflag:s28] =	ssyncset.done $0x0  }
0x13a: {  	[sflag:s28] =	ssyncadd.s32 $0xFFFFE000  }
0x13b: {  	_ =	swait.ge [sflag:s21], $0x2000  }
0x13c: {  	[sflag:s21] =	ssyncset.done $0x0  }
0x13d: {  	[sflag:s21] =	ssyncadd.s32 $0xFFFFE000  }
0x13e: {  	_ =	swait.ge [sflag:s22], $0x40  }
0x13f: {  	[sflag:s22] =	ssyncset.done $0x0  }
0x140: {  	[sflag:s22] =	ssyncadd.s32 $0xFFFFFFC0  }
0x141: {  	[spmem:s1] =	stream.indirect.scatter.add.f32 [tilespmem:s26], [sflag:$0xD], $0x80, s10, s0, $0xb8;
	[tilespmem:$0x1C400] =	vst v63  }
0x142: {  	_ =	swait.ge [sflag:s28], $0x2000  }
0x143: {  	[sflag:s28] =	ssyncset.done $0x0  }
0x144: {  	[sflag:s28] =	ssyncadd.s32 $0xFFFFE000  }
0x145: {  	_ =	swait.ge [sflag:s23], $0x2000  }
0x146: {  	[sflag:s23] =	ssyncset.done $0x0  }
0x147: {  	[sflag:s23] =	ssyncadd.s32 $0xFFFFE000  }
0x148: {  	_ =	swait.ge [sflag:s24], $0x40  }
0x149: {  	[sflag:s24] =	ssyncset.done $0x0  }
0x14a: {  	[sflag:s24] =	ssyncadd.s32 $0xFFFFFFC0  }
0x14b: {  	[spmem:s1] =	stream.indirect.scatter.add.f32 [tilespmem:s12], [sflag:$0xD], $0x80, s29, s0, $0xb8;
	[tilespmem:$0x1C400] =	vst v63  }
0x14c: {  	_ =	swait.ge [sflag:s28], $0x2000  }
0x14d: {  	[sflag:s28] =	ssyncset.done $0x0  }
0x14e: {  	[sflag:s28] =	ssyncadd.s32 $0xFFFFE000  }
0x14f: {  	_ =	swait.ge [sflag:s25], $0x2000  }
0x150: {  	[sflag:s25] =	ssyncset.done $0x0  }
0x151: {  	[sflag:s25] =	ssyncadd.s32 $0xFFFFE000  }
0x152: {  	_ =	swait.ge [sflag:s6], $0x40  }
0x153: {  	[sflag:s6] =	ssyncset.done $0x0  }
0x154: {  	[sflag:s6] =	ssyncadd.s32 $0xFFFFFFC0  }
0x155: {  	[spmem:s1] =	stream.indirect.scatter.add.f32 [tilespmem:s18], [sflag:$0xD], $0x80, s16, s0, $0xb8;
	[tilespmem:$0x1C400] =	vst v63  }
0x156: {  	_ =	swait.ge [sflag:s28], $0x2000  }
0x157: {  	[sflag:s28] =	ssyncset.done $0x0  }
0x158: {  	[sflag:s28] =	ssyncadd.s32 $0xFFFFE000  }
0x159: {  	s8 =	stileid.u32;
	[bflag:$0x0] =	sbarrier.arrive $0xFFFF  }
0x15a: {  	s2 =	sshll.u32 s8, $0x6;
	s15 =	rddreg [dreg:$0x6]  }
0x15b: {  	s2 =	sor.u32 $0x1C0D, s2;
	s10 =	rddreg [dreg:$0x17];
	s9 =	sshrl.u32 s15, $0x3  }
0x15c: {  	[hbm:s10], [sflag:s2] =	dma.local [spmem:s9], $0x2800  }
0x15d: {  	_ =	swait.ge [sflag:s28], $0x2800  }
0x15e: {  	s26 =	rddreg [dreg:$0x18]  }
0x15f: {  	s29 =	rddreg [dreg:$0x16];
	s5 =	sadd.s32 $0x1, s26  }
0x160: {  	p0 =	sne.s32 s5, s29  }
.Ltmp1:
0x161: {  	_ = 	snop;
	(pc) =	sbr.rel @p0 .LBB2_1-.Ltmp1, $3  }
0x162: {  	_ =	sdelay $0x1  }
0x163: {  	[sflag:s28] =	ssyncset.done $0x0  }
0x164: {  	[sflag:s28] =	ssyncadd.s32 $0xFFFFD800  }
0x165: {  	_ =	sfence.sel $0x180000  }
0x166: {  	[bflag:$0x0] =	sbarrier.arrive $0xFFFF  }
0x167: {  	_ =	strace $0x9000004D  }
0x168: {  	s0 =	stileid.u32;
	[bflag:$0x2] =	sbarrier.arrive $0xFFFF  }
0x169: {  	p0 =	sne.s32 s0, $0x0;
	s0 =	rddreg [dreg:$0x3]  }
0x16a: {  	s0 =	sadd.s32 @!p0 $0x100000, s0  }
0x16b: {  	[sflag:s0] =	ssyncadd.tile.s32 @!p0 $0x1;
	_ =	shalt  }
.Lfunc_end2:
_tile_overlayer_lowered:
.L_overlay_start_2:
0x16c: {  	(tag) =	ssettag $0x2  }
0x16d: {  	s0 =	rddreg [dreg:$0x0];
	s2 =	stileid.u32  }
0x16e: {  	s1 =	rddreg [dreg:$0x1];
	p0 =	sne.s32 s2, $0x0  }
0x16f: {  	s3 =	rddreg [dreg:$0x2];
	[bflag:$0x3] =	sbarrier.arrive $0xFFFF;
	s2 =	simm.s32 @!p0 $0x1C0D  }
0x170: {  	[timem:s3], [sflag:s2] =	dma.local @!p0 [hbm:s0], s1  }
0x171: {  	s0 =	simm.s32 @!p0 $0xD  }
0x172: {  	_ =	swait.ge @!p0 [sflag:s0], s1  }
0x173: {  	s1 =	ssub.s32 @!p0 $0x0, s1;
	[sflag:s0] =	ssyncset.done @!p0 $0x0  }
0x174: {  	[sflag:s0] =	ssyncadd.s32 @!p0 s1  }
0x175: {  	[bflag:$0x3] =	sbarrier.arrive $0xFFFF  }
0x176: {  	_ =	shalt  }

// kernel: kernel.18.cloned.1.call-start
scs
__scs_entry_jumppad:
0x0: {  	(pc) =	sbr.rel $0x88, $3  }
0x1: {  	(tag) =	ssettag $0x0;
	lr =	simm.s32 $0x1  }
0x2: {  	[smem:$0x3F96] =	sst lr;
	_ =	strace $0xD0000000  }
0x3: {  	_ = 	snop  }
0x4: {  	_ = 	snop  }
0x5: {  	_ = 	snop  }
0x6: {  	_ = 	snop  }
0x7: {  	_ = 	snop  }
__scs_overlays_trampoline_lowered:
0x8: {  	[smem:$0x3FA5] =	sst s0  }
0x9: {  	[smem:$0x3FA6] =	sst s1  }
0xa: {  	[smem:$0x3FA7] =	sst s2  }
0xb: {  	[smem:$0x3FA8] =	sst s3  }
0xc: {  	[smem:$0x3FA9] =	sst s4  }
0xd: {  	[smem:$0x3FAA] =	sst s5  }
0xe: {  	[smem:$0x3FAB] =	sst s6  }
0xf: {  	[smem:$0x3FAC] =	sst s7  }
0x10: {  	[smem:$0x3FAD] =	sst s8  }
0x11: {  	[smem:$0x3FAE] =	sst s9;
	s0 =	simm.s32 @!p0 $0x0  }
0x12: {  	s1 =	sld [smem:$0x3F94];
	s0 =	simm.s32 @p0 $0x1  }
0x13: {  	[smem:$0x3FAF] =	sst s0;
	s0 =	simm.s32 @!p1 $0x0  }
0x14: {  	s2 =	sld [smem:$0x3F93];
	s0 =	simm.s32 @p1 $0x1  }
0x15: {  	[smem:$0x3FB0] =	sst s0;
	s0 =	simm.s32 @!p2 $0x0  }
0x16: {  	s3 =	sld [smem:$0x3FDB];
	s0 =	simm.s32 @p2 $0x1  }
0x17: {  	s4 =	simm.s32 $0x1BF5;
	[smem:$0x3FB2] =	sst s0  }
0x18: {  	s0 =	sld [smem:$0x3F95];
	_ =	swait.ge [sflag:s4], $0x0  }
0x19: {  	s7 =	sld [smem:$0x3F96]  }
0x1a: {  	s8 =	sadd.s32 $0xFFFFE003, lr  }
0x1b: {  	s9 =	sadd.s32 $0xFFFFFEF7, lr;
	s5 =	simm.s32 $0xFFFFFFFF;
	p2 =	slt.u32 s8, $0xFFFFF086  }
0x1c: {  	p1 =	slt.u32 s9, $0xF7A;
	s5 =	simm.s32 @!p2 $0x0  }
0x1d: {  	s5 =	simm.s32 @p1 $0x1;
	p0 =	seq.s32 s7, s2  }
0x1e: {  	s7 =	smul.u32 @!p0 $0xF7A, s2;
	p2 =	seq.s32 @!p0 s5, $0x0  }
0x1f: {  	s9 =	smul.u32 $0xF7A, s1;
	s8 =	simm.s32 @!p0 $0x1BF5;
	p2 =	por !p2, p0  }
0x20: {  	[sflag:s8] =	ssyncset.s32 @!p0 $0xFFFFF086;
	s6 =	sadd.s32 @!p0 s3, s7;
	s7 =	simm.s32 @!p0 $0x108  }
0x21: {  	s3 =	sadd.s32 s3, s9;
	s6 =	sadd.s32 @!p0 $0x88, s6;
	s7 =	simm.s32 @p2 $0x1082  }
0x22: {  	[simem:s7], [sflag:s8] =	dma.local @!p0 [hbm:s6], $0xF7A  }
0x23: {  	s9 =	sor.u32 $0xD0000000, s2;
	s6 =	simm.s32 $0x108;
	_ =	swait.ge @!p0 [sflag:s8], $0x0  }
0x24: {  	s3 =	sadd.s32 $0x88, s3;
	s6 =	simm.s32 @!p1 $0x1082;
	[sflag:s4] =	ssyncset.s32 $0xFFFFF086  }
0x25: {  	[simem:s6], [sflag:s4] =	dma.local [hbm:s3], $0xF7A  }
0x26: {  	[smem:$0x3F96] =	sst s1;
	(tag) =	ssettag s2;
	_ =	strace s9  }
0x27: {  	s1 =	sld [smem:$0x3FA6]  }
0x28: {  	s2 =	sld [smem:$0x3FA7]  }
0x29: {  	s4 =	sld [smem:$0x3FA9]  }
0x2a: {  	p0 =	seq.s32 s5, $0x0;
	s5 =	sld [smem:$0x3FAA]  }
0x2b: {  	s6 =	sld [smem:$0x3FAB]  }
0x2c: {  	s7 =	sld [smem:$0x3FAC]  }
0x2d: {  	s3 =	simm.s32 $0x108;
	s8 =	sld [smem:$0x3FAD]  }
0x2e: {  	s3 =	simm.s32 @!p0 $0x1082;
	s9 =	sld [smem:$0x3FAE]  }
0x2f: {  	lr =	sadd.s32 s0, s3;
	s0 =	sld [smem:$0x3FA5]  }
0x30: {  	s3 =	sld [smem:$0x3FA8]  }
0x31: {  	[smem:$0x3FB1] =	sst s10  }
0x32: {  	s10 =	sld [smem:$0x3FAF];
	_ =	sdelay $0x3  }
0x33: {  	p0 =	seq.s32 s10, $0x1;
	s10 =	sld [smem:$0x3FB1];
	_ =	sdelay $0x3  }
0x34: {  	[smem:$0x3FB1] =	sst s10  }
0x35: {  	s10 =	sld [smem:$0x3FB0];
	_ =	sdelay $0x3  }
0x36: {  	p1 =	seq.s32 s10, $0x1;
	s10 =	sld [smem:$0x3FB1];
	_ =	sdelay $0x3  }
0x37: {  	[smem:$0x3FB1] =	sst s10  }
0x38: {  	s10 =	sld [smem:$0x3FB2]  }
0x39: {  	_ = 	snop;
	(pc) =	sbr.ind lr, $3  }
0x3a: {  	_ = 	snop  }
0x3b: {  	_ = 	snop  }
0x3c: {  	p2 =	seq.s32 s10, $0x1;
	s10 =	sld [smem:$0x3FB1]  }
0x3d: {  	_ =	shalt  }
0x3e: {  	_ =	shalt  }
0x3f: {  	_ =	shalt  }
0x40: {  	_ =	shalt  }
0x41: {  	_ =	shalt  }
0x42: {  	_ =	shalt  }
0x43: {  	_ =	shalt  }
0x44: {  	_ =	shalt  }
0x45: {  	_ =	shalt  }
0x46: {  	_ =	shalt  }
0x47: {  	_ =	shalt  }
0x48: {  	_ =	shalt  }
0x49: {  	_ =	shalt  }
0x4a: {  	_ =	shalt  }
0x4b: {  	_ =	shalt  }
0x4c: {  	_ =	shalt  }
0x4d: {  	_ =	shalt  }
0x4e: {  	_ =	shalt  }
0x4f: {  	_ =	shalt  }
0x50: {  	_ =	shalt  }
0x51: {  	_ =	shalt  }
0x52: {  	_ =	shalt  }
0x53: {  	_ =	shalt  }
0x54: {  	_ =	shalt  }
0x55: {  	_ =	shalt  }
0x56: {  	_ =	shalt  }
0x57: {  	_ =	shalt  }
0x58: {  	_ =	shalt  }
0x59: {  	_ =	shalt  }
0x5a: {  	_ =	shalt  }
0x5b: {  	_ =	shalt  }
0x5c: {  	_ =	shalt  }
0x5d: {  	_ =	shalt  }
0x5e: {  	_ =	shalt  }
0x5f: {  	_ =	shalt  }
0x60: {  	_ =	shalt  }
0x61: {  	_ =	shalt  }
0x62: {  	_ =	shalt  }
0x63: {  	_ =	shalt  }
0x64: {  	_ =	shalt  }
0x65: {  	_ =	shalt  }
0x66: {  	_ =	shalt  }
0x67: {  	_ =	shalt  }
0x68: {  	_ =	shalt  }
0x69: {  	_ =	shalt  }
0x6a: {  	_ =	shalt  }
0x6b: {  	_ =	shalt  }
0x6c: {  	_ =	shalt  }
0x6d: {  	_ =	shalt  }
0x6e: {  	_ =	shalt  }
0x6f: {  	_ =	shalt  }
0x70: {  	_ =	shalt  }
0x71: {  	_ =	shalt  }
0x72: {  	_ =	shalt  }
0x73: {  	_ =	shalt  }
0x74: {  	_ =	shalt  }
0x75: {  	_ =	shalt  }
0x76: {  	_ =	shalt  }
0x77: {  	_ =	shalt  }
0x78: {  	_ =	shalt  }
0x79: {  	_ =	shalt  }
0x7a: {  	_ =	shalt  }
0x7b: {  	_ =	shalt  }
0x7c: {  	_ =	shalt  }
0x7d: {  	_ =	shalt  }
0x7e: {  	_ =	shalt  }
0x7f: {  	_ =	shalt  }
0x80: {  	_ =	shalt  }
0x81: {  	_ =	shalt  }
0x82: {  	_ =	shalt  }
0x83: {  	_ =	shalt  }
0x84: {  	_ =	shalt  }
0x85: {  	_ =	shalt  }
0x86: {  	_ =	shalt  }
0x87: {  	_ =	shalt  }
.Lfunc_end0:
.L_simem_size_0:
called_computation.3_lowered:
.L_overlay_start_0:
0x88: {  	s2 =	sld [smem:$0x3FD9]  }
0x89: {  	s3 =	sld [smem:$0x3FFE];
	_ =	sdelay $0x1  }
0x8a: {  	s1 =	srdreg.scid  }
0x8b: {  	s0 =	sand.u32 $0x1, s1  }
0x8c: {  	s17 =	sshll.u32 s0, $0xA;
	s2 =	sadd.s32 s3, s2  }
0x8d: {  	s2 =	sadd.s32 s2, s17  }
0x8e: {  	[smem:$0x3FBD] =	sst s2  }
0x8f: {  	_ = 	snop  }
0x90: {  	s2 =	sld [smem:$0x3FD0];
	(tm) =	ssettm $0x1  }
0x91: {  	s18 =	sld [smem:$0x3FFB];
	_ =	sdelay $0x3  }
0x92: {  	_ =	strace s18  }
0x93: {  	s3 =	sld [smem:$0x3FFC];
	_ =	sdelay $0x3  }
0x94: {  	_ =	strace s3  }
0x95: {  	s3 =	sld [smem:$0x3FFD];
	_ =	sdelay $0x3  }
0x96: {  	_ =	strace s3  }
0x97: {  	_ =	strace $0x8FFFFFFF  }
0x98: {  	s19 =	sld [smem:$0x3FDB];
	_ =	sdelay $0x1  }
0x99: {  	s4 =	simm.s32 $_scs_section_size  }
0x9a: {  	s5 =	simm.s32 $_size__tile_overlayer_lowered;
	s6 =	simm.s32 $_tile_overlayer_lowered  }
0x9b: {  	s22 =	simm.s32 $0x1BFF;
	s21 =	sshll.u32 s6, $0x1;
	s3 =	sadd.s32 s4, s19  }
0x9c: {  	s7 =	simm.s32 $0x0;
	s20 =	sshll.u32 s5, $0x1;
	s5 =	sadd.s32 s21, s3  }
0x9d: {  	[timem:s7], [sflag:s22] =	dma.local [hbm:s5], s20  }
0x9e: {  	_ =	swait.ge [sflag:s22], s20  }
0x9f: {  	s4 =	ssub.s32 $0x0, s20;
	[sflag:s22] =	ssyncset.done $0x0  }
0xa0: {  	[sflag:s22] =	ssyncadd.s32 s4;
	_ =	sdelay $0x1  }
0xa1: {  	s23 =	simm.s32 $0x1B8B  }
0xa2: {  	_ =	swait.ge [sflag:s23], $0x1  }
0xa3: {  	[sflag:s23] =	ssyncset.done $0x0  }
0xa4: {  	s25 =	simm.s32 $0x1B8E;
	s24 =	sld [smem:$0x3FFE];
	[sflag:s23] =	ssyncadd.s32 $0xFFFFFFFF  }
0xa5: {  	s26 =	simm.s32 $execute0_lowered;
	[smem:$0x3FD2] =	sst s25  }
0xa6: {  	s5 =	sshll.u32 s26, $0x1;
	_ =	strace $0x8000004F;
	[dreg:$0x1] =	wrdreg $0xFFFFFFFF  }
0xa7: {  	s28 =	simm.s32 $_size_execute0_lowered;
	s3 =	sadd.s32 s3, s5;
	[dreg:$0x0] =	wrdreg $0x0  }
0xa8: {  	s5 =	sshll.u32 s28, $0x1;
	[dreg:$0x2] =	wrdreg s3  }
0xa9: {  	[dreg:$0x3] =	wrdreg s5  }
0xaa: {  	[dreg:$0x4] =	wrdreg $0xC0  }
0xab: {  	_ =	task [dreg:s7], $0x5FFFF  }
0xac: {  	[dreg:$0x1] =	wrdreg $0xFFFFFFFF  }
0xad: {  	[dreg:$0x0] =	wrdreg $0x60  }
0xae: {  	[dreg:$0x2] =	wrdreg s2  }
0xaf: {  	[dreg:$0x3] =	wrdreg s24  }
0xb0: {  	[dreg:$0x4] =	wrdreg $0x0  }
0xb1: {  	[dreg:$0x5] =	wrdreg $0x9  }
0xb2: {  	_ =	task.clear_ibuf [dreg:s7], $0x6FFFF;
	_ =	strace $0x9000004F  }
0xb3: {  	s29 =	simm.s32 $0x9;
	_ =	strace $0x80000051  }
0xb4: {  	_ =	swait.ge [sflag:s29], $0x1  }
0xb5: {  	[sflag:s29] =	ssyncadd.s32 $0xFFFFFFFF  }
0xb6: {  	_ =	strace $0x90000051  }
0xb7: {  	_ =	sfence  }
0xb8: {  	s30 =	sld [smem:$0x0];
	_ =	sdelay $0x2  }
0xb9: {  	s31 =	sshll.u32 s1, $0xD;
	s1 =	sshrl.u32 s1, $0x2  }
0xba: {  	s3 =	sand.u32 $0x4000, s31;
	s1 =	sadd.s32 s1, s30  }
0xbb: {  	s0 =	sor.u32 s3, s0;
	s1 =	sshll.u32 s1, $0x11  }
0xbc: {  	s0 =	sor.u32 s1, s0  }
0xbd: {  	s0 =	sadd.s32 $0x8F2B, s0  }
0xbe: {  	[sflag:s0] =	ssyncadd.remote.s32 $0x1  }
0xbf: {  	_ =	sfence.sel $0xFFFF  }
0xc0: {  	[dreg:$0x0] =	wrdreg $0xFFFFFFFF;
	(pc) =	sbr.abs _section_cstart, $3  }
0xc1: {  	[dreg:$0x1] =	wrdreg $0xFFFFFFFF  }
0xc2: {  	_ =	task.clear_ibuf [dreg:s7], $0x2FFFF;
	_ =	strace $0x9FFFFFFF  }
0xc3: {  	(tm) =	ssettm $0x7FFFFFFF  }
tec
execute0_lowered:
.L_overlay_start_1:
0x0: {  	(tag) =	ssettag $0x1  }
0x1: {  	s0 =	rddreg [dreg:$0x0]  }
0x2: {  	s2 =	rddreg [dreg:$0x1]  }
0x3: {  	s1 =	rddreg [dreg:$0x2];
	s3 =	simm.s32 $0x0;
	s11 =	stileid.u32  }
0x4: {  	s25 =	srdreg.scid;
	s28 =	simm.s32 $0xD;
	s7 =	smul.u32 $0x14000, s11  }
0x5: {  	s31 =	simm.s32 $0x1;
	[smem:$0x7FF] =	sst s3;
	s9 =	smul.u32 $0x2800, s11  }
0x6: {  	s4 =	sadd.s32 $0x3400, s2;
	s5 =	sadd.s32 $0x30400, s2;
	s10 =	smul.u32 $0x50000, s11  }
0x7: {  	s6 =	sadd.s32 $0x2B400, s2;
	s8 =	sadd.s32 $0x35400, s2;
	s11 =	smul.u32 $0x500, s11  }
0x8: {  	_ =	strace $0x80000050;
	[dreg:$0x5] =	wrdreg s8;
	s8 =	sand.u32 $0x1, s25  }
0x9: {  	s7 =	sshrl.u32 s7, $0x3;
	p0 =	seq.s32 s8, $0x0;
	s8 =	ssub.s32 $0x2, s8  }
0xa: {  	s10 =	sshrl.u32 s10, $0x2;
	s18 =	sor.u32 $0x8, s11;
	s30 =	sadd.s32 s5, s11  }
0xb: {  	s19 =	sadd.s32 s6, s11;
	s21 =	sor.u32 $0x10, s11;
	s7 =	sadd.s32 $0x28000, s7  }
0xc: {  	s26 =	sshrl.u32 s8, $0x1;
	[dreg:$0x4] =	wrdreg s19;
	s20 =	sadd.s32 s5, s18  }
0xd: {  	s15 =	sadd.s32 s10, s1;
	s22 =	sadd.s32 s5, s21;
	[dreg:$0xe] =	wrdreg s20  }
0xe: {  	s4 =	smov.u32 @p0 s0;
	s0 =	simm.s32 $0x40;
	[dreg:$0x10] =	wrdreg s22  }
0xf: {  	s7 =	smov.u32 @p0 s9;
	s9 =	sadd.s32 $0x2000, s15;
	[dreg:$0x6] =	wrdreg s15  }
0x10: {  	s19 =	simm.s32 $0x9;
	s10 =	sadd.s32 $0x4000, s15;
	[dreg:$0x7] =	wrdreg s9  }
0x11: {  	s29 =	ssub.s32 s8, s26;
	s12 =	sadd.s32 $0x6000, s15;
	[dreg:$0x8] =	wrdreg s10  }
0x12: {  	s13 =	sadd.s32 $0x8000, s15;
	s14 =	sadd.s32 $0xA000, s15;
	[dreg:$0x9] =	wrdreg s12  }
0x13: {  	s16 =	sadd.s32 $0xC000, s15;
	s17 =	sadd.s32 $0xE000, s15;
	[dreg:$0xa] =	wrdreg s13  }
0x14: {  	s8 =	sor.u32 $0x18, s11;
	s24 =	sadd.s32 $0x10000, s15;
	[dreg:$0xb] =	wrdreg s14  }
0x15: {  	s25 =	sadd.s32 $0x12000, s15;
	s11 =	simm.s32 $0x3;
	[dreg:$0xc] =	wrdreg s16  }
0x16: {  	s20 =	simm.s32 $0x5;
	s22 =	simm.s32 $0x6;
	[dreg:$0xd] =	wrdreg s17  }
0x17: {  	s2 =	sadd.s32 s7, s2;
	s9 =	sadd.s32 s6, s18;
	[dreg:$0x14] =	wrdreg s24  }
0x18: {  	s5 =	sadd.s32 s5, s8;
	s23 =	sadd.s32 s6, s8;
	[dreg:$0x15] =	wrdreg s25  }
0x19: {  	s26 =	smax.u32 s29, $0x1;
	s7 =	simm.s32 $0x2;
	s12 =	simm.s32 $0x18400  }
0x1a: {  	s13 =	simm.s32 $0x14180;
	s16 =	simm.s32 $0x14380;
	[dreg:$0xf] =	wrdreg s9  }
0x1b: {  	s17 =	simm.s32 $0x4;
	s18 =	simm.s32 $0x1A400;
	[dreg:$0x12] =	wrdreg s5  }
0x1c: {  	s24 =	simm.s32 $0x7;
	s25 =	simm.s32 $0xC;
	[dreg:$0x13] =	wrdreg s23  }
0x1d: {  	s9 =	sadd.s32 s6, s21;
	[dreg:$0x16] =	wrdreg s26;
	s29 =	sadd.s32 $0x5D800, s2  }
0x1e: {  	s21 =	simm.s32 $0xA;
	s23 =	simm.s32 $0xB;
	[dreg:$0x11] =	wrdreg s9  }
0x1f: {  	s6 =	simm.s32 $0x8;
	s5 =	simm.s32 $0x0;
	[dreg:$0x17] =	wrdreg s29  }
.LBB2_1:
0x20: {  	[dreg:$0x18] =	wrdreg s5  }
0x21: {  	s2 =	rddreg [dreg:$0x5];
	s29 =	simm.s32 $0x14400  }
0x22: {  	[tilespmem:s29], [sflag:$0xD] =	stream.linear.gather [hbm4b:s2+s3], $0x2000, $0x38;
	[tilespmem:$0x1C400] =	vst v63  }
0x23: {  	_ =	swait.ge [sflag:s28], $0x2000  }
0x24: {  	[sflag:s28] =	ssyncset.done $0x0  }
0x25: {  	[sflag:s28] =	ssyncadd.s32 $0xFFFFE000  }
0x26: {  	[spmem:s15] =	stream.linear.scatter [tilespmem:s29], [sflag:$0xD], $0x2000, $0x38;
	[tilespmem:$0x1C400] =	vst v63  }
0x27: {  	_ =	swait.ge [sflag:s28], $0x2000  }
0x28: {  	[sflag:s28] =	ssyncset.done $0x0  }
0x29: {  	s10 =	rddreg [dreg:$0x7];
	[sflag:s28] =	ssyncadd.s32 $0xFFFFE000  }
0x2a: {  	[spmem:s10] =	stream.linear.scatter [tilespmem:s29], [sflag:$0xD], $0x2000, $0x38;
	[tilespmem:$0x1C400] =	vst v63  }
0x2b: {  	_ =	swait.ge [sflag:s28], $0x2000  }
0x2c: {  	[sflag:s28] =	ssyncset.done $0x0  }
0x2d: {  	s14 =	rddreg [dreg:$0x8];
	[sflag:s28] =	ssyncadd.s32 $0xFFFFE000  }
0x2e: {  	[spmem:s14] =	stream.linear.scatter [tilespmem:s29], [sflag:$0xD], $0x2000, $0x38;
	[tilespmem:$0x1C400] =	vst v63  }
0x2f: {  	_ =	swait.ge [sflag:s28], $0x2000  }
0x30: {  	[sflag:s28] =	ssyncset.done $0x0  }
0x31: {  	s15 =	rddreg [dreg:$0x9];
	[sflag:s28] =	ssyncadd.s32 $0xFFFFE000  }
0x32: {  	[spmem:s15] =	stream.linear.scatter [tilespmem:s29], [sflag:$0xD], $0x2000, $0x38;
	[tilespmem:$0x1C400] =	vst v63  }
0x33: {  	_ =	swait.ge [sflag:s28], $0x2000  }
0x34: {  	[sflag:s28] =	ssyncset.done $0x0  }
0x35: {  	s26 =	rddreg [dreg:$0xa];
	[sflag:s28] =	ssyncadd.s32 $0xFFFFE000  }
0x36: {  	[spmem:s26] =	stream.linear.scatter [tilespmem:s29], [sflag:$0xD], $0x2000, $0x38;
	[tilespmem:$0x1C400] =	vst v63  }
0x37: {  	_ =	swait.ge [sflag:s28], $0x2000  }
0x38: {  	[sflag:s28] =	ssyncset.done $0x0  }
0x39: {  	s5 =	rddreg [dreg:$0xb];
	[sflag:s28] =	ssyncadd.s32 $0xFFFFE000  }
0x3a: {  	[spmem:s5] =	stream.linear.scatter [tilespmem:s29], [sflag:$0xD], $0x2000, $0x38;
	[tilespmem:$0x1C400] =	vst v63  }
0x3b: {  	_ =	swait.ge [sflag:s28], $0x2000  }
0x3c: {  	[sflag:s28] =	ssyncset.done $0x0  }
0x3d: {  	s8 =	rddreg [dreg:$0xc];
	[sflag:s28] =	ssyncadd.s32 $0xFFFFE000  }
0x3e: {  	[spmem:s8] =	stream.linear.scatter [tilespmem:s29], [sflag:$0xD], $0x2000, $0x38;
	[tilespmem:$0x1C400] =	vst v63  }
0x3f: {  	_ =	swait.ge [sflag:s28], $0x2000  }
0x40: {  	[sflag:s28] =	ssyncset.done $0x0  }
0x41: {  	s9 =	rddreg [dreg:$0xd];
	[sflag:s28] =	ssyncadd.s32 $0xFFFFE000  }
0x42: {  	[spmem:s9] =	stream.linear.scatter [tilespmem:s29], [sflag:$0xD], $0x2000, $0x38;
	[tilespmem:$0x1C400] =	vst v63  }
0x43: {  	_ =	swait.ge [sflag:s28], $0x2000  }
0x44: {  	[sflag:s28] =	ssyncset.done $0x0  }
0x45: {  	s10 =	rddreg [dreg:$0x14];
	[sflag:s28] =	ssyncadd.s32 $0xFFFFE000  }
0x46: {  	[spmem:s10] =	stream.linear.scatter [tilespmem:s29], [sflag:$0xD], $0x2000, $0x38;
	[tilespmem:$0x1C400] =	vst v63  }
0x47: {  	_ =	swait.ge [sflag:s28], $0x2000  }
0x48: {  	[sflag:s28] =	ssyncset.done $0x0  }
0x49: {  	s14 =	rddreg [dreg:$0x15];
	[sflag:s28] =	ssyncadd.s32 $0xFFFFE000  }
0x4a: {  	[spmem:s14] =	stream.linear.scatter [tilespmem:s29], [sflag:$0xD], $0x2000, $0x38;
	[tilespmem:$0x1C400] =	vst v63  }
0x4b: {  	_ =	swait.ge [sflag:s28], $0x2000  }
0x4c: {  	[sflag:s28] =	ssyncset.done $0x0  }
0x4d: {  	[sflag:s28] =	ssyncadd.s32 $0xFFFFE000  }
0x4e: {  	s8 =	simm.s32 $0x14000;
	[bflag:$0x0] =	sbarrier.arrive $0xFFFF  }
0x4f: {  	[tilespmem:s8], [sflag:$0x1] =	stream.linear.gather [hbm4b:s30+s3], $0x40, $0x38;
	[tilespmem:$0x1C400] =	vst v63  }
0x50: {  	s9 =	simm.s32 $0x14200;
	s2 =	rddreg [dreg:$0x4]  }
0x51: {  	[tilespmem:s9], [sflag:$0x5] =	stream.linear.gather [hbm4b:s2+s3], $0x40, $0x38;
	[tilespmem:$0x1C400] =	vst v63  }
0x52: {  	_ =	swait.ge [sflag:s31], $0x40  }
0x53: {  	[sflag:s31] =	ssyncset.done $0x0  }
0x54: {  	[sflag:s31] =	ssyncadd.s32 $0xFFFFFFC0  }
0x55: {  	[tilespmem:s29], [sflag:$0x9] =	stream.indirect.gather [hbm4b:s4+s0], $0x80, s8, s0, $0xb8;
	[tilespmem:$0x1C400] =	vst v63  }
0x56: {  	s10 =	simm.s32 $0x14080;
	s15 =	rddreg [dreg:$0xe]  }
0x57: {  	[tilespmem:s10], [sflag:$0x2] =	stream.linear.gather [hbm4b:s15+s3], $0x40, $0x38;
	[tilespmem:$0x1C400] =	vst v63  }
0x58: {  	s14 =	simm.s32 $0x14280;
	s26 =	rddreg [dreg:$0xf]  }
0x59: {  	[tilespmem:s14], [sflag:$0x6] =	stream.linear.gather [hbm4b:s26+s3], $0x40, $0x38;
	[tilespmem:$0x1C400] =	vst v63  }
0x5a: {  	_ =	swait.ge [sflag:s7], $0x40  }
0x5b: {  	[sflag:s7] =	ssyncset.done $0x0  }
0x5c: {  	s15 =	simm.s32 $0x16400;
	[sflag:s7] =	ssyncadd.s32 $0xFFFFFFC0  }
0x5d: {  	[tilespmem:s15], [sflag:$0xA] =	stream.indirect.gather [hbm4b:s4+s0], $0x80, s10, s0, $0xb8;
	[tilespmem:$0x1C400] =	vst v63  }
0x5e: {  	s14 =	simm.s32 $0x14100;
	s26 =	rddreg [dreg:$0x10]  }
0x5f: {  	[tilespmem:s14], [sflag:$0x3] =	stream.linear.gather [hbm4b:s26+s3], $0x40, $0x38;
	[tilespmem:$0x1C400] =	vst v63  }
0x60: {  	s15 =	rddreg [dreg:$0x11];
	s26 =	simm.s32 $0x14300  }
0x61: {  	[tilespmem:s26], [sflag:$0x7] =	stream.linear.gather [hbm4b:s15+s3], $0x40, $0x38;
	[tilespmem:$0x1C400] =	vst v63  }
0x62: {  	_ =	swait.ge [sflag:s11], $0x40  }
0x63: {  	[sflag:s11] =	ssyncset.done $0x0  }
0x64: {  	[sflag:s11] =	ssyncadd.s32 $0xFFFFFFC0  }
0x65: {  	[tilespmem:s12], [sflag:$0xB] =	stream.indirect.gather [hbm4b:s4+s0], $0x80, s14, s0, $0xb8;
	[tilespmem:$0x1C400] =	vst v63  }
0x66: {  	s15 =	rddreg [dreg:$0x12]  }
0x67: {  	[tilespmem:s13], [sflag:$0x4] =	stream.linear.gather [hbm4b:s15+s3], $0x40, $0x38;
	[tilespmem:$0x1C400] =	vst v63  }
0x68: {  	s26 =	rddreg [dreg:$0x13]  }
0x69: {  	[tilespmem:s16], [sflag:$0x8] =	stream.linear.gather [hbm4b:s26+s3], $0x40, $0x38;
	[tilespmem:$0x1C400] =	vst v63  }
0x6a: {  	_ =	swait.ge [sflag:s17], $0x40  }
0x6b: {  	[sflag:s17] =	ssyncset.done $0x0  }
0x6c: {  	[sflag:s17] =	ssyncadd.s32 $0xFFFFFFC0  }
0x6d: {  	[tilespmem:s18], [sflag:$0xC] =	stream.indirect.gather [hbm4b:s4+s0], $0x80, s13, s0, $0xb8;
	[tilespmem:$0x1C400] =	vst v63  }
0x6e: {  	_ =	swait.ge [sflag:s19], $0x2000  }
0x6f: {  	s14 =	sadd.s32 $0x0, s30;
	[sflag:s19] =	ssyncset.done $0x0  }
0x70: {  	s5 =	sadd.s32 $0x20, s14;
	[sflag:s19] =	ssyncadd.s32 $0xFFFFE000  }
0x71: {  	[tilespmem:s8], [sflag:$0x1] =	stream.linear.gather [hbm4b:s5+s3], $0x40, $0x38;
	[tilespmem:$0x1C400] =	vst v63  }
0x72: {  	_ =	swait.ge [sflag:s20], $0x40  }
0x73: {  	[sflag:s20] =	ssyncset.done $0x0  }
0x74: {  	[sflag:s20] =	ssyncadd.s32 $0xFFFFFFC0  }
0x75: {  	[spmem:s1] =	stream.indirect.scatter.add.f32 [tilespmem:s29], [sflag:$0xD], $0x80, s9, s0, $0xb8;
	[tilespmem:$0x1C400] =	vst v63  }
0x76: {  	_ =	swait.ge [sflag:s28], $0x2000  }
0x77: {  	s15 =	sadd.s32 $0x0, s2;
	[sflag:s28] =	ssyncset.done $0x0  }
0x78: {  	s26 =	sadd.s32 $0x20, s15;
	[sflag:s28] =	ssyncadd.s32 $0xFFFFE000  }
0x79: {  	[tilespmem:s9], [sflag:$0x5] =	stream.linear.gather [hbm4b:s26+s3], $0x40, $0x38;
	[tilespmem:$0x1C400] =	vst v63  }
0x7a: {  	_ =	swait.ge [sflag:s31], $0x40  }
0x7b: {  	[sflag:s31] =	ssyncset.done $0x0  }
0x7c: {  	[sflag:s31] =	ssyncadd.s32 $0xFFFFFFC0  }
0x7d: {  	[tilespmem:s29], [sflag:$0x9] =	stream.indirect.gather [hbm4b:s4+s0], $0x80, s8, s0, $0xb8;
	[tilespmem:$0x1C400] =	vst v63  }
0x7e: {  	_ =	swait.ge [sflag:s21], $0x2000  }
0x7f: {  	[sflag:s21] =	ssyncset.done $0x0  }
0x80: {  	s8 =	sadd.s32 $0x28, s14;
	[sflag:s21] =	ssyncadd.s32 $0xFFFFE000  }
0x81: {  	[tilespmem:s10], [sflag:$0x2] =	stream.linear.gather [hbm4b:s8+s3], $0x40, $0x38;
	[tilespmem:$0x1C400] =	vst v63  }
0x82: {  	_ =	swait.ge [sflag:s22], $0x40  }
0x83: {  	[sflag:s22] =	ssyncset.done $0x0  }
0x84: {  	s9 =	simm.s32 $0x16400;
	s26 =	simm.s32 $0x14280;
	[sflag:s22] =	ssyncadd.s32 $0xFFFFFFC0  }
0x85: {  	[spmem:s1] =	stream.indirect.scatter.add.f32 [tilespmem:s9], [sflag:$0xD], $0x80, s26, s0, $0xb8;
	[tilespmem:$0x1C400] =	vst v63  }
0x86: {  	_ =	swait.ge [sflag:s28], $0x2000  }
0x87: {  	[sflag:s28] =	ssyncset.done $0x0  }
0x88: {  	s29 =	sadd.s32 $0x28, s15;
	[sflag:s28] =	ssyncadd.s32 $0xFFFFE000  }
0x89: {  	[tilespmem:s26], [sflag:$0x6] =	stream.linear.gather [hbm4b:s29+s3], $0x40, $0x38;
	[tilespmem:$0x1C400] =	vst v63  }
0x8a: {  	_ =	swait.ge [sflag:s7], $0x40  }
0x8b: {  	[sflag:s7] =	ssyncset.done $0x0  }
0x8c: {  	[sflag:s7] =	ssyncadd.s32 $0xFFFFFFC0  }
0x8d: {  	[tilespmem:s9], [sflag:$0xA] =	stream.indirect.gather [hbm4b:s4+s0], $0x80, s10, s0, $0xb8;
	[tilespmem:$0x1C400] =	vst v63  }
0x8e: {  	_ =	swait.ge [sflag:s23], $0x2000  }
0x8f: {  	[sflag:s23] =	ssyncset.done $0x0  }
0x90: {  	s5 =	sadd.s32 $0x30, s14;
	s8 =	simm.s32 $0x14100;
	[sflag:s23] =	ssyncadd.s32 $0xFFFFE000  }
0x91: {  	[tilespmem:s8], [sflag:$0x3] =	stream.linear.gather [hbm4b:s5+s3], $0x40, $0x38;
	[tilespmem:$0x1C400] =	vst v63  }
0x92: {  	_ =	swait.ge [sflag:s24], $0x40  }
0x93: {  	[sflag:s24] =	ssyncset.done $0x0  }
0x94: {  	s9 =	simm.s32 $0x14300;
	[sflag:s24] =	ssyncadd.s32 $0xFFFFFFC0  }
0x95: {  	[spmem:s1] =	stream.indirect.scatter.add.f32 [tilespmem:s12], [sflag:$0xD], $0x80, s9, s0, $0xb8;
	[tilespmem:$0x1C400] =	vst v63  }
0x96: {  	_ =	swait.ge [sflag:s28], $0x2000  }
0x97: {  	[sflag:s28] =	ssyncset.done $0x0  }
0x98: {  	s10 =	sadd.s32 $0x30, s15;
	[sflag:s28] =	ssyncadd.s32 $0xFFFFE000  }
0x99: {  	[tilespmem:s9], [sflag:$0x7] =	stream.linear.gather [hbm4b:s10+s3], $0x40, $0x38;
	[tilespmem:$0x1C400] =	vst v63  }
0x9a: {  	_ =	swait.ge [sflag:s11], $0x40  }
0x9b: {  	[sflag:s11] =	ssyncset.done $0x0  }
0x9c: {  	[sflag:s11] =	ssyncadd.s32 $0xFFFFFFC0  }
0x9d: {  	[tilespmem:s12], [sflag:$0xB] =	stream.indirect.gather [hbm4b:s4+s0], $0x80, s8, s0, $0xb8;
	[tilespmem:$0x1C400] =	vst v63  }
0x9e: {  	_ =	swait.ge [sflag:s25], $0x2000  }
0x9f: {  	[sflag:s25] =	ssyncset.done $0x0  }
0xa0: {  	s14 =	sadd.s32 $0x38, s14;
	[sflag:s25] =	ssyncadd.s32 $0xFFFFE000  }
0xa1: {  	[tilespmem:s13], [sflag:$0x4] =	stream.linear.gather [hbm4b:s14+s3], $0x40, $0x38;
	[tilespmem:$0x1C400] =	vst v63  }
0xa2: {  	_ =	swait.ge [sflag:s6], $0x40  }
0xa3: {  	[sflag:s6] =	ssyncset.done $0x0  }
0xa4: {  	[sflag:s6] =	ssyncadd.s32 $0xFFFFFFC0  }
0xa5: {  	[spmem:s1] =	stream.indirect.scatter.add.f32 [tilespmem:s18], [sflag:$0xD], $0x80, s16, s0, $0xb8;
	[tilespmem:$0x1C400] =	vst v63  }
0xa6: {  	_ =	swait.ge [sflag:s28], $0x2000  }
0xa7: {  	[sflag:s28] =	ssyncset.done $0x0  }
0xa8: {  	s29 =	sadd.s32 $0x38, s15;
	[sflag:s28] =	ssyncadd.s32 $0xFFFFE000  }
0xa9: {  	[tilespmem:s16], [sflag:$0x8] =	stream.linear.gather [hbm4b:s29+s3], $0x40, $0x38;
	[tilespmem:$0x1C400] =	vst v63  }
0xaa: {  	_ =	swait.ge [sflag:s17], $0x40  }
0xab: {  	[sflag:s17] =	ssyncset.done $0x0  }
0xac: {  	[sflag:s17] =	ssyncadd.s32 $0xFFFFFFC0  }
0xad: {  	[tilespmem:s18], [sflag:$0xC] =	stream.indirect.gather [hbm4b:s4+s0], $0x80, s13, s0, $0xb8;
	[tilespmem:$0x1C400] =	vst v63  }
0xae: {  	s26 =	simm.s32 $0x40;
	_ =	swait.ge [sflag:s19], $0x2000  }
0xaf: {  	s15 =	simm.s32 $0x20;
	s14 =	sadd.s32 $0x20, s30;
	[sflag:s19] =	ssyncset.done $0x0  }
.LBB2_2:
0xb0: {  	s5 =	smov.u32 s30  }
0xb1: {  	s30 =	sadd.s32 $0x20, s14;
	[sflag:s19] =	ssyncadd.s32 $0xFFFFE000;
	s9 =	simm.s32 $0x14000  }
0xb2: {  	[tilespmem:s9], [sflag:$0x1] =	stream.linear.gather [hbm4b:s30+s3], $0x40, $0x38;
	[tilespmem:$0x1C400] =	vst v63  }
0xb3: {  	_ =	swait.ge [sflag:s20], $0x40  }
0xb4: {  	[sflag:s20] =	ssyncset.done $0x0  }
0xb5: {  	s8 =	simm.s32 $0x14400;
	s10 =	simm.s32 $0x14200;
	[sflag:s20] =	ssyncadd.s32 $0xFFFFFFC0  }
0xb6: {  	[spmem:s1] =	stream.indirect.scatter.add.f32 [tilespmem:s8], [sflag:$0xD], $0x80, s10, s0, $0xb8;
	[tilespmem:$0x1C400] =	vst v63  }
0xb7: {  	s2 =	smov.u32 s26;
	_ =	swait.ge [sflag:s28], $0x2000  }
0xb8: {  	s29 =	sadd.s32 $0x20, s26;
	p0 =	sne.s32 s26, $0x4C0;
	s26 =	rddreg [dreg:$0x4]  }
0xb9: {  	[sflag:s28] =	ssyncset.done $0x0;
	s26 =	sadd.s32 s15, s26  }
0xba: {  	s30 =	smov.u32 s5;
	[sflag:s28] =	ssyncadd.s32 $0xFFFFE000;
	s5 =	sadd.s32 $0x20, s26  }
0xbb: {  	[tilespmem:s10], [sflag:$0x5] =	stream.linear.gather [hbm4b:s5+s3], $0x40, $0x38;
	[tilespmem:$0x1C400] =	vst v63  }
0xbc: {  	_ =	swait.ge [sflag:s31], $0x40  }
0xbd: {  	[sflag:s31] =	ssyncset.done $0x0  }
0xbe: {  	[sflag:s31] =	ssyncadd.s32 $0xFFFFFFC0  }
0xbf: {  	[tilespmem:s8], [sflag:$0x9] =	stream.indirect.gather [hbm4b:s4+s0], $0x80, s9, s0, $0xb8;
	[tilespmem:$0x1C400] =	vst v63  }
0xc0: {  	_ =	swait.ge [sflag:s21], $0x2000  }
0xc1: {  	[sflag:s21] =	ssyncset.done $0x0  }
0xc2: {  	s10 =	sadd.s32 $0x28, s14;
	s5 =	simm.s32 $0x14080;
	[sflag:s21] =	ssyncadd.s32 $0xFFFFE000  }
0xc3: {  	[tilespmem:s5], [sflag:$0x2] =	stream.linear.gather [hbm4b:s10+s3], $0x40, $0x38;
	[tilespmem:$0x1C400] =	vst v63  }
0xc4: {  	_ =	swait.ge [sflag:s22], $0x40  }
0xc5: {  	s15 =	smov.u32 s2;
	[sflag:s22] =	ssyncset.done $0x0  }
0xc6: {  	s2 =	simm.s32 $0x14280;
	s9 =	simm.s32 $0x16400;
	[sflag:s22] =	ssyncadd.s32 $0xFFFFFFC0  }
0xc7: {  	[spmem:s1] =	stream.indirect.scatter.add.f32 [tilespmem:s9], [sflag:$0xD], $0x80, s2, s0, $0xb8;
	[tilespmem:$0x1C400] =	vst v63  }
0xc8: {  	_ =	swait.ge [sflag:s28], $0x2000  }
0xc9: {  	[sflag:s28] =	ssyncset.done $0x0  }
0xca: {  	s10 =	sadd.s32 $0x28, s26;
	[sflag:s28] =	ssyncadd.s32 $0xFFFFE000  }
0xcb: {  	[tilespmem:s2], [sflag:$0x6] =	stream.linear.gather [hbm4b:s10+s3], $0x40, $0x38;
	[tilespmem:$0x1C400] =	vst v63  }
0xcc: {  	_ =	swait.ge [sflag:s7], $0x40  }
0xcd: {  	[sflag:s7] =	ssyncset.done $0x0  }
0xce: {  	[sflag:s7] =	ssyncadd.s32 $0xFFFFFFC0  }
0xcf: {  	[tilespmem:s9], [sflag:$0xA] =	stream.indirect.gather [hbm4b:s4+s0], $0x80, s5, s0, $0xb8;
	[tilespmem:$0x1C400] =	vst v63  }
0xd0: {  	_ =	swait.ge [sflag:s23], $0x2000  }
0xd1: {  	[sflag:s23] =	ssyncset.done $0x0  }
0xd2: {  	s8 =	sadd.s32 $0x30, s14;
	s5 =	simm.s32 $0x14100;
	[sflag:s23] =	ssyncadd.s32 $0xFFFFE000  }
0xd3: {  	[tilespmem:s5], [sflag:$0x3] =	stream.linear.gather [hbm4b:s8+s3], $0x40, $0x38;
	[tilespmem:$0x1C400] =	vst v63  }
0xd4: {  	_ =	swait.ge [sflag:s24], $0x40  }
0xd5: {  	[sflag:s24] =	ssyncset.done $0x0  }
0xd6: {  	s9 =	simm.s32 $0x14300;
	[sflag:s24] =	ssyncadd.s32 $0xFFFFFFC0  }
0xd7: {  	[spmem:s1] =	stream.indirect.scatter.add.f32 [tilespmem:s12], [sflag:$0xD], $0x80, s9, s0, $0xb8;
	[tilespmem:$0x1C400] =	vst v63  }
0xd8: {  	_ =	swait.ge [sflag:s28], $0x2000  }
0xd9: {  	[sflag:s28] =	ssyncset.done $0x0  }
0xda: {  	s10 =	sadd.s32 $0x30, s26;
	[sflag:s28] =	ssyncadd.s32 $0xFFFFE000  }
0xdb: {  	[tilespmem:s9], [sflag:$0x7] =	stream.linear.gather [hbm4b:s10+s3], $0x40, $0x38;
	[tilespmem:$0x1C400] =	vst v63  }
0xdc: {  	_ =	swait.ge [sflag:s11], $0x40  }
0xdd: {  	[sflag:s11] =	ssyncset.done $0x0  }
0xde: {  	[sflag:s11] =	ssyncadd.s32 $0xFFFFFFC0  }
0xdf: {  	[tilespmem:s12], [sflag:$0xB] =	stream.indirect.gather [hbm4b:s4+s0], $0x80, s5, s0, $0xb8;
	[tilespmem:$0x1C400] =	vst v63  }
0xe0: {  	_ =	swait.ge [sflag:s25], $0x2000  }
0xe1: {  	[sflag:s25] =	ssyncset.done $0x0  }
0xe2: {  	s14 =	sadd.s32 $0x38, s14;
	[sflag:s25] =	ssyncadd.s32 $0xFFFFE000  }
0xe3: {  	[tilespmem:s13], [sflag:$0x4] =	stream.linear.gather [hbm4b:s14+s3], $0x40, $0x38;
	[tilespmem:$0x1C400] =	vst v63  }
0xe4: {  	_ =	swait.ge [sflag:s6], $0x40  }
0xe5: {  	[sflag:s6] =	ssyncset.done $0x0  }
0xe6: {  	[sflag:s6] =	ssyncadd.s32 $0xFFFFFFC0  }
0xe7: {  	[spmem:s1] =	stream.indirect.scatter.add.f32 [tilespmem:s18], [sflag:$0xD], $0x80, s16, s0, $0xb8;
	[tilespmem:$0x1C400] =	vst v63  }
0xe8: {  	_ =	swait.ge [sflag:s28], $0x2000  }
0xe9: {  	[sflag:s28] =	ssyncset.done $0x0  }
0xea: {  	s26 =	sadd.s32 $0x38, s26;
	[sflag:s28] =	ssyncadd.s32 $0xFFFFE000  }
0xeb: {  	[tilespmem:s16], [sflag:$0x8] =	stream.linear.gather [hbm4b:s26+s3], $0x40, $0x38;
	[tilespmem:$0x1C400] =	vst v63  }
0xec: {  	_ =	swait.ge [sflag:s17], $0x40  }
.Ltmp0:
0xed: {  	[sflag:s17] =	ssyncset.done $0x0;
	(pc) =	sbr.rel @p0 .LBB2_2-.Ltmp0, $4  }
0xee: {  	[sflag:s17] =	ssyncadd.s32 $0xFFFFFFC0  }
0xef: {  	[tilespmem:s18], [sflag:$0xC] =	stream.indirect.gather [hbm4b:s4+s0], $0x80, s13, s0, $0xb8;
	[tilespmem:$0x1C400] =	vst v63  }
0xf0: {  	_ =	swait.ge [sflag:s19], $0x2000  }
0xf1: {  	s14 =	sadd.s32 s15, s30;
	s26 =	smov.u32 s29;
	[sflag:s19] =	ssyncset.done $0x0  }
0xf2: {  	s2 =	sadd.s32 $0x20, s14;
	[sflag:s19] =	ssyncadd.s32 $0xFFFFE000;
	s8 =	simm.s32 $0x14000  }
0xf3: {  	[tilespmem:s8], [sflag:$0x1] =	stream.linear.gather [hbm4b:s2+s3], $0x40, $0x38;
	[tilespmem:$0x1C400] =	vst v63  }
0xf4: {  	_ =	swait.ge [sflag:s20], $0x40  }
0xf5: {  	[sflag:s20] =	ssyncset.done $0x0  }
0xf6: {  	s5 =	simm.s32 $0x14400;
	s9 =	simm.s32 $0x14200;
	[sflag:s20] =	ssyncadd.s32 $0xFFFFFFC0  }
0xf7: {  	[spmem:s1] =	stream.indirect.scatter.add.f32 [tilespmem:s5], [sflag:$0xD], $0x80, s9, s0, $0xb8;
	[tilespmem:$0x1C400] =	vst v63  }
0xf8: {  	_ =	swait.ge [sflag:s28], $0x2000  }
0xf9: {  	s10 =	rddreg [dreg:$0x4]  }
0xfa: {  	[sflag:s28] =	ssyncset.done $0x0;
	s2 =	sadd.s32 s15, s10  }
0xfb: {  	[sflag:s28] =	ssyncadd.s32 $0xFFFFE000;
	s15 =	sadd.s32 $0x20, s2  }
0xfc: {  	[tilespmem:s9], [sflag:$0x5] =	stream.linear.gather [hbm4b:s15+s3], $0x40, $0x38;
	[tilespmem:$0x1C400] =	vst v63  }
0xfd: {  	_ =	swait.ge [sflag:s31], $0x40  }
0xfe: {  	[sflag:s31] =	ssyncset.done $0x0  }
0xff: {  	[sflag:s31] =	ssyncadd.s32 $0xFFFFFFC0  }
0x100: {  	[tilespmem:s5], [sflag:$0x9] =	stream.indirect.gather [hbm4b:s4+s0], $0x80, s8, s0, $0xb8;
	[tilespmem:$0x1C400] =	vst v63  }
0x101: {  	_ =	swait.ge [sflag:s21], $0x2000  }
0x102: {  	[sflag:s21] =	ssyncset.done $0x0  }
0x103: {  	s26 =	sadd.s32 $0x28, s14;
	s8 =	simm.s32 $0x14080;
	[sflag:s21] =	ssyncadd.s32 $0xFFFFE000  }
0x104: {  	[tilespmem:s8], [sflag:$0x2] =	stream.linear.gather [hbm4b:s26+s3], $0x40, $0x38;
	[tilespmem:$0x1C400] =	vst v63  }
0x105: {  	_ =	swait.ge [sflag:s22], $0x40  }
0x106: {  	[sflag:s22] =	ssyncset.done $0x0  }
0x107: {  	s10 =	simm.s32 $0x14280;
	s26 =	simm.s32 $0x16400;
	[sflag:s22] =	ssyncadd.s32 $0xFFFFFFC0  }
0x108: {  	[spmem:s1] =	stream.indirect.scatter.add.f32 [tilespmem:s26], [sflag:$0xD], $0x80, s10, s0, $0xb8;
	[tilespmem:$0x1C400] =	vst v63  }
0x109: {  	_ =	swait.ge [sflag:s28], $0x2000  }
0x10a: {  	[sflag:s28] =	ssyncset.done $0x0  }
0x10b: {  	s29 =	sadd.s32 $0x28, s2;
	[sflag:s28] =	ssyncadd.s32 $0xFFFFE000  }
0x10c: {  	[tilespmem:s10], [sflag:$0x6] =	stream.linear.gather [hbm4b:s29+s3], $0x40, $0x38;
	[tilespmem:$0x1C400] =	vst v63  }
0x10d: {  	_ =	swait.ge [sflag:s7], $0x40  }
0x10e: {  	[sflag:s7] =	ssyncset.done $0x0  }
0x10f: {  	[sflag:s7] =	ssyncadd.s32 $0xFFFFFFC0  }
0x110: {  	[tilespmem:s26], [sflag:$0xA] =	stream.indirect.gather [hbm4b:s4+s0], $0x80, s8, s0, $0xb8;
	[tilespmem:$0x1C400] =	vst v63  }
0x111: {  	_ =	swait.ge [sflag:s23], $0x2000  }
0x112: {  	[sflag:s23] =	ssyncset.done $0x0  }
0x113: {  	s29 =	sadd.s32 $0x30, s14;
	s8 =	simm.s32 $0x14100;
	[sflag:s23] =	ssyncadd.s32 $0xFFFFE000  }
0x114: {  	[tilespmem:s8], [sflag:$0x3] =	stream.linear.gather [hbm4b:s29+s3], $0x40, $0x38;
	[tilespmem:$0x1C400] =	vst v63  }
0x115: {  	_ =	swait.ge [sflag:s24], $0x40  }
0x116: {  	[sflag:s24] =	ssyncset.done $0x0  }
0x117: {  	s29 =	simm.s32 $0x14300;
	[sflag:s24] =	ssyncadd.s32 $0xFFFFFFC0  }
0x118: {  	[spmem:s1] =	stream.indirect.scatter.add.f32 [tilespmem:s12], [sflag:$0xD], $0x80, s29, s0, $0xb8;
	[tilespmem:$0x1C400] =	vst v63  }
0x119: {  	_ =	swait.ge [sflag:s28], $0x2000  }
0x11a: {  	[sflag:s28] =	ssyncset.done $0x0  }
0x11b: {  	s15 =	sadd.s32 $0x30, s2;
	[sflag:s28] =	ssyncadd.s32 $0xFFFFE000  }
0x11c: {  	[tilespmem:s29], [sflag:$0x7] =	stream.linear.gather [hbm4b:s15+s3], $0x40, $0x38;
	[tilespmem:$0x1C400] =	vst v63  }
0x11d: {  	_ =	swait.ge [sflag:s11], $0x40  }
0x11e: {  	[sflag:s11] =	ssyncset.done $0x0  }
0x11f: {  	[sflag:s11] =	ssyncadd.s32 $0xFFFFFFC0  }
0x120: {  	[tilespmem:s12], [sflag:$0xB] =	stream.indirect.gather [hbm4b:s4+s0], $0x80, s8, s0, $0xb8;
	[tilespmem:$0x1C400] =	vst v63  }
0x121: {  	_ =	swait.ge [sflag:s25], $0x2000  }
0x122: {  	[sflag:s25] =	ssyncset.done $0x0  }
0x123: {  	s15 =	sadd.s32 $0x38, s14;
	[sflag:s25] =	ssyncadd.s32 $0xFFFFE000  }
0x124: {  	[tilespmem:s13], [sflag:$0x4] =	stream.linear.gather [hbm4b:s15+s3], $0x40, $0x38;
	[tilespmem:$0x1C400] =	vst v63  }
0x125: {  	_ =	swait.ge [sflag:s6], $0x40  }
0x126: {  	[sflag:s6] =	ssyncset.done $0x0  }
0x127: {  	[sflag:s6] =	ssyncadd.s32 $0xFFFFFFC0  }
0x128: {  	[spmem:s1] =	stream.indirect.scatter.add.f32 [tilespmem:s18], [sflag:$0xD], $0x80, s16, s0, $0xb8;
	[tilespmem:$0x1C400] =	vst v63  }
0x129: {  	_ =	swait.ge [sflag:s28], $0x2000  }
0x12a: {  	[sflag:s28] =	ssyncset.done $0x0  }
0x12b: {  	s2 =	sadd.s32 $0x38, s2;
	[sflag:s28] =	ssyncadd.s32 $0xFFFFE000  }
0x12c: {  	[tilespmem:s16], [sflag:$0x8] =	stream.linear.gather [hbm4b:s2+s3], $0x40, $0x38;
	[tilespmem:$0x1C400] =	vst v63  }
0x12d: {  	_ =	swait.ge [sflag:s17], $0x40  }
0x12e: {  	[sflag:s17] =	ssyncset.done $0x0  }
0x12f: {  	[sflag:s17] =	ssyncadd.s32 $0xFFFFFFC0  }
0x130: {  	[tilespmem:s18], [sflag:$0xC] =	stream.indirect.gather [hbm4b:s4+s0], $0x80, s13, s0, $0xb8;
	[tilespmem:$0x1C400] =	vst v63  }
0x131: {  	_ =	swait.ge [sflag:s19], $0x2000  }
0x132: {  	[sflag:s19] =	ssyncset.done $0x0  }
0x133: {  	[sflag:s19] =	ssyncadd.s32 $0xFFFFE000  }
0x134: {  	_ =	swait.ge [sflag:s20], $0x40  }
0x135: {  	[sflag:s20] =	ssyncset.done $0x0  }
0x136: {  	[sflag:s20] =	ssyncadd.s32 $0xFFFFFFC0  }
0x137: {  	[spmem:s1] =	stream.indirect.scatter.add.f32 [tilespmem:s5], [sflag:$0xD], $0x80, s9, s0, $0xb8;
	[tilespmem:$0x1C400] =	vst v63  }
0x138: {  	_ =	swait.ge [sflag:s28], $0x2000  }
0x139: {  	[sflag:s28] =	ssyncset.done $0x0  }
0x13a: {  	[sflag:s28] =	ssyncadd.s32 $0xFFFFE000  }
0x13b: {  	_ =	swait.ge [sflag:s21], $0x2000  }
0x13c: {  	[sflag:s21] =	ssyncset.done $0x0  }
0x13d: {  	[sflag:s21] =	ssyncadd.s32 $0xFFFFE000  }
0x13e: {  	_ =	swait.ge [sflag:s22], $0x40  }
0x13f: {  	[sflag:s22] =	ssyncset.done $0x0  }
0x140: {  	[sflag:s22] =	ssyncadd.s32 $0xFFFFFFC0  }
0x141: {  	[spmem:s1] =	stream.indirect.scatter.add.f32 [tilespmem:s26], [sflag:$0xD], $0x80, s10, s0, $0xb8;
	[tilespmem:$0x1C400] =	vst v63  }
0x142: {  	_ =	swait.ge [sflag:s28], $0x2000  }
0x143: {  	[sflag:s28] =	ssyncset.done $0x0  }
0x144: {  	[sflag:s28] =	ssyncadd.s32 $0xFFFFE000  }
0x145: {  	_ =	swait.ge [sflag:s23], $0x2000  }
0x146: {  	[sflag:s23] =	ssyncset.done $0x0  }
0x147: {  	[sflag:s23] =	ssyncadd.s32 $0xFFFFE000  }
0x148: {  	_ =	swait.ge [sflag:s24], $0x40  }
0x149: {  	[sflag:s24] =	ssyncset.done $0x0  }
0x14a: {  	[sflag:s24] =	ssyncadd.s32 $0xFFFFFFC0  }
0x14b: {  	[spmem:s1] =	stream.indirect.scatter.add.f32 [tilespmem:s12], [sflag:$0xD], $0x80, s29, s0, $0xb8;
	[tilespmem:$0x1C400] =	vst v63  }
0x14c: {  	_ =	swait.ge [sflag:s28], $0x2000  }
0x14d: {  	[sflag:s28] =	ssyncset.done $0x0  }
0x14e: {  	[sflag:s28] =	ssyncadd.s32 $0xFFFFE000  }
0x14f: {  	_ =	swait.ge [sflag:s25], $0x2000  }
0x150: {  	[sflag:s25] =	ssyncset.done $0x0  }
0x151: {  	[sflag:s25] =	ssyncadd.s32 $0xFFFFE000  }
0x152: {  	_ =	swait.ge [sflag:s6], $0x40  }
0x153: {  	[sflag:s6] =	ssyncset.done $0x0  }
0x154: {  	[sflag:s6] =	ssyncadd.s32 $0xFFFFFFC0  }
0x155: {  	[spmem:s1] =	stream.indirect.scatter.add.f32 [tilespmem:s18], [sflag:$0xD], $0x80, s16, s0, $0xb8;
	[tilespmem:$0x1C400] =	vst v63  }
0x156: {  	_ =	swait.ge [sflag:s28], $0x2000  }
0x157: {  	[sflag:s28] =	ssyncset.done $0x0  }
0x158: {  	[sflag:s28] =	ssyncadd.s32 $0xFFFFE000  }
0x159: {  	s8 =	stileid.u32;
	[bflag:$0x0] =	sbarrier.arrive $0xFFFF  }
0x15a: {  	s2 =	sshll.u32 s8, $0x6;
	s15 =	rddreg [dreg:$0x6]  }
0x15b: {  	s2 =	sor.u32 $0x1C0D, s2;
	s10 =	rddreg [dreg:$0x17];
	s9 =	sshrl.u32 s15, $0x3  }
0x15c: {  	[hbm:s10], [sflag:s2] =	dma.local [spmem:s9], $0x2800  }
0x15d: {  	_ =	swait.ge [sflag:s28], $0x2800  }
0x15e: {  	s26 =	rddreg [dreg:$0x18]  }
0x15f: {  	s29 =	rddreg [dreg:$0x16];
	s5 =	sadd.s32 $0x1, s26  }
0x160: {  	p0 =	sne.s32 s5, s29  }
.Ltmp1:
0x161: {  	_ = 	snop;
	(pc) =	sbr.rel @p0 .LBB2_1-.Ltmp1, $3  }
0x162: {  	_ =	sdelay $0x1  }
0x163: {  	[sflag:s28] =	ssyncset.done $0x0  }
0x164: {  	[sflag:s28] =	ssyncadd.s32 $0xFFFFD800  }
0x165: {  	_ =	sfence.sel $0x180000  }
0x166: {  	[bflag:$0x0] =	sbarrier.arrive $0xFFFF  }
0x167: {  	_ =	strace $0x90000050  }
0x168: {  	s0 =	stileid.u32;
	[bflag:$0x2] =	sbarrier.arrive $0xFFFF  }
0x169: {  	p0 =	sne.s32 s0, $0x0;
	s0 =	rddreg [dreg:$0x3]  }
0x16a: {  	s0 =	sadd.s32 @!p0 $0x100000, s0  }
0x16b: {  	[sflag:s0] =	ssyncadd.tile.s32 @!p0 $0x1;
	_ =	shalt  }
.Lfunc_end2:
_tile_overlayer_lowered:
.L_overlay_start_2:
0x16c: {  	(tag) =	ssettag $0x2  }
0x16d: {  	s0 =	rddreg [dreg:$0x0];
	s2 =	stileid.u32  }
0x16e: {  	s1 =	rddreg [dreg:$0x1];
	p0 =	sne.s32 s2, $0x0  }
0x16f: {  	s3 =	rddreg [dreg:$0x2];
	[bflag:$0x3] =	sbarrier.arrive $0xFFFF;
	s2 =	simm.s32 @!p0 $0x1C0D  }
0x170: {  	[timem:s3], [sflag:s2] =	dma.local @!p0 [hbm:s0], s1  }
0x171: {  	s0 =	simm.s32 @!p0 $0xD  }
0x172: {  	_ =	swait.ge @!p0 [sflag:s0], s1  }
0x173: {  	s1 =	ssub.s32 @!p0 $0x0, s1;
	[sflag:s0] =	ssyncset.done @!p0 $0x0  }
0x174: {  	[sflag:s0] =	ssyncadd.s32 @!p0 s1  }
0x175: {  	[bflag:$0x3] =	sbarrier.arrive $0xFFFF  }
0x176: {  	_ =	shalt  }

// kernel: kernel.9.cloned.1.call-start
scs
__scs_entry_jumppad:
0x0: {  	(pc) =	sbr.rel $0x88, $3  }
0x1: {  	(tag) =	ssettag $0x0;
	lr =	simm.s32 $0x1  }
0x2: {  	[smem:$0x3F96] =	sst lr;
	_ =	strace $0xD0000000  }
0x3: {  	_ = 	snop  }
0x4: {  	_ = 	snop  }
0x5: {  	_ = 	snop  }
0x6: {  	_ = 	snop  }
0x7: {  	_ = 	snop  }
__scs_overlays_trampoline_lowered:
0x8: {  	[smem:$0x3FA5] =	sst s0  }
0x9: {  	[smem:$0x3FA6] =	sst s1  }
0xa: {  	[smem:$0x3FA7] =	sst s2  }
0xb: {  	[smem:$0x3FA8] =	sst s3  }
0xc: {  	[smem:$0x3FA9] =	sst s4  }
0xd: {  	[smem:$0x3FAA] =	sst s5  }
0xe: {  	[smem:$0x3FAB] =	sst s6  }
0xf: {  	[smem:$0x3FAC] =	sst s7  }
0x10: {  	[smem:$0x3FAD] =	sst s8  }
0x11: {  	[smem:$0x3FAE] =	sst s9;
	s0 =	simm.s32 @!p0 $0x0  }
0x12: {  	s1 =	sld [smem:$0x3F94];
	s0 =	simm.s32 @p0 $0x1  }
0x13: {  	[smem:$0x3FAF] =	sst s0;
	s0 =	simm.s32 @!p1 $0x0  }
0x14: {  	s2 =	sld [smem:$0x3F93];
	s0 =	simm.s32 @p1 $0x1  }
0x15: {  	[smem:$0x3FB0] =	sst s0;
	s0 =	simm.s32 @!p2 $0x0  }
0x16: {  	s3 =	sld [smem:$0x3FDB];
	s0 =	simm.s32 @p2 $0x1  }
0x17: {  	s4 =	simm.s32 $0x1BF5;
	[smem:$0x3FB2] =	sst s0  }
0x18: {  	s0 =	sld [smem:$0x3F95];
	_ =	swait.ge [sflag:s4], $0x0  }
0x19: {  	s7 =	sld [smem:$0x3F96]  }
0x1a: {  	s8 =	sadd.s32 $0xFFFFE003, lr  }
0x1b: {  	s9 =	sadd.s32 $0xFFFFFEF7, lr;
	s5 =	simm.s32 $0xFFFFFFFF;
	p2 =	slt.u32 s8, $0xFFFFF086  }
0x1c: {  	p1 =	slt.u32 s9, $0xF7A;
	s5 =	simm.s32 @!p2 $0x0  }
0x1d: {  	s5 =	simm.s32 @p1 $0x1;
	p0 =	seq.s32 s7, s2  }
0x1e: {  	s7 =	smul.u32 @!p0 $0xF7A, s2;
	p2 =	seq.s32 @!p0 s5, $0x0  }
0x1f: {  	s9 =	smul.u32 $0xF7A, s1;
	s8 =	simm.s32 @!p0 $0x1BF5;
	p2 =	por !p2, p0  }
0x20: {  	[sflag:s8] =	ssyncset.s32 @!p0 $0xFFFFF086;
	s6 =	sadd.s32 @!p0 s3, s7;
	s7 =	simm.s32 @!p0 $0x108  }
0x21: {  	s3 =	sadd.s32 s3, s9;
	s6 =	sadd.s32 @!p0 $0x88, s6;
	s7 =	simm.s32 @p2 $0x1082  }
0x22: {  	[simem:s7], [sflag:s8] =	dma.local @!p0 [hbm:s6], $0xF7A  }
0x23: {  	s9 =	sor.u32 $0xD0000000, s2;
	s6 =	simm.s32 $0x108;
	_ =	swait.ge @!p0 [sflag:s8], $0x0  }
0x24: {  	s3 =	sadd.s32 $0x88, s3;
	s6 =	simm.s32 @!p1 $0x1082;
	[sflag:s4] =	ssyncset.s32 $0xFFFFF086  }
0x25: {  	[simem:s6], [sflag:s4] =	dma.local [hbm:s3], $0xF7A  }
0x26: {  	[smem:$0x3F96] =	sst s1;
	(tag) =	ssettag s2;
	_ =	strace s9  }
0x27: {  	s1 =	sld [smem:$0x3FA6]  }
0x28: {  	s2 =	sld [smem:$0x3FA7]  }
0x29: {  	s4 =	sld [smem:$0x3FA9]  }
0x2a: {  	p0 =	seq.s32 s5, $0x0;
	s5 =	sld [smem:$0x3FAA]  }
0x2b: {  	s6 =	sld [smem:$0x3FAB]  }
0x2c: {  	s7 =	sld [smem:$0x3FAC]  }
0x2d: {  	s3 =	simm.s32 $0x108;
	s8 =	sld [smem:$0x3FAD]  }
0x2e: {  	s3 =	simm.s32 @!p0 $0x1082;
	s9 =	sld [smem:$0x3FAE]  }
0x2f: {  	lr =	sadd.s32 s0, s3;
	s0 =	sld [smem:$0x3FA5]  }
0x30: {  	s3 =	sld [smem:$0x3FA8]  }
0x31: {  	[smem:$0x3FB1] =	sst s10  }
0x32: {  	s10 =	sld [smem:$0x3FAF];
	_ =	sdelay $0x3  }
0x33: {  	p0 =	seq.s32 s10, $0x1;
	s10 =	sld [smem:$0x3FB1];
	_ =	sdelay $0x3  }
0x34: {  	[smem:$0x3FB1] =	sst s10  }
0x35: {  	s10 =	sld [smem:$0x3FB0];
	_ =	sdelay $0x3  }
0x36: {  	p1 =	seq.s32 s10, $0x1;
	s10 =	sld [smem:$0x3FB1];
	_ =	sdelay $0x3  }
0x37: {  	[smem:$0x3FB1] =	sst s10  }
0x38: {  	s10 =	sld [smem:$0x3FB2]  }
0x39: {  	_ = 	snop;
	(pc) =	sbr.ind lr, $3  }
0x3a: {  	_ = 	snop  }
0x3b: {  	_ = 	snop  }
0x3c: {  	p2 =	seq.s32 s10, $0x1;
	s10 =	sld [smem:$0x3FB1]  }
0x3d: {  	_ =	shalt  }
0x3e: {  	_ =	shalt  }
0x3f: {  	_ =	shalt  }
0x40: {  	_ =	shalt  }
0x41: {  	_ =	shalt  }
0x42: {  	_ =	shalt  }
0x43: {  	_ =	shalt  }
0x44: {  	_ =	shalt  }
0x45: {  	_ =	shalt  }
0x46: {  	_ =	shalt  }
0x47: {  	_ =	shalt  }
0x48: {  	_ =	shalt  }
0x49: {  	_ =	shalt  }
0x4a: {  	_ =	shalt  }
0x4b: {  	_ =	shalt  }
0x4c: {  	_ =	shalt  }
0x4d: {  	_ =	shalt  }
0x4e: {  	_ =	shalt  }
0x4f: {  	_ =	shalt  }
0x50: {  	_ =	shalt  }
0x51: {  	_ =	shalt  }
0x52: {  	_ =	shalt  }
0x53: {  	_ =	shalt  }
0x54: {  	_ =	shalt  }
0x55: {  	_ =	shalt  }
0x56: {  	_ =	shalt  }
0x57: {  	_ =	shalt  }
0x58: {  	_ =	shalt  }
0x59: {  	_ =	shalt  }
0x5a: {  	_ =	shalt  }
0x5b: {  	_ =	shalt  }
0x5c: {  	_ =	shalt  }
0x5d: {  	_ =	shalt  }
0x5e: {  	_ =	shalt  }
0x5f: {  	_ =	shalt  }
0x60: {  	_ =	shalt  }
0x61: {  	_ =	shalt  }
0x62: {  	_ =	shalt  }
0x63: {  	_ =	shalt  }
0x64: {  	_ =	shalt  }
0x65: {  	_ =	shalt  }
0x66: {  	_ =	shalt  }
0x67: {  	_ =	shalt  }
0x68: {  	_ =	shalt  }
0x69: {  	_ =	shalt  }
0x6a: {  	_ =	shalt  }
0x6b: {  	_ =	shalt  }
0x6c: {  	_ =	shalt  }
0x6d: {  	_ =	shalt  }
0x6e: {  	_ =	shalt  }
0x6f: {  	_ =	shalt  }
0x70: {  	_ =	shalt  }
0x71: {  	_ =	shalt  }
0x72: {  	_ =	shalt  }
0x73: {  	_ =	shalt  }
0x74: {  	_ =	shalt  }
0x75: {  	_ =	shalt  }
0x76: {  	_ =	shalt  }
0x77: {  	_ =	shalt  }
0x78: {  	_ =	shalt  }
0x79: {  	_ =	shalt  }
0x7a: {  	_ =	shalt  }
0x7b: {  	_ =	shalt  }
0x7c: {  	_ =	shalt  }
0x7d: {  	_ =	shalt  }
0x7e: {  	_ =	shalt  }
0x7f: {  	_ =	shalt  }
0x80: {  	_ =	shalt  }
0x81: {  	_ =	shalt  }
0x82: {  	_ =	shalt  }
0x83: {  	_ =	shalt  }
0x84: {  	_ =	shalt  }
0x85: {  	_ =	shalt  }
0x86: {  	_ =	shalt  }
0x87: {  	_ =	shalt  }
.Lfunc_end0:
.L_simem_size_0:
called_computation_lowered:
.L_overlay_start_0:
0x88: {  	s2 =	sld [smem:$0x3FD9]  }
0x89: {  	s3 =	sld [smem:$0x3FFE];
	_ =	sdelay $0x1  }
0x8a: {  	s1 =	srdreg.scid  }
0x8b: {  	s0 =	sand.u32 $0x1, s1  }
0x8c: {  	s17 =	sshll.u32 s0, $0xA;
	s2 =	sadd.s32 s3, s2  }
0x8d: {  	s2 =	sadd.s32 s2, s17  }
0x8e: {  	[smem:$0x3FBD] =	sst s2  }
0x8f: {  	_ = 	snop  }
0x90: {  	(tm) =	ssettm $0x1  }
0x91: {  	s18 =	sld [smem:$0x3FFB];
	_ =	sdelay $0x3  }
0x92: {  	_ =	strace s18  }
0x93: {  	s2 =	sld [smem:$0x3FFC];
	_ =	sdelay $0x3  }
0x94: {  	_ =	strace s2  }
0x95: {  	s2 =	sld [smem:$0x3FFD];
	_ =	sdelay $0x3  }
0x96: {  	_ =	strace s2  }
0x97: {  	_ =	strace $0x8FFFFFFF  }
0x98: {  	s19 =	sld [smem:$0x3FDB];
	_ =	sdelay $0x1  }
0x99: {  	s20 =	simm.s32 $_scs_section_size  }
0x9a: {  	s4 =	simm.s32 $_size__tile_overlayer_lowered;
	s5 =	simm.s32 $_tile_overlayer_lowered  }
0x9b: {  	s6 =	simm.s32 $0x1BFF;
	s21 =	sshll.u32 s5, $0x1;
	s3 =	sadd.s32 s20, s19  }
0x9c: {  	s22 =	simm.s32 $0x0;
	s4 =	sshll.u32 s4, $0x1;
	s5 =	sadd.s32 s21, s3  }
0x9d: {  	[timem:s22], [sflag:s6] =	dma.local [hbm:s5], s4  }
0x9e: {  	_ =	swait.ge [sflag:s6], s4  }
0x9f: {  	s4 =	ssub.s32 $0x0, s4;
	[sflag:s6] =	ssyncset.done $0x0  }
0xa0: {  	[sflag:s6] =	ssyncadd.s32 s4;
	_ =	sdelay $0x1  }
0xa1: {  	s23 =	simm.s32 $0x1B8B  }
0xa2: {  	_ =	swait.ge [sflag:s23], $0x1  }
0xa3: {  	[sflag:s23] =	ssyncset.done $0x0  }
0xa4: {  	[sflag:s23] =	ssyncadd.s32 $0xFFFFFFFF  }
0xa5: {  	s4 =	sld [smem:$0x0]  }
0xa6: {  	s5 =	sand.u32 $0xFFFFFFFE, s1  }
0xa7: {  	p0 =	sne.s32 s1, s5  }
0xa8: {  	s5 =	sshll.u32 @p0 s5, $0xE  }
0xa9: {  	s5 =	sadd.s32 @p0 $0x11B8D, s5;
	s6 =	sshll.u32 @p0 s4, $0x11  }
0xaa: {  	s5 =	sor.u32 @p0 s6, s5  }
0xab: {  	[sflag:s5] =	ssyncadd.remote.s32 @p0 $0x1;
	_ =	sdelay $0x1  }
0xac: {  	s5 =	simm.s32 @p0 $0x1B8D  }
0xad: {  	_ =	swait.eq @p0 [sflag:s5], $0x1  }
0xae: {  	[sflag:s5] =	ssyncadd.s32 @p0 $0xFFFFFFFF  }
0xaf: {  	s6 =	sshll.u32 @!p0 s1, $0xE  }
0xb0: {  	s6 =	sor.u32 @!p0 $0x4000, s6;
	s5 =	simm.s32 @!p0 $0x1B8D  }
0xb1: {  	s4 =	sshll.u32 @!p0 s4, $0x11;
	s6 =	sadd.s32 @!p0 $0x11B8D, s6;
	_ =	swait.eq @!p0 [sflag:s5], $0x1  }
0xb2: {  	s4 =	sor.u32 @!p0 s4, s6;
	[sflag:s5] =	ssyncadd.s32 @!p0 $0xFFFFFFFF  }
0xb3: {  	s25 =	simm.s32 $0x1B8E;
	s24 =	sld [smem:$0x3FFE];
	[sflag:s4] =	ssyncadd.remote.s32 @!p0 $0x1  }
0xb4: {  	s26 =	simm.s32 $execute0_lowered;
	[smem:$0x3FD2] =	sst s25  }
0xb5: {  	s5 =	sshll.u32 s26, $0x1;
	_ =	strace $0x80000049;
	[dreg:$0x1] =	wrdreg $0xFFFFFFFF  }
0xb6: {  	s28 =	simm.s32 $_size_execute0_lowered;
	s3 =	sadd.s32 s3, s5;
	[dreg:$0x0] =	wrdreg $0x0  }
0xb7: {  	s5 =	sshll.u32 s28, $0x1;
	[dreg:$0x2] =	wrdreg s3  }
0xb8: {  	[dreg:$0x3] =	wrdreg s5  }
0xb9: {  	[dreg:$0x4] =	wrdreg $0xC0  }
0xba: {  	_ =	task [dreg:s22], $0x5FFFF  }
0xbb: {  	[dreg:$0x1] =	wrdreg $0xFFFFFFFF  }
0xbc: {  	[dreg:$0x0] =	wrdreg $0x60  }
0xbd: {  	[dreg:$0x2] =	wrdreg s24  }
0xbe: {  	[dreg:$0x3] =	wrdreg $0x0  }
0xbf: {  	[dreg:$0x4] =	wrdreg $0x9  }
0xc0: {  	_ =	task.clear_ibuf [dreg:s22], $0x5FFFF;
	_ =	strace $0x90000049  }
0xc1: {  	s29 =	simm.s32 $0x9;
	_ =	strace $0x8000004B  }
0xc2: {  	_ =	swait.ge [sflag:s29], $0x1  }
0xc3: {  	[sflag:s29] =	ssyncadd.s32 $0xFFFFFFFF  }
0xc4: {  	_ =	strace $0x9000004B  }
0xc5: {  	_ =	sfence  }
0xc6: {  	s30 =	sld [smem:$0x0];
	_ =	sdelay $0x2  }
0xc7: {  	s31 =	sshll.u32 s1, $0xD;
	s1 =	sshrl.u32 s1, $0x2  }
0xc8: {  	s4 =	sand.u32 $0x4000, s31;
	s1 =	sadd.s32 s1, s30  }
0xc9: {  	s0 =	sor.u32 s4, s0;
	s1 =	sshll.u32 s1, $0x11  }
0xca: {  	s0 =	sor.u32 s1, s0  }
0xcb: {  	s0 =	sadd.s32 $0x8F2B, s0  }
0xcc: {  	[sflag:s0] =	ssyncadd.remote.s32 $0x1  }
0xcd: {  	_ =	sfence.sel $0xFFFF  }
0xce: {  	[dreg:$0x0] =	wrdreg $0xFFFFFFFF;
	(pc) =	sbr.abs _section_cstart, $3  }
0xcf: {  	[dreg:$0x1] =	wrdreg $0xFFFFFFFF  }
0xd0: {  	_ =	task.clear_ibuf [dreg:s22], $0x2FFFF;
	_ =	strace $0x9FFFFFFF  }
0xd1: {  	(tm) =	ssettm $0x7FFFFFFF  }
tec
execute0_lowered:
.L_overlay_start_1:
0x0: {  	(tag) =	ssettag $0x1  }
0x1: {  	s6 =	rddreg [dreg:$0x0]  }
0x2: {  	s2 =	rddreg [dreg:$0x1]  }
0x3: {  	s0 =	stileid.u32;
	s1 =	rddreg [dreg:$0x2];
	s3 =	simm.s32 $0x0  }
0x4: {  	s4 =	srdreg.scid;
	s19 =	simm.s32 $0x18800;
	s20 =	simm.s32 $0x1  }
0x5: {  	s21 =	simm.s32 $0x16800;
	s22 =	simm.s32 $0x14000;
	s7 =	smul.u32 $0x2800, s0  }
0x6: {  	s23 =	simm.s32 $0x40;
	s26 =	simm.s32 $0x0;
	s5 =	smul.u32 $0x500, s0  }
0x7: {  	s8 =	sand.u32 $0x1, s4;
	[smem:$0x7FF] =	sst s3;
	s30 =	smul.u32 $0x14000, s0  }
0x8: {  	s10 =	smul.u32 $0x50000, s0;
	s24 =	sshll.u32 s0, $0x6;
	p0 =	seq.s32 s8, $0x0  }
0x9: {  	_ =	strace $0x8000004A;
	s8 =	ssub.s32 $0x2, s8;
	s24 =	sor.u32 $0x1C01, s24  }
0xa: {  	s29 =	sshrl.u32 s7, $0x3;
	s9 =	sshrl.u32 s30, $0x3;
	s31 =	sshrl.u32 s8, $0x1  }
0xb: {  	s10 =	sshrl.u32 s10, $0x2;
	s4 =	sadd.s32 $0x5000, s29;
	s9 =	sadd.s32 $0x28000, s9  }
0xc: {  	s16 =	ssub.s32 s8, s31;
	s4 =	smov.u32 @p0 s5;
	s5 =	sadd.s32 $0x8F800, s6  }
0xd: {  	s9 =	smov.u32 @p0 s7;
	s16 =	smax.u32 s16, $0x1;
	s17 =	sadd.s32 s4, s6  }
0xe: {  	s4 =	sadd.s32 $0x35400, s6;
	s18 =	sadd.s32 s9, s6;
	s6 =	sadd.s32 s10, s2  }
0xf: {  	s7 =	sadd.s32 $0x2000, s6;
	s8 =	sadd.s32 $0x4000, s6;
	s9 =	sadd.s32 $0x6000, s6  }
0x10: {  	s10 =	sadd.s32 $0x8000, s6;
	s11 =	sadd.s32 $0xA000, s6;
	s12 =	sadd.s32 $0xC000, s6  }
0x11: {  	s13 =	sadd.s32 $0xE000, s6;
	s14 =	sadd.s32 $0x10000, s6;
	s15 =	sadd.s32 $0x12000, s6  }
0x12: {  	s17 =	sadd.s32 $0x85800, s17;
	s18 =	sadd.s32 $0x8FC00, s18;
	s25 =	sshrl.u32 s6, $0x3  }
.LBB2_1:
0x13: {  	[tilespmem:s19], [sflag:$0x1] =	stream.linear.gather [hbm4b:s4+s3], $0x2000, $0x38;
	[tilespmem:$0x1A800] =	vst v63  }
0x14: {  	_ =	swait.ge [sflag:s20], $0x2000  }
0x15: {  	[sflag:s20] =	ssyncset.done $0x0  }
0x16: {  	[sflag:s20] =	ssyncadd.s32 $0xFFFFE000  }
0x17: {  	[tilespmem:s21], [sflag:$0x1] =	stream.linear.gather [hbm4b:s5+s3], $0x2000, $0x38;
	[tilespmem:$0x1A800] =	vst v63  }
0x18: {  	_ =	swait.ge [sflag:s20], $0x2000  }
0x19: {  	[sflag:s20] =	ssyncset.done $0x0  }
0x1a: {  	[sflag:s20] =	ssyncadd.s32 $0xFFFFE000  }
0x1b: {  	[tilespmem:s22], [sflag:$0x1] =	stream.linear.gather [hbm4b:s17+s3], $0x2800, $0x38;
	[tilespmem:$0x1A800] =	vst v63  }
0x1c: {  	_ =	swait.ge [sflag:s20], $0x2800  }
0x1d: {  	[sflag:s20] =	ssyncset.done $0x0  }
0x1e: {  	[sflag:s20] =	ssyncadd.s32 $0xFFFFD800  }
0x1f: {  	[spmem:s6] =	stream.linear.scatter [tilespmem:s19], [sflag:$0x1], $0x2000, $0x38;
	[tilespmem:$0x1A800] =	vst v63  }
0x20: {  	_ =	swait.ge [sflag:s20], $0x2000  }
0x21: {  	[sflag:s20] =	ssyncset.done $0x0  }
0x22: {  	[sflag:s20] =	ssyncadd.s32 $0xFFFFE000  }
0x23: {  	[spmem:s7] =	stream.linear.scatter [tilespmem:s19], [sflag:$0x1], $0x2000, $0x38;
	[tilespmem:$0x1A800] =	vst v63  }
0x24: {  	_ =	swait.ge [sflag:s20], $0x2000  }
0x25: {  	[sflag:s20] =	ssyncset.done $0x0  }
0x26: {  	[sflag:s20] =	ssyncadd.s32 $0xFFFFE000  }
0x27: {  	[spmem:s8] =	stream.linear.scatter [tilespmem:s19], [sflag:$0x1], $0x2000, $0x38;
	[tilespmem:$0x1A800] =	vst v63  }
0x28: {  	_ =	swait.ge [sflag:s20], $0x2000  }
0x29: {  	[sflag:s20] =	ssyncset.done $0x0  }
0x2a: {  	[sflag:s20] =	ssyncadd.s32 $0xFFFFE000  }
0x2b: {  	[spmem:s9] =	stream.linear.scatter [tilespmem:s19], [sflag:$0x1], $0x2000, $0x38;
	[tilespmem:$0x1A800] =	vst v63  }
0x2c: {  	_ =	swait.ge [sflag:s20], $0x2000  }
0x2d: {  	[sflag:s20] =	ssyncset.done $0x0  }
0x2e: {  	[sflag:s20] =	ssyncadd.s32 $0xFFFFE000  }
0x2f: {  	[spmem:s10] =	stream.linear.scatter [tilespmem:s19], [sflag:$0x1], $0x2000, $0x38;
	[tilespmem:$0x1A800] =	vst v63  }
0x30: {  	_ =	swait.ge [sflag:s20], $0x2000  }
0x31: {  	[sflag:s20] =	ssyncset.done $0x0  }
0x32: {  	[sflag:s20] =	ssyncadd.s32 $0xFFFFE000  }
0x33: {  	[spmem:s11] =	stream.linear.scatter [tilespmem:s19], [sflag:$0x1], $0x2000, $0x38;
	[tilespmem:$0x1A800] =	vst v63  }
0x34: {  	_ =	swait.ge [sflag:s20], $0x2000  }
0x35: {  	[sflag:s20] =	ssyncset.done $0x0  }
0x36: {  	[sflag:s20] =	ssyncadd.s32 $0xFFFFE000  }
0x37: {  	[spmem:s12] =	stream.linear.scatter [tilespmem:s19], [sflag:$0x1], $0x2000, $0x38;
	[tilespmem:$0x1A800] =	vst v63  }
0x38: {  	_ =	swait.ge [sflag:s20], $0x2000  }
0x39: {  	[sflag:s20] =	ssyncset.done $0x0  }
0x3a: {  	[sflag:s20] =	ssyncadd.s32 $0xFFFFE000  }
0x3b: {  	[spmem:s13] =	stream.linear.scatter [tilespmem:s19], [sflag:$0x1], $0x2000, $0x38;
	[tilespmem:$0x1A800] =	vst v63  }
0x3c: {  	_ =	swait.ge [sflag:s20], $0x2000  }
0x3d: {  	[sflag:s20] =	ssyncset.done $0x0  }
0x3e: {  	[sflag:s20] =	ssyncadd.s32 $0xFFFFE000  }
0x3f: {  	[spmem:s14] =	stream.linear.scatter [tilespmem:s19], [sflag:$0x1], $0x2000, $0x38;
	[tilespmem:$0x1A800] =	vst v63  }
0x40: {  	_ =	swait.ge [sflag:s20], $0x2000  }
0x41: {  	[sflag:s20] =	ssyncset.done $0x0  }
0x42: {  	[sflag:s20] =	ssyncadd.s32 $0xFFFFE000  }
0x43: {  	[spmem:s15] =	stream.linear.scatter [tilespmem:s19], [sflag:$0x1], $0x2000, $0x38;
	[tilespmem:$0x1A800] =	vst v63  }
0x44: {  	_ =	swait.ge [sflag:s20], $0x2000  }
0x45: {  	[sflag:s20] =	ssyncset.done $0x0  }
0x46: {  	[sflag:s20] =	ssyncadd.s32 $0xFFFFE000  }
0x47: {  	s28 =	simm.s32 $0x14000;
	[bflag:$0x0] =	sbarrier.arrive $0xFFFF  }
0x48: {  	[spmem:s2] =	stream.indirect.scatter.add.f32 [tilespmem:s21], [sflag:$0x1], $0x80, s28, s23, $0xb8;
	[tilespmem:$0x1A800] =	vst v63  }
0x49: {  	s28 =	simm.s32 $0x200;
	_ =	swait.ge [sflag:s20], $0x2000  }
.LBB2_2:
0x4a: {  	s29 =	sshra.s32 s28, $0x2;
	[sflag:s20] =	ssyncset.done $0x0;
	p0 =	sne.s32 s28, $0x9E00  }
.Ltmp0:
0x4b: {  	s29 =	sadd.s32 $0x14000, s29;
	[sflag:s20] =	ssyncadd.s32 $0xFFFFE000;
	(pc) =	sbr.rel @p0 .LBB2_2-.Ltmp0, $3  }
0x4c: {  	[spmem:s2] =	stream.indirect.scatter.add.f32 [tilespmem:s21], [sflag:$0x1], $0x80, s29, s23, $0xb8;
	[tilespmem:$0x1A800] =	vst v63  }
0x4d: {  	s28 =	sadd.s32 $0x200, s28;
	_ =	sdelay $0x1  }
0x4e: {  	_ =	swait.ge [sflag:s20], $0x2000  }
0x4f: {  	[sflag:s20] =	ssyncset.done $0x0;
	s26 =	sadd.s32 $0x1, s26  }
0x50: {  	[sflag:s20] =	ssyncadd.s32 $0xFFFFE000;
	p0 =	sne.s32 s26, s16  }
.Ltmp1:
0x51: {  	[bflag:$0x0] =	sbarrier.arrive $0xFFFF;
	(pc) =	sbr.rel @p0 .LBB2_1-.Ltmp1, $4  }
0x52: {  	[hbm:s18], [sflag:s24] =	dma.local [spmem:s25], $0x2800  }
0x53: {  	_ =	swait.ge [sflag:s20], $0x2800  }
0x54: {  	[sflag:s20] =	ssyncset.done $0x0  }
0x55: {  	[sflag:s20] =	ssyncadd.s32 $0xFFFFD800  }
0x56: {  	_ =	sfence.sel $0x180000  }
0x57: {  	[bflag:$0x0] =	sbarrier.arrive $0xFFFF  }
0x58: {  	p0 =	sne.s32 s0, $0x0;
	_ =	strace $0x9000004A  }
0x59: {  	s0 =	sadd.s32 @!p0 $0x100000, s1;
	[bflag:$0x2] =	sbarrier.arrive $0xFFFF  }
0x5a: {  	[sflag:s0] =	ssyncadd.tile.s32 @!p0 $0x1;
	_ =	shalt  }
.Lfunc_end2:
_tile_overlayer_lowered:
.L_overlay_start_2:
0x5b: {  	(tag) =	ssettag $0x2  }
0x5c: {  	s0 =	rddreg [dreg:$0x0];
	s2 =	stileid.u32  }
0x5d: {  	s1 =	rddreg [dreg:$0x1];
	p0 =	sne.s32 s2, $0x0  }
0x5e: {  	s3 =	rddreg [dreg:$0x2];
	[bflag:$0x3] =	sbarrier.arrive $0xFFFF;
	s2 =	simm.s32 @!p0 $0x1C01  }
0x5f: {  	[timem:s3], [sflag:s2] =	dma.local @!p0 [hbm:s0], s1  }
0x60: {  	s0 =	simm.s32 @!p0 $0x1  }
0x61: {  	_ =	swait.ge @!p0 [sflag:s0], s1  }
0x62: {  	s1 =	ssub.s32 @!p0 $0x0, s1;
	[sflag:s0] =	ssyncset.done @!p0 $0x0  }
0x63: {  	[sflag:s0] =	ssyncadd.s32 @!p0 s1  }
0x64: {  	[bflag:$0x3] =	sbarrier.arrive $0xFFFF  }
0x65: {  	_ =	shalt  }

</sc_bundles>
